<compile_context>
chip_gen: v7x
topology: tpu7x:2x2x1
jax: 0.10.2.dev20260603
libtpu: 0.0.44.dev20260713+nightly
codegen_flags: <defaults>
</compile_context>

<pallas_src>
import jax
import jax.numpy as jnp
from jax import lax
from jax.experimental import pallas as pl
from jax.experimental.pallas import tpu as pltpu
from jax.experimental.pallas import tpu_sc as plsc

F = 26
K = 16
B = 16384
ROWS_PER_FIELD = 40000
NUM_EMB = F * ROWS_PER_FIELD
NC, NS = 2, 16
NW = NC * NS
NTC = 313
FPW = F // NC


HB = B // 2


def _acc_body(xt_hbm, wt_hbm, wl_hbm, s_hbm, q_hbm,
              xa, xb, reg0, reg1, s_acc, q_acc, sem, sem_x):
    c = lax.axis_index("c")
    s = lax.axis_index("s")
    k = s
    row = c * NS + s
    regs = (reg0, reg1)

    def emb_src(u):
        f = c * FPW + u
        base = f * ROWS_PER_FIELD
        trtc0 = (k >> 3) * (NUM_EMB // 128) + (base >> 7)
        return wt_hbm.at[pl.ds(trtc0, NTC), pl.ds((k & 7) * 128, 128)]

    def lin_src():
        f = c * FPW + s
        return wl_hbm.at[pl.ds((f * ROWS_PER_FIELD) >> 7, NTC)]

    def x_src(u, h):
        f = c * FPW + (s if u == FPW else u)
        return xt_hbm.at[f, pl.ds(h * HB, HB)]

    def serve_half(reg, xv, h, mode):
        zero = jnp.zeros((16,), jnp.int32)
        lane = lax.iota(jnp.int32, 16)

        @pl.loop(0, HB // 16, unroll=4)
        def _serve(t):
            sl = pl.ds(t * 16, 16)
            v = plsc.load_gather(reg, [zero, xv[sl]])
            if mode == "first":
                so = pl.ds(h * HB + t * 16, 16)
                s_acc[so] = v
                q_acc[so] = v * v
            else:
                idx = lane + (h * HB + t * 16)
                if mode == "emb":
                    plsc.addupdate_scatter(s_acc, [idx], v)
                    plsc.addupdate_scatter(q_acc, [idx], v * v)
                else:
                    plsc.addupdate_scatter(q_acc, [idx], v * jnp.float32(-2.0))

    pltpu.async_copy(emb_src(0), reg0, sem)
    pltpu.async_copy(x_src(0, 0), xa, sem_x)
    for u in range(FPW):
        reg = regs[u % 2]
        nxt = regs[(u + 1) % 2]
        mode = "first" if u == 0 else "emb"
        pltpu.make_async_copy(emb_src(u), reg, sem).wait()
        if u + 1 < FPW:
            pltpu.async_copy(emb_src(u + 1), nxt, sem)
        else:
            @pl.when(s < FPW)
            def _issue_lin():
                pltpu.async_copy(lin_src(), nxt, sem)
        pltpu.make_async_copy(x_src(u, 0), xa, sem_x).wait()
        pltpu.async_copy(x_src(u, 1), xb, sem_x)
        serve_half(reg, xa, 0, mode)
        pltpu.make_async_copy(x_src(u, 1), xb, sem_x).wait()
        if u + 1 < FPW:
            pltpu.async_copy(x_src(u + 1, 0), xa, sem_x)
        else:
            @pl.when(s < FPW)
            def _issue_lin_x():
                pltpu.async_copy(x_src(FPW, 0), xa, sem_x)
        serve_half(reg, xb, 1, mode)

    @pl.when(s < FPW)
    def _lin_unit():
        reg = regs[FPW % 2]
        pltpu.make_async_copy(lin_src(), reg, sem).wait()
        pltpu.make_async_copy(x_src(FPW, 0), xa, sem_x).wait()
        pltpu.async_copy(x_src(FPW, 1), xb, sem_x)
        serve_half(reg, xa, 0, "lin")
        pltpu.make_async_copy(x_src(FPW, 1), xb, sem_x).wait()
        serve_half(reg, xb, 1, "lin")

    pltpu.sync_copy(s_acc, s_hbm.at[row])
    pltpu.sync_copy(q_acc, q_hbm.at[row])


def _combine_body(bias_ref, s_ref, q_ref, o_ref):
    sa = s_ref[0:K, :]
    sb = s_ref[K:2 * K, :]
    t = sa + sb
    s2 = jnp.sum(t * t, axis=0)
    q = jnp.sum(q_ref[...], axis=0)
    z = bias_ref[0] + 0.5 * (s2 - q)
    o_ref[...] = 1.0 / (1.0 + jnp.exp(-z))


def kernel(x, W_emb, W_lin, bias):
    mesh = plsc.VectorSubcoreMesh(
        core_axis_name="c", subcore_axis_name="s",
        num_cores=NC, num_subcores=NS)
    part = jax.ShapeDtypeStruct((NW, B), jnp.float32)
    acc = pl.kernel(
        _acc_body,
        out_type=(part, part),
        mesh=mesh,
        compiler_params=pltpu.CompilerParams(
            needs_layout_passes=False, use_tc_tiling_on_sc=False),
        scratch_types=[
            pltpu.VMEM((HB,), jnp.int32),
            pltpu.VMEM((HB,), jnp.int32),
            pltpu.VMEM((NTC, 128), jnp.float32),
            pltpu.VMEM((NTC, 128), jnp.float32),
            pltpu.VMEM((B,), jnp.float32),
            pltpu.VMEM((B,), jnp.float32),
            pltpu.SemaphoreType.DMA,
            pltpu.SemaphoreType.DMA,
        ],
    )
    w_view = W_emb.reshape(NUM_EMB // 128, 128, 2, 8)
    w_view = w_view.transpose(2, 0, 3, 1).reshape(2 * (NUM_EMB // 128), 8 * 128)
    wl_view = W_lin.reshape(NUM_EMB // 128, 128)
    offs = jnp.asarray([(f * ROWS_PER_FIELD) & 127 for f in range(F)],
                       jnp.int32)
    xadj = x.T + offs[:, None]
    s_p, q_p = acc(xadj, w_view, wl_view)

    BT = 512
    comb = pl.pallas_call(
        _combine_body,
        out_shape=jax.ShapeDtypeStruct((B,), jnp.float32),
        grid=(B // BT,),
        in_specs=[
            pl.BlockSpec(memory_space=pltpu.SMEM),
            pl.BlockSpec((NW, BT), lambda i: (0, i)),
            pl.BlockSpec((NW, BT), lambda i: (0, i)),
        ],
        out_specs=pl.BlockSpec((BT,), lambda i: (i,)),
    )
    return comb(bias, s_p, q_p)

# --- scband reference (transcript-rebuilt; emitter-appended) ---
"""Pipeline reference for scband-factorization-machine-model-33904471835610 (READ-ONLY COPY).

The authoritative reference and input builder live on the scoring server;
editing this copy changes nothing except your own understanding.
"""

import jax, jax.numpy as jnp
import numpy as np

FIELD_DIMS = [40000] * 26
NUM_EMB = int(sum(FIELD_DIMS))
EMB_DIM = 16
BATCH = 16384
OFFSETS = jnp.asarray(np.concatenate(([0], np.cumsum(FIELD_DIMS)[:-1])), dtype=jnp.int32)


def setup_inputs(seed: int = 0) -> dict:
    key = jax.random.key(seed)
    k1, k2, k3 = jax.random.split(key, 3)
    # per-field raw indices in [0, 40000); offsets are added inside reference,
    # mimicking torchfm FeaturesEmbedding / FeaturesLinear
    x = jax.random.randint(k1, (BATCH, len(FIELD_DIMS)), 0, 40000, dtype=jnp.int32)
    W_emb = jax.random.normal(k2, (NUM_EMB, EMB_DIM), dtype=jnp.float32) * 0.01
    W_lin = jax.random.normal(k3, (NUM_EMB, 1), dtype=jnp.float32) * 0.01
    bias = jnp.zeros((1,), dtype=jnp.float32)
    return {"x": x, "W_emb": W_emb, "W_lin": W_lin, "bias": bias}


def reference(x, W_emb, W_lin, bias):
    # FeaturesEmbedding: label-encoded lookup == one-hot matmul (see docstring)
    idx = x + OFFSETS[None, :]                      # [B, F]
    v = jnp.take(W_emb, idx, axis=0)                # [B, F, K]
    # FM second-order interaction: 0.5 * sum((sum v)^2 - sum(v^2))
    part1 = jnp.sum(v, axis=1) ** 2                 # [B, K]
    part2 = jnp.sum(v ** 2, axis=1)                 # [B, K]
    inter = jnp.sum(part1 - part2, axis=1) * 0.5    # [B]
    # FeaturesLinear: per-feature scalar weights + bias
    lin = jnp.sum(jnp.take(W_lin, idx, axis=0), axis=1) + bias  # [B, 1]
    return jax.nn.sigmoid(jnp.squeeze(lin, axis=1) + inter)     # [B]

if __name__ == "__main__":
    import jax
    _d = setup_inputs()
    print(jax.jit(kernel)(*tuple(_d.values())))

</pallas_src>

<mosaic_0001>
#map = affine_map<(d0, d1) -> (0, 0)>
module attributes {stable_mosaic.version = 14 : i64} {
  func.func @_acc_body(%arg0: i32, %arg1: i32, %arg2: memref<26x16384xi32, #tpu.memory_space<hbm>>, %arg3: memref<16250x1024xf32, #tpu.memory_space<hbm>>, %arg4: memref<8125x128xf32, #tpu.memory_space<hbm>>, %arg5: memref<32x16384xf32, #tpu.memory_space<hbm>>, %arg6: memref<32x16384xf32, #tpu.memory_space<hbm>>, %arg7: memref<8192xi32, #tpu.memory_space<vmem>>, %arg8: memref<8192xi32, #tpu.memory_space<vmem>>, %arg9: memref<313x128xf32, #tpu.memory_space<vmem>>, %arg10: memref<313x128xf32, #tpu.memory_space<vmem>>, %arg11: memref<16384xf32, #tpu.memory_space<vmem>>, %arg12: memref<16384xf32, #tpu.memory_space<vmem>>, %arg13: memref<!tpu.dma_semaphore, #tpu.memory_space<semaphore_mem>>, %arg14: memref<!tpu.dma_semaphore, #tpu.memory_space<semaphore_mem>>) attributes {dimension_semantics = [#tpu.dimension_semantics<core_parallel>, #tpu.dimension_semantics<subcore_parallel>], iteration_bounds = array<i64: 2, 16>, scalar_prefetch = 0 : i64, scratch_operands = 8 : i64, tpu.core_type = #tpu.core_type<sc_vector_subcore>, window_params = [{transform_indices = #map}, {transform_indices = #map}, {transform_indices = #map}, {transform_indices = #map}, {transform_indices = #map}]} {
    %mul3A = arith.constant 16 : i32
    %mul3A_0 = arith.muli %arg0, %mul3A : i32
    %add3A = arith.addi %mul3A_0, %arg1 : i32
    %mul3A_1 = arith.constant 13 : i32
    %mul3A_2 = arith.muli %arg0, %mul3A_1 : i32
    %add3A_3 = arith.constant 0 : i32
    %add3A_4 = arith.addi %mul3A_2, %add3A_3 : i32
    %mul3A_5 = arith.constant 40000 : i32
    %mul3A_6 = arith.muli %add3A_4, %mul3A_5 : i32
    %shift_right_arithmetic3A = arith.constant 3 : i32
    %shift_right_arithmetic3A_7 = arith.shrsi %arg1, %shift_right_arithmetic3A : i32
    %mul3A_8 = arith.constant 8125 : i32
    %mul3A_9 = arith.muli %shift_right_arithmetic3A_7, %mul3A_8 : i32
    %shift_right_arithmetic3A_10 = arith.constant 7 : i32
    %shift_right_arithmetic3A_11 = arith.shrsi %mul3A_6, %shift_right_arithmetic3A_10 : i32
    %add3A_12 = arith.addi %mul3A_9, %shift_right_arithmetic3A_11 : i32
    %and3A = arith.constant 7 : i32
    %and3A_13 = arith.andi %arg1, %and3A : i32
    %mul3A_14 = arith.constant 128 : i32
    %mul3A_15 = arith.muli %and3A_13, %mul3A_14 : i32
    %dma_start3A = tpu.memref_slice %arg3[%add3A_12, %mul3A_15] : memref<16250x1024xf32, #tpu.memory_space<hbm>> -> memref<313x128xf32, #tpu.memory_space<hbm>>
    %dma_start3A_16 = tpu.memref_slice %arg3[%add3A_12, %mul3A_15] : memref<16250x1024xf32, #tpu.memory_space<hbm>> -> memref<313x128xf32, #tpu.memory_space<hbm>>
    tpu.enqueue_dma source(%dma_start3A_16 : memref<313x128xf32, #tpu.memory_space<hbm>>) target(%arg9 : memref<313x128xf32, #tpu.memory_space<vmem>>) target_semaphore(%arg13 : memref<!tpu.dma_semaphore, #tpu.memory_space<semaphore_mem>>)
    %mul3A_17 = arith.constant 13 : i32
    %mul3A_18 = arith.muli %arg0, %mul3A_17 : i32
    %add3A_19 = arith.constant 0 : i32
    %add3A_20 = arith.addi %mul3A_18, %add3A_19 : i32
    %dma_start3A_21 = arith.constant 0 : i32
    %dma_start3A_22 = tpu.memref_slice %arg2[%add3A_20, %dma_start3A_21] : memref<26x16384xi32, #tpu.memory_space<hbm>> -> memref<1x8192xi32, #tpu.memory_space<hbm>>
    %dma_start3A_23 = tpu.memref_squeeze %dma_start3A_22 : memref<1x8192xi32, #tpu.memory_space<hbm>> -> memref<8192xi32, #tpu.memory_space<hbm>>
    %dma_start3A_24 = arith.constant 0 : i32
    %dma_start3A_25 = tpu.memref_slice %arg2[%add3A_20, %dma_start3A_24] : memref<26x16384xi32, #tpu.memory_space<hbm>> -> memref<1x8192xi32, #tpu.memory_space<hbm>>
    %dma_start3A_26 = tpu.memref_squeeze %dma_start3A_25 : memref<1x8192xi32, #tpu.memory_space<hbm>> -> memref<8192xi32, #tpu.memory_space<hbm>>
    tpu.enqueue_dma source(%dma_start3A_26 : memref<8192xi32, #tpu.memory_space<hbm>>) target(%arg7 : memref<8192xi32, #tpu.memory_space<vmem>>) target_semaphore(%arg14 : memref<!tpu.dma_semaphore, #tpu.memory_space<semaphore_mem>>)
    %mul3A_27 = arith.constant 13 : i32
    %mul3A_28 = arith.muli %arg0, %mul3A_27 : i32
    %add3A_29 = arith.constant 0 : i32
    %add3A_30 = arith.addi %mul3A_28, %add3A_29 : i32
    %mul3A_31 = arith.constant 40000 : i32
    %mul3A_32 = arith.muli %add3A_30, %mul3A_31 : i32
    %shift_right_arithmetic3A_33 = arith.constant 3 : i32
    %shift_right_arithmetic3A_34 = arith.shrsi %arg1, %shift_right_arithmetic3A_33 : i32
    %mul3A_35 = arith.constant 8125 : i32
    %mul3A_36 = arith.muli %shift_right_arithmetic3A_34, %mul3A_35 : i32
    %shift_right_arithmetic3A_37 = arith.constant 7 : i32
    %shift_right_arithmetic3A_38 = arith.shrsi %mul3A_32, %shift_right_arithmetic3A_37 : i32
    %add3A_39 = arith.addi %mul3A_36, %shift_right_arithmetic3A_38 : i32
    %and3A_40 = arith.constant 7 : i32
    %and3A_41 = arith.andi %arg1, %and3A_40 : i32
    %mul3A_42 = arith.constant 128 : i32
    %mul3A_43 = arith.muli %and3A_41, %mul3A_42 : i32
    %dma_wait3A = tpu.memref_slice %arg3[%add3A_39, %mul3A_43] : memref<16250x1024xf32, #tpu.memory_space<hbm>> -> memref<313x128xf32, #tpu.memory_space<hbm>>
    %dma_wait3A_44 = tpu.memref_slice %arg3[%add3A_39, %mul3A_43] : memref<16250x1024xf32, #tpu.memory_space<hbm>> -> memref<313x128xf32, #tpu.memory_space<hbm>>
    tpu.wait_dma2 semaphore(%arg13 : memref<!tpu.dma_semaphore, #tpu.memory_space<semaphore_mem>>) src(%dma_wait3A_44 : memref<313x128xf32, #tpu.memory_space<hbm>>) dst(%arg9 : memref<313x128xf32, #tpu.memory_space<vmem>>)
    %mul3A_45 = arith.constant 13 : i32
    %mul3A_46 = arith.muli %arg0, %mul3A_45 : i32
    %add3A_47 = arith.constant 1 : i32
    %add3A_48 = arith.addi %mul3A_46, %add3A_47 : i32
    %mul3A_49 = arith.constant 40000 : i32
    %mul3A_50 = arith.muli %add3A_48, %mul3A_49 : i32
    %shift_right_arithmetic3A_51 = arith.constant 3 : i32
    %shift_right_arithmetic3A_52 = arith.shrsi %arg1, %shift_right_arithmetic3A_51 : i32
    %mul3A_53 = arith.constant 8125 : i32
    %mul3A_54 = arith.muli %shift_right_arithmetic3A_52, %mul3A_53 : i32
    %shift_right_arithmetic3A_55 = arith.constant 7 : i32
    %shift_right_arithmetic3A_56 = arith.shrsi %mul3A_50, %shift_right_arithmetic3A_55 : i32
    %add3A_57 = arith.addi %mul3A_54, %shift_right_arithmetic3A_56 : i32
    %and3A_58 = arith.constant 7 : i32
    %and3A_59 = arith.andi %arg1, %and3A_58 : i32
    %mul3A_60 = arith.constant 128 : i32
    %mul3A_61 = arith.muli %and3A_59, %mul3A_60 : i32
    %dma_start3A_62 = tpu.memref_slice %arg3[%add3A_57, %mul3A_61] : memref<16250x1024xf32, #tpu.memory_space<hbm>> -> memref<313x128xf32, #tpu.memory_space<hbm>>
    %dma_start3A_63 = tpu.memref_slice %arg3[%add3A_57, %mul3A_61] : memref<16250x1024xf32, #tpu.memory_space<hbm>> -> memref<313x128xf32, #tpu.memory_space<hbm>>
    tpu.enqueue_dma source(%dma_start3A_63 : memref<313x128xf32, #tpu.memory_space<hbm>>) target(%arg10 : memref<313x128xf32, #tpu.memory_space<vmem>>) target_semaphore(%arg13 : memref<!tpu.dma_semaphore, #tpu.memory_space<semaphore_mem>>)
    %mul3A_64 = arith.constant 13 : i32
    %mul3A_65 = arith.muli %arg0, %mul3A_64 : i32
    %add3A_66 = arith.constant 0 : i32
    %add3A_67 = arith.addi %mul3A_65, %add3A_66 : i32
    %dma_wait3A_68 = arith.constant 0 : i32
    %dma_wait3A_69 = tpu.memref_slice %arg2[%add3A_67, %dma_wait3A_68] : memref<26x16384xi32, #tpu.memory_space<hbm>> -> memref<1x8192xi32, #tpu.memory_space<hbm>>
    %dma_wait3A_70 = tpu.memref_squeeze %dma_wait3A_69 : memref<1x8192xi32, #tpu.memory_space<hbm>> -> memref<8192xi32, #tpu.memory_space<hbm>>
    %dma_wait3A_71 = arith.constant 0 : i32
    %dma_wait3A_72 = tpu.memref_slice %arg2[%add3A_67, %dma_wait3A_71] : memref<26x16384xi32, #tpu.memory_space<hbm>> -> memref<1x8192xi32, #tpu.memory_space<hbm>>
    %dma_wait3A_73 = tpu.memref_squeeze %dma_wait3A_72 : memref<1x8192xi32, #tpu.memory_space<hbm>> -> memref<8192xi32, #tpu.memory_space<hbm>>
    tpu.wait_dma2 semaphore(%arg14 : memref<!tpu.dma_semaphore, #tpu.memory_space<semaphore_mem>>) src(%dma_wait3A_73 : memref<8192xi32, #tpu.memory_space<hbm>>) dst(%arg7 : memref<8192xi32, #tpu.memory_space<vmem>>)
    %mul3A_74 = arith.constant 13 : i32
    %mul3A_75 = arith.muli %arg0, %mul3A_74 : i32
    %add3A_76 = arith.constant 0 : i32
    %add3A_77 = arith.addi %mul3A_75, %add3A_76 : i32
    %dma_start3A_78 = arith.constant 8192 : i32
    %dma_start3A_79 = tpu.memref_slice %arg2[%add3A_77, %dma_start3A_78] : memref<26x16384xi32, #tpu.memory_space<hbm>> -> memref<1x8192xi32, #tpu.memory_space<hbm>>
    %dma_start3A_80 = tpu.memref_squeeze %dma_start3A_79 : memref<1x8192xi32, #tpu.memory_space<hbm>> -> memref<8192xi32, #tpu.memory_space<hbm>>
    %dma_start3A_81 = arith.constant 8192 : i32
    %dma_start3A_82 = tpu.memref_slice %arg2[%add3A_77, %dma_start3A_81] : memref<26x16384xi32, #tpu.memory_space<hbm>> -> memref<1x8192xi32, #tpu.memory_space<hbm>>
    %dma_start3A_83 = tpu.memref_squeeze %dma_start3A_82 : memref<1x8192xi32, #tpu.memory_space<hbm>> -> memref<8192xi32, #tpu.memory_space<hbm>>
    tpu.enqueue_dma source(%dma_start3A_83 : memref<8192xi32, #tpu.memory_space<hbm>>) target(%arg8 : memref<8192xi32, #tpu.memory_space<vmem>>) target_semaphore(%arg14 : memref<!tpu.dma_semaphore, #tpu.memory_space<semaphore_mem>>)
    %broadcast_in_dim3A = arith.constant 0 : i32
    %broadcast_in_dim3A_84 = vector.broadcast %broadcast_in_dim3A : i32 to vector<16xi32>
    %iota3A = tpu.iota {dimensions = array<i32: 0>} : vector<16xi32>
    %scan3A = arith.constant 0 : i32
    %scan3A_85 = arith.constant 512 : i32
    %scan3A_86 = arith.addi %scan3A, %scan3A_85 : i32
    %scan3A_87 = arith.constant 4 : i32
    scf.for %scan3A_1228 = %scan3A to %scan3A_86 step %scan3A_87  : i32 {
      %mul3A_1229 = arith.constant 1 : i32
      %mul3A_1230 = arith.muli %scan3A_1228, %mul3A_1229 : i32
      %add3A_1231 = arith.constant 0 : i32
      %add3A_1232 = arith.addi %add3A_1231, %mul3A_1230 : i32
      %mul3A_1233 = arith.constant 16 : i32
      %mul3A_1234 = arith.muli %add3A_1232, %mul3A_1233 : i32
      %get3A = arith.index_cast %mul3A_1234 : i32 to index
      %get3A_1235 = tpu.vector_load %arg7[%get3A] {strides = array<i32>} : memref<8192xi32, #tpu.memory_space<vmem>>, vector<16xi32>,
      %gather3A = tpu.vector_load_idx %arg9[%broadcast_in_dim3A_84, %get3A_1235] : memref<313x128xf32, #tpu.memory_space<vmem>>[vector<16xi32>, vector<16xi32>], vector<16xf32>,
      %mul3A_1236 = arith.constant 16 : i32
      %mul3A_1237 = arith.muli %add3A_1232, %mul3A_1236 : i32
      %add3A_1238 = arith.constant 0 : i32
      %add3A_1239 = arith.addi %add3A_1238, %mul3A_1237 : i32
      %swap3A = arith.index_cast %add3A_1239 : i32 to index
      %swap3A_1240 = tpu.vector_load %arg11[%swap3A] {strides = array<i32>} : memref<16384xf32, #tpu.memory_space<vmem>>, vector<16xf32>,
      tpu.vector_store %arg11[%swap3A], %gather3A {strides = array<i32>} : memref<16384xf32, #tpu.memory_space<vmem>>, vector<16xf32>,
      %mul3A_1241 = arith.mulf %gather3A, %gather3A : vector<16xf32>
      %swap3A_1242 = arith.index_cast %add3A_1239 : i32 to index
      %swap3A_1243 = tpu.vector_load %arg12[%swap3A_1242] {strides = array<i32>} : memref<16384xf32, #tpu.memory_space<vmem>>, vector<16xf32>,
      tpu.vector_store %arg12[%swap3A_1242], %mul3A_1241 {strides = array<i32>} : memref<16384xf32, #tpu.memory_space<vmem>>, vector<16xf32>,
      %scan3A_1244 = arith.constant 1 : i32
      %scan3A_1245 = arith.addi %scan3A_1228, %scan3A_1244 : i32
      %mul3A_1246 = arith.constant 1 : i32
      %mul3A_1247 = arith.muli %scan3A_1245, %mul3A_1246 : i32
      %add3A_1248 = arith.constant 0 : i32
      %add3A_1249 = arith.addi %add3A_1248, %mul3A_1247 : i32
      %mul3A_1250 = arith.constant 16 : i32
      %mul3A_1251 = arith.muli %add3A_1249, %mul3A_1250 : i32
      %get3A_1252 = arith.index_cast %mul3A_1251 : i32 to index
      %get3A_1253 = tpu.vector_load %arg7[%get3A_1252] {strides = array<i32>} : memref<8192xi32, #tpu.memory_space<vmem>>, vector<16xi32>,
      %gather3A_1254 = tpu.vector_load_idx %arg9[%broadcast_in_dim3A_84, %get3A_1253] : memref<313x128xf32, #tpu.memory_space<vmem>>[vector<16xi32>, vector<16xi32>], vector<16xf32>,
      %mul3A_1255 = arith.constant 16 : i32
      %mul3A_1256 = arith.muli %add3A_1249, %mul3A_1255 : i32
      %add3A_1257 = arith.constant 0 : i32
      %add3A_1258 = arith.addi %add3A_1257, %mul3A_1256 : i32
      %swap3A_1259 = arith.index_cast %add3A_1258 : i32 to index
      %swap3A_1260 = tpu.vector_load %arg11[%swap3A_1259] {strides = array<i32>} : memref<16384xf32, #tpu.memory_space<vmem>>, vector<16xf32>,
      tpu.vector_store %arg11[%swap3A_1259], %gather3A_1254 {strides = array<i32>} : memref<16384xf32, #tpu.memory_space<vmem>>, vector<16xf32>,
      %mul3A_1261 = arith.mulf %gather3A_1254, %gather3A_1254 : vector<16xf32>
      %swap3A_1262 = arith.index_cast %add3A_1258 : i32 to index
      %swap3A_1263 = tpu.vector_load %arg12[%swap3A_1262] {strides = array<i32>} : memref<16384xf32, #tpu.memory_space<vmem>>, vector<16xf32>,
      tpu.vector_store %arg12[%swap3A_1262], %mul3A_1261 {strides = array<i32>} : memref<16384xf32, #tpu.memory_space<vmem>>, vector<16xf32>,
      %scan3A_1264 = arith.constant 2 : i32
      %scan3A_1265 = arith.addi %scan3A_1228, %scan3A_1264 : i32
      %mul3A_1266 = arith.constant 1 : i32
      %mul3A_1267 = arith.muli %scan3A_1265, %mul3A_1266 : i32
      %add3A_1268 = arith.constant 0 : i32
      %add3A_1269 = arith.addi %add3A_1268, %mul3A_1267 : i32
      %mul3A_1270 = arith.constant 16 : i32
      %mul3A_1271 = arith.muli %add3A_1269, %mul3A_1270 : i32
      %get3A_1272 = arith.index_cast %mul3A_1271 : i32 to index
      %get3A_1273 = tpu.vector_load %arg7[%get3A_1272] {strides = array<i32>} : memref<8192xi32, #tpu.memory_space<vmem>>, vector<16xi32>,
      %gather3A_1274 = tpu.vector_load_idx %arg9[%broadcast_in_dim3A_84, %get3A_1273] : memref<313x128xf32, #tpu.memory_space<vmem>>[vector<16xi32>, vector<16xi32>], vector<16xf32>,
      %mul3A_1275 = arith.constant 16 : i32
      %mul3A_1276 = arith.muli %add3A_1269, %mul3A_1275 : i32
      %add3A_1277 = arith.constant 0 : i32
      %add3A_1278 = arith.addi %add3A_1277, %mul3A_1276 : i32
      %swap3A_1279 = arith.index_cast %add3A_1278 : i32 to index
      %swap3A_1280 = tpu.vector_load %arg11[%swap3A_1279] {strides = array<i32>} : memref<16384xf32, #tpu.memory_space<vmem>>, vector<16xf32>,
      tpu.vector_store %arg11[%swap3A_1279], %gather3A_1274 {strides = array<i32>} : memref<16384xf32, #tpu.memory_space<vmem>>, vector<16xf32>,
      %mul3A_1281 = arith.mulf %gather3A_1274, %gather3A_1274 : vector<16xf32>
      %swap3A_1282 = arith.index_cast %add3A_1278 : i32 to index
      %swap3A_1283 = tpu.vector_load %arg12[%swap3A_1282] {strides = array<i32>} : memref<16384xf32, #tpu.memory_space<vmem>>, vector<16xf32>,
      tpu.vector_store %arg12[%swap3A_1282], %mul3A_1281 {strides = array<i32>} : memref<16384xf32, #tpu.memory_space<vmem>>, vector<16xf32>,
      %scan3A_1284 = arith.constant 3 : i32
      %scan3A_1285 = arith.addi %scan3A_1228, %scan3A_1284 : i32
      %mul3A_1286 = arith.constant 1 : i32
      %mul3A_1287 = arith.muli %scan3A_1285, %mul3A_1286 : i32
      %add3A_1288 = arith.constant 0 : i32
      %add3A_1289 = arith.addi %add3A_1288, %mul3A_1287 : i32
      %mul3A_1290 = arith.constant 16 : i32
      %mul3A_1291 = arith.muli %add3A_1289, %mul3A_1290 : i32
      %get3A_1292 = arith.index_cast %mul3A_1291 : i32 to index
      %get3A_1293 = tpu.vector_load %arg7[%get3A_1292] {strides = array<i32>} : memref<8192xi32, #tpu.memory_space<vmem>>, vector<16xi32>,
      %gather3A_1294 = tpu.vector_load_idx %arg9[%broadcast_in_dim3A_84, %get3A_1293] : memref<313x128xf32, #tpu.memory_space<vmem>>[vector<16xi32>, vector<16xi32>], vector<16xf32>,
      %mul3A_1295 = arith.constant 16 : i32
      %mul3A_1296 = arith.muli %add3A_1289, %mul3A_1295 : i32
      %add3A_1297 = arith.constant 0 : i32
      %add3A_1298 = arith.addi %add3A_1297, %mul3A_1296 : i32
      %swap3A_1299 = arith.index_cast %add3A_1298 : i32 to index
      %swap3A_1300 = tpu.vector_load %arg11[%swap3A_1299] {strides = array<i32>} : memref<16384xf32, #tpu.memory_space<vmem>>, vector<16xf32>,
      tpu.vector_store %arg11[%swap3A_1299], %gather3A_1294 {strides = array<i32>} : memref<16384xf32, #tpu.memory_space<vmem>>, vector<16xf32>,
      %mul3A_1301 = arith.mulf %gather3A_1294, %gather3A_1294 : vector<16xf32>
      %swap3A_1302 = arith.index_cast %add3A_1298 : i32 to index
      %swap3A_1303 = tpu.vector_load %arg12[%swap3A_1302] {strides = array<i32>} : memref<16384xf32, #tpu.memory_space<vmem>>, vector<16xf32>,
      tpu.vector_store %arg12[%swap3A_1302], %mul3A_1301 {strides = array<i32>} : memref<16384xf32, #tpu.memory_space<vmem>>, vector<16xf32>,
    }
    %scan3A_88 = arith.constant 512 : i32
    %mul3A_89 = arith.constant 13 : i32
    %mul3A_90 = arith.muli %arg0, %mul3A_89 : i32
    %add3A_91 = arith.constant 0 : i32
    %add3A_92 = arith.addi %mul3A_90, %add3A_91 : i32
    %dma_wait3A_93 = arith.constant 8192 : i32
    %dma_wait3A_94 = tpu.memref_slice %arg2[%add3A_92, %dma_wait3A_93] : memref<26x16384xi32, #tpu.memory_space<hbm>> -> memref<1x8192xi32, #tpu.memory_space<hbm>>
    %dma_wait3A_95 = tpu.memref_squeeze %dma_wait3A_94 : memref<1x8192xi32, #tpu.memory_space<hbm>> -> memref<8192xi32, #tpu.memory_space<hbm>>
    %dma_wait3A_96 = arith.constant 8192 : i32
    %dma_wait3A_97 = tpu.memref_slice %arg2[%add3A_92, %dma_wait3A_96] : memref<26x16384xi32, #tpu.memory_space<hbm>> -> memref<1x8192xi32, #tpu.memory_space<hbm>>
    %dma_wait3A_98 = tpu.memref_squeeze %dma_wait3A_97 : memref<1x8192xi32, #tpu.memory_space<hbm>> -> memref<8192xi32, #tpu.memory_space<hbm>>
    tpu.wait_dma2 semaphore(%arg14 : memref<!tpu.dma_semaphore, #tpu.memory_space<semaphore_mem>>) src(%dma_wait3A_98 : memref<8192xi32, #tpu.memory_space<hbm>>) dst(%arg8 : memref<8192xi32, #tpu.memory_space<vmem>>)
    %mul3A_99 = arith.constant 13 : i32
    %mul3A_100 = arith.muli %arg0, %mul3A_99 : i32
    %add3A_101 = arith.constant 1 : i32
    %add3A_102 = arith.addi %mul3A_100, %add3A_101 : i32
    %dma_start3A_103 = arith.constant 0 : i32
    %dma_start3A_104 = tpu.memref_slice %arg2[%add3A_102, %dma_start3A_103] : memref<26x16384xi32, #tpu.memory_space<hbm>> -> memref<1x8192xi32, #tpu.memory_space<hbm>>
    %dma_start3A_105 = tpu.memref_squeeze %dma_start3A_104 : memref<1x8192xi32, #tpu.memory_space<hbm>> -> memref<8192xi32, #tpu.memory_space<hbm>>
    %dma_start3A_106 = arith.constant 0 : i32
    %dma_start3A_107 = tpu.memref_slice %arg2[%add3A_102, %dma_start3A_106] : memref<26x16384xi32, #tpu.memory_space<hbm>> -> memref<1x8192xi32, #tpu.memory_space<hbm>>
    %dma_start3A_108 = tpu.memref_squeeze %dma_start3A_107 : memref<1x8192xi32, #tpu.memory_space<hbm>> -> memref<8192xi32, #tpu.memory_space<hbm>>
    tpu.enqueue_dma source(%dma_start3A_108 : memref<8192xi32, #tpu.memory_space<hbm>>) target(%arg7 : memref<8192xi32, #tpu.memory_space<vmem>>) target_semaphore(%arg14 : memref<!tpu.dma_semaphore, #tpu.memory_space<semaphore_mem>>)
    %broadcast_in_dim3A_109 = arith.constant 0 : i32
    %broadcast_in_dim3A_110 = vector.broadcast %broadcast_in_dim3A_109 : i32 to vector<16xi32>
    %iota3A_111 = tpu.iota {dimensions = array<i32: 0>} : vector<16xi32>
    %scan3A_112 = arith.constant 0 : i32
    %scan3A_113 = arith.constant 512 : i32
    %scan3A_114 = arith.addi %scan3A_112, %scan3A_113 : i32
    %scan3A_115 = arith.constant 4 : i32
    scf.for %scan3A_1228 = %scan3A_112 to %scan3A_114 step %scan3A_115  : i32 {
      %mul3A_1229 = arith.constant 1 : i32
      %mul3A_1230 = arith.muli %scan3A_1228, %mul3A_1229 : i32
      %add3A_1231 = arith.constant 0 : i32
      %add3A_1232 = arith.addi %add3A_1231, %mul3A_1230 : i32
      %mul3A_1233 = arith.constant 16 : i32
      %mul3A_1234 = arith.muli %add3A_1232, %mul3A_1233 : i32
      %get3A = arith.index_cast %mul3A_1234 : i32 to index
      %get3A_1235 = tpu.vector_load %arg8[%get3A] {strides = array<i32>} : memref<8192xi32, #tpu.memory_space<vmem>>, vector<16xi32>,
      %gather3A = tpu.vector_load_idx %arg9[%broadcast_in_dim3A_110, %get3A_1235] : memref<313x128xf32, #tpu.memory_space<vmem>>[vector<16xi32>, vector<16xi32>], vector<16xf32>,
      %mul3A_1236 = arith.constant 16 : i32
      %mul3A_1237 = arith.muli %add3A_1232, %mul3A_1236 : i32
      %add3A_1238 = arith.constant 8192 : i32
      %add3A_1239 = arith.addi %add3A_1238, %mul3A_1237 : i32
      %swap3A = arith.index_cast %add3A_1239 : i32 to index
      %swap3A_1240 = tpu.vector_load %arg11[%swap3A] {strides = array<i32>} : memref<16384xf32, #tpu.memory_space<vmem>>, vector<16xf32>,
      tpu.vector_store %arg11[%swap3A], %gather3A {strides = array<i32>} : memref<16384xf32, #tpu.memory_space<vmem>>, vector<16xf32>,
      %mul3A_1241 = arith.mulf %gather3A, %gather3A : vector<16xf32>
      %swap3A_1242 = arith.index_cast %add3A_1239 : i32 to index
      %swap3A_1243 = tpu.vector_load %arg12[%swap3A_1242] {strides = array<i32>} : memref<16384xf32, #tpu.memory_space<vmem>>, vector<16xf32>,
      tpu.vector_store %arg12[%swap3A_1242], %mul3A_1241 {strides = array<i32>} : memref<16384xf32, #tpu.memory_space<vmem>>, vector<16xf32>,
      %scan3A_1244 = arith.constant 1 : i32
      %scan3A_1245 = arith.addi %scan3A_1228, %scan3A_1244 : i32
      %mul3A_1246 = arith.constant 1 : i32
      %mul3A_1247 = arith.muli %scan3A_1245, %mul3A_1246 : i32
      %add3A_1248 = arith.constant 0 : i32
      %add3A_1249 = arith.addi %add3A_1248, %mul3A_1247 : i32
      %mul3A_1250 = arith.constant 16 : i32
      %mul3A_1251 = arith.muli %add3A_1249, %mul3A_1250 : i32
      %get3A_1252 = arith.index_cast %mul3A_1251 : i32 to index
      %get3A_1253 = tpu.vector_load %arg8[%get3A_1252] {strides = array<i32>} : memref<8192xi32, #tpu.memory_space<vmem>>, vector<16xi32>,
      %gather3A_1254 = tpu.vector_load_idx %arg9[%broadcast_in_dim3A_110, %get3A_1253] : memref<313x128xf32, #tpu.memory_space<vmem>>[vector<16xi32>, vector<16xi32>], vector<16xf32>,
      %mul3A_1255 = arith.constant 16 : i32
      %mul3A_1256 = arith.muli %add3A_1249, %mul3A_1255 : i32
      %add3A_1257 = arith.constant 8192 : i32
      %add3A_1258 = arith.addi %add3A_1257, %mul3A_1256 : i32
      %swap3A_1259 = arith.index_cast %add3A_1258 : i32 to index
      %swap3A_1260 = tpu.vector_load %arg11[%swap3A_1259] {strides = array<i32>} : memref<16384xf32, #tpu.memory_space<vmem>>, vector<16xf32>,
      tpu.vector_store %arg11[%swap3A_1259], %gather3A_1254 {strides = array<i32>} : memref<16384xf32, #tpu.memory_space<vmem>>, vector<16xf32>,
      %mul3A_1261 = arith.mulf %gather3A_1254, %gather3A_1254 : vector<16xf32>
      %swap3A_1262 = arith.index_cast %add3A_1258 : i32 to index
      %swap3A_1263 = tpu.vector_load %arg12[%swap3A_1262] {strides = array<i32>} : memref<16384xf32, #tpu.memory_space<vmem>>, vector<16xf32>,
      tpu.vector_store %arg12[%swap3A_1262], %mul3A_1261 {strides = array<i32>} : memref<16384xf32, #tpu.memory_space<vmem>>, vector<16xf32>,
      %scan3A_1264 = arith.constant 2 : i32
      %scan3A_1265 = arith.addi %scan3A_1228, %scan3A_1264 : i32
      %mul3A_1266 = arith.constant 1 : i32
      %mul3A_1267 = arith.muli %scan3A_1265, %mul3A_1266 : i32
      %add3A_1268 = arith.constant 0 : i32
      %add3A_1269 = arith.addi %add3A_1268, %mul3A_1267 : i32
      %mul3A_1270 = arith.constant 16 : i32
      %mul3A_1271 = arith.muli %add3A_1269, %mul3A_1270 : i32
      %get3A_1272 = arith.index_cast %mul3A_1271 : i32 to index
      %get3A_1273 = tpu.vector_load %arg8[%get3A_1272] {strides = array<i32>} : memref<8192xi32, #tpu.memory_space<vmem>>, vector<16xi32>,
      %gather3A_1274 = tpu.vector_load_idx %arg9[%broadcast_in_dim3A_110, %get3A_1273] : memref<313x128xf32, #tpu.memory_space<vmem>>[vector<16xi32>, vector<16xi32>], vector<16xf32>,
      %mul3A_1275 = arith.constant 16 : i32
      %mul3A_1276 = arith.muli %add3A_1269, %mul3A_1275 : i32
      %add3A_1277 = arith.constant 8192 : i32
      %add3A_1278 = arith.addi %add3A_1277, %mul3A_1276 : i32
      %swap3A_1279 = arith.index_cast %add3A_1278 : i32 to index
      %swap3A_1280 = tpu.vector_load %arg11[%swap3A_1279] {strides = array<i32>} : memref<16384xf32, #tpu.memory_space<vmem>>, vector<16xf32>,
      tpu.vector_store %arg11[%swap3A_1279], %gather3A_1274 {strides = array<i32>} : memref<16384xf32, #tpu.memory_space<vmem>>, vector<16xf32>,
      %mul3A_1281 = arith.mulf %gather3A_1274, %gather3A_1274 : vector<16xf32>
      %swap3A_1282 = arith.index_cast %add3A_1278 : i32 to index
      %swap3A_1283 = tpu.vector_load %arg12[%swap3A_1282] {strides = array<i32>} : memref<16384xf32, #tpu.memory_space<vmem>>, vector<16xf32>,
      tpu.vector_store %arg12[%swap3A_1282], %mul3A_1281 {strides = array<i32>} : memref<16384xf32, #tpu.memory_space<vmem>>, vector<16xf32>,
      %scan3A_1284 = arith.constant 3 : i32
      %scan3A_1285 = arith.addi %scan3A_1228, %scan3A_1284 : i32
      %mul3A_1286 = arith.constant 1 : i32
      %mul3A_1287 = arith.muli %scan3A_1285, %mul3A_1286 : i32
      %add3A_1288 = arith.constant 0 : i32
      %add3A_1289 = arith.addi %add3A_1288, %mul3A_1287 : i32
      %mul3A_1290 = arith.constant 16 : i32
      %mul3A_1291 = arith.muli %add3A_1289, %mul3A_1290 : i32
      %get3A_1292 = arith.index_cast %mul3A_1291 : i32 to index
      %get3A_1293 = tpu.vector_load %arg8[%get3A_1292] {strides = array<i32>} : memref<8192xi32, #tpu.memory_space<vmem>>, vector<16xi32>,
      %gather3A_1294 = tpu.vector_load_idx %arg9[%broadcast_in_dim3A_110, %get3A_1293] : memref<313x128xf32, #tpu.memory_space<vmem>>[vector<16xi32>, vector<16xi32>], vector<16xf32>,
      %mul3A_1295 = arith.constant 16 : i32
      %mul3A_1296 = arith.muli %add3A_1289, %mul3A_1295 : i32
      %add3A_1297 = arith.constant 8192 : i32
      %add3A_1298 = arith.addi %add3A_1297, %mul3A_1296 : i32
      %swap3A_1299 = arith.index_cast %add3A_1298 : i32 to index
      %swap3A_1300 = tpu.vector_load %arg11[%swap3A_1299] {strides = array<i32>} : memref<16384xf32, #tpu.memory_space<vmem>>, vector<16xf32>,
      tpu.vector_store %arg11[%swap3A_1299], %gather3A_1294 {strides = array<i32>} : memref<16384xf32, #tpu.memory_space<vmem>>, vector<16xf32>,
      %mul3A_1301 = arith.mulf %gather3A_1294, %gather3A_1294 : vector<16xf32>
      %swap3A_1302 = arith.index_cast %add3A_1298 : i32 to index
      %swap3A_1303 = tpu.vector_load %arg12[%swap3A_1302] {strides = array<i32>} : memref<16384xf32, #tpu.memory_space<vmem>>, vector<16xf32>,
      tpu.vector_store %arg12[%swap3A_1302], %mul3A_1301 {strides = array<i32>} : memref<16384xf32, #tpu.memory_space<vmem>>, vector<16xf32>,
    }
    %scan3A_116 = arith.constant 512 : i32
    %mul3A_117 = arith.constant 13 : i32
    %mul3A_118 = arith.muli %arg0, %mul3A_117 : i32
    %add3A_119 = arith.constant 1 : i32
    %add3A_120 = arith.addi %mul3A_118, %add3A_119 : i32
    %mul3A_121 = arith.constant 40000 : i32
    %mul3A_122 = arith.muli %add3A_120, %mul3A_121 : i32
    %shift_right_arithmetic3A_123 = arith.constant 3 : i32
    %shift_right_arithmetic3A_124 = arith.shrsi %arg1, %shift_right_arithmetic3A_123 : i32
    %mul3A_125 = arith.constant 8125 : i32
    %mul3A_126 = arith.muli %shift_right_arithmetic3A_124, %mul3A_125 : i32
    %shift_right_arithmetic3A_127 = arith.constant 7 : i32
    %shift_right_arithmetic3A_128 = arith.shrsi %mul3A_122, %shift_right_arithmetic3A_127 : i32
    %add3A_129 = arith.addi %mul3A_126, %shift_right_arithmetic3A_128 : i32
    %and3A_130 = arith.constant 7 : i32
    %and3A_131 = arith.andi %arg1, %and3A_130 : i32
    %mul3A_132 = arith.constant 128 : i32
    %mul3A_133 = arith.muli %and3A_131, %mul3A_132 : i32
    %dma_wait3A_134 = tpu.memref_slice %arg3[%add3A_129, %mul3A_133] : memref<16250x1024xf32, #tpu.memory_space<hbm>> -> memref<313x128xf32, #tpu.memory_space<hbm>>
    %dma_wait3A_135 = tpu.memref_slice %arg3[%add3A_129, %mul3A_133] : memref<16250x1024xf32, #tpu.memory_space<hbm>> -> memref<313x128xf32, #tpu.memory_space<hbm>>
    tpu.wait_dma2 semaphore(%arg13 : memref<!tpu.dma_semaphore, #tpu.memory_space<semaphore_mem>>) src(%dma_wait3A_135 : memref<313x128xf32, #tpu.memory_space<hbm>>) dst(%arg10 : memref<313x128xf32, #tpu.memory_space<vmem>>)
    %mul3A_136 = arith.constant 13 : i32
    %mul3A_137 = arith.muli %arg0, %mul3A_136 : i32
    %add3A_138 = arith.constant 2 : i32
    %add3A_139 = arith.addi %mul3A_137, %add3A_138 : i32
    %mul3A_140 = arith.constant 40000 : i32
    %mul3A_141 = arith.muli %add3A_139, %mul3A_140 : i32
    %shift_right_arithmetic3A_142 = arith.constant 3 : i32
    %shift_right_arithmetic3A_143 = arith.shrsi %arg1, %shift_right_arithmetic3A_142 : i32
    %mul3A_144 = arith.constant 8125 : i32
    %mul3A_145 = arith.muli %shift_right_arithmetic3A_143, %mul3A_144 : i32
    %shift_right_arithmetic3A_146 = arith.constant 7 : i32
    %shift_right_arithmetic3A_147 = arith.shrsi %mul3A_141, %shift_right_arithmetic3A_146 : i32
    %add3A_148 = arith.addi %mul3A_145, %shift_right_arithmetic3A_147 : i32
    %and3A_149 = arith.constant 7 : i32
    %and3A_150 = arith.andi %arg1, %and3A_149 : i32
    %mul3A_151 = arith.constant 128 : i32
    %mul3A_152 = arith.muli %and3A_150, %mul3A_151 : i32
    %dma_start3A_153 = tpu.memref_slice %arg3[%add3A_148, %mul3A_152] : memref<16250x1024xf32, #tpu.memory_space<hbm>> -> memref<313x128xf32, #tpu.memory_space<hbm>>
    %dma_start3A_154 = tpu.memref_slice %arg3[%add3A_148, %mul3A_152] : memref<16250x1024xf32, #tpu.memory_space<hbm>> -> memref<313x128xf32, #tpu.memory_space<hbm>>
    tpu.enqueue_dma source(%dma_start3A_154 : memref<313x128xf32, #tpu.memory_space<hbm>>) target(%arg9 : memref<313x128xf32, #tpu.memory_space<vmem>>) target_semaphore(%arg13 : memref<!tpu.dma_semaphore, #tpu.memory_space<semaphore_mem>>)
    %mul3A_155 = arith.constant 13 : i32
    %mul3A_156 = arith.muli %arg0, %mul3A_155 : i32
    %add3A_157 = arith.constant 1 : i32
    %add3A_158 = arith.addi %mul3A_156, %add3A_157 : i32
    %dma_wait3A_159 = arith.constant 0 : i32
    %dma_wait3A_160 = tpu.memref_slice %arg2[%add3A_158, %dma_wait3A_159] : memref<26x16384xi32, #tpu.memory_space<hbm>> -> memref<1x8192xi32, #tpu.memory_space<hbm>>
    %dma_wait3A_161 = tpu.memref_squeeze %dma_wait3A_160 : memref<1x8192xi32, #tpu.memory_space<hbm>> -> memref<8192xi32, #tpu.memory_space<hbm>>
    %dma_wait3A_162 = arith.constant 0 : i32
    %dma_wait3A_163 = tpu.memref_slice %arg2[%add3A_158, %dma_wait3A_162] : memref<26x16384xi32, #tpu.memory_space<hbm>> -> memref<1x8192xi32, #tpu.memory_space<hbm>>
    %dma_wait3A_164 = tpu.memref_squeeze %dma_wait3A_163 : memref<1x8192xi32, #tpu.memory_space<hbm>> -> memref<8192xi32, #tpu.memory_space<hbm>>
    tpu.wait_dma2 semaphore(%arg14 : memref<!tpu.dma_semaphore, #tpu.memory_space<semaphore_mem>>) src(%dma_wait3A_164 : memref<8192xi32, #tpu.memory_space<hbm>>) dst(%arg7 : memref<8192xi32, #tpu.memory_space<vmem>>)
    %mul3A_165 = arith.constant 13 : i32
    %mul3A_166 = arith.muli %arg0, %mul3A_165 : i32
    %add3A_167 = arith.constant 1 : i32
    %add3A_168 = arith.addi %mul3A_166, %add3A_167 : i32
    %dma_start3A_169 = arith.constant 8192 : i32
    %dma_start3A_170 = tpu.memref_slice %arg2[%add3A_168, %dma_start3A_169] : memref<26x16384xi32, #tpu.memory_space<hbm>> -> memref<1x8192xi32, #tpu.memory_space<hbm>>
    %dma_start3A_171 = tpu.memref_squeeze %dma_start3A_170 : memref<1x8192xi32, #tpu.memory_space<hbm>> -> memref<8192xi32, #tpu.memory_space<hbm>>
    %dma_start3A_172 = arith.constant 8192 : i32
    %dma_start3A_173 = tpu.memref_slice %arg2[%add3A_168, %dma_start3A_172] : memref<26x16384xi32, #tpu.memory_space<hbm>> -> memref<1x8192xi32, #tpu.memory_space<hbm>>
    %dma_start3A_174 = tpu.memref_squeeze %dma_start3A_173 : memref<1x8192xi32, #tpu.memory_space<hbm>> -> memref<8192xi32, #tpu.memory_space<hbm>>
    tpu.enqueue_dma source(%dma_start3A_174 : memref<8192xi32, #tpu.memory_space<hbm>>) target(%arg8 : memref<8192xi32, #tpu.memory_space<vmem>>) target_semaphore(%arg14 : memref<!tpu.dma_semaphore, #tpu.memory_space<semaphore_mem>>)
    %broadcast_in_dim3A_175 = arith.constant 0 : i32
    %broadcast_in_dim3A_176 = vector.broadcast %broadcast_in_dim3A_175 : i32 to vector<16xi32>
    %iota3A_177 = tpu.iota {dimensions = array<i32: 0>} : vector<16xi32>
    %scan3A_178 = arith.constant 0 : i32
    %scan3A_179 = arith.constant 512 : i32
    %scan3A_180 = arith.addi %scan3A_178, %scan3A_179 : i32
    %scan3A_181 = arith.constant 4 : i32
    scf.for %scan3A_1228 = %scan3A_178 to %scan3A_180 step %scan3A_181  : i32 {
      %mul3A_1229 = arith.constant 1 : i32
      %mul3A_1230 = arith.muli %scan3A_1228, %mul3A_1229 : i32
      %add3A_1231 = arith.constant 0 : i32
      %add3A_1232 = arith.addi %add3A_1231, %mul3A_1230 : i32
      %mul3A_1233 = arith.constant 16 : i32
      %mul3A_1234 = arith.muli %add3A_1232, %mul3A_1233 : i32
      %get3A = arith.index_cast %mul3A_1234 : i32 to index
      %get3A_1235 = tpu.vector_load %arg7[%get3A] {strides = array<i32>} : memref<8192xi32, #tpu.memory_space<vmem>>, vector<16xi32>,
      %gather3A = tpu.vector_load_idx %arg10[%broadcast_in_dim3A_176, %get3A_1235] : memref<313x128xf32, #tpu.memory_space<vmem>>[vector<16xi32>, vector<16xi32>], vector<16xf32>,
      %mul3A_1236 = arith.constant 16 : i32
      %mul3A_1237 = arith.muli %add3A_1232, %mul3A_1236 : i32
      %add3A_1238 = arith.constant 0 : i32
      %add3A_1239 = arith.addi %add3A_1238, %mul3A_1237 : i32
      %add3A_1240 = vector.broadcast %add3A_1239 : i32 to vector<16xi32>
      %add3A_1241 = arith.addi %iota3A_177, %add3A_1240 : vector<16xi32>
      tpu.vector_store_idx %arg11[%add3A_1241], %gather3A {add = true} : memref<16384xf32, #tpu.memory_space<vmem>>[vector<16xi32>], vector<16xf32>,
      %mul3A_1242 = arith.mulf %gather3A, %gather3A : vector<16xf32>
      tpu.vector_store_idx %arg12[%add3A_1241], %mul3A_1242 {add = true} : memref<16384xf32, #tpu.memory_space<vmem>>[vector<16xi32>], vector<16xf32>,
      %scan3A_1243 = arith.constant 1 : i32
      %scan3A_1244 = arith.addi %scan3A_1228, %scan3A_1243 : i32
      %mul3A_1245 = arith.constant 1 : i32
      %mul3A_1246 = arith.muli %scan3A_1244, %mul3A_1245 : i32
      %add3A_1247 = arith.constant 0 : i32
      %add3A_1248 = arith.addi %add3A_1247, %mul3A_1246 : i32
      %mul3A_1249 = arith.constant 16 : i32
      %mul3A_1250 = arith.muli %add3A_1248, %mul3A_1249 : i32
      %get3A_1251 = arith.index_cast %mul3A_1250 : i32 to index
      %get3A_1252 = tpu.vector_load %arg7[%get3A_1251] {strides = array<i32>} : memref<8192xi32, #tpu.memory_space<vmem>>, vector<16xi32>,
      %gather3A_1253 = tpu.vector_load_idx %arg10[%broadcast_in_dim3A_176, %get3A_1252] : memref<313x128xf32, #tpu.memory_space<vmem>>[vector<16xi32>, vector<16xi32>], vector<16xf32>,
      %mul3A_1254 = arith.constant 16 : i32
      %mul3A_1255 = arith.muli %add3A_1248, %mul3A_1254 : i32
      %add3A_1256 = arith.constant 0 : i32
      %add3A_1257 = arith.addi %add3A_1256, %mul3A_1255 : i32
      %add3A_1258 = vector.broadcast %add3A_1257 : i32 to vector<16xi32>
      %add3A_1259 = arith.addi %iota3A_177, %add3A_1258 : vector<16xi32>
      tpu.vector_store_idx %arg11[%add3A_1259], %gather3A_1253 {add = true} : memref<16384xf32, #tpu.memory_space<vmem>>[vector<16xi32>], vector<16xf32>,
      %mul3A_1260 = arith.mulf %gather3A_1253, %gather3A_1253 : vector<16xf32>
      tpu.vector_store_idx %arg12[%add3A_1259], %mul3A_1260 {add = true} : memref<16384xf32, #tpu.memory_space<vmem>>[vector<16xi32>], vector<16xf32>,
      %scan3A_1261 = arith.constant 2 : i32
      %scan3A_1262 = arith.addi %scan3A_1228, %scan3A_1261 : i32
      %mul3A_1263 = arith.constant 1 : i32
      %mul3A_1264 = arith.muli %scan3A_1262, %mul3A_1263 : i32
      %add3A_1265 = arith.constant 0 : i32
      %add3A_1266 = arith.addi %add3A_1265, %mul3A_1264 : i32
      %mul3A_1267 = arith.constant 16 : i32
      %mul3A_1268 = arith.muli %add3A_1266, %mul3A_1267 : i32
      %get3A_1269 = arith.index_cast %mul3A_1268 : i32 to index
      %get3A_1270 = tpu.vector_load %arg7[%get3A_1269] {strides = array<i32>} : memref<8192xi32, #tpu.memory_space<vmem>>, vector<16xi32>,
      %gather3A_1271 = tpu.vector_load_idx %arg10[%broadcast_in_dim3A_176, %get3A_1270] : memref<313x128xf32, #tpu.memory_space<vmem>>[vector<16xi32>, vector<16xi32>], vector<16xf32>,
      %mul3A_1272 = arith.constant 16 : i32
      %mul3A_1273 = arith.muli %add3A_1266, %mul3A_1272 : i32
      %add3A_1274 = arith.constant 0 : i32
      %add3A_1275 = arith.addi %add3A_1274, %mul3A_1273 : i32
      %add3A_1276 = vector.broadcast %add3A_1275 : i32 to vector<16xi32>
      %add3A_1277 = arith.addi %iota3A_177, %add3A_1276 : vector<16xi32>
      tpu.vector_store_idx %arg11[%add3A_1277], %gather3A_1271 {add = true} : memref<16384xf32, #tpu.memory_space<vmem>>[vector<16xi32>], vector<16xf32>,
      %mul3A_1278 = arith.mulf %gather3A_1271, %gather3A_1271 : vector<16xf32>
      tpu.vector_store_idx %arg12[%add3A_1277], %mul3A_1278 {add = true} : memref<16384xf32, #tpu.memory_space<vmem>>[vector<16xi32>], vector<16xf32>,
      %scan3A_1279 = arith.constant 3 : i32
      %scan3A_1280 = arith.addi %scan3A_1228, %scan3A_1279 : i32
      %mul3A_1281 = arith.constant 1 : i32
      %mul3A_1282 = arith.muli %scan3A_1280, %mul3A_1281 : i32
      %add3A_1283 = arith.constant 0 : i32
      %add3A_1284 = arith.addi %add3A_1283, %mul3A_1282 : i32
      %mul3A_1285 = arith.constant 16 : i32
      %mul3A_1286 = arith.muli %add3A_1284, %mul3A_1285 : i32
      %get3A_1287 = arith.index_cast %mul3A_1286 : i32 to index
      %get3A_1288 = tpu.vector_load %arg7[%get3A_1287] {strides = array<i32>} : memref<8192xi32, #tpu.memory_space<vmem>>, vector<16xi32>,
      %gather3A_1289 = tpu.vector_load_idx %arg10[%broadcast_in_dim3A_176, %get3A_1288] : memref<313x128xf32, #tpu.memory_space<vmem>>[vector<16xi32>, vector<16xi32>], vector<16xf32>,
      %mul3A_1290 = arith.constant 16 : i32
      %mul3A_1291 = arith.muli %add3A_1284, %mul3A_1290 : i32
      %add3A_1292 = arith.constant 0 : i32
      %add3A_1293 = arith.addi %add3A_1292, %mul3A_1291 : i32
      %add3A_1294 = vector.broadcast %add3A_1293 : i32 to vector<16xi32>
      %add3A_1295 = arith.addi %iota3A_177, %add3A_1294 : vector<16xi32>
      tpu.vector_store_idx %arg11[%add3A_1295], %gather3A_1289 {add = true} : memref<16384xf32, #tpu.memory_space<vmem>>[vector<16xi32>], vector<16xf32>,
      %mul3A_1296 = arith.mulf %gather3A_1289, %gather3A_1289 : vector<16xf32>
      tpu.vector_store_idx %arg12[%add3A_1295], %mul3A_1296 {add = true} : memref<16384xf32, #tpu.memory_space<vmem>>[vector<16xi32>], vector<16xf32>,
    }
    %scan3A_182 = arith.constant 512 : i32
    %mul3A_183 = arith.constant 13 : i32
    %mul3A_184 = arith.muli %arg0, %mul3A_183 : i32
    %add3A_185 = arith.constant 1 : i32
    %add3A_186 = arith.addi %mul3A_184, %add3A_185 : i32
    %dma_wait3A_187 = arith.constant 8192 : i32
    %dma_wait3A_188 = tpu.memref_slice %arg2[%add3A_186, %dma_wait3A_187] : memref<26x16384xi32, #tpu.memory_space<hbm>> -> memref<1x8192xi32, #tpu.memory_space<hbm>>
    %dma_wait3A_189 = tpu.memref_squeeze %dma_wait3A_188 : memref<1x8192xi32, #tpu.memory_space<hbm>> -> memref<8192xi32, #tpu.memory_space<hbm>>
    %dma_wait3A_190 = arith.constant 8192 : i32
    %dma_wait3A_191 = tpu.memref_slice %arg2[%add3A_186, %dma_wait3A_190] : memref<26x16384xi32, #tpu.memory_space<hbm>> -> memref<1x8192xi32, #tpu.memory_space<hbm>>
    %dma_wait3A_192 = tpu.memref_squeeze %dma_wait3A_191 : memref<1x8192xi32, #tpu.memory_space<hbm>> -> memref<8192xi32, #tpu.memory_space<hbm>>
    tpu.wait_dma2 semaphore(%arg14 : memref<!tpu.dma_semaphore, #tpu.memory_space<semaphore_mem>>) src(%dma_wait3A_192 : memref<8192xi32, #tpu.memory_space<hbm>>) dst(%arg8 : memref<8192xi32, #tpu.memory_space<vmem>>)
    %mul3A_193 = arith.constant 13 : i32
    %mul3A_194 = arith.muli %arg0, %mul3A_193 : i32
    %add3A_195 = arith.constant 2 : i32
    %add3A_196 = arith.addi %mul3A_194, %add3A_195 : i32
    %dma_start3A_197 = arith.constant 0 : i32
    %dma_start3A_198 = tpu.memref_slice %arg2[%add3A_196, %dma_start3A_197] : memref<26x16384xi32, #tpu.memory_space<hbm>> -> memref<1x8192xi32, #tpu.memory_space<hbm>>
    %dma_start3A_199 = tpu.memref_squeeze %dma_start3A_198 : memref<1x8192xi32, #tpu.memory_space<hbm>> -> memref<8192xi32, #tpu.memory_space<hbm>>
    %dma_start3A_200 = arith.constant 0 : i32
    %dma_start3A_201 = tpu.memref_slice %arg2[%add3A_196, %dma_start3A_200] : memref<26x16384xi32, #tpu.memory_space<hbm>> -> memref<1x8192xi32, #tpu.memory_space<hbm>>
    %dma_start3A_202 = tpu.memref_squeeze %dma_start3A_201 : memref<1x8192xi32, #tpu.memory_space<hbm>> -> memref<8192xi32, #tpu.memory_space<hbm>>
    tpu.enqueue_dma source(%dma_start3A_202 : memref<8192xi32, #tpu.memory_space<hbm>>) target(%arg7 : memref<8192xi32, #tpu.memory_space<vmem>>) target_semaphore(%arg14 : memref<!tpu.dma_semaphore, #tpu.memory_space<semaphore_mem>>)
    %broadcast_in_dim3A_203 = arith.constant 0 : i32
    %broadcast_in_dim3A_204 = vector.broadcast %broadcast_in_dim3A_203 : i32 to vector<16xi32>
    %iota3A_205 = tpu.iota {dimensions = array<i32: 0>} : vector<16xi32>
    %scan3A_206 = arith.constant 0 : i32
    %scan3A_207 = arith.constant 512 : i32
    %scan3A_208 = arith.addi %scan3A_206, %scan3A_207 : i32
    %scan3A_209 = arith.constant 4 : i32
    scf.for %scan3A_1228 = %scan3A_206 to %scan3A_208 step %scan3A_209  : i32 {
      %mul3A_1229 = arith.constant 1 : i32
      %mul3A_1230 = arith.muli %scan3A_1228, %mul3A_1229 : i32
      %add3A_1231 = arith.constant 0 : i32
      %add3A_1232 = arith.addi %add3A_1231, %mul3A_1230 : i32
      %mul3A_1233 = arith.constant 16 : i32
      %mul3A_1234 = arith.muli %add3A_1232, %mul3A_1233 : i32
      %get3A = arith.index_cast %mul3A_1234 : i32 to index
      %get3A_1235 = tpu.vector_load %arg8[%get3A] {strides = array<i32>} : memref<8192xi32, #tpu.memory_space<vmem>>, vector<16xi32>,
      %gather3A = tpu.vector_load_idx %arg10[%broadcast_in_dim3A_204, %get3A_1235] : memref<313x128xf32, #tpu.memory_space<vmem>>[vector<16xi32>, vector<16xi32>], vector<16xf32>,
      %mul3A_1236 = arith.constant 16 : i32
      %mul3A_1237 = arith.muli %add3A_1232, %mul3A_1236 : i32
      %add3A_1238 = arith.constant 8192 : i32
      %add3A_1239 = arith.addi %add3A_1238, %mul3A_1237 : i32
      %add3A_1240 = vector.broadcast %add3A_1239 : i32 to vector<16xi32>
      %add3A_1241 = arith.addi %iota3A_205, %add3A_1240 : vector<16xi32>
      tpu.vector_store_idx %arg11[%add3A_1241], %gather3A {add = true} : memref<16384xf32, #tpu.memory_space<vmem>>[vector<16xi32>], vector<16xf32>,
      %mul3A_1242 = arith.mulf %gather3A, %gather3A : vector<16xf32>
      tpu.vector_store_idx %arg12[%add3A_1241], %mul3A_1242 {add = true} : memref<16384xf32, #tpu.memory_space<vmem>>[vector<16xi32>], vector<16xf32>,
      %scan3A_1243 = arith.constant 1 : i32
      %scan3A_1244 = arith.addi %scan3A_1228, %scan3A_1243 : i32
      %mul3A_1245 = arith.constant 1 : i32
      %mul3A_1246 = arith.muli %scan3A_1244, %mul3A_1245 : i32
      %add3A_1247 = arith.constant 0 : i32
      %add3A_1248 = arith.addi %add3A_1247, %mul3A_1246 : i32
      %mul3A_1249 = arith.constant 16 : i32
      %mul3A_1250 = arith.muli %add3A_1248, %mul3A_1249 : i32
      %get3A_1251 = arith.index_cast %mul3A_1250 : i32 to index
      %get3A_1252 = tpu.vector_load %arg8[%get3A_1251] {strides = array<i32>} : memref<8192xi32, #tpu.memory_space<vmem>>, vector<16xi32>,
      %gather3A_1253 = tpu.vector_load_idx %arg10[%broadcast_in_dim3A_204, %get3A_1252] : memref<313x128xf32, #tpu.memory_space<vmem>>[vector<16xi32>, vector<16xi32>], vector<16xf32>,
      %mul3A_1254 = arith.constant 16 : i32
      %mul3A_1255 = arith.muli %add3A_1248, %mul3A_1254 : i32
      %add3A_1256 = arith.constant 8192 : i32
      %add3A_1257 = arith.addi %add3A_1256, %mul3A_1255 : i32
      %add3A_1258 = vector.broadcast %add3A_1257 : i32 to vector<16xi32>
      %add3A_1259 = arith.addi %iota3A_205, %add3A_1258 : vector<16xi32>
      tpu.vector_store_idx %arg11[%add3A_1259], %gather3A_1253 {add = true} : memref<16384xf32, #tpu.memory_space<vmem>>[vector<16xi32>], vector<16xf32>,
      %mul3A_1260 = arith.mulf %gather3A_1253, %gather3A_1253 : vector<16xf32>
      tpu.vector_store_idx %arg12[%add3A_1259], %mul3A_1260 {add = true} : memref<16384xf32, #tpu.memory_space<vmem>>[vector<16xi32>], vector<16xf32>,
      %scan3A_1261 = arith.constant 2 : i32
      %scan3A_1262 = arith.addi %scan3A_1228, %scan3A_1261 : i32
      %mul3A_1263 = arith.constant 1 : i32
      %mul3A_1264 = arith.muli %scan3A_1262, %mul3A_1263 : i32
      %add3A_1265 = arith.constant 0 : i32
      %add3A_1266 = arith.addi %add3A_1265, %mul3A_1264 : i32
      %mul3A_1267 = arith.constant 16 : i32
      %mul3A_1268 = arith.muli %add3A_1266, %mul3A_1267 : i32
      %get3A_1269 = arith.index_cast %mul3A_1268 : i32 to index
      %get3A_1270 = tpu.vector_load %arg8[%get3A_1269] {strides = array<i32>} : memref<8192xi32, #tpu.memory_space<vmem>>, vector<16xi32>,
      %gather3A_1271 = tpu.vector_load_idx %arg10[%broadcast_in_dim3A_204, %get3A_1270] : memref<313x128xf32, #tpu.memory_space<vmem>>[vector<16xi32>, vector<16xi32>], vector<16xf32>,
      %mul3A_1272 = arith.constant 16 : i32
      %mul3A_1273 = arith.muli %add3A_1266, %mul3A_1272 : i32
      %add3A_1274 = arith.constant 8192 : i32
      %add3A_1275 = arith.addi %add3A_1274, %mul3A_1273 : i32
      %add3A_1276 = vector.broadcast %add3A_1275 : i32 to vector<16xi32>
      %add3A_1277 = arith.addi %iota3A_205, %add3A_1276 : vector<16xi32>
      tpu.vector_store_idx %arg11[%add3A_1277], %gather3A_1271 {add = true} : memref<16384xf32, #tpu.memory_space<vmem>>[vector<16xi32>], vector<16xf32>,
      %mul3A_1278 = arith.mulf %gather3A_1271, %gather3A_1271 : vector<16xf32>
      tpu.vector_store_idx %arg12[%add3A_1277], %mul3A_1278 {add = true} : memref<16384xf32, #tpu.memory_space<vmem>>[vector<16xi32>], vector<16xf32>,
      %scan3A_1279 = arith.constant 3 : i32
      %scan3A_1280 = arith.addi %scan3A_1228, %scan3A_1279 : i32
      %mul3A_1281 = arith.constant 1 : i32
      %mul3A_1282 = arith.muli %scan3A_1280, %mul3A_1281 : i32
      %add3A_1283 = arith.constant 0 : i32
      %add3A_1284 = arith.addi %add3A_1283, %mul3A_1282 : i32
      %mul3A_1285 = arith.constant 16 : i32
      %mul3A_1286 = arith.muli %add3A_1284, %mul3A_1285 : i32
      %get3A_1287 = arith.index_cast %mul3A_1286 : i32 to index
      %get3A_1288 = tpu.vector_load %arg8[%get3A_1287] {strides = array<i32>} : memref<8192xi32, #tpu.memory_space<vmem>>, vector<16xi32>,
      %gather3A_1289 = tpu.vector_load_idx %arg10[%broadcast_in_dim3A_204, %get3A_1288] : memref<313x128xf32, #tpu.memory_space<vmem>>[vector<16xi32>, vector<16xi32>], vector<16xf32>,
      %mul3A_1290 = arith.constant 16 : i32
      %mul3A_1291 = arith.muli %add3A_1284, %mul3A_1290 : i32
      %add3A_1292 = arith.constant 8192 : i32
      %add3A_1293 = arith.addi %add3A_1292, %mul3A_1291 : i32
      %add3A_1294 = vector.broadcast %add3A_1293 : i32 to vector<16xi32>
      %add3A_1295 = arith.addi %iota3A_205, %add3A_1294 : vector<16xi32>
      tpu.vector_store_idx %arg11[%add3A_1295], %gather3A_1289 {add = true} : memref<16384xf32, #tpu.memory_space<vmem>>[vector<16xi32>], vector<16xf32>,
      %mul3A_1296 = arith.mulf %gather3A_1289, %gather3A_1289 : vector<16xf32>
      tpu.vector_store_idx %arg12[%add3A_1295], %mul3A_1296 {add = true} : memref<16384xf32, #tpu.memory_space<vmem>>[vector<16xi32>], vector<16xf32>,
    }
    %scan3A_210 = arith.constant 512 : i32
    %mul3A_211 = arith.constant 13 : i32
    %mul3A_212 = arith.muli %arg0, %mul3A_211 : i32
    %add3A_213 = arith.constant 2 : i32
    %add3A_214 = arith.addi %mul3A_212, %add3A_213 : i32
    %mul3A_215 = arith.constant 40000 : i32
    %mul3A_216 = arith.muli %add3A_214, %mul3A_215 : i32
    %shift_right_arithmetic3A_217 = arith.constant 3 : i32
    %shift_right_arithmetic3A_218 = arith.shrsi %arg1, %shift_right_arithmetic3A_217 : i32
    %mul3A_219 = arith.constant 8125 : i32
    %mul3A_220 = arith.muli %shift_right_arithmetic3A_218, %mul3A_219 : i32
    %shift_right_arithmetic3A_221 = arith.constant 7 : i32
    %shift_right_arithmetic3A_222 = arith.shrsi %mul3A_216, %shift_right_arithmetic3A_221 : i32
    %add3A_223 = arith.addi %mul3A_220, %shift_right_arithmetic3A_222 : i32
    %and3A_224 = arith.constant 7 : i32
    %and3A_225 = arith.andi %arg1, %and3A_224 : i32
    %mul3A_226 = arith.constant 128 : i32
    %mul3A_227 = arith.muli %and3A_225, %mul3A_226 : i32
    %dma_wait3A_228 = tpu.memref_slice %arg3[%add3A_223, %mul3A_227] : memref<16250x1024xf32, #tpu.memory_space<hbm>> -> memref<313x128xf32, #tpu.memory_space<hbm>>
    %dma_wait3A_229 = tpu.memref_slice %arg3[%add3A_223, %mul3A_227] : memref<16250x1024xf32, #tpu.memory_space<hbm>> -> memref<313x128xf32, #tpu.memory_space<hbm>>
    tpu.wait_dma2 semaphore(%arg13 : memref<!tpu.dma_semaphore, #tpu.memory_space<semaphore_mem>>) src(%dma_wait3A_229 : memref<313x128xf32, #tpu.memory_space<hbm>>) dst(%arg9 : memref<313x128xf32, #tpu.memory_space<vmem>>)
    %mul3A_230 = arith.constant 13 : i32
    %mul3A_231 = arith.muli %arg0, %mul3A_230 : i32
    %add3A_232 = arith.constant 3 : i32
    %add3A_233 = arith.addi %mul3A_231, %add3A_232 : i32
    %mul3A_234 = arith.constant 40000 : i32
    %mul3A_235 = arith.muli %add3A_233, %mul3A_234 : i32
    %shift_right_arithmetic3A_236 = arith.constant 3 : i32
    %shift_right_arithmetic3A_237 = arith.shrsi %arg1, %shift_right_arithmetic3A_236 : i32
    %mul3A_238 = arith.constant 8125 : i32
    %mul3A_239 = arith.muli %shift_right_arithmetic3A_237, %mul3A_238 : i32
    %shift_right_arithmetic3A_240 = arith.constant 7 : i32
    %shift_right_arithmetic3A_241 = arith.shrsi %mul3A_235, %shift_right_arithmetic3A_240 : i32
    %add3A_242 = arith.addi %mul3A_239, %shift_right_arithmetic3A_241 : i32
    %and3A_243 = arith.constant 7 : i32
    %and3A_244 = arith.andi %arg1, %and3A_243 : i32
    %mul3A_245 = arith.constant 128 : i32
    %mul3A_246 = arith.muli %and3A_244, %mul3A_245 : i32
    %dma_start3A_247 = tpu.memref_slice %arg3[%add3A_242, %mul3A_246] : memref<16250x1024xf32, #tpu.memory_space<hbm>> -> memref<313x128xf32, #tpu.memory_space<hbm>>
    %dma_start3A_248 = tpu.memref_slice %arg3[%add3A_242, %mul3A_246] : memref<16250x1024xf32, #tpu.memory_space<hbm>> -> memref<313x128xf32, #tpu.memory_space<hbm>>
    tpu.enqueue_dma source(%dma_start3A_248 : memref<313x128xf32, #tpu.memory_space<hbm>>) target(%arg10 : memref<313x128xf32, #tpu.memory_space<vmem>>) target_semaphore(%arg13 : memref<!tpu.dma_semaphore, #tpu.memory_space<semaphore_mem>>)
    %mul3A_249 = arith.constant 13 : i32
    %mul3A_250 = arith.muli %arg0, %mul3A_249 : i32
    %add3A_251 = arith.constant 2 : i32
    %add3A_252 = arith.addi %mul3A_250, %add3A_251 : i32
    %dma_wait3A_253 = arith.constant 0 : i32
    %dma_wait3A_254 = tpu.memref_slice %arg2[%add3A_252, %dma_wait3A_253] : memref<26x16384xi32, #tpu.memory_space<hbm>> -> memref<1x8192xi32, #tpu.memory_space<hbm>>
    %dma_wait3A_255 = tpu.memref_squeeze %dma_wait3A_254 : memref<1x8192xi32, #tpu.memory_space<hbm>> -> memref<8192xi32, #tpu.memory_space<hbm>>
    %dma_wait3A_256 = arith.constant 0 : i32
    %dma_wait3A_257 = tpu.memref_slice %arg2[%add3A_252, %dma_wait3A_256] : memref<26x16384xi32, #tpu.memory_space<hbm>> -> memref<1x8192xi32, #tpu.memory_space<hbm>>
    %dma_wait3A_258 = tpu.memref_squeeze %dma_wait3A_257 : memref<1x8192xi32, #tpu.memory_space<hbm>> -> memref<8192xi32, #tpu.memory_space<hbm>>
    tpu.wait_dma2 semaphore(%arg14 : memref<!tpu.dma_semaphore, #tpu.memory_space<semaphore_mem>>) src(%dma_wait3A_258 : memref<8192xi32, #tpu.memory_space<hbm>>) dst(%arg7 : memref<8192xi32, #tpu.memory_space<vmem>>)
    %mul3A_259 = arith.constant 13 : i32
    %mul3A_260 = arith.muli %arg0, %mul3A_259 : i32
    %add3A_261 = arith.constant 2 : i32
    %add3A_262 = arith.addi %mul3A_260, %add3A_261 : i32
    %dma_start3A_263 = arith.constant 8192 : i32
    %dma_start3A_264 = tpu.memref_slice %arg2[%add3A_262, %dma_start3A_263] : memref<26x16384xi32, #tpu.memory_space<hbm>> -> memref<1x8192xi32, #tpu.memory_space<hbm>>
    %dma_start3A_265 = tpu.memref_squeeze %dma_start3A_264 : memref<1x8192xi32, #tpu.memory_space<hbm>> -> memref<8192xi32, #tpu.memory_space<hbm>>
    %dma_start3A_266 = arith.constant 8192 : i32
    %dma_start3A_267 = tpu.memref_slice %arg2[%add3A_262, %dma_start3A_266] : memref<26x16384xi32, #tpu.memory_space<hbm>> -> memref<1x8192xi32, #tpu.memory_space<hbm>>
    %dma_start3A_268 = tpu.memref_squeeze %dma_start3A_267 : memref<1x8192xi32, #tpu.memory_space<hbm>> -> memref<8192xi32, #tpu.memory_space<hbm>>
    tpu.enqueue_dma source(%dma_start3A_268 : memref<8192xi32, #tpu.memory_space<hbm>>) target(%arg8 : memref<8192xi32, #tpu.memory_space<vmem>>) target_semaphore(%arg14 : memref<!tpu.dma_semaphore, #tpu.memory_space<semaphore_mem>>)
    %broadcast_in_dim3A_269 = arith.constant 0 : i32
    %broadcast_in_dim3A_270 = vector.broadcast %broadcast_in_dim3A_269 : i32 to vector<16xi32>
    %iota3A_271 = tpu.iota {dimensions = array<i32: 0>} : vector<16xi32>
    %scan3A_272 = arith.constant 0 : i32
    %scan3A_273 = arith.constant 512 : i32
    %scan3A_274 = arith.addi %scan3A_272, %scan3A_273 : i32
    %scan3A_275 = arith.constant 4 : i32
    scf.for %scan3A_1228 = %scan3A_272 to %scan3A_274 step %scan3A_275  : i32 {
      %mul3A_1229 = arith.constant 1 : i32
      %mul3A_1230 = arith.muli %scan3A_1228, %mul3A_1229 : i32
      %add3A_1231 = arith.constant 0 : i32
      %add3A_1232 = arith.addi %add3A_1231, %mul3A_1230 : i32
      %mul3A_1233 = arith.constant 16 : i32
      %mul3A_1234 = arith.muli %add3A_1232, %mul3A_1233 : i32
      %get3A = arith.index_cast %mul3A_1234 : i32 to index
      %get3A_1235 = tpu.vector_load %arg7[%get3A] {strides = array<i32>} : memref<8192xi32, #tpu.memory_space<vmem>>, vector<16xi32>,
      %gather3A = tpu.vector_load_idx %arg9[%broadcast_in_dim3A_270, %get3A_1235] : memref<313x128xf32, #tpu.memory_space<vmem>>[vector<16xi32>, vector<16xi32>], vector<16xf32>,
      %mul3A_1236 = arith.constant 16 : i32
      %mul3A_1237 = arith.muli %add3A_1232, %mul3A_1236 : i32
      %add3A_1238 = arith.constant 0 : i32
      %add3A_1239 = arith.addi %add3A_1238, %mul3A_1237 : i32
      %add3A_1240 = vector.broadcast %add3A_1239 : i32 to vector<16xi32>
      %add3A_1241 = arith.addi %iota3A_271, %add3A_1240 : vector<16xi32>
      tpu.vector_store_idx %arg11[%add3A_1241], %gather3A {add = true} : memref<16384xf32, #tpu.memory_space<vmem>>[vector<16xi32>], vector<16xf32>,
      %mul3A_1242 = arith.mulf %gather3A, %gather3A : vector<16xf32>
      tpu.vector_store_idx %arg12[%add3A_1241], %mul3A_1242 {add = true} : memref<16384xf32, #tpu.memory_space<vmem>>[vector<16xi32>], vector<16xf32>,
      %scan3A_1243 = arith.constant 1 : i32
      %scan3A_1244 = arith.addi %scan3A_1228, %scan3A_1243 : i32
      %mul3A_1245 = arith.constant 1 : i32
      %mul3A_1246 = arith.muli %scan3A_1244, %mul3A_1245 : i32
      %add3A_1247 = arith.constant 0 : i32
      %add3A_1248 = arith.addi %add3A_1247, %mul3A_1246 : i32
      %mul3A_1249 = arith.constant 16 : i32
      %mul3A_1250 = arith.muli %add3A_1248, %mul3A_1249 : i32
      %get3A_1251 = arith.index_cast %mul3A_1250 : i32 to index
      %get3A_1252 = tpu.vector_load %arg7[%get3A_1251] {strides = array<i32>} : memref<8192xi32, #tpu.memory_space<vmem>>, vector<16xi32>,
      %gather3A_1253 = tpu.vector_load_idx %arg9[%broadcast_in_dim3A_270, %get3A_1252] : memref<313x128xf32, #tpu.memory_space<vmem>>[vector<16xi32>, vector<16xi32>], vector<16xf32>,
      %mul3A_1254 = arith.constant 16 : i32
      %mul3A_1255 = arith.muli %add3A_1248, %mul3A_1254 : i32
      %add3A_1256 = arith.constant 0 : i32
      %add3A_1257 = arith.addi %add3A_1256, %mul3A_1255 : i32
      %add3A_1258 = vector.broadcast %add3A_1257 : i32 to vector<16xi32>
      %add3A_1259 = arith.addi %iota3A_271, %add3A_1258 : vector<16xi32>
      tpu.vector_store_idx %arg11[%add3A_1259], %gather3A_1253 {add = true} : memref<16384xf32, #tpu.memory_space<vmem>>[vector<16xi32>], vector<16xf32>,
      %mul3A_1260 = arith.mulf %gather3A_1253, %gather3A_1253 : vector<16xf32>
      tpu.vector_store_idx %arg12[%add3A_1259], %mul3A_1260 {add = true} : memref<16384xf32, #tpu.memory_space<vmem>>[vector<16xi32>], vector<16xf32>,
      %scan3A_1261 = arith.constant 2 : i32
      %scan3A_1262 = arith.addi %scan3A_1228, %scan3A_1261 : i32
      %mul3A_1263 = arith.constant 1 : i32
      %mul3A_1264 = arith.muli %scan3A_1262, %mul3A_1263 : i32
      %add3A_1265 = arith.constant 0 : i32
      %add3A_1266 = arith.addi %add3A_1265, %mul3A_1264 : i32
      %mul3A_1267 = arith.constant 16 : i32
      %mul3A_1268 = arith.muli %add3A_1266, %mul3A_1267 : i32
      %get3A_1269 = arith.index_cast %mul3A_1268 : i32 to index
      %get3A_1270 = tpu.vector_load %arg7[%get3A_1269] {strides = array<i32>} : memref<8192xi32, #tpu.memory_space<vmem>>, vector<16xi32>,
      %gather3A_1271 = tpu.vector_load_idx %arg9[%broadcast_in_dim3A_270, %get3A_1270] : memref<313x128xf32, #tpu.memory_space<vmem>>[vector<16xi32>, vector<16xi32>], vector<16xf32>,
      %mul3A_1272 = arith.constant 16 : i32
      %mul3A_1273 = arith.muli %add3A_1266, %mul3A_1272 : i32
      %add3A_1274 = arith.constant 0 : i32
      %add3A_1275 = arith.addi %add3A_1274, %mul3A_1273 : i32
      %add3A_1276 = vector.broadcast %add3A_1275 : i32 to vector<16xi32>
      %add3A_1277 = arith.addi %iota3A_271, %add3A_1276 : vector<16xi32>
      tpu.vector_store_idx %arg11[%add3A_1277], %gather3A_1271 {add = true} : memref<16384xf32, #tpu.memory_space<vmem>>[vector<16xi32>], vector<16xf32>,
      %mul3A_1278 = arith.mulf %gather3A_1271, %gather3A_1271 : vector<16xf32>
      tpu.vector_store_idx %arg12[%add3A_1277], %mul3A_1278 {add = true} : memref<16384xf32, #tpu.memory_space<vmem>>[vector<16xi32>], vector<16xf32>,
      %scan3A_1279 = arith.constant 3 : i32
      %scan3A_1280 = arith.addi %scan3A_1228, %scan3A_1279 : i32
      %mul3A_1281 = arith.constant 1 : i32
      %mul3A_1282 = arith.muli %scan3A_1280, %mul3A_1281 : i32
      %add3A_1283 = arith.constant 0 : i32
      %add3A_1284 = arith.addi %add3A_1283, %mul3A_1282 : i32
      %mul3A_1285 = arith.constant 16 : i32
      %mul3A_1286 = arith.muli %add3A_1284, %mul3A_1285 : i32
      %get3A_1287 = arith.index_cast %mul3A_1286 : i32 to index
      %get3A_1288 = tpu.vector_load %arg7[%get3A_1287] {strides = array<i32>} : memref<8192xi32, #tpu.memory_space<vmem>>, vector<16xi32>,
      %gather3A_1289 = tpu.vector_load_idx %arg9[%broadcast_in_dim3A_270, %get3A_1288] : memref<313x128xf32, #tpu.memory_space<vmem>>[vector<16xi32>, vector<16xi32>], vector<16xf32>,
      %mul3A_1290 = arith.constant 16 : i32
      %mul3A_1291 = arith.muli %add3A_1284, %mul3A_1290 : i32
      %add3A_1292 = arith.constant 0 : i32
      %add3A_1293 = arith.addi %add3A_1292, %mul3A_1291 : i32
      %add3A_1294 = vector.broadcast %add3A_1293 : i32 to vector<16xi32>
      %add3A_1295 = arith.addi %iota3A_271, %add3A_1294 : vector<16xi32>
      tpu.vector_store_idx %arg11[%add3A_1295], %gather3A_1289 {add = true} : memref<16384xf32, #tpu.memory_space<vmem>>[vector<16xi32>], vector<16xf32>,
      %mul3A_1296 = arith.mulf %gather3A_1289, %gather3A_1289 : vector<16xf32>
      tpu.vector_store_idx %arg12[%add3A_1295], %mul3A_1296 {add = true} : memref<16384xf32, #tpu.memory_space<vmem>>[vector<16xi32>], vector<16xf32>,
    }
    %scan3A_276 = arith.constant 512 : i32
    %mul3A_277 = arith.constant 13 : i32
    %mul3A_278 = arith.muli %arg0, %mul3A_277 : i32
    %add3A_279 = arith.constant 2 : i32
    %add3A_280 = arith.addi %mul3A_278, %add3A_279 : i32
    %dma_wait3A_281 = arith.constant 8192 : i32
    %dma_wait3A_282 = tpu.memref_slice %arg2[%add3A_280, %dma_wait3A_281] : memref<26x16384xi32, #tpu.memory_space<hbm>> -> memref<1x8192xi32, #tpu.memory_space<hbm>>
    %dma_wait3A_283 = tpu.memref_squeeze %dma_wait3A_282 : memref<1x8192xi32, #tpu.memory_space<hbm>> -> memref<8192xi32, #tpu.memory_space<hbm>>
    %dma_wait3A_284 = arith.constant 8192 : i32
    %dma_wait3A_285 = tpu.memref_slice %arg2[%add3A_280, %dma_wait3A_284] : memref<26x16384xi32, #tpu.memory_space<hbm>> -> memref<1x8192xi32, #tpu.memory_space<hbm>>
    %dma_wait3A_286 = tpu.memref_squeeze %dma_wait3A_285 : memref<1x8192xi32, #tpu.memory_space<hbm>> -> memref<8192xi32, #tpu.memory_space<hbm>>
    tpu.wait_dma2 semaphore(%arg14 : memref<!tpu.dma_semaphore, #tpu.memory_space<semaphore_mem>>) src(%dma_wait3A_286 : memref<8192xi32, #tpu.memory_space<hbm>>) dst(%arg8 : memref<8192xi32, #tpu.memory_space<vmem>>)
    %mul3A_287 = arith.constant 13 : i32
    %mul3A_288 = arith.muli %arg0, %mul3A_287 : i32
    %add3A_289 = arith.constant 3 : i32
    %add3A_290 = arith.addi %mul3A_288, %add3A_289 : i32
    %dma_start3A_291 = arith.constant 0 : i32
    %dma_start3A_292 = tpu.memref_slice %arg2[%add3A_290, %dma_start3A_291] : memref<26x16384xi32, #tpu.memory_space<hbm>> -> memref<1x8192xi32, #tpu.memory_space<hbm>>
    %dma_start3A_293 = tpu.memref_squeeze %dma_start3A_292 : memref<1x8192xi32, #tpu.memory_space<hbm>> -> memref<8192xi32, #tpu.memory_space<hbm>>
    %dma_start3A_294 = arith.constant 0 : i32
    %dma_start3A_295 = tpu.memref_slice %arg2[%add3A_290, %dma_start3A_294] : memref<26x16384xi32, #tpu.memory_space<hbm>> -> memref<1x8192xi32, #tpu.memory_space<hbm>>
    %dma_start3A_296 = tpu.memref_squeeze %dma_start3A_295 : memref<1x8192xi32, #tpu.memory_space<hbm>> -> memref<8192xi32, #tpu.memory_space<hbm>>
    tpu.enqueue_dma source(%dma_start3A_296 : memref<8192xi32, #tpu.memory_space<hbm>>) target(%arg7 : memref<8192xi32, #tpu.memory_space<vmem>>) target_semaphore(%arg14 : memref<!tpu.dma_semaphore, #tpu.memory_space<semaphore_mem>>)
    %broadcast_in_dim3A_297 = arith.constant 0 : i32
    %broadcast_in_dim3A_298 = vector.broadcast %broadcast_in_dim3A_297 : i32 to vector<16xi32>
    %iota3A_299 = tpu.iota {dimensions = array<i32: 0>} : vector<16xi32>
    %scan3A_300 = arith.constant 0 : i32
    %scan3A_301 = arith.constant 512 : i32
    %scan3A_302 = arith.addi %scan3A_300, %scan3A_301 : i32
    %scan3A_303 = arith.constant 4 : i32
    scf.for %scan3A_1228 = %scan3A_300 to %scan3A_302 step %scan3A_303  : i32 {
      %mul3A_1229 = arith.constant 1 : i32
      %mul3A_1230 = arith.muli %scan3A_1228, %mul3A_1229 : i32
      %add3A_1231 = arith.constant 0 : i32
      %add3A_1232 = arith.addi %add3A_1231, %mul3A_1230 : i32
      %mul3A_1233 = arith.constant 16 : i32
      %mul3A_1234 = arith.muli %add3A_1232, %mul3A_1233 : i32
      %get3A = arith.index_cast %mul3A_1234 : i32 to index
      %get3A_1235 = tpu.vector_load %arg8[%get3A] {strides = array<i32>} : memref<8192xi32, #tpu.memory_space<vmem>>, vector<16xi32>,
      %gather3A = tpu.vector_load_idx %arg9[%broadcast_in_dim3A_298, %get3A_1235] : memref<313x128xf32, #tpu.memory_space<vmem>>[vector<16xi32>, vector<16xi32>], vector<16xf32>,
      %mul3A_1236 = arith.constant 16 : i32
      %mul3A_1237 = arith.muli %add3A_1232, %mul3A_1236 : i32
      %add3A_1238 = arith.constant 8192 : i32
      %add3A_1239 = arith.addi %add3A_1238, %mul3A_1237 : i32
      %add3A_1240 = vector.broadcast %add3A_1239 : i32 to vector<16xi32>
      %add3A_1241 = arith.addi %iota3A_299, %add3A_1240 : vector<16xi32>
      tpu.vector_store_idx %arg11[%add3A_1241], %gather3A {add = true} : memref<16384xf32, #tpu.memory_space<vmem>>[vector<16xi32>], vector<16xf32>,
      %mul3A_1242 = arith.mulf %gather3A, %gather3A : vector<16xf32>
      tpu.vector_store_idx %arg12[%add3A_1241], %mul3A_1242 {add = true} : memref<16384xf32, #tpu.memory_space<vmem>>[vector<16xi32>], vector<16xf32>,
      %scan3A_1243 = arith.constant 1 : i32
      %scan3A_1244 = arith.addi %scan3A_1228, %scan3A_1243 : i32
      %mul3A_1245 = arith.constant 1 : i32
      %mul3A_1246 = arith.muli %scan3A_1244, %mul3A_1245 : i32
      %add3A_1247 = arith.constant 0 : i32
      %add3A_1248 = arith.addi %add3A_1247, %mul3A_1246 : i32
      %mul3A_1249 = arith.constant 16 : i32
      %mul3A_1250 = arith.muli %add3A_1248, %mul3A_1249 : i32
      %get3A_1251 = arith.index_cast %mul3A_1250 : i32 to index
      %get3A_1252 = tpu.vector_load %arg8[%get3A_1251] {strides = array<i32>} : memref<8192xi32, #tpu.memory_space<vmem>>, vector<16xi32>,
      %gather3A_1253 = tpu.vector_load_idx %arg9[%broadcast_in_dim3A_298, %get3A_1252] : memref<313x128xf32, #tpu.memory_space<vmem>>[vector<16xi32>, vector<16xi32>], vector<16xf32>,
      %mul3A_1254 = arith.constant 16 : i32
      %mul3A_1255 = arith.muli %add3A_1248, %mul3A_1254 : i32
      %add3A_1256 = arith.constant 8192 : i32
      %add3A_1257 = arith.addi %add3A_1256, %mul3A_1255 : i32
      %add3A_1258 = vector.broadcast %add3A_1257 : i32 to vector<16xi32>
      %add3A_1259 = arith.addi %iota3A_299, %add3A_1258 : vector<16xi32>
      tpu.vector_store_idx %arg11[%add3A_1259], %gather3A_1253 {add = true} : memref<16384xf32, #tpu.memory_space<vmem>>[vector<16xi32>], vector<16xf32>,
      %mul3A_1260 = arith.mulf %gather3A_1253, %gather3A_1253 : vector<16xf32>
      tpu.vector_store_idx %arg12[%add3A_1259], %mul3A_1260 {add = true} : memref<16384xf32, #tpu.memory_space<vmem>>[vector<16xi32>], vector<16xf32>,
      %scan3A_1261 = arith.constant 2 : i32
      %scan3A_1262 = arith.addi %scan3A_1228, %scan3A_1261 : i32
      %mul3A_1263 = arith.constant 1 : i32
      %mul3A_1264 = arith.muli %scan3A_1262, %mul3A_1263 : i32
      %add3A_1265 = arith.constant 0 : i32
      %add3A_1266 = arith.addi %add3A_1265, %mul3A_1264 : i32
      %mul3A_1267 = arith.constant 16 : i32
      %mul3A_1268 = arith.muli %add3A_1266, %mul3A_1267 : i32
      %get3A_1269 = arith.index_cast %mul3A_1268 : i32 to index
      %get3A_1270 = tpu.vector_load %arg8[%get3A_1269] {strides = array<i32>} : memref<8192xi32, #tpu.memory_space<vmem>>, vector<16xi32>,
      %gather3A_1271 = tpu.vector_load_idx %arg9[%broadcast_in_dim3A_298, %get3A_1270] : memref<313x128xf32, #tpu.memory_space<vmem>>[vector<16xi32>, vector<16xi32>], vector<16xf32>,
      %mul3A_1272 = arith.constant 16 : i32
      %mul3A_1273 = arith.muli %add3A_1266, %mul3A_1272 : i32
      %add3A_1274 = arith.constant 8192 : i32
      %add3A_1275 = arith.addi %add3A_1274, %mul3A_1273 : i32
      %add3A_1276 = vector.broadcast %add3A_1275 : i32 to vector<16xi32>
      %add3A_1277 = arith.addi %iota3A_299, %add3A_1276 : vector<16xi32>
      tpu.vector_store_idx %arg11[%add3A_1277], %gather3A_1271 {add = true} : memref<16384xf32, #tpu.memory_space<vmem>>[vector<16xi32>], vector<16xf32>,
      %mul3A_1278 = arith.mulf %gather3A_1271, %gather3A_1271 : vector<16xf32>
      tpu.vector_store_idx %arg12[%add3A_1277], %mul3A_1278 {add = true} : memref<16384xf32, #tpu.memory_space<vmem>>[vector<16xi32>], vector<16xf32>,
      %scan3A_1279 = arith.constant 3 : i32
      %scan3A_1280 = arith.addi %scan3A_1228, %scan3A_1279 : i32
      %mul3A_1281 = arith.constant 1 : i32
      %mul3A_1282 = arith.muli %scan3A_1280, %mul3A_1281 : i32
      %add3A_1283 = arith.constant 0 : i32
      %add3A_1284 = arith.addi %add3A_1283, %mul3A_1282 : i32
      %mul3A_1285 = arith.constant 16 : i32
      %mul3A_1286 = arith.muli %add3A_1284, %mul3A_1285 : i32
      %get3A_1287 = arith.index_cast %mul3A_1286 : i32 to index
      %get3A_1288 = tpu.vector_load %arg8[%get3A_1287] {strides = array<i32>} : memref<8192xi32, #tpu.memory_space<vmem>>, vector<16xi32>,
      %gather3A_1289 = tpu.vector_load_idx %arg9[%broadcast_in_dim3A_298, %get3A_1288] : memref<313x128xf32, #tpu.memory_space<vmem>>[vector<16xi32>, vector<16xi32>], vector<16xf32>,
      %mul3A_1290 = arith.constant 16 : i32
      %mul3A_1291 = arith.muli %add3A_1284, %mul3A_1290 : i32
      %add3A_1292 = arith.constant 8192 : i32
      %add3A_1293 = arith.addi %add3A_1292, %mul3A_1291 : i32
      %add3A_1294 = vector.broadcast %add3A_1293 : i32 to vector<16xi32>
      %add3A_1295 = arith.addi %iota3A_299, %add3A_1294 : vector<16xi32>
      tpu.vector_store_idx %arg11[%add3A_1295], %gather3A_1289 {add = true} : memref<16384xf32, #tpu.memory_space<vmem>>[vector<16xi32>], vector<16xf32>,
      %mul3A_1296 = arith.mulf %gather3A_1289, %gather3A_1289 : vector<16xf32>
      tpu.vector_store_idx %arg12[%add3A_1295], %mul3A_1296 {add = true} : memref<16384xf32, #tpu.memory_space<vmem>>[vector<16xi32>], vector<16xf32>,
    }
    %scan3A_304 = arith.constant 512 : i32
    %mul3A_305 = arith.constant 13 : i32
    %mul3A_306 = arith.muli %arg0, %mul3A_305 : i32
    %add3A_307 = arith.constant 3 : i32
    %add3A_308 = arith.addi %mul3A_306, %add3A_307 : i32
    %mul3A_309 = arith.constant 40000 : i32
    %mul3A_310 = arith.muli %add3A_308, %mul3A_309 : i32
    %shift_right_arithmetic3A_311 = arith.constant 3 : i32
    %shift_right_arithmetic3A_312 = arith.shrsi %arg1, %shift_right_arithmetic3A_311 : i32
    %mul3A_313 = arith.constant 8125 : i32
    %mul3A_314 = arith.muli %shift_right_arithmetic3A_312, %mul3A_313 : i32
    %shift_right_arithmetic3A_315 = arith.constant 7 : i32
    %shift_right_arithmetic3A_316 = arith.shrsi %mul3A_310, %shift_right_arithmetic3A_315 : i32
    %add3A_317 = arith.addi %mul3A_314, %shift_right_arithmetic3A_316 : i32
    %and3A_318 = arith.constant 7 : i32
    %and3A_319 = arith.andi %arg1, %and3A_318 : i32
    %mul3A_320 = arith.constant 128 : i32
    %mul3A_321 = arith.muli %and3A_319, %mul3A_320 : i32
    %dma_wait3A_322 = tpu.memref_slice %arg3[%add3A_317, %mul3A_321] : memref<16250x1024xf32, #tpu.memory_space<hbm>> -> memref<313x128xf32, #tpu.memory_space<hbm>>
    %dma_wait3A_323 = tpu.memref_slice %arg3[%add3A_317, %mul3A_321] : memref<16250x1024xf32, #tpu.memory_space<hbm>> -> memref<313x128xf32, #tpu.memory_space<hbm>>
    tpu.wait_dma2 semaphore(%arg13 : memref<!tpu.dma_semaphore, #tpu.memory_space<semaphore_mem>>) src(%dma_wait3A_323 : memref<313x128xf32, #tpu.memory_space<hbm>>) dst(%arg10 : memref<313x128xf32, #tpu.memory_space<vmem>>)
    %mul3A_324 = arith.constant 13 : i32
    %mul3A_325 = arith.muli %arg0, %mul3A_324 : i32
    %add3A_326 = arith.constant 4 : i32
    %add3A_327 = arith.addi %mul3A_325, %add3A_326 : i32
    %mul3A_328 = arith.constant 40000 : i32
    %mul3A_329 = arith.muli %add3A_327, %mul3A_328 : i32
    %shift_right_arithmetic3A_330 = arith.constant 3 : i32
    %shift_right_arithmetic3A_331 = arith.shrsi %arg1, %shift_right_arithmetic3A_330 : i32
    %mul3A_332 = arith.constant 8125 : i32
    %mul3A_333 = arith.muli %shift_right_arithmetic3A_331, %mul3A_332 : i32
    %shift_right_arithmetic3A_334 = arith.constant 7 : i32
    %shift_right_arithmetic3A_335 = arith.shrsi %mul3A_329, %shift_right_arithmetic3A_334 : i32
    %add3A_336 = arith.addi %mul3A_333, %shift_right_arithmetic3A_335 : i32
    %and3A_337 = arith.constant 7 : i32
    %and3A_338 = arith.andi %arg1, %and3A_337 : i32
    %mul3A_339 = arith.constant 128 : i32
    %mul3A_340 = arith.muli %and3A_338, %mul3A_339 : i32
    %dma_start3A_341 = tpu.memref_slice %arg3[%add3A_336, %mul3A_340] : memref<16250x1024xf32, #tpu.memory_space<hbm>> -> memref<313x128xf32, #tpu.memory_space<hbm>>
    %dma_start3A_342 = tpu.memref_slice %arg3[%add3A_336, %mul3A_340] : memref<16250x1024xf32, #tpu.memory_space<hbm>> -> memref<313x128xf32, #tpu.memory_space<hbm>>
    tpu.enqueue_dma source(%dma_start3A_342 : memref<313x128xf32, #tpu.memory_space<hbm>>) target(%arg9 : memref<313x128xf32, #tpu.memory_space<vmem>>) target_semaphore(%arg13 : memref<!tpu.dma_semaphore, #tpu.memory_space<semaphore_mem>>)
    %mul3A_343 = arith.constant 13 : i32
    %mul3A_344 = arith.muli %arg0, %mul3A_343 : i32
    %add3A_345 = arith.constant 3 : i32
    %add3A_346 = arith.addi %mul3A_344, %add3A_345 : i32
    %dma_wait3A_347 = arith.constant 0 : i32
    %dma_wait3A_348 = tpu.memref_slice %arg2[%add3A_346, %dma_wait3A_347] : memref<26x16384xi32, #tpu.memory_space<hbm>> -> memref<1x8192xi32, #tpu.memory_space<hbm>>
    %dma_wait3A_349 = tpu.memref_squeeze %dma_wait3A_348 : memref<1x8192xi32, #tpu.memory_space<hbm>> -> memref<8192xi32, #tpu.memory_space<hbm>>
    %dma_wait3A_350 = arith.constant 0 : i32
    %dma_wait3A_351 = tpu.memref_slice %arg2[%add3A_346, %dma_wait3A_350] : memref<26x16384xi32, #tpu.memory_space<hbm>> -> memref<1x8192xi32, #tpu.memory_space<hbm>>
    %dma_wait3A_352 = tpu.memref_squeeze %dma_wait3A_351 : memref<1x8192xi32, #tpu.memory_space<hbm>> -> memref<8192xi32, #tpu.memory_space<hbm>>
    tpu.wait_dma2 semaphore(%arg14 : memref<!tpu.dma_semaphore, #tpu.memory_space<semaphore_mem>>) src(%dma_wait3A_352 : memref<8192xi32, #tpu.memory_space<hbm>>) dst(%arg7 : memref<8192xi32, #tpu.memory_space<vmem>>)
    %mul3A_353 = arith.constant 13 : i32
    %mul3A_354 = arith.muli %arg0, %mul3A_353 : i32
    %add3A_355 = arith.constant 3 : i32
    %add3A_356 = arith.addi %mul3A_354, %add3A_355 : i32
    %dma_start3A_357 = arith.constant 8192 : i32
    %dma_start3A_358 = tpu.memref_slice %arg2[%add3A_356, %dma_start3A_357] : memref<26x16384xi32, #tpu.memory_space<hbm>> -> memref<1x8192xi32, #tpu.memory_space<hbm>>
    %dma_start3A_359 = tpu.memref_squeeze %dma_start3A_358 : memref<1x8192xi32, #tpu.memory_space<hbm>> -> memref<8192xi32, #tpu.memory_space<hbm>>
    %dma_start3A_360 = arith.constant 8192 : i32
    %dma_start3A_361 = tpu.memref_slice %arg2[%add3A_356, %dma_start3A_360] : memref<26x16384xi32, #tpu.memory_space<hbm>> -> memref<1x8192xi32, #tpu.memory_space<hbm>>
    %dma_start3A_362 = tpu.memref_squeeze %dma_start3A_361 : memref<1x8192xi32, #tpu.memory_space<hbm>> -> memref<8192xi32, #tpu.memory_space<hbm>>
    tpu.enqueue_dma source(%dma_start3A_362 : memref<8192xi32, #tpu.memory_space<hbm>>) target(%arg8 : memref<8192xi32, #tpu.memory_space<vmem>>) target_semaphore(%arg14 : memref<!tpu.dma_semaphore, #tpu.memory_space<semaphore_mem>>)
    %broadcast_in_dim3A_363 = arith.constant 0 : i32
    %broadcast_in_dim3A_364 = vector.broadcast %broadcast_in_dim3A_363 : i32 to vector<16xi32>
    %iota3A_365 = tpu.iota {dimensions = array<i32: 0>} : vector<16xi32>
    %scan3A_366 = arith.constant 0 : i32
    %scan3A_367 = arith.constant 512 : i32
    %scan3A_368 = arith.addi %scan3A_366, %scan3A_367 : i32
    %scan3A_369 = arith.constant 4 : i32
    scf.for %scan3A_1228 = %scan3A_366 to %scan3A_368 step %scan3A_369  : i32 {
      %mul3A_1229 = arith.constant 1 : i32
      %mul3A_1230 = arith.muli %scan3A_1228, %mul3A_1229 : i32
      %add3A_1231 = arith.constant 0 : i32
      %add3A_1232 = arith.addi %add3A_1231, %mul3A_1230 : i32
      %mul3A_1233 = arith.constant 16 : i32
      %mul3A_1234 = arith.muli %add3A_1232, %mul3A_1233 : i32
      %get3A = arith.index_cast %mul3A_1234 : i32 to index
      %get3A_1235 = tpu.vector_load %arg7[%get3A] {strides = array<i32>} : memref<8192xi32, #tpu.memory_space<vmem>>, vector<16xi32>,
      %gather3A = tpu.vector_load_idx %arg10[%broadcast_in_dim3A_364, %get3A_1235] : memref<313x128xf32, #tpu.memory_space<vmem>>[vector<16xi32>, vector<16xi32>], vector<16xf32>,
      %mul3A_1236 = arith.constant 16 : i32
      %mul3A_1237 = arith.muli %add3A_1232, %mul3A_1236 : i32
      %add3A_1238 = arith.constant 0 : i32
      %add3A_1239 = arith.addi %add3A_1238, %mul3A_1237 : i32
      %add3A_1240 = vector.broadcast %add3A_1239 : i32 to vector<16xi32>
      %add3A_1241 = arith.addi %iota3A_365, %add3A_1240 : vector<16xi32>
      tpu.vector_store_idx %arg11[%add3A_1241], %gather3A {add = true} : memref<16384xf32, #tpu.memory_space<vmem>>[vector<16xi32>], vector<16xf32>,
      %mul3A_1242 = arith.mulf %gather3A, %gather3A : vector<16xf32>
      tpu.vector_store_idx %arg12[%add3A_1241], %mul3A_1242 {add = true} : memref<16384xf32, #tpu.memory_space<vmem>>[vector<16xi32>], vector<16xf32>,
      %scan3A_1243 = arith.constant 1 : i32
      %scan3A_1244 = arith.addi %scan3A_1228, %scan3A_1243 : i32
      %mul3A_1245 = arith.constant 1 : i32
      %mul3A_1246 = arith.muli %scan3A_1244, %mul3A_1245 : i32
      %add3A_1247 = arith.constant 0 : i32
      %add3A_1248 = arith.addi %add3A_1247, %mul3A_1246 : i32
      %mul3A_1249 = arith.constant 16 : i32
      %mul3A_1250 = arith.muli %add3A_1248, %mul3A_1249 : i32
      %get3A_1251 = arith.index_cast %mul3A_1250 : i32 to index
      %get3A_1252 = tpu.vector_load %arg7[%get3A_1251] {strides = array<i32>} : memref<8192xi32, #tpu.memory_space<vmem>>, vector<16xi32>,
      %gather3A_1253 = tpu.vector_load_idx %arg10[%broadcast_in_dim3A_364, %get3A_1252] : memref<313x128xf32, #tpu.memory_space<vmem>>[vector<16xi32>, vector<16xi32>], vector<16xf32>,
      %mul3A_1254 = arith.constant 16 : i32
      %mul3A_1255 = arith.muli %add3A_1248, %mul3A_1254 : i32
      %add3A_1256 = arith.constant 0 : i32
      %add3A_1257 = arith.addi %add3A_1256, %mul3A_1255 : i32
      %add3A_1258 = vector.broadcast %add3A_1257 : i32 to vector<16xi32>
      %add3A_1259 = arith.addi %iota3A_365, %add3A_1258 : vector<16xi32>
      tpu.vector_store_idx %arg11[%add3A_1259], %gather3A_1253 {add = true} : memref<16384xf32, #tpu.memory_space<vmem>>[vector<16xi32>], vector<16xf32>,
      %mul3A_1260 = arith.mulf %gather3A_1253, %gather3A_1253 : vector<16xf32>
      tpu.vector_store_idx %arg12[%add3A_1259], %mul3A_1260 {add = true} : memref<16384xf32, #tpu.memory_space<vmem>>[vector<16xi32>], vector<16xf32>,
      %scan3A_1261 = arith.constant 2 : i32
      %scan3A_1262 = arith.addi %scan3A_1228, %scan3A_1261 : i32
      %mul3A_1263 = arith.constant 1 : i32
      %mul3A_1264 = arith.muli %scan3A_1262, %mul3A_1263 : i32
      %add3A_1265 = arith.constant 0 : i32
      %add3A_1266 = arith.addi %add3A_1265, %mul3A_1264 : i32
      %mul3A_1267 = arith.constant 16 : i32
      %mul3A_1268 = arith.muli %add3A_1266, %mul3A_1267 : i32
      %get3A_1269 = arith.index_cast %mul3A_1268 : i32 to index
      %get3A_1270 = tpu.vector_load %arg7[%get3A_1269] {strides = array<i32>} : memref<8192xi32, #tpu.memory_space<vmem>>, vector<16xi32>,
      %gather3A_1271 = tpu.vector_load_idx %arg10[%broadcast_in_dim3A_364, %get3A_1270] : memref<313x128xf32, #tpu.memory_space<vmem>>[vector<16xi32>, vector<16xi32>], vector<16xf32>,
      %mul3A_1272 = arith.constant 16 : i32
      %mul3A_1273 = arith.muli %add3A_1266, %mul3A_1272 : i32
      %add3A_1274 = arith.constant 0 : i32
      %add3A_1275 = arith.addi %add3A_1274, %mul3A_1273 : i32
      %add3A_1276 = vector.broadcast %add3A_1275 : i32 to vector<16xi32>
      %add3A_1277 = arith.addi %iota3A_365, %add3A_1276 : vector<16xi32>
      tpu.vector_store_idx %arg11[%add3A_1277], %gather3A_1271 {add = true} : memref<16384xf32, #tpu.memory_space<vmem>>[vector<16xi32>], vector<16xf32>,
      %mul3A_1278 = arith.mulf %gather3A_1271, %gather3A_1271 : vector<16xf32>
      tpu.vector_store_idx %arg12[%add3A_1277], %mul3A_1278 {add = true} : memref<16384xf32, #tpu.memory_space<vmem>>[vector<16xi32>], vector<16xf32>,
      %scan3A_1279 = arith.constant 3 : i32
      %scan3A_1280 = arith.addi %scan3A_1228, %scan3A_1279 : i32
      %mul3A_1281 = arith.constant 1 : i32
      %mul3A_1282 = arith.muli %scan3A_1280, %mul3A_1281 : i32
      %add3A_1283 = arith.constant 0 : i32
      %add3A_1284 = arith.addi %add3A_1283, %mul3A_1282 : i32
      %mul3A_1285 = arith.constant 16 : i32
      %mul3A_1286 = arith.muli %add3A_1284, %mul3A_1285 : i32
      %get3A_1287 = arith.index_cast %mul3A_1286 : i32 to index
      %get3A_1288 = tpu.vector_load %arg7[%get3A_1287] {strides = array<i32>} : memref<8192xi32, #tpu.memory_space<vmem>>, vector<16xi32>,
      %gather3A_1289 = tpu.vector_load_idx %arg10[%broadcast_in_dim3A_364, %get3A_1288] : memref<313x128xf32, #tpu.memory_space<vmem>>[vector<16xi32>, vector<16xi32>], vector<16xf32>,
      %mul3A_1290 = arith.constant 16 : i32
      %mul3A_1291 = arith.muli %add3A_1284, %mul3A_1290 : i32
      %add3A_1292 = arith.constant 0 : i32
      %add3A_1293 = arith.addi %add3A_1292, %mul3A_1291 : i32
      %add3A_1294 = vector.broadcast %add3A_1293 : i32 to vector<16xi32>
      %add3A_1295 = arith.addi %iota3A_365, %add3A_1294 : vector<16xi32>
      tpu.vector_store_idx %arg11[%add3A_1295], %gather3A_1289 {add = true} : memref<16384xf32, #tpu.memory_space<vmem>>[vector<16xi32>], vector<16xf32>,
      %mul3A_1296 = arith.mulf %gather3A_1289, %gather3A_1289 : vector<16xf32>
      tpu.vector_store_idx %arg12[%add3A_1295], %mul3A_1296 {add = true} : memref<16384xf32, #tpu.memory_space<vmem>>[vector<16xi32>], vector<16xf32>,
    }
    %scan3A_370 = arith.constant 512 : i32
    %mul3A_371 = arith.constant 13 : i32
    %mul3A_372 = arith.muli %arg0, %mul3A_371 : i32
    %add3A_373 = arith.constant 3 : i32
    %add3A_374 = arith.addi %mul3A_372, %add3A_373 : i32
    %dma_wait3A_375 = arith.constant 8192 : i32
    %dma_wait3A_376 = tpu.memref_slice %arg2[%add3A_374, %dma_wait3A_375] : memref<26x16384xi32, #tpu.memory_space<hbm>> -> memref<1x8192xi32, #tpu.memory_space<hbm>>
    %dma_wait3A_377 = tpu.memref_squeeze %dma_wait3A_376 : memref<1x8192xi32, #tpu.memory_space<hbm>> -> memref<8192xi32, #tpu.memory_space<hbm>>
    %dma_wait3A_378 = arith.constant 8192 : i32
    %dma_wait3A_379 = tpu.memref_slice %arg2[%add3A_374, %dma_wait3A_378] : memref<26x16384xi32, #tpu.memory_space<hbm>> -> memref<1x8192xi32, #tpu.memory_space<hbm>>
    %dma_wait3A_380 = tpu.memref_squeeze %dma_wait3A_379 : memref<1x8192xi32, #tpu.memory_space<hbm>> -> memref<8192xi32, #tpu.memory_space<hbm>>
    tpu.wait_dma2 semaphore(%arg14 : memref<!tpu.dma_semaphore, #tpu.memory_space<semaphore_mem>>) src(%dma_wait3A_380 : memref<8192xi32, #tpu.memory_space<hbm>>) dst(%arg8 : memref<8192xi32, #tpu.memory_space<vmem>>)
    %mul3A_381 = arith.constant 13 : i32
    %mul3A_382 = arith.muli %arg0, %mul3A_381 : i32
    %add3A_383 = arith.constant 4 : i32
    %add3A_384 = arith.addi %mul3A_382, %add3A_383 : i32
    %dma_start3A_385 = arith.constant 0 : i32
    %dma_start3A_386 = tpu.memref_slice %arg2[%add3A_384, %dma_start3A_385] : memref<26x16384xi32, #tpu.memory_space<hbm>> -> memref<1x8192xi32, #tpu.memory_space<hbm>>
    %dma_start3A_387 = tpu.memref_squeeze %dma_start3A_386 : memref<1x8192xi32, #tpu.memory_space<hbm>> -> memref<8192xi32, #tpu.memory_space<hbm>>
    %dma_start3A_388 = arith.constant 0 : i32
    %dma_start3A_389 = tpu.memref_slice %arg2[%add3A_384, %dma_start3A_388] : memref<26x16384xi32, #tpu.memory_space<hbm>> -> memref<1x8192xi32, #tpu.memory_space<hbm>>
    %dma_start3A_390 = tpu.memref_squeeze %dma_start3A_389 : memref<1x8192xi32, #tpu.memory_space<hbm>> -> memref<8192xi32, #tpu.memory_space<hbm>>
    tpu.enqueue_dma source(%dma_start3A_390 : memref<8192xi32, #tpu.memory_space<hbm>>) target(%arg7 : memref<8192xi32, #tpu.memory_space<vmem>>) target_semaphore(%arg14 : memref<!tpu.dma_semaphore, #tpu.memory_space<semaphore_mem>>)
    %broadcast_in_dim3A_391 = arith.constant 0 : i32
    %broadcast_in_dim3A_392 = vector.broadcast %broadcast_in_dim3A_391 : i32 to vector<16xi32>
    %iota3A_393 = tpu.iota {dimensions = array<i32: 0>} : vector<16xi32>
    %scan3A_394 = arith.constant 0 : i32
    %scan3A_395 = arith.constant 512 : i32
    %scan3A_396 = arith.addi %scan3A_394, %scan3A_395 : i32
    %scan3A_397 = arith.constant 4 : i32
    scf.for %scan3A_1228 = %scan3A_394 to %scan3A_396 step %scan3A_397  : i32 {
      %mul3A_1229 = arith.constant 1 : i32
      %mul3A_1230 = arith.muli %scan3A_1228, %mul3A_1229 : i32
      %add3A_1231 = arith.constant 0 : i32
      %add3A_1232 = arith.addi %add3A_1231, %mul3A_1230 : i32
      %mul3A_1233 = arith.constant 16 : i32
      %mul3A_1234 = arith.muli %add3A_1232, %mul3A_1233 : i32
      %get3A = arith.index_cast %mul3A_1234 : i32 to index
      %get3A_1235 = tpu.vector_load %arg8[%get3A] {strides = array<i32>} : memref<8192xi32, #tpu.memory_space<vmem>>, vector<16xi32>,
      %gather3A = tpu.vector_load_idx %arg10[%broadcast_in_dim3A_392, %get3A_1235] : memref<313x128xf32, #tpu.memory_space<vmem>>[vector<16xi32>, vector<16xi32>], vector<16xf32>,
      %mul3A_1236 = arith.constant 16 : i32
      %mul3A_1237 = arith.muli %add3A_1232, %mul3A_1236 : i32
      %add3A_1238 = arith.constant 8192 : i32
      %add3A_1239 = arith.addi %add3A_1238, %mul3A_1237 : i32
      %add3A_1240 = vector.broadcast %add3A_1239 : i32 to vector<16xi32>
      %add3A_1241 = arith.addi %iota3A_393, %add3A_1240 : vector<16xi32>
      tpu.vector_store_idx %arg11[%add3A_1241], %gather3A {add = true} : memref<16384xf32, #tpu.memory_space<vmem>>[vector<16xi32>], vector<16xf32>,
      %mul3A_1242 = arith.mulf %gather3A, %gather3A : vector<16xf32>
      tpu.vector_store_idx %arg12[%add3A_1241], %mul3A_1242 {add = true} : memref<16384xf32, #tpu.memory_space<vmem>>[vector<16xi32>], vector<16xf32>,
      %scan3A_1243 = arith.constant 1 : i32
      %scan3A_1244 = arith.addi %scan3A_1228, %scan3A_1243 : i32
      %mul3A_1245 = arith.constant 1 : i32
      %mul3A_1246 = arith.muli %scan3A_1244, %mul3A_1245 : i32
      %add3A_1247 = arith.constant 0 : i32
      %add3A_1248 = arith.addi %add3A_1247, %mul3A_1246 : i32
      %mul3A_1249 = arith.constant 16 : i32
      %mul3A_1250 = arith.muli %add3A_1248, %mul3A_1249 : i32
      %get3A_1251 = arith.index_cast %mul3A_1250 : i32 to index
      %get3A_1252 = tpu.vector_load %arg8[%get3A_1251] {strides = array<i32>} : memref<8192xi32, #tpu.memory_space<vmem>>, vector<16xi32>,
      %gather3A_1253 = tpu.vector_load_idx %arg10[%broadcast_in_dim3A_392, %get3A_1252] : memref<313x128xf32, #tpu.memory_space<vmem>>[vector<16xi32>, vector<16xi32>], vector<16xf32>,
      %mul3A_1254 = arith.constant 16 : i32
      %mul3A_1255 = arith.muli %add3A_1248, %mul3A_1254 : i32
      %add3A_1256 = arith.constant 8192 : i32
      %add3A_1257 = arith.addi %add3A_1256, %mul3A_1255 : i32
      %add3A_1258 = vector.broadcast %add3A_1257 : i32 to vector<16xi32>
      %add3A_1259 = arith.addi %iota3A_393, %add3A_1258 : vector<16xi32>
      tpu.vector_store_idx %arg11[%add3A_1259], %gather3A_1253 {add = true} : memref<16384xf32, #tpu.memory_space<vmem>>[vector<16xi32>], vector<16xf32>,
      %mul3A_1260 = arith.mulf %gather3A_1253, %gather3A_1253 : vector<16xf32>
      tpu.vector_store_idx %arg12[%add3A_1259], %mul3A_1260 {add = true} : memref<16384xf32, #tpu.memory_space<vmem>>[vector<16xi32>], vector<16xf32>,
      %scan3A_1261 = arith.constant 2 : i32
      %scan3A_1262 = arith.addi %scan3A_1228, %scan3A_1261 : i32
      %mul3A_1263 = arith.constant 1 : i32
      %mul3A_1264 = arith.muli %scan3A_1262, %mul3A_1263 : i32
      %add3A_1265 = arith.constant 0 : i32
      %add3A_1266 = arith.addi %add3A_1265, %mul3A_1264 : i32
      %mul3A_1267 = arith.constant 16 : i32
      %mul3A_1268 = arith.muli %add3A_1266, %mul3A_1267 : i32
      %get3A_1269 = arith.index_cast %mul3A_1268 : i32 to index
      %get3A_1270 = tpu.vector_load %arg8[%get3A_1269] {strides = array<i32>} : memref<8192xi32, #tpu.memory_space<vmem>>, vector<16xi32>,
      %gather3A_1271 = tpu.vector_load_idx %arg10[%broadcast_in_dim3A_392, %get3A_1270] : memref<313x128xf32, #tpu.memory_space<vmem>>[vector<16xi32>, vector<16xi32>], vector<16xf32>,
      %mul3A_1272 = arith.constant 16 : i32
      %mul3A_1273 = arith.muli %add3A_1266, %mul3A_1272 : i32
      %add3A_1274 = arith.constant 8192 : i32
      %add3A_1275 = arith.addi %add3A_1274, %mul3A_1273 : i32
      %add3A_1276 = vector.broadcast %add3A_1275 : i32 to vector<16xi32>
      %add3A_1277 = arith.addi %iota3A_393, %add3A_1276 : vector<16xi32>
      tpu.vector_store_idx %arg11[%add3A_1277], %gather3A_1271 {add = true} : memref<16384xf32, #tpu.memory_space<vmem>>[vector<16xi32>], vector<16xf32>,
      %mul3A_1278 = arith.mulf %gather3A_1271, %gather3A_1271 : vector<16xf32>
      tpu.vector_store_idx %arg12[%add3A_1277], %mul3A_1278 {add = true} : memref<16384xf32, #tpu.memory_space<vmem>>[vector<16xi32>], vector<16xf32>,
      %scan3A_1279 = arith.constant 3 : i32
      %scan3A_1280 = arith.addi %scan3A_1228, %scan3A_1279 : i32
      %mul3A_1281 = arith.constant 1 : i32
      %mul3A_1282 = arith.muli %scan3A_1280, %mul3A_1281 : i32
      %add3A_1283 = arith.constant 0 : i32
      %add3A_1284 = arith.addi %add3A_1283, %mul3A_1282 : i32
      %mul3A_1285 = arith.constant 16 : i32
      %mul3A_1286 = arith.muli %add3A_1284, %mul3A_1285 : i32
      %get3A_1287 = arith.index_cast %mul3A_1286 : i32 to index
      %get3A_1288 = tpu.vector_load %arg8[%get3A_1287] {strides = array<i32>} : memref<8192xi32, #tpu.memory_space<vmem>>, vector<16xi32>,
      %gather3A_1289 = tpu.vector_load_idx %arg10[%broadcast_in_dim3A_392, %get3A_1288] : memref<313x128xf32, #tpu.memory_space<vmem>>[vector<16xi32>, vector<16xi32>], vector<16xf32>,
      %mul3A_1290 = arith.constant 16 : i32
      %mul3A_1291 = arith.muli %add3A_1284, %mul3A_1290 : i32
      %add3A_1292 = arith.constant 8192 : i32
      %add3A_1293 = arith.addi %add3A_1292, %mul3A_1291 : i32
      %add3A_1294 = vector.broadcast %add3A_1293 : i32 to vector<16xi32>
      %add3A_1295 = arith.addi %iota3A_393, %add3A_1294 : vector<16xi32>
      tpu.vector_store_idx %arg11[%add3A_1295], %gather3A_1289 {add = true} : memref<16384xf32, #tpu.memory_space<vmem>>[vector<16xi32>], vector<16xf32>,
      %mul3A_1296 = arith.mulf %gather3A_1289, %gather3A_1289 : vector<16xf32>
      tpu.vector_store_idx %arg12[%add3A_1295], %mul3A_1296 {add = true} : memref<16384xf32, #tpu.memory_space<vmem>>[vector<16xi32>], vector<16xf32>,
    }
    %scan3A_398 = arith.constant 512 : i32
    %mul3A_399 = arith.constant 13 : i32
    %mul3A_400 = arith.muli %arg0, %mul3A_399 : i32
    %add3A_401 = arith.constant 4 : i32
    %add3A_402 = arith.addi %mul3A_400, %add3A_401 : i32
    %mul3A_403 = arith.constant 40000 : i32
    %mul3A_404 = arith.muli %add3A_402, %mul3A_403 : i32
    %shift_right_arithmetic3A_405 = arith.constant 3 : i32
    %shift_right_arithmetic3A_406 = arith.shrsi %arg1, %shift_right_arithmetic3A_405 : i32
    %mul3A_407 = arith.constant 8125 : i32
    %mul3A_408 = arith.muli %shift_right_arithmetic3A_406, %mul3A_407 : i32
    %shift_right_arithmetic3A_409 = arith.constant 7 : i32
    %shift_right_arithmetic3A_410 = arith.shrsi %mul3A_404, %shift_right_arithmetic3A_409 : i32
    %add3A_411 = arith.addi %mul3A_408, %shift_right_arithmetic3A_410 : i32
    %and3A_412 = arith.constant 7 : i32
    %and3A_413 = arith.andi %arg1, %and3A_412 : i32
    %mul3A_414 = arith.constant 128 : i32
    %mul3A_415 = arith.muli %and3A_413, %mul3A_414 : i32
    %dma_wait3A_416 = tpu.memref_slice %arg3[%add3A_411, %mul3A_415] : memref<16250x1024xf32, #tpu.memory_space<hbm>> -> memref<313x128xf32, #tpu.memory_space<hbm>>
    %dma_wait3A_417 = tpu.memref_slice %arg3[%add3A_411, %mul3A_415] : memref<16250x1024xf32, #tpu.memory_space<hbm>> -> memref<313x128xf32, #tpu.memory_space<hbm>>
    tpu.wait_dma2 semaphore(%arg13 : memref<!tpu.dma_semaphore, #tpu.memory_space<semaphore_mem>>) src(%dma_wait3A_417 : memref<313x128xf32, #tpu.memory_space<hbm>>) dst(%arg9 : memref<313x128xf32, #tpu.memory_space<vmem>>)
    %mul3A_418 = arith.constant 13 : i32
    %mul3A_419 = arith.muli %arg0, %mul3A_418 : i32
    %add3A_420 = arith.constant 5 : i32
    %add3A_421 = arith.addi %mul3A_419, %add3A_420 : i32
    %mul3A_422 = arith.constant 40000 : i32
    %mul3A_423 = arith.muli %add3A_421, %mul3A_422 : i32
    %shift_right_arithmetic3A_424 = arith.constant 3 : i32
    %shift_right_arithmetic3A_425 = arith.shrsi %arg1, %shift_right_arithmetic3A_424 : i32
    %mul3A_426 = arith.constant 8125 : i32
    %mul3A_427 = arith.muli %shift_right_arithmetic3A_425, %mul3A_426 : i32
    %shift_right_arithmetic3A_428 = arith.constant 7 : i32
    %shift_right_arithmetic3A_429 = arith.shrsi %mul3A_423, %shift_right_arithmetic3A_428 : i32
    %add3A_430 = arith.addi %mul3A_427, %shift_right_arithmetic3A_429 : i32
    %and3A_431 = arith.constant 7 : i32
    %and3A_432 = arith.andi %arg1, %and3A_431 : i32
    %mul3A_433 = arith.constant 128 : i32
    %mul3A_434 = arith.muli %and3A_432, %mul3A_433 : i32
    %dma_start3A_435 = tpu.memref_slice %arg3[%add3A_430, %mul3A_434] : memref<16250x1024xf32, #tpu.memory_space<hbm>> -> memref<313x128xf32, #tpu.memory_space<hbm>>
    %dma_start3A_436 = tpu.memref_slice %arg3[%add3A_430, %mul3A_434] : memref<16250x1024xf32, #tpu.memory_space<hbm>> -> memref<313x128xf32, #tpu.memory_space<hbm>>
    tpu.enqueue_dma source(%dma_start3A_436 : memref<313x128xf32, #tpu.memory_space<hbm>>) target(%arg10 : memref<313x128xf32, #tpu.memory_space<vmem>>) target_semaphore(%arg13 : memref<!tpu.dma_semaphore, #tpu.memory_space<semaphore_mem>>)
    %mul3A_437 = arith.constant 13 : i32
    %mul3A_438 = arith.muli %arg0, %mul3A_437 : i32
    %add3A_439 = arith.constant 4 : i32
    %add3A_440 = arith.addi %mul3A_438, %add3A_439 : i32
    %dma_wait3A_441 = arith.constant 0 : i32
    %dma_wait3A_442 = tpu.memref_slice %arg2[%add3A_440, %dma_wait3A_441] : memref<26x16384xi32, #tpu.memory_space<hbm>> -> memref<1x8192xi32, #tpu.memory_space<hbm>>
    %dma_wait3A_443 = tpu.memref_squeeze %dma_wait3A_442 : memref<1x8192xi32, #tpu.memory_space<hbm>> -> memref<8192xi32, #tpu.memory_space<hbm>>
    %dma_wait3A_444 = arith.constant 0 : i32
    %dma_wait3A_445 = tpu.memref_slice %arg2[%add3A_440, %dma_wait3A_444] : memref<26x16384xi32, #tpu.memory_space<hbm>> -> memref<1x8192xi32, #tpu.memory_space<hbm>>
    %dma_wait3A_446 = tpu.memref_squeeze %dma_wait3A_445 : memref<1x8192xi32, #tpu.memory_space<hbm>> -> memref<8192xi32, #tpu.memory_space<hbm>>
    tpu.wait_dma2 semaphore(%arg14 : memref<!tpu.dma_semaphore, #tpu.memory_space<semaphore_mem>>) src(%dma_wait3A_446 : memref<8192xi32, #tpu.memory_space<hbm>>) dst(%arg7 : memref<8192xi32, #tpu.memory_space<vmem>>)
    %mul3A_447 = arith.constant 13 : i32
    %mul3A_448 = arith.muli %arg0, %mul3A_447 : i32
    %add3A_449 = arith.constant 4 : i32
    %add3A_450 = arith.addi %mul3A_448, %add3A_449 : i32
    %dma_start3A_451 = arith.constant 8192 : i32
    %dma_start3A_452 = tpu.memref_slice %arg2[%add3A_450, %dma_start3A_451] : memref<26x16384xi32, #tpu.memory_space<hbm>> -> memref<1x8192xi32, #tpu.memory_space<hbm>>
    %dma_start3A_453 = tpu.memref_squeeze %dma_start3A_452 : memref<1x8192xi32, #tpu.memory_space<hbm>> -> memref<8192xi32, #tpu.memory_space<hbm>>
    %dma_start3A_454 = arith.constant 8192 : i32
    %dma_start3A_455 = tpu.memref_slice %arg2[%add3A_450, %dma_start3A_454] : memref<26x16384xi32, #tpu.memory_space<hbm>> -> memref<1x8192xi32, #tpu.memory_space<hbm>>
    %dma_start3A_456 = tpu.memref_squeeze %dma_start3A_455 : memref<1x8192xi32, #tpu.memory_space<hbm>> -> memref<8192xi32, #tpu.memory_space<hbm>>
    tpu.enqueue_dma source(%dma_start3A_456 : memref<8192xi32, #tpu.memory_space<hbm>>) target(%arg8 : memref<8192xi32, #tpu.memory_space<vmem>>) target_semaphore(%arg14 : memref<!tpu.dma_semaphore, #tpu.memory_space<semaphore_mem>>)
    %broadcast_in_dim3A_457 = arith.constant 0 : i32
    %broadcast_in_dim3A_458 = vector.broadcast %broadcast_in_dim3A_457 : i32 to vector<16xi32>
    %iota3A_459 = tpu.iota {dimensions = array<i32: 0>} : vector<16xi32>
    %scan3A_460 = arith.constant 0 : i32
    %scan3A_461 = arith.constant 512 : i32
    %scan3A_462 = arith.addi %scan3A_460, %scan3A_461 : i32
    %scan3A_463 = arith.constant 4 : i32
    scf.for %scan3A_1228 = %scan3A_460 to %scan3A_462 step %scan3A_463  : i32 {
      %mul3A_1229 = arith.constant 1 : i32
      %mul3A_1230 = arith.muli %scan3A_1228, %mul3A_1229 : i32
      %add3A_1231 = arith.constant 0 : i32
      %add3A_1232 = arith.addi %add3A_1231, %mul3A_1230 : i32
      %mul3A_1233 = arith.constant 16 : i32
      %mul3A_1234 = arith.muli %add3A_1232, %mul3A_1233 : i32
      %get3A = arith.index_cast %mul3A_1234 : i32 to index
      %get3A_1235 = tpu.vector_load %arg7[%get3A] {strides = array<i32>} : memref<8192xi32, #tpu.memory_space<vmem>>, vector<16xi32>,
      %gather3A = tpu.vector_load_idx %arg9[%broadcast_in_dim3A_458, %get3A_1235] : memref<313x128xf32, #tpu.memory_space<vmem>>[vector<16xi32>, vector<16xi32>], vector<16xf32>,
      %mul3A_1236 = arith.constant 16 : i32
      %mul3A_1237 = arith.muli %add3A_1232, %mul3A_1236 : i32
      %add3A_1238 = arith.constant 0 : i32
      %add3A_1239 = arith.addi %add3A_1238, %mul3A_1237 : i32
      %add3A_1240 = vector.broadcast %add3A_1239 : i32 to vector<16xi32>
      %add3A_1241 = arith.addi %iota3A_459, %add3A_1240 : vector<16xi32>
      tpu.vector_store_idx %arg11[%add3A_1241], %gather3A {add = true} : memref<16384xf32, #tpu.memory_space<vmem>>[vector<16xi32>], vector<16xf32>,
      %mul3A_1242 = arith.mulf %gather3A, %gather3A : vector<16xf32>
      tpu.vector_store_idx %arg12[%add3A_1241], %mul3A_1242 {add = true} : memref<16384xf32, #tpu.memory_space<vmem>>[vector<16xi32>], vector<16xf32>,
      %scan3A_1243 = arith.constant 1 : i32
      %scan3A_1244 = arith.addi %scan3A_1228, %scan3A_1243 : i32
      %mul3A_1245 = arith.constant 1 : i32
      %mul3A_1246 = arith.muli %scan3A_1244, %mul3A_1245 : i32
      %add3A_1247 = arith.constant 0 : i32
      %add3A_1248 = arith.addi %add3A_1247, %mul3A_1246 : i32
      %mul3A_1249 = arith.constant 16 : i32
      %mul3A_1250 = arith.muli %add3A_1248, %mul3A_1249 : i32
      %get3A_1251 = arith.index_cast %mul3A_1250 : i32 to index
      %get3A_1252 = tpu.vector_load %arg7[%get3A_1251] {strides = array<i32>} : memref<8192xi32, #tpu.memory_space<vmem>>, vector<16xi32>,
      %gather3A_1253 = tpu.vector_load_idx %arg9[%broadcast_in_dim3A_458, %get3A_1252] : memref<313x128xf32, #tpu.memory_space<vmem>>[vector<16xi32>, vector<16xi32>], vector<16xf32>,
      %mul3A_1254 = arith.constant 16 : i32
      %mul3A_1255 = arith.muli %add3A_1248, %mul3A_1254 : i32
      %add3A_1256 = arith.constant 0 : i32
      %add3A_1257 = arith.addi %add3A_1256, %mul3A_1255 : i32
      %add3A_1258 = vector.broadcast %add3A_1257 : i32 to vector<16xi32>
      %add3A_1259 = arith.addi %iota3A_459, %add3A_1258 : vector<16xi32>
      tpu.vector_store_idx %arg11[%add3A_1259], %gather3A_1253 {add = true} : memref<16384xf32, #tpu.memory_space<vmem>>[vector<16xi32>], vector<16xf32>,
      %mul3A_1260 = arith.mulf %gather3A_1253, %gather3A_1253 : vector<16xf32>
      tpu.vector_store_idx %arg12[%add3A_1259], %mul3A_1260 {add = true} : memref<16384xf32, #tpu.memory_space<vmem>>[vector<16xi32>], vector<16xf32>,
      %scan3A_1261 = arith.constant 2 : i32
      %scan3A_1262 = arith.addi %scan3A_1228, %scan3A_1261 : i32
      %mul3A_1263 = arith.constant 1 : i32
      %mul3A_1264 = arith.muli %scan3A_1262, %mul3A_1263 : i32
      %add3A_1265 = arith.constant 0 : i32
      %add3A_1266 = arith.addi %add3A_1265, %mul3A_1264 : i32
      %mul3A_1267 = arith.constant 16 : i32
      %mul3A_1268 = arith.muli %add3A_1266, %mul3A_1267 : i32
      %get3A_1269 = arith.index_cast %mul3A_1268 : i32 to index
      %get3A_1270 = tpu.vector_load %arg7[%get3A_1269] {strides = array<i32>} : memref<8192xi32, #tpu.memory_space<vmem>>, vector<16xi32>,
      %gather3A_1271 = tpu.vector_load_idx %arg9[%broadcast_in_dim3A_458, %get3A_1270] : memref<313x128xf32, #tpu.memory_space<vmem>>[vector<16xi32>, vector<16xi32>], vector<16xf32>,
      %mul3A_1272 = arith.constant 16 : i32
      %mul3A_1273 = arith.muli %add3A_1266, %mul3A_1272 : i32
      %add3A_1274 = arith.constant 0 : i32
      %add3A_1275 = arith.addi %add3A_1274, %mul3A_1273 : i32
      %add3A_1276 = vector.broadcast %add3A_1275 : i32 to vector<16xi32>
      %add3A_1277 = arith.addi %iota3A_459, %add3A_1276 : vector<16xi32>
      tpu.vector_store_idx %arg11[%add3A_1277], %gather3A_1271 {add = true} : memref<16384xf32, #tpu.memory_space<vmem>>[vector<16xi32>], vector<16xf32>,
      %mul3A_1278 = arith.mulf %gather3A_1271, %gather3A_1271 : vector<16xf32>
      tpu.vector_store_idx %arg12[%add3A_1277], %mul3A_1278 {add = true} : memref<16384xf32, #tpu.memory_space<vmem>>[vector<16xi32>], vector<16xf32>,
      %scan3A_1279 = arith.constant 3 : i32
      %scan3A_1280 = arith.addi %scan3A_1228, %scan3A_1279 : i32
      %mul3A_1281 = arith.constant 1 : i32
      %mul3A_1282 = arith.muli %scan3A_1280, %mul3A_1281 : i32
      %add3A_1283 = arith.constant 0 : i32
      %add3A_1284 = arith.addi %add3A_1283, %mul3A_1282 : i32
      %mul3A_1285 = arith.constant 16 : i32
      %mul3A_1286 = arith.muli %add3A_1284, %mul3A_1285 : i32
      %get3A_1287 = arith.index_cast %mul3A_1286 : i32 to index
      %get3A_1288 = tpu.vector_load %arg7[%get3A_1287] {strides = array<i32>} : memref<8192xi32, #tpu.memory_space<vmem>>, vector<16xi32>,
      %gather3A_1289 = tpu.vector_load_idx %arg9[%broadcast_in_dim3A_458, %get3A_1288] : memref<313x128xf32, #tpu.memory_space<vmem>>[vector<16xi32>, vector<16xi32>], vector<16xf32>,
      %mul3A_1290 = arith.constant 16 : i32
      %mul3A_1291 = arith.muli %add3A_1284, %mul3A_1290 : i32
      %add3A_1292 = arith.constant 0 : i32
      %add3A_1293 = arith.addi %add3A_1292, %mul3A_1291 : i32
      %add3A_1294 = vector.broadcast %add3A_1293 : i32 to vector<16xi32>
      %add3A_1295 = arith.addi %iota3A_459, %add3A_1294 : vector<16xi32>
      tpu.vector_store_idx %arg11[%add3A_1295], %gather3A_1289 {add = true} : memref<16384xf32, #tpu.memory_space<vmem>>[vector<16xi32>], vector<16xf32>,
      %mul3A_1296 = arith.mulf %gather3A_1289, %gather3A_1289 : vector<16xf32>
      tpu.vector_store_idx %arg12[%add3A_1295], %mul3A_1296 {add = true} : memref<16384xf32, #tpu.memory_space<vmem>>[vector<16xi32>], vector<16xf32>,
    }
    %scan3A_464 = arith.constant 512 : i32
    %mul3A_465 = arith.constant 13 : i32
    %mul3A_466 = arith.muli %arg0, %mul3A_465 : i32
    %add3A_467 = arith.constant 4 : i32
    %add3A_468 = arith.addi %mul3A_466, %add3A_467 : i32
    %dma_wait3A_469 = arith.constant 8192 : i32
    %dma_wait3A_470 = tpu.memref_slice %arg2[%add3A_468, %dma_wait3A_469] : memref<26x16384xi32, #tpu.memory_space<hbm>> -> memref<1x8192xi32, #tpu.memory_space<hbm>>
    %dma_wait3A_471 = tpu.memref_squeeze %dma_wait3A_470 : memref<1x8192xi32, #tpu.memory_space<hbm>> -> memref<8192xi32, #tpu.memory_space<hbm>>
    %dma_wait3A_472 = arith.constant 8192 : i32
    %dma_wait3A_473 = tpu.memref_slice %arg2[%add3A_468, %dma_wait3A_472] : memref<26x16384xi32, #tpu.memory_space<hbm>> -> memref<1x8192xi32, #tpu.memory_space<hbm>>
    %dma_wait3A_474 = tpu.memref_squeeze %dma_wait3A_473 : memref<1x8192xi32, #tpu.memory_space<hbm>> -> memref<8192xi32, #tpu.memory_space<hbm>>
    tpu.wait_dma2 semaphore(%arg14 : memref<!tpu.dma_semaphore, #tpu.memory_space<semaphore_mem>>) src(%dma_wait3A_474 : memref<8192xi32, #tpu.memory_space<hbm>>) dst(%arg8 : memref<8192xi32, #tpu.memory_space<vmem>>)
    %mul3A_475 = arith.constant 13 : i32
    %mul3A_476 = arith.muli %arg0, %mul3A_475 : i32
    %add3A_477 = arith.constant 5 : i32
    %add3A_478 = arith.addi %mul3A_476, %add3A_477 : i32
    %dma_start3A_479 = arith.constant 0 : i32
    %dma_start3A_480 = tpu.memref_slice %arg2[%add3A_478, %dma_start3A_479] : memref<26x16384xi32, #tpu.memory_space<hbm>> -> memref<1x8192xi32, #tpu.memory_space<hbm>>
    %dma_start3A_481 = tpu.memref_squeeze %dma_start3A_480 : memref<1x8192xi32, #tpu.memory_space<hbm>> -> memref<8192xi32, #tpu.memory_space<hbm>>
    %dma_start3A_482 = arith.constant 0 : i32
    %dma_start3A_483 = tpu.memref_slice %arg2[%add3A_478, %dma_start3A_482] : memref<26x16384xi32, #tpu.memory_space<hbm>> -> memref<1x8192xi32, #tpu.memory_space<hbm>>
    %dma_start3A_484 = tpu.memref_squeeze %dma_start3A_483 : memref<1x8192xi32, #tpu.memory_space<hbm>> -> memref<8192xi32, #tpu.memory_space<hbm>>
    tpu.enqueue_dma source(%dma_start3A_484 : memref<8192xi32, #tpu.memory_space<hbm>>) target(%arg7 : memref<8192xi32, #tpu.memory_space<vmem>>) target_semaphore(%arg14 : memref<!tpu.dma_semaphore, #tpu.memory_space<semaphore_mem>>)
    %broadcast_in_dim3A_485 = arith.constant 0 : i32
    %broadcast_in_dim3A_486 = vector.broadcast %broadcast_in_dim3A_485 : i32 to vector<16xi32>
    %iota3A_487 = tpu.iota {dimensions = array<i32: 0>} : vector<16xi32>
    %scan3A_488 = arith.constant 0 : i32
    %scan3A_489 = arith.constant 512 : i32
    %scan3A_490 = arith.addi %scan3A_488, %scan3A_489 : i32
    %scan3A_491 = arith.constant 4 : i32
    scf.for %scan3A_1228 = %scan3A_488 to %scan3A_490 step %scan3A_491  : i32 {
      %mul3A_1229 = arith.constant 1 : i32
      %mul3A_1230 = arith.muli %scan3A_1228, %mul3A_1229 : i32
      %add3A_1231 = arith.constant 0 : i32
      %add3A_1232 = arith.addi %add3A_1231, %mul3A_1230 : i32
      %mul3A_1233 = arith.constant 16 : i32
      %mul3A_1234 = arith.muli %add3A_1232, %mul3A_1233 : i32
      %get3A = arith.index_cast %mul3A_1234 : i32 to index
      %get3A_1235 = tpu.vector_load %arg8[%get3A] {strides = array<i32>} : memref<8192xi32, #tpu.memory_space<vmem>>, vector<16xi32>,
      %gather3A = tpu.vector_load_idx %arg9[%broadcast_in_dim3A_486, %get3A_1235] : memref<313x128xf32, #tpu.memory_space<vmem>>[vector<16xi32>, vector<16xi32>], vector<16xf32>,
      %mul3A_1236 = arith.constant 16 : i32
      %mul3A_1237 = arith.muli %add3A_1232, %mul3A_1236 : i32
      %add3A_1238 = arith.constant 8192 : i32
      %add3A_1239 = arith.addi %add3A_1238, %mul3A_1237 : i32
      %add3A_1240 = vector.broadcast %add3A_1239 : i32 to vector<16xi32>
      %add3A_1241 = arith.addi %iota3A_487, %add3A_1240 : vector<16xi32>
      tpu.vector_store_idx %arg11[%add3A_1241], %gather3A {add = true} : memref<16384xf32, #tpu.memory_space<vmem>>[vector<16xi32>], vector<16xf32>,
      %mul3A_1242 = arith.mulf %gather3A, %gather3A : vector<16xf32>
      tpu.vector_store_idx %arg12[%add3A_1241], %mul3A_1242 {add = true} : memref<16384xf32, #tpu.memory_space<vmem>>[vector<16xi32>], vector<16xf32>,
      %scan3A_1243 = arith.constant 1 : i32
      %scan3A_1244 = arith.addi %scan3A_1228, %scan3A_1243 : i32
      %mul3A_1245 = arith.constant 1 : i32
      %mul3A_1246 = arith.muli %scan3A_1244, %mul3A_1245 : i32
      %add3A_1247 = arith.constant 0 : i32
      %add3A_1248 = arith.addi %add3A_1247, %mul3A_1246 : i32
      %mul3A_1249 = arith.constant 16 : i32
      %mul3A_1250 = arith.muli %add3A_1248, %mul3A_1249 : i32
      %get3A_1251 = arith.index_cast %mul3A_1250 : i32 to index
      %get3A_1252 = tpu.vector_load %arg8[%get3A_1251] {strides = array<i32>} : memref<8192xi32, #tpu.memory_space<vmem>>, vector<16xi32>,
      %gather3A_1253 = tpu.vector_load_idx %arg9[%broadcast_in_dim3A_486, %get3A_1252] : memref<313x128xf32, #tpu.memory_space<vmem>>[vector<16xi32>, vector<16xi32>], vector<16xf32>,
      %mul3A_1254 = arith.constant 16 : i32
      %mul3A_1255 = arith.muli %add3A_1248, %mul3A_1254 : i32
      %add3A_1256 = arith.constant 8192 : i32
      %add3A_1257 = arith.addi %add3A_1256, %mul3A_1255 : i32
      %add3A_1258 = vector.broadcast %add3A_1257 : i32 to vector<16xi32>
      %add3A_1259 = arith.addi %iota3A_487, %add3A_1258 : vector<16xi32>
      tpu.vector_store_idx %arg11[%add3A_1259], %gather3A_1253 {add = true} : memref<16384xf32, #tpu.memory_space<vmem>>[vector<16xi32>], vector<16xf32>,
      %mul3A_1260 = arith.mulf %gather3A_1253, %gather3A_1253 : vector<16xf32>
      tpu.vector_store_idx %arg12[%add3A_1259], %mul3A_1260 {add = true} : memref<16384xf32, #tpu.memory_space<vmem>>[vector<16xi32>], vector<16xf32>,
      %scan3A_1261 = arith.constant 2 : i32
      %scan3A_1262 = arith.addi %scan3A_1228, %scan3A_1261 : i32
      %mul3A_1263 = arith.constant 1 : i32
      %mul3A_1264 = arith.muli %scan3A_1262, %mul3A_1263 : i32
      %add3A_1265 = arith.constant 0 : i32
      %add3A_1266 = arith.addi %add3A_1265, %mul3A_1264 : i32
      %mul3A_1267 = arith.constant 16 : i32
      %mul3A_1268 = arith.muli %add3A_1266, %mul3A_1267 : i32
      %get3A_1269 = arith.index_cast %mul3A_1268 : i32 to index
      %get3A_1270 = tpu.vector_load %arg8[%get3A_1269] {strides = array<i32>} : memref<8192xi32, #tpu.memory_space<vmem>>, vector<16xi32>,
      %gather3A_1271 = tpu.vector_load_idx %arg9[%broadcast_in_dim3A_486, %get3A_1270] : memref<313x128xf32, #tpu.memory_space<vmem>>[vector<16xi32>, vector<16xi32>], vector<16xf32>,
      %mul3A_1272 = arith.constant 16 : i32
      %mul3A_1273 = arith.muli %add3A_1266, %mul3A_1272 : i32
      %add3A_1274 = arith.constant 8192 : i32
      %add3A_1275 = arith.addi %add3A_1274, %mul3A_1273 : i32
      %add3A_1276 = vector.broadcast %add3A_1275 : i32 to vector<16xi32>
      %add3A_1277 = arith.addi %iota3A_487, %add3A_1276 : vector<16xi32>
      tpu.vector_store_idx %arg11[%add3A_1277], %gather3A_1271 {add = true} : memref<16384xf32, #tpu.memory_space<vmem>>[vector<16xi32>], vector<16xf32>,
      %mul3A_1278 = arith.mulf %gather3A_1271, %gather3A_1271 : vector<16xf32>
      tpu.vector_store_idx %arg12[%add3A_1277], %mul3A_1278 {add = true} : memref<16384xf32, #tpu.memory_space<vmem>>[vector<16xi32>], vector<16xf32>,
      %scan3A_1279 = arith.constant 3 : i32
      %scan3A_1280 = arith.addi %scan3A_1228, %scan3A_1279 : i32
      %mul3A_1281 = arith.constant 1 : i32
      %mul3A_1282 = arith.muli %scan3A_1280, %mul3A_1281 : i32
      %add3A_1283 = arith.constant 0 : i32
      %add3A_1284 = arith.addi %add3A_1283, %mul3A_1282 : i32
      %mul3A_1285 = arith.constant 16 : i32
      %mul3A_1286 = arith.muli %add3A_1284, %mul3A_1285 : i32
      %get3A_1287 = arith.index_cast %mul3A_1286 : i32 to index
      %get3A_1288 = tpu.vector_load %arg8[%get3A_1287] {strides = array<i32>} : memref<8192xi32, #tpu.memory_space<vmem>>, vector<16xi32>,
      %gather3A_1289 = tpu.vector_load_idx %arg9[%broadcast_in_dim3A_486, %get3A_1288] : memref<313x128xf32, #tpu.memory_space<vmem>>[vector<16xi32>, vector<16xi32>], vector<16xf32>,
      %mul3A_1290 = arith.constant 16 : i32
      %mul3A_1291 = arith.muli %add3A_1284, %mul3A_1290 : i32
      %add3A_1292 = arith.constant 8192 : i32
      %add3A_1293 = arith.addi %add3A_1292, %mul3A_1291 : i32
      %add3A_1294 = vector.broadcast %add3A_1293 : i32 to vector<16xi32>
      %add3A_1295 = arith.addi %iota3A_487, %add3A_1294 : vector<16xi32>
      tpu.vector_store_idx %arg11[%add3A_1295], %gather3A_1289 {add = true} : memref<16384xf32, #tpu.memory_space<vmem>>[vector<16xi32>], vector<16xf32>,
      %mul3A_1296 = arith.mulf %gather3A_1289, %gather3A_1289 : vector<16xf32>
      tpu.vector_store_idx %arg12[%add3A_1295], %mul3A_1296 {add = true} : memref<16384xf32, #tpu.memory_space<vmem>>[vector<16xi32>], vector<16xf32>,
    }
    %scan3A_492 = arith.constant 512 : i32
    %mul3A_493 = arith.constant 13 : i32
    %mul3A_494 = arith.muli %arg0, %mul3A_493 : i32
    %add3A_495 = arith.constant 5 : i32
    %add3A_496 = arith.addi %mul3A_494, %add3A_495 : i32
    %mul3A_497 = arith.constant 40000 : i32
    %mul3A_498 = arith.muli %add3A_496, %mul3A_497 : i32
    %shift_right_arithmetic3A_499 = arith.constant 3 : i32
    %shift_right_arithmetic3A_500 = arith.shrsi %arg1, %shift_right_arithmetic3A_499 : i32
    %mul3A_501 = arith.constant 8125 : i32
    %mul3A_502 = arith.muli %shift_right_arithmetic3A_500, %mul3A_501 : i32
    %shift_right_arithmetic3A_503 = arith.constant 7 : i32
    %shift_right_arithmetic3A_504 = arith.shrsi %mul3A_498, %shift_right_arithmetic3A_503 : i32
    %add3A_505 = arith.addi %mul3A_502, %shift_right_arithmetic3A_504 : i32
    %and3A_506 = arith.constant 7 : i32
    %and3A_507 = arith.andi %arg1, %and3A_506 : i32
    %mul3A_508 = arith.constant 128 : i32
    %mul3A_509 = arith.muli %and3A_507, %mul3A_508 : i32
    %dma_wait3A_510 = tpu.memref_slice %arg3[%add3A_505, %mul3A_509] : memref<16250x1024xf32, #tpu.memory_space<hbm>> -> memref<313x128xf32, #tpu.memory_space<hbm>>
    %dma_wait3A_511 = tpu.memref_slice %arg3[%add3A_505, %mul3A_509] : memref<16250x1024xf32, #tpu.memory_space<hbm>> -> memref<313x128xf32, #tpu.memory_space<hbm>>
    tpu.wait_dma2 semaphore(%arg13 : memref<!tpu.dma_semaphore, #tpu.memory_space<semaphore_mem>>) src(%dma_wait3A_511 : memref<313x128xf32, #tpu.memory_space<hbm>>) dst(%arg10 : memref<313x128xf32, #tpu.memory_space<vmem>>)
    %mul3A_512 = arith.constant 13 : i32
    %mul3A_513 = arith.muli %arg0, %mul3A_512 : i32
    %add3A_514 = arith.constant 6 : i32
    %add3A_515 = arith.addi %mul3A_513, %add3A_514 : i32
    %mul3A_516 = arith.constant 40000 : i32
    %mul3A_517 = arith.muli %add3A_515, %mul3A_516 : i32
    %shift_right_arithmetic3A_518 = arith.constant 3 : i32
    %shift_right_arithmetic3A_519 = arith.shrsi %arg1, %shift_right_arithmetic3A_518 : i32
    %mul3A_520 = arith.constant 8125 : i32
    %mul3A_521 = arith.muli %shift_right_arithmetic3A_519, %mul3A_520 : i32
    %shift_right_arithmetic3A_522 = arith.constant 7 : i32
    %shift_right_arithmetic3A_523 = arith.shrsi %mul3A_517, %shift_right_arithmetic3A_522 : i32
    %add3A_524 = arith.addi %mul3A_521, %shift_right_arithmetic3A_523 : i32
    %and3A_525 = arith.constant 7 : i32
    %and3A_526 = arith.andi %arg1, %and3A_525 : i32
    %mul3A_527 = arith.constant 128 : i32
    %mul3A_528 = arith.muli %and3A_526, %mul3A_527 : i32
    %dma_start3A_529 = tpu.memref_slice %arg3[%add3A_524, %mul3A_528] : memref<16250x1024xf32, #tpu.memory_space<hbm>> -> memref<313x128xf32, #tpu.memory_space<hbm>>
    %dma_start3A_530 = tpu.memref_slice %arg3[%add3A_524, %mul3A_528] : memref<16250x1024xf32, #tpu.memory_space<hbm>> -> memref<313x128xf32, #tpu.memory_space<hbm>>
    tpu.enqueue_dma source(%dma_start3A_530 : memref<313x128xf32, #tpu.memory_space<hbm>>) target(%arg9 : memref<313x128xf32, #tpu.memory_space<vmem>>) target_semaphore(%arg13 : memref<!tpu.dma_semaphore, #tpu.memory_space<semaphore_mem>>)
    %mul3A_531 = arith.constant 13 : i32
    %mul3A_532 = arith.muli %arg0, %mul3A_531 : i32
    %add3A_533 = arith.constant 5 : i32
    %add3A_534 = arith.addi %mul3A_532, %add3A_533 : i32
    %dma_wait3A_535 = arith.constant 0 : i32
    %dma_wait3A_536 = tpu.memref_slice %arg2[%add3A_534, %dma_wait3A_535] : memref<26x16384xi32, #tpu.memory_space<hbm>> -> memref<1x8192xi32, #tpu.memory_space<hbm>>
    %dma_wait3A_537 = tpu.memref_squeeze %dma_wait3A_536 : memref<1x8192xi32, #tpu.memory_space<hbm>> -> memref<8192xi32, #tpu.memory_space<hbm>>
    %dma_wait3A_538 = arith.constant 0 : i32
    %dma_wait3A_539 = tpu.memref_slice %arg2[%add3A_534, %dma_wait3A_538] : memref<26x16384xi32, #tpu.memory_space<hbm>> -> memref<1x8192xi32, #tpu.memory_space<hbm>>
    %dma_wait3A_540 = tpu.memref_squeeze %dma_wait3A_539 : memref<1x8192xi32, #tpu.memory_space<hbm>> -> memref<8192xi32, #tpu.memory_space<hbm>>
    tpu.wait_dma2 semaphore(%arg14 : memref<!tpu.dma_semaphore, #tpu.memory_space<semaphore_mem>>) src(%dma_wait3A_540 : memref<8192xi32, #tpu.memory_space<hbm>>) dst(%arg7 : memref<8192xi32, #tpu.memory_space<vmem>>)
    %mul3A_541 = arith.constant 13 : i32
    %mul3A_542 = arith.muli %arg0, %mul3A_541 : i32
    %add3A_543 = arith.constant 5 : i32
    %add3A_544 = arith.addi %mul3A_542, %add3A_543 : i32
    %dma_start3A_545 = arith.constant 8192 : i32
    %dma_start3A_546 = tpu.memref_slice %arg2[%add3A_544, %dma_start3A_545] : memref<26x16384xi32, #tpu.memory_space<hbm>> -> memref<1x8192xi32, #tpu.memory_space<hbm>>
    %dma_start3A_547 = tpu.memref_squeeze %dma_start3A_546 : memref<1x8192xi32, #tpu.memory_space<hbm>> -> memref<8192xi32, #tpu.memory_space<hbm>>
    %dma_start3A_548 = arith.constant 8192 : i32
    %dma_start3A_549 = tpu.memref_slice %arg2[%add3A_544, %dma_start3A_548] : memref<26x16384xi32, #tpu.memory_space<hbm>> -> memref<1x8192xi32, #tpu.memory_space<hbm>>
    %dma_start3A_550 = tpu.memref_squeeze %dma_start3A_549 : memref<1x8192xi32, #tpu.memory_space<hbm>> -> memref<8192xi32, #tpu.memory_space<hbm>>
    tpu.enqueue_dma source(%dma_start3A_550 : memref<8192xi32, #tpu.memory_space<hbm>>) target(%arg8 : memref<8192xi32, #tpu.memory_space<vmem>>) target_semaphore(%arg14 : memref<!tpu.dma_semaphore, #tpu.memory_space<semaphore_mem>>)
    %broadcast_in_dim3A_551 = arith.constant 0 : i32
    %broadcast_in_dim3A_552 = vector.broadcast %broadcast_in_dim3A_551 : i32 to vector<16xi32>
    %iota3A_553 = tpu.iota {dimensions = array<i32: 0>} : vector<16xi32>
    %scan3A_554 = arith.constant 0 : i32
    %scan3A_555 = arith.constant 512 : i32
    %scan3A_556 = arith.addi %scan3A_554, %scan3A_555 : i32
    %scan3A_557 = arith.constant 4 : i32
    scf.for %scan3A_1228 = %scan3A_554 to %scan3A_556 step %scan3A_557  : i32 {
      %mul3A_1229 = arith.constant 1 : i32
      %mul3A_1230 = arith.muli %scan3A_1228, %mul3A_1229 : i32
      %add3A_1231 = arith.constant 0 : i32
      %add3A_1232 = arith.addi %add3A_1231, %mul3A_1230 : i32
      %mul3A_1233 = arith.constant 16 : i32
      %mul3A_1234 = arith.muli %add3A_1232, %mul3A_1233 : i32
      %get3A = arith.index_cast %mul3A_1234 : i32 to index
      %get3A_1235 = tpu.vector_load %arg7[%get3A] {strides = array<i32>} : memref<8192xi32, #tpu.memory_space<vmem>>, vector<16xi32>,
      %gather3A = tpu.vector_load_idx %arg10[%broadcast_in_dim3A_552, %get3A_1235] : memref<313x128xf32, #tpu.memory_space<vmem>>[vector<16xi32>, vector<16xi32>], vector<16xf32>,
      %mul3A_1236 = arith.constant 16 : i32
      %mul3A_1237 = arith.muli %add3A_1232, %mul3A_1236 : i32
      %add3A_1238 = arith.constant 0 : i32
      %add3A_1239 = arith.addi %add3A_1238, %mul3A_1237 : i32
      %add3A_1240 = vector.broadcast %add3A_1239 : i32 to vector<16xi32>
      %add3A_1241 = arith.addi %iota3A_553, %add3A_1240 : vector<16xi32>
      tpu.vector_store_idx %arg11[%add3A_1241], %gather3A {add = true} : memref<16384xf32, #tpu.memory_space<vmem>>[vector<16xi32>], vector<16xf32>,
      %mul3A_1242 = arith.mulf %gather3A, %gather3A : vector<16xf32>
      tpu.vector_store_idx %arg12[%add3A_1241], %mul3A_1242 {add = true} : memref<16384xf32, #tpu.memory_space<vmem>>[vector<16xi32>], vector<16xf32>,
      %scan3A_1243 = arith.constant 1 : i32
      %scan3A_1244 = arith.addi %scan3A_1228, %scan3A_1243 : i32
      %mul3A_1245 = arith.constant 1 : i32
      %mul3A_1246 = arith.muli %scan3A_1244, %mul3A_1245 : i32
      %add3A_1247 = arith.constant 0 : i32
      %add3A_1248 = arith.addi %add3A_1247, %mul3A_1246 : i32
      %mul3A_1249 = arith.constant 16 : i32
      %mul3A_1250 = arith.muli %add3A_1248, %mul3A_1249 : i32
      %get3A_1251 = arith.index_cast %mul3A_1250 : i32 to index
      %get3A_1252 = tpu.vector_load %arg7[%get3A_1251] {strides = array<i32>} : memref<8192xi32, #tpu.memory_space<vmem>>, vector<16xi32>,
      %gather3A_1253 = tpu.vector_load_idx %arg10[%broadcast_in_dim3A_552, %get3A_1252] : memref<313x128xf32, #tpu.memory_space<vmem>>[vector<16xi32>, vector<16xi32>], vector<16xf32>,
      %mul3A_1254 = arith.constant 16 : i32
      %mul3A_1255 = arith.muli %add3A_1248, %mul3A_1254 : i32
      %add3A_1256 = arith.constant 0 : i32
      %add3A_1257 = arith.addi %add3A_1256, %mul3A_1255 : i32
      %add3A_1258 = vector.broadcast %add3A_1257 : i32 to vector<16xi32>
      %add3A_1259 = arith.addi %iota3A_553, %add3A_1258 : vector<16xi32>
      tpu.vector_store_idx %arg11[%add3A_1259], %gather3A_1253 {add = true} : memref<16384xf32, #tpu.memory_space<vmem>>[vector<16xi32>], vector<16xf32>,
      %mul3A_1260 = arith.mulf %gather3A_1253, %gather3A_1253 : vector<16xf32>
      tpu.vector_store_idx %arg12[%add3A_1259], %mul3A_1260 {add = true} : memref<16384xf32, #tpu.memory_space<vmem>>[vector<16xi32>], vector<16xf32>,
      %scan3A_1261 = arith.constant 2 : i32
      %scan3A_1262 = arith.addi %scan3A_1228, %scan3A_1261 : i32
      %mul3A_1263 = arith.constant 1 : i32
      %mul3A_1264 = arith.muli %scan3A_1262, %mul3A_1263 : i32
      %add3A_1265 = arith.constant 0 : i32
      %add3A_1266 = arith.addi %add3A_1265, %mul3A_1264 : i32
      %mul3A_1267 = arith.constant 16 : i32
      %mul3A_1268 = arith.muli %add3A_1266, %mul3A_1267 : i32
      %get3A_1269 = arith.index_cast %mul3A_1268 : i32 to index
      %get3A_1270 = tpu.vector_load %arg7[%get3A_1269] {strides = array<i32>} : memref<8192xi32, #tpu.memory_space<vmem>>, vector<16xi32>,
      %gather3A_1271 = tpu.vector_load_idx %arg10[%broadcast_in_dim3A_552, %get3A_1270] : memref<313x128xf32, #tpu.memory_space<vmem>>[vector<16xi32>, vector<16xi32>], vector<16xf32>,
      %mul3A_1272 = arith.constant 16 : i32
      %mul3A_1273 = arith.muli %add3A_1266, %mul3A_1272 : i32
      %add3A_1274 = arith.constant 0 : i32
      %add3A_1275 = arith.addi %add3A_1274, %mul3A_1273 : i32
      %add3A_1276 = vector.broadcast %add3A_1275 : i32 to vector<16xi32>
      %add3A_1277 = arith.addi %iota3A_553, %add3A_1276 : vector<16xi32>
      tpu.vector_store_idx %arg11[%add3A_1277], %gather3A_1271 {add = true} : memref<16384xf32, #tpu.memory_space<vmem>>[vector<16xi32>], vector<16xf32>,
      %mul3A_1278 = arith.mulf %gather3A_1271, %gather3A_1271 : vector<16xf32>
      tpu.vector_store_idx %arg12[%add3A_1277], %mul3A_1278 {add = true} : memref<16384xf32, #tpu.memory_space<vmem>>[vector<16xi32>], vector<16xf32>,
      %scan3A_1279 = arith.constant 3 : i32
      %scan3A_1280 = arith.addi %scan3A_1228, %scan3A_1279 : i32
      %mul3A_1281 = arith.constant 1 : i32
      %mul3A_1282 = arith.muli %scan3A_1280, %mul3A_1281 : i32
      %add3A_1283 = arith.constant 0 : i32
      %add3A_1284 = arith.addi %add3A_1283, %mul3A_1282 : i32
      %mul3A_1285 = arith.constant 16 : i32
      %mul3A_1286 = arith.muli %add3A_1284, %mul3A_1285 : i32
      %get3A_1287 = arith.index_cast %mul3A_1286 : i32 to index
      %get3A_1288 = tpu.vector_load %arg7[%get3A_1287] {strides = array<i32>} : memref<8192xi32, #tpu.memory_space<vmem>>, vector<16xi32>,
      %gather3A_1289 = tpu.vector_load_idx %arg10[%broadcast_in_dim3A_552, %get3A_1288] : memref<313x128xf32, #tpu.memory_space<vmem>>[vector<16xi32>, vector<16xi32>], vector<16xf32>,
      %mul3A_1290 = arith.constant 16 : i32
      %mul3A_1291 = arith.muli %add3A_1284, %mul3A_1290 : i32
      %add3A_1292 = arith.constant 0 : i32
      %add3A_1293 = arith.addi %add3A_1292, %mul3A_1291 : i32
      %add3A_1294 = vector.broadcast %add3A_1293 : i32 to vector<16xi32>
      %add3A_1295 = arith.addi %iota3A_553, %add3A_1294 : vector<16xi32>
      tpu.vector_store_idx %arg11[%add3A_1295], %gather3A_1289 {add = true} : memref<16384xf32, #tpu.memory_space<vmem>>[vector<16xi32>], vector<16xf32>,
      %mul3A_1296 = arith.mulf %gather3A_1289, %gather3A_1289 : vector<16xf32>
      tpu.vector_store_idx %arg12[%add3A_1295], %mul3A_1296 {add = true} : memref<16384xf32, #tpu.memory_space<vmem>>[vector<16xi32>], vector<16xf32>,
    }
    %scan3A_558 = arith.constant 512 : i32
    %mul3A_559 = arith.constant 13 : i32
    %mul3A_560 = arith.muli %arg0, %mul3A_559 : i32
    %add3A_561 = arith.constant 5 : i32
    %add3A_562 = arith.addi %mul3A_560, %add3A_561 : i32
    %dma_wait3A_563 = arith.constant 8192 : i32
    %dma_wait3A_564 = tpu.memref_slice %arg2[%add3A_562, %dma_wait3A_563] : memref<26x16384xi32, #tpu.memory_space<hbm>> -> memref<1x8192xi32, #tpu.memory_space<hbm>>
    %dma_wait3A_565 = tpu.memref_squeeze %dma_wait3A_564 : memref<1x8192xi32, #tpu.memory_space<hbm>> -> memref<8192xi32, #tpu.memory_space<hbm>>
    %dma_wait3A_566 = arith.constant 8192 : i32
    %dma_wait3A_567 = tpu.memref_slice %arg2[%add3A_562, %dma_wait3A_566] : memref<26x16384xi32, #tpu.memory_space<hbm>> -> memref<1x8192xi32, #tpu.memory_space<hbm>>
    %dma_wait3A_568 = tpu.memref_squeeze %dma_wait3A_567 : memref<1x8192xi32, #tpu.memory_space<hbm>> -> memref<8192xi32, #tpu.memory_space<hbm>>
    tpu.wait_dma2 semaphore(%arg14 : memref<!tpu.dma_semaphore, #tpu.memory_space<semaphore_mem>>) src(%dma_wait3A_568 : memref<8192xi32, #tpu.memory_space<hbm>>) dst(%arg8 : memref<8192xi32, #tpu.memory_space<vmem>>)
    %mul3A_569 = arith.constant 13 : i32
    %mul3A_570 = arith.muli %arg0, %mul3A_569 : i32
    %add3A_571 = arith.constant 6 : i32
    %add3A_572 = arith.addi %mul3A_570, %add3A_571 : i32
    %dma_start3A_573 = arith.constant 0 : i32
    %dma_start3A_574 = tpu.memref_slice %arg2[%add3A_572, %dma_start3A_573] : memref<26x16384xi32, #tpu.memory_space<hbm>> -> memref<1x8192xi32, #tpu.memory_space<hbm>>
    %dma_start3A_575 = tpu.memref_squeeze %dma_start3A_574 : memref<1x8192xi32, #tpu.memory_space<hbm>> -> memref<8192xi32, #tpu.memory_space<hbm>>
    %dma_start3A_576 = arith.constant 0 : i32
    %dma_start3A_577 = tpu.memref_slice %arg2[%add3A_572, %dma_start3A_576] : memref<26x16384xi32, #tpu.memory_space<hbm>> -> memref<1x8192xi32, #tpu.memory_space<hbm>>
    %dma_start3A_578 = tpu.memref_squeeze %dma_start3A_577 : memref<1x8192xi32, #tpu.memory_space<hbm>> -> memref<8192xi32, #tpu.memory_space<hbm>>
    tpu.enqueue_dma source(%dma_start3A_578 : memref<8192xi32, #tpu.memory_space<hbm>>) target(%arg7 : memref<8192xi32, #tpu.memory_space<vmem>>) target_semaphore(%arg14 : memref<!tpu.dma_semaphore, #tpu.memory_space<semaphore_mem>>)
    %broadcast_in_dim3A_579 = arith.constant 0 : i32
    %broadcast_in_dim3A_580 = vector.broadcast %broadcast_in_dim3A_579 : i32 to vector<16xi32>
    %iota3A_581 = tpu.iota {dimensions = array<i32: 0>} : vector<16xi32>
    %scan3A_582 = arith.constant 0 : i32
    %scan3A_583 = arith.constant 512 : i32
    %scan3A_584 = arith.addi %scan3A_582, %scan3A_583 : i32
    %scan3A_585 = arith.constant 4 : i32
    scf.for %scan3A_1228 = %scan3A_582 to %scan3A_584 step %scan3A_585  : i32 {
      %mul3A_1229 = arith.constant 1 : i32
      %mul3A_1230 = arith.muli %scan3A_1228, %mul3A_1229 : i32
      %add3A_1231 = arith.constant 0 : i32
      %add3A_1232 = arith.addi %add3A_1231, %mul3A_1230 : i32
      %mul3A_1233 = arith.constant 16 : i32
      %mul3A_1234 = arith.muli %add3A_1232, %mul3A_1233 : i32
      %get3A = arith.index_cast %mul3A_1234 : i32 to index
      %get3A_1235 = tpu.vector_load %arg8[%get3A] {strides = array<i32>} : memref<8192xi32, #tpu.memory_space<vmem>>, vector<16xi32>,
      %gather3A = tpu.vector_load_idx %arg10[%broadcast_in_dim3A_580, %get3A_1235] : memref<313x128xf32, #tpu.memory_space<vmem>>[vector<16xi32>, vector<16xi32>], vector<16xf32>,
      %mul3A_1236 = arith.constant 16 : i32
      %mul3A_1237 = arith.muli %add3A_1232, %mul3A_1236 : i32
      %add3A_1238 = arith.constant 8192 : i32
      %add3A_1239 = arith.addi %add3A_1238, %mul3A_1237 : i32
      %add3A_1240 = vector.broadcast %add3A_1239 : i32 to vector<16xi32>
      %add3A_1241 = arith.addi %iota3A_581, %add3A_1240 : vector<16xi32>
      tpu.vector_store_idx %arg11[%add3A_1241], %gather3A {add = true} : memref<16384xf32, #tpu.memory_space<vmem>>[vector<16xi32>], vector<16xf32>,
      %mul3A_1242 = arith.mulf %gather3A, %gather3A : vector<16xf32>
      tpu.vector_store_idx %arg12[%add3A_1241], %mul3A_1242 {add = true} : memref<16384xf32, #tpu.memory_space<vmem>>[vector<16xi32>], vector<16xf32>,
      %scan3A_1243 = arith.constant 1 : i32
      %scan3A_1244 = arith.addi %scan3A_1228, %scan3A_1243 : i32
      %mul3A_1245 = arith.constant 1 : i32
      %mul3A_1246 = arith.muli %scan3A_1244, %mul3A_1245 : i32
      %add3A_1247 = arith.constant 0 : i32
      %add3A_1248 = arith.addi %add3A_1247, %mul3A_1246 : i32
      %mul3A_1249 = arith.constant 16 : i32
      %mul3A_1250 = arith.muli %add3A_1248, %mul3A_1249 : i32
      %get3A_1251 = arith.index_cast %mul3A_1250 : i32 to index
      %get3A_1252 = tpu.vector_load %arg8[%get3A_1251] {strides = array<i32>} : memref<8192xi32, #tpu.memory_space<vmem>>, vector<16xi32>,
      %gather3A_1253 = tpu.vector_load_idx %arg10[%broadcast_in_dim3A_580, %get3A_1252] : memref<313x128xf32, #tpu.memory_space<vmem>>[vector<16xi32>, vector<16xi32>], vector<16xf32>,
      %mul3A_1254 = arith.constant 16 : i32
      %mul3A_1255 = arith.muli %add3A_1248, %mul3A_1254 : i32
      %add3A_1256 = arith.constant 8192 : i32
      %add3A_1257 = arith.addi %add3A_1256, %mul3A_1255 : i32
      %add3A_1258 = vector.broadcast %add3A_1257 : i32 to vector<16xi32>
      %add3A_1259 = arith.addi %iota3A_581, %add3A_1258 : vector<16xi32>
      tpu.vector_store_idx %arg11[%add3A_1259], %gather3A_1253 {add = true} : memref<16384xf32, #tpu.memory_space<vmem>>[vector<16xi32>], vector<16xf32>,
      %mul3A_1260 = arith.mulf %gather3A_1253, %gather3A_1253 : vector<16xf32>
      tpu.vector_store_idx %arg12[%add3A_1259], %mul3A_1260 {add = true} : memref<16384xf32, #tpu.memory_space<vmem>>[vector<16xi32>], vector<16xf32>,
      %scan3A_1261 = arith.constant 2 : i32
      %scan3A_1262 = arith.addi %scan3A_1228, %scan3A_1261 : i32
      %mul3A_1263 = arith.constant 1 : i32
      %mul3A_1264 = arith.muli %scan3A_1262, %mul3A_1263 : i32
      %add3A_1265 = arith.constant 0 : i32
      %add3A_1266 = arith.addi %add3A_1265, %mul3A_1264 : i32
      %mul3A_1267 = arith.constant 16 : i32
      %mul3A_1268 = arith.muli %add3A_1266, %mul3A_1267 : i32
      %get3A_1269 = arith.index_cast %mul3A_1268 : i32 to index
      %get3A_1270 = tpu.vector_load %arg8[%get3A_1269] {strides = array<i32>} : memref<8192xi32, #tpu.memory_space<vmem>>, vector<16xi32>,
      %gather3A_1271 = tpu.vector_load_idx %arg10[%broadcast_in_dim3A_580, %get3A_1270] : memref<313x128xf32, #tpu.memory_space<vmem>>[vector<16xi32>, vector<16xi32>], vector<16xf32>,
      %mul3A_1272 = arith.constant 16 : i32
      %mul3A_1273 = arith.muli %add3A_1266, %mul3A_1272 : i32
      %add3A_1274 = arith.constant 8192 : i32
      %add3A_1275 = arith.addi %add3A_1274, %mul3A_1273 : i32
      %add3A_1276 = vector.broadcast %add3A_1275 : i32 to vector<16xi32>
      %add3A_1277 = arith.addi %iota3A_581, %add3A_1276 : vector<16xi32>
      tpu.vector_store_idx %arg11[%add3A_1277], %gather3A_1271 {add = true} : memref<16384xf32, #tpu.memory_space<vmem>>[vector<16xi32>], vector<16xf32>,
      %mul3A_1278 = arith.mulf %gather3A_1271, %gather3A_1271 : vector<16xf32>
      tpu.vector_store_idx %arg12[%add3A_1277], %mul3A_1278 {add = true} : memref<16384xf32, #tpu.memory_space<vmem>>[vector<16xi32>], vector<16xf32>,
      %scan3A_1279 = arith.constant 3 : i32
      %scan3A_1280 = arith.addi %scan3A_1228, %scan3A_1279 : i32
      %mul3A_1281 = arith.constant 1 : i32
      %mul3A_1282 = arith.muli %scan3A_1280, %mul3A_1281 : i32
      %add3A_1283 = arith.constant 0 : i32
      %add3A_1284 = arith.addi %add3A_1283, %mul3A_1282 : i32
      %mul3A_1285 = arith.constant 16 : i32
      %mul3A_1286 = arith.muli %add3A_1284, %mul3A_1285 : i32
      %get3A_1287 = arith.index_cast %mul3A_1286 : i32 to index
      %get3A_1288 = tpu.vector_load %arg8[%get3A_1287] {strides = array<i32>} : memref<8192xi32, #tpu.memory_space<vmem>>, vector<16xi32>,
      %gather3A_1289 = tpu.vector_load_idx %arg10[%broadcast_in_dim3A_580, %get3A_1288] : memref<313x128xf32, #tpu.memory_space<vmem>>[vector<16xi32>, vector<16xi32>], vector<16xf32>,
      %mul3A_1290 = arith.constant 16 : i32
      %mul3A_1291 = arith.muli %add3A_1284, %mul3A_1290 : i32
      %add3A_1292 = arith.constant 8192 : i32
      %add3A_1293 = arith.addi %add3A_1292, %mul3A_1291 : i32
      %add3A_1294 = vector.broadcast %add3A_1293 : i32 to vector<16xi32>
      %add3A_1295 = arith.addi %iota3A_581, %add3A_1294 : vector<16xi32>
      tpu.vector_store_idx %arg11[%add3A_1295], %gather3A_1289 {add = true} : memref<16384xf32, #tpu.memory_space<vmem>>[vector<16xi32>], vector<16xf32>,
      %mul3A_1296 = arith.mulf %gather3A_1289, %gather3A_1289 : vector<16xf32>
      tpu.vector_store_idx %arg12[%add3A_1295], %mul3A_1296 {add = true} : memref<16384xf32, #tpu.memory_space<vmem>>[vector<16xi32>], vector<16xf32>,
    }
    %scan3A_586 = arith.constant 512 : i32
    %mul3A_587 = arith.constant 13 : i32
    %mul3A_588 = arith.muli %arg0, %mul3A_587 : i32
    %add3A_589 = arith.constant 6 : i32
    %add3A_590 = arith.addi %mul3A_588, %add3A_589 : i32
    %mul3A_591 = arith.constant 40000 : i32
    %mul3A_592 = arith.muli %add3A_590, %mul3A_591 : i32
    %shift_right_arithmetic3A_593 = arith.constant 3 : i32
    %shift_right_arithmetic3A_594 = arith.shrsi %arg1, %shift_right_arithmetic3A_593 : i32
    %mul3A_595 = arith.constant 8125 : i32
    %mul3A_596 = arith.muli %shift_right_arithmetic3A_594, %mul3A_595 : i32
    %shift_right_arithmetic3A_597 = arith.constant 7 : i32
    %shift_right_arithmetic3A_598 = arith.shrsi %mul3A_592, %shift_right_arithmetic3A_597 : i32
    %add3A_599 = arith.addi %mul3A_596, %shift_right_arithmetic3A_598 : i32
    %and3A_600 = arith.constant 7 : i32
    %and3A_601 = arith.andi %arg1, %and3A_600 : i32
    %mul3A_602 = arith.constant 128 : i32
    %mul3A_603 = arith.muli %and3A_601, %mul3A_602 : i32
    %dma_wait3A_604 = tpu.memref_slice %arg3[%add3A_599, %mul3A_603] : memref<16250x1024xf32, #tpu.memory_space<hbm>> -> memref<313x128xf32, #tpu.memory_space<hbm>>
    %dma_wait3A_605 = tpu.memref_slice %arg3[%add3A_599, %mul3A_603] : memref<16250x1024xf32, #tpu.memory_space<hbm>> -> memref<313x128xf32, #tpu.memory_space<hbm>>
    tpu.wait_dma2 semaphore(%arg13 : memref<!tpu.dma_semaphore, #tpu.memory_space<semaphore_mem>>) src(%dma_wait3A_605 : memref<313x128xf32, #tpu.memory_space<hbm>>) dst(%arg9 : memref<313x128xf32, #tpu.memory_space<vmem>>)
    %mul3A_606 = arith.constant 13 : i32
    %mul3A_607 = arith.muli %arg0, %mul3A_606 : i32
    %add3A_608 = arith.constant 7 : i32
    %add3A_609 = arith.addi %mul3A_607, %add3A_608 : i32
    %mul3A_610 = arith.constant 40000 : i32
    %mul3A_611 = arith.muli %add3A_609, %mul3A_610 : i32
    %shift_right_arithmetic3A_612 = arith.constant 3 : i32
    %shift_right_arithmetic3A_613 = arith.shrsi %arg1, %shift_right_arithmetic3A_612 : i32
    %mul3A_614 = arith.constant 8125 : i32
    %mul3A_615 = arith.muli %shift_right_arithmetic3A_613, %mul3A_614 : i32
    %shift_right_arithmetic3A_616 = arith.constant 7 : i32
    %shift_right_arithmetic3A_617 = arith.shrsi %mul3A_611, %shift_right_arithmetic3A_616 : i32
    %add3A_618 = arith.addi %mul3A_615, %shift_right_arithmetic3A_617 : i32
    %and3A_619 = arith.constant 7 : i32
    %and3A_620 = arith.andi %arg1, %and3A_619 : i32
    %mul3A_621 = arith.constant 128 : i32
    %mul3A_622 = arith.muli %and3A_620, %mul3A_621 : i32
    %dma_start3A_623 = tpu.memref_slice %arg3[%add3A_618, %mul3A_622] : memref<16250x1024xf32, #tpu.memory_space<hbm>> -> memref<313x128xf32, #tpu.memory_space<hbm>>
    %dma_start3A_624 = tpu.memref_slice %arg3[%add3A_618, %mul3A_622] : memref<16250x1024xf32, #tpu.memory_space<hbm>> -> memref<313x128xf32, #tpu.memory_space<hbm>>
    tpu.enqueue_dma source(%dma_start3A_624 : memref<313x128xf32, #tpu.memory_space<hbm>>) target(%arg10 : memref<313x128xf32, #tpu.memory_space<vmem>>) target_semaphore(%arg13 : memref<!tpu.dma_semaphore, #tpu.memory_space<semaphore_mem>>)
    %mul3A_625 = arith.constant 13 : i32
    %mul3A_626 = arith.muli %arg0, %mul3A_625 : i32
    %add3A_627 = arith.constant 6 : i32
    %add3A_628 = arith.addi %mul3A_626, %add3A_627 : i32
    %dma_wait3A_629 = arith.constant 0 : i32
    %dma_wait3A_630 = tpu.memref_slice %arg2[%add3A_628, %dma_wait3A_629] : memref<26x16384xi32, #tpu.memory_space<hbm>> -> memref<1x8192xi32, #tpu.memory_space<hbm>>
    %dma_wait3A_631 = tpu.memref_squeeze %dma_wait3A_630 : memref<1x8192xi32, #tpu.memory_space<hbm>> -> memref<8192xi32, #tpu.memory_space<hbm>>
    %dma_wait3A_632 = arith.constant 0 : i32
    %dma_wait3A_633 = tpu.memref_slice %arg2[%add3A_628, %dma_wait3A_632] : memref<26x16384xi32, #tpu.memory_space<hbm>> -> memref<1x8192xi32, #tpu.memory_space<hbm>>
    %dma_wait3A_634 = tpu.memref_squeeze %dma_wait3A_633 : memref<1x8192xi32, #tpu.memory_space<hbm>> -> memref<8192xi32, #tpu.memory_space<hbm>>
    tpu.wait_dma2 semaphore(%arg14 : memref<!tpu.dma_semaphore, #tpu.memory_space<semaphore_mem>>) src(%dma_wait3A_634 : memref<8192xi32, #tpu.memory_space<hbm>>) dst(%arg7 : memref<8192xi32, #tpu.memory_space<vmem>>)
    %mul3A_635 = arith.constant 13 : i32
    %mul3A_636 = arith.muli %arg0, %mul3A_635 : i32
    %add3A_637 = arith.constant 6 : i32
    %add3A_638 = arith.addi %mul3A_636, %add3A_637 : i32
    %dma_start3A_639 = arith.constant 8192 : i32
    %dma_start3A_640 = tpu.memref_slice %arg2[%add3A_638, %dma_start3A_639] : memref<26x16384xi32, #tpu.memory_space<hbm>> -> memref<1x8192xi32, #tpu.memory_space<hbm>>
    %dma_start3A_641 = tpu.memref_squeeze %dma_start3A_640 : memref<1x8192xi32, #tpu.memory_space<hbm>> -> memref<8192xi32, #tpu.memory_space<hbm>>
    %dma_start3A_642 = arith.constant 8192 : i32
    %dma_start3A_643 = tpu.memref_slice %arg2[%add3A_638, %dma_start3A_642] : memref<26x16384xi32, #tpu.memory_space<hbm>> -> memref<1x8192xi32, #tpu.memory_space<hbm>>
    %dma_start3A_644 = tpu.memref_squeeze %dma_start3A_643 : memref<1x8192xi32, #tpu.memory_space<hbm>> -> memref<8192xi32, #tpu.memory_space<hbm>>
    tpu.enqueue_dma source(%dma_start3A_644 : memref<8192xi32, #tpu.memory_space<hbm>>) target(%arg8 : memref<8192xi32, #tpu.memory_space<vmem>>) target_semaphore(%arg14 : memref<!tpu.dma_semaphore, #tpu.memory_space<semaphore_mem>>)
    %broadcast_in_dim3A_645 = arith.constant 0 : i32
    %broadcast_in_dim3A_646 = vector.broadcast %broadcast_in_dim3A_645 : i32 to vector<16xi32>
    %iota3A_647 = tpu.iota {dimensions = array<i32: 0>} : vector<16xi32>
    %scan3A_648 = arith.constant 0 : i32
    %scan3A_649 = arith.constant 512 : i32
    %scan3A_650 = arith.addi %scan3A_648, %scan3A_649 : i32
    %scan3A_651 = arith.constant 4 : i32
    scf.for %scan3A_1228 = %scan3A_648 to %scan3A_650 step %scan3A_651  : i32 {
      %mul3A_1229 = arith.constant 1 : i32
      %mul3A_1230 = arith.muli %scan3A_1228, %mul3A_1229 : i32
      %add3A_1231 = arith.constant 0 : i32
      %add3A_1232 = arith.addi %add3A_1231, %mul3A_1230 : i32
      %mul3A_1233 = arith.constant 16 : i32
      %mul3A_1234 = arith.muli %add3A_1232, %mul3A_1233 : i32
      %get3A = arith.index_cast %mul3A_1234 : i32 to index
      %get3A_1235 = tpu.vector_load %arg7[%get3A] {strides = array<i32>} : memref<8192xi32, #tpu.memory_space<vmem>>, vector<16xi32>,
      %gather3A = tpu.vector_load_idx %arg9[%broadcast_in_dim3A_646, %get3A_1235] : memref<313x128xf32, #tpu.memory_space<vmem>>[vector<16xi32>, vector<16xi32>], vector<16xf32>,
      %mul3A_1236 = arith.constant 16 : i32
      %mul3A_1237 = arith.muli %add3A_1232, %mul3A_1236 : i32
      %add3A_1238 = arith.constant 0 : i32
      %add3A_1239 = arith.addi %add3A_1238, %mul3A_1237 : i32
      %add3A_1240 = vector.broadcast %add3A_1239 : i32 to vector<16xi32>
      %add3A_1241 = arith.addi %iota3A_647, %add3A_1240 : vector<16xi32>
      tpu.vector_store_idx %arg11[%add3A_1241], %gather3A {add = true} : memref<16384xf32, #tpu.memory_space<vmem>>[vector<16xi32>], vector<16xf32>,
      %mul3A_1242 = arith.mulf %gather3A, %gather3A : vector<16xf32>
      tpu.vector_store_idx %arg12[%add3A_1241], %mul3A_1242 {add = true} : memref<16384xf32, #tpu.memory_space<vmem>>[vector<16xi32>], vector<16xf32>,
      %scan3A_1243 = arith.constant 1 : i32
      %scan3A_1244 = arith.addi %scan3A_1228, %scan3A_1243 : i32
      %mul3A_1245 = arith.constant 1 : i32
      %mul3A_1246 = arith.muli %scan3A_1244, %mul3A_1245 : i32
      %add3A_1247 = arith.constant 0 : i32
      %add3A_1248 = arith.addi %add3A_1247, %mul3A_1246 : i32
      %mul3A_1249 = arith.constant 16 : i32
      %mul3A_1250 = arith.muli %add3A_1248, %mul3A_1249 : i32
      %get3A_1251 = arith.index_cast %mul3A_1250 : i32 to index
      %get3A_1252 = tpu.vector_load %arg7[%get3A_1251] {strides = array<i32>} : memref<8192xi32, #tpu.memory_space<vmem>>, vector<16xi32>,
      %gather3A_1253 = tpu.vector_load_idx %arg9[%broadcast_in_dim3A_646, %get3A_1252] : memref<313x128xf32, #tpu.memory_space<vmem>>[vector<16xi32>, vector<16xi32>], vector<16xf32>,
      %mul3A_1254 = arith.constant 16 : i32
      %mul3A_1255 = arith.muli %add3A_1248, %mul3A_1254 : i32
      %add3A_1256 = arith.constant 0 : i32
      %add3A_1257 = arith.addi %add3A_1256, %mul3A_1255 : i32
      %add3A_1258 = vector.broadcast %add3A_1257 : i32 to vector<16xi32>
      %add3A_1259 = arith.addi %iota3A_647, %add3A_1258 : vector<16xi32>
      tpu.vector_store_idx %arg11[%add3A_1259], %gather3A_1253 {add = true} : memref<16384xf32, #tpu.memory_space<vmem>>[vector<16xi32>], vector<16xf32>,
      %mul3A_1260 = arith.mulf %gather3A_1253, %gather3A_1253 : vector<16xf32>
      tpu.vector_store_idx %arg12[%add3A_1259], %mul3A_1260 {add = true} : memref<16384xf32, #tpu.memory_space<vmem>>[vector<16xi32>], vector<16xf32>,
      %scan3A_1261 = arith.constant 2 : i32
      %scan3A_1262 = arith.addi %scan3A_1228, %scan3A_1261 : i32
      %mul3A_1263 = arith.constant 1 : i32
      %mul3A_1264 = arith.muli %scan3A_1262, %mul3A_1263 : i32
      %add3A_1265 = arith.constant 0 : i32
      %add3A_1266 = arith.addi %add3A_1265, %mul3A_1264 : i32
      %mul3A_1267 = arith.constant 16 : i32
      %mul3A_1268 = arith.muli %add3A_1266, %mul3A_1267 : i32
      %get3A_1269 = arith.index_cast %mul3A_1268 : i32 to index
      %get3A_1270 = tpu.vector_load %arg7[%get3A_1269] {strides = array<i32>} : memref<8192xi32, #tpu.memory_space<vmem>>, vector<16xi32>,
      %gather3A_1271 = tpu.vector_load_idx %arg9[%broadcast_in_dim3A_646, %get3A_1270] : memref<313x128xf32, #tpu.memory_space<vmem>>[vector<16xi32>, vector<16xi32>], vector<16xf32>,
      %mul3A_1272 = arith.constant 16 : i32
      %mul3A_1273 = arith.muli %add3A_1266, %mul3A_1272 : i32
      %add3A_1274 = arith.constant 0 : i32
      %add3A_1275 = arith.addi %add3A_1274, %mul3A_1273 : i32
      %add3A_1276 = vector.broadcast %add3A_1275 : i32 to vector<16xi32>
      %add3A_1277 = arith.addi %iota3A_647, %add3A_1276 : vector<16xi32>
      tpu.vector_store_idx %arg11[%add3A_1277], %gather3A_1271 {add = true} : memref<16384xf32, #tpu.memory_space<vmem>>[vector<16xi32>], vector<16xf32>,
      %mul3A_1278 = arith.mulf %gather3A_1271, %gather3A_1271 : vector<16xf32>
      tpu.vector_store_idx %arg12[%add3A_1277], %mul3A_1278 {add = true} : memref<16384xf32, #tpu.memory_space<vmem>>[vector<16xi32>], vector<16xf32>,
      %scan3A_1279 = arith.constant 3 : i32
      %scan3A_1280 = arith.addi %scan3A_1228, %scan3A_1279 : i32
      %mul3A_1281 = arith.constant 1 : i32
      %mul3A_1282 = arith.muli %scan3A_1280, %mul3A_1281 : i32
      %add3A_1283 = arith.constant 0 : i32
      %add3A_1284 = arith.addi %add3A_1283, %mul3A_1282 : i32
      %mul3A_1285 = arith.constant 16 : i32
      %mul3A_1286 = arith.muli %add3A_1284, %mul3A_1285 : i32
      %get3A_1287 = arith.index_cast %mul3A_1286 : i32 to index
      %get3A_1288 = tpu.vector_load %arg7[%get3A_1287] {strides = array<i32>} : memref<8192xi32, #tpu.memory_space<vmem>>, vector<16xi32>,
      %gather3A_1289 = tpu.vector_load_idx %arg9[%broadcast_in_dim3A_646, %get3A_1288] : memref<313x128xf32, #tpu.memory_space<vmem>>[vector<16xi32>, vector<16xi32>], vector<16xf32>,
      %mul3A_1290 = arith.constant 16 : i32
      %mul3A_1291 = arith.muli %add3A_1284, %mul3A_1290 : i32
      %add3A_1292 = arith.constant 0 : i32
      %add3A_1293 = arith.addi %add3A_1292, %mul3A_1291 : i32
      %add3A_1294 = vector.broadcast %add3A_1293 : i32 to vector<16xi32>
      %add3A_1295 = arith.addi %iota3A_647, %add3A_1294 : vector<16xi32>
      tpu.vector_store_idx %arg11[%add3A_1295], %gather3A_1289 {add = true} : memref<16384xf32, #tpu.memory_space<vmem>>[vector<16xi32>], vector<16xf32>,
      %mul3A_1296 = arith.mulf %gather3A_1289, %gather3A_1289 : vector<16xf32>
      tpu.vector_store_idx %arg12[%add3A_1295], %mul3A_1296 {add = true} : memref<16384xf32, #tpu.memory_space<vmem>>[vector<16xi32>], vector<16xf32>,
    }
    %scan3A_652 = arith.constant 512 : i32
    %mul3A_653 = arith.constant 13 : i32
    %mul3A_654 = arith.muli %arg0, %mul3A_653 : i32
    %add3A_655 = arith.constant 6 : i32
    %add3A_656 = arith.addi %mul3A_654, %add3A_655 : i32
    %dma_wait3A_657 = arith.constant 8192 : i32
    %dma_wait3A_658 = tpu.memref_slice %arg2[%add3A_656, %dma_wait3A_657] : memref<26x16384xi32, #tpu.memory_space<hbm>> -> memref<1x8192xi32, #tpu.memory_space<hbm>>
    %dma_wait3A_659 = tpu.memref_squeeze %dma_wait3A_658 : memref<1x8192xi32, #tpu.memory_space<hbm>> -> memref<8192xi32, #tpu.memory_space<hbm>>
    %dma_wait3A_660 = arith.constant 8192 : i32
    %dma_wait3A_661 = tpu.memref_slice %arg2[%add3A_656, %dma_wait3A_660] : memref<26x16384xi32, #tpu.memory_space<hbm>> -> memref<1x8192xi32, #tpu.memory_space<hbm>>
    %dma_wait3A_662 = tpu.memref_squeeze %dma_wait3A_661 : memref<1x8192xi32, #tpu.memory_space<hbm>> -> memref<8192xi32, #tpu.memory_space<hbm>>
    tpu.wait_dma2 semaphore(%arg14 : memref<!tpu.dma_semaphore, #tpu.memory_space<semaphore_mem>>) src(%dma_wait3A_662 : memref<8192xi32, #tpu.memory_space<hbm>>) dst(%arg8 : memref<8192xi32, #tpu.memory_space<vmem>>)
    %mul3A_663 = arith.constant 13 : i32
    %mul3A_664 = arith.muli %arg0, %mul3A_663 : i32
    %add3A_665 = arith.constant 7 : i32
    %add3A_666 = arith.addi %mul3A_664, %add3A_665 : i32
    %dma_start3A_667 = arith.constant 0 : i32
    %dma_start3A_668 = tpu.memref_slice %arg2[%add3A_666, %dma_start3A_667] : memref<26x16384xi32, #tpu.memory_space<hbm>> -> memref<1x8192xi32, #tpu.memory_space<hbm>>
    %dma_start3A_669 = tpu.memref_squeeze %dma_start3A_668 : memref<1x8192xi32, #tpu.memory_space<hbm>> -> memref<8192xi32, #tpu.memory_space<hbm>>
    %dma_start3A_670 = arith.constant 0 : i32
    %dma_start3A_671 = tpu.memref_slice %arg2[%add3A_666, %dma_start3A_670] : memref<26x16384xi32, #tpu.memory_space<hbm>> -> memref<1x8192xi32, #tpu.memory_space<hbm>>
    %dma_start3A_672 = tpu.memref_squeeze %dma_start3A_671 : memref<1x8192xi32, #tpu.memory_space<hbm>> -> memref<8192xi32, #tpu.memory_space<hbm>>
    tpu.enqueue_dma source(%dma_start3A_672 : memref<8192xi32, #tpu.memory_space<hbm>>) target(%arg7 : memref<8192xi32, #tpu.memory_space<vmem>>) target_semaphore(%arg14 : memref<!tpu.dma_semaphore, #tpu.memory_space<semaphore_mem>>)
    %broadcast_in_dim3A_673 = arith.constant 0 : i32
    %broadcast_in_dim3A_674 = vector.broadcast %broadcast_in_dim3A_673 : i32 to vector<16xi32>
    %iota3A_675 = tpu.iota {dimensions = array<i32: 0>} : vector<16xi32>
    %scan3A_676 = arith.constant 0 : i32
    %scan3A_677 = arith.constant 512 : i32
    %scan3A_678 = arith.addi %scan3A_676, %scan3A_677 : i32
    %scan3A_679 = arith.constant 4 : i32
    scf.for %scan3A_1228 = %scan3A_676 to %scan3A_678 step %scan3A_679  : i32 {
      %mul3A_1229 = arith.constant 1 : i32
      %mul3A_1230 = arith.muli %scan3A_1228, %mul3A_1229 : i32
      %add3A_1231 = arith.constant 0 : i32
      %add3A_1232 = arith.addi %add3A_1231, %mul3A_1230 : i32
      %mul3A_1233 = arith.constant 16 : i32
      %mul3A_1234 = arith.muli %add3A_1232, %mul3A_1233 : i32
      %get3A = arith.index_cast %mul3A_1234 : i32 to index
      %get3A_1235 = tpu.vector_load %arg8[%get3A] {strides = array<i32>} : memref<8192xi32, #tpu.memory_space<vmem>>, vector<16xi32>,
      %gather3A = tpu.vector_load_idx %arg9[%broadcast_in_dim3A_674, %get3A_1235] : memref<313x128xf32, #tpu.memory_space<vmem>>[vector<16xi32>, vector<16xi32>], vector<16xf32>,
      %mul3A_1236 = arith.constant 16 : i32
      %mul3A_1237 = arith.muli %add3A_1232, %mul3A_1236 : i32
      %add3A_1238 = arith.constant 8192 : i32
      %add3A_1239 = arith.addi %add3A_1238, %mul3A_1237 : i32
      %add3A_1240 = vector.broadcast %add3A_1239 : i32 to vector<16xi32>
      %add3A_1241 = arith.addi %iota3A_675, %add3A_1240 : vector<16xi32>
      tpu.vector_store_idx %arg11[%add3A_1241], %gather3A {add = true} : memref<16384xf32, #tpu.memory_space<vmem>>[vector<16xi32>], vector<16xf32>,
      %mul3A_1242 = arith.mulf %gather3A, %gather3A : vector<16xf32>
      tpu.vector_store_idx %arg12[%add3A_1241], %mul3A_1242 {add = true} : memref<16384xf32, #tpu.memory_space<vmem>>[vector<16xi32>], vector<16xf32>,
      %scan3A_1243 = arith.constant 1 : i32
      %scan3A_1244 = arith.addi %scan3A_1228, %scan3A_1243 : i32
      %mul3A_1245 = arith.constant 1 : i32
      %mul3A_1246 = arith.muli %scan3A_1244, %mul3A_1245 : i32
      %add3A_1247 = arith.constant 0 : i32
      %add3A_1248 = arith.addi %add3A_1247, %mul3A_1246 : i32
      %mul3A_1249 = arith.constant 16 : i32
      %mul3A_1250 = arith.muli %add3A_1248, %mul3A_1249 : i32
      %get3A_1251 = arith.index_cast %mul3A_1250 : i32 to index
      %get3A_1252 = tpu.vector_load %arg8[%get3A_1251] {strides = array<i32>} : memref<8192xi32, #tpu.memory_space<vmem>>, vector<16xi32>,
      %gather3A_1253 = tpu.vector_load_idx %arg9[%broadcast_in_dim3A_674, %get3A_1252] : memref<313x128xf32, #tpu.memory_space<vmem>>[vector<16xi32>, vector<16xi32>], vector<16xf32>,
      %mul3A_1254 = arith.constant 16 : i32
      %mul3A_1255 = arith.muli %add3A_1248, %mul3A_1254 : i32
      %add3A_1256 = arith.constant 8192 : i32
      %add3A_1257 = arith.addi %add3A_1256, %mul3A_1255 : i32
      %add3A_1258 = vector.broadcast %add3A_1257 : i32 to vector<16xi32>
      %add3A_1259 = arith.addi %iota3A_675, %add3A_1258 : vector<16xi32>
      tpu.vector_store_idx %arg11[%add3A_1259], %gather3A_1253 {add = true} : memref<16384xf32, #tpu.memory_space<vmem>>[vector<16xi32>], vector<16xf32>,
      %mul3A_1260 = arith.mulf %gather3A_1253, %gather3A_1253 : vector<16xf32>
      tpu.vector_store_idx %arg12[%add3A_1259], %mul3A_1260 {add = true} : memref<16384xf32, #tpu.memory_space<vmem>>[vector<16xi32>], vector<16xf32>,
      %scan3A_1261 = arith.constant 2 : i32
      %scan3A_1262 = arith.addi %scan3A_1228, %scan3A_1261 : i32
      %mul3A_1263 = arith.constant 1 : i32
      %mul3A_1264 = arith.muli %scan3A_1262, %mul3A_1263 : i32
      %add3A_1265 = arith.constant 0 : i32
      %add3A_1266 = arith.addi %add3A_1265, %mul3A_1264 : i32
      %mul3A_1267 = arith.constant 16 : i32
      %mul3A_1268 = arith.muli %add3A_1266, %mul3A_1267 : i32
      %get3A_1269 = arith.index_cast %mul3A_1268 : i32 to index
      %get3A_1270 = tpu.vector_load %arg8[%get3A_1269] {strides = array<i32>} : memref<8192xi32, #tpu.memory_space<vmem>>, vector<16xi32>,
      %gather3A_1271 = tpu.vector_load_idx %arg9[%broadcast_in_dim3A_674, %get3A_1270] : memref<313x128xf32, #tpu.memory_space<vmem>>[vector<16xi32>, vector<16xi32>], vector<16xf32>,
      %mul3A_1272 = arith.constant 16 : i32
      %mul3A_1273 = arith.muli %add3A_1266, %mul3A_1272 : i32
      %add3A_1274 = arith.constant 8192 : i32
      %add3A_1275 = arith.addi %add3A_1274, %mul3A_1273 : i32
      %add3A_1276 = vector.broadcast %add3A_1275 : i32 to vector<16xi32>
      %add3A_1277 = arith.addi %iota3A_675, %add3A_1276 : vector<16xi32>
      tpu.vector_store_idx %arg11[%add3A_1277], %gather3A_1271 {add = true} : memref<16384xf32, #tpu.memory_space<vmem>>[vector<16xi32>], vector<16xf32>,
      %mul3A_1278 = arith.mulf %gather3A_1271, %gather3A_1271 : vector<16xf32>
      tpu.vector_store_idx %arg12[%add3A_1277], %mul3A_1278 {add = true} : memref<16384xf32, #tpu.memory_space<vmem>>[vector<16xi32>], vector<16xf32>,
      %scan3A_1279 = arith.constant 3 : i32
      %scan3A_1280 = arith.addi %scan3A_1228, %scan3A_1279 : i32
      %mul3A_1281 = arith.constant 1 : i32
      %mul3A_1282 = arith.muli %scan3A_1280, %mul3A_1281 : i32
      %add3A_1283 = arith.constant 0 : i32
      %add3A_1284 = arith.addi %add3A_1283, %mul3A_1282 : i32
      %mul3A_1285 = arith.constant 16 : i32
      %mul3A_1286 = arith.muli %add3A_1284, %mul3A_1285 : i32
      %get3A_1287 = arith.index_cast %mul3A_1286 : i32 to index
      %get3A_1288 = tpu.vector_load %arg8[%get3A_1287] {strides = array<i32>} : memref<8192xi32, #tpu.memory_space<vmem>>, vector<16xi32>,
      %gather3A_1289 = tpu.vector_load_idx %arg9[%broadcast_in_dim3A_674, %get3A_1288] : memref<313x128xf32, #tpu.memory_space<vmem>>[vector<16xi32>, vector<16xi32>], vector<16xf32>,
      %mul3A_1290 = arith.constant 16 : i32
      %mul3A_1291 = arith.muli %add3A_1284, %mul3A_1290 : i32
      %add3A_1292 = arith.constant 8192 : i32
      %add3A_1293 = arith.addi %add3A_1292, %mul3A_1291 : i32
      %add3A_1294 = vector.broadcast %add3A_1293 : i32 to vector<16xi32>
      %add3A_1295 = arith.addi %iota3A_675, %add3A_1294 : vector<16xi32>
      tpu.vector_store_idx %arg11[%add3A_1295], %gather3A_1289 {add = true} : memref<16384xf32, #tpu.memory_space<vmem>>[vector<16xi32>], vector<16xf32>,
      %mul3A_1296 = arith.mulf %gather3A_1289, %gather3A_1289 : vector<16xf32>
      tpu.vector_store_idx %arg12[%add3A_1295], %mul3A_1296 {add = true} : memref<16384xf32, #tpu.memory_space<vmem>>[vector<16xi32>], vector<16xf32>,
    }
    %scan3A_680 = arith.constant 512 : i32
    %mul3A_681 = arith.constant 13 : i32
    %mul3A_682 = arith.muli %arg0, %mul3A_681 : i32
    %add3A_683 = arith.constant 7 : i32
    %add3A_684 = arith.addi %mul3A_682, %add3A_683 : i32
    %mul3A_685 = arith.constant 40000 : i32
    %mul3A_686 = arith.muli %add3A_684, %mul3A_685 : i32
    %shift_right_arithmetic3A_687 = arith.constant 3 : i32
    %shift_right_arithmetic3A_688 = arith.shrsi %arg1, %shift_right_arithmetic3A_687 : i32
    %mul3A_689 = arith.constant 8125 : i32
    %mul3A_690 = arith.muli %shift_right_arithmetic3A_688, %mul3A_689 : i32
    %shift_right_arithmetic3A_691 = arith.constant 7 : i32
    %shift_right_arithmetic3A_692 = arith.shrsi %mul3A_686, %shift_right_arithmetic3A_691 : i32
    %add3A_693 = arith.addi %mul3A_690, %shift_right_arithmetic3A_692 : i32
    %and3A_694 = arith.constant 7 : i32
    %and3A_695 = arith.andi %arg1, %and3A_694 : i32
    %mul3A_696 = arith.constant 128 : i32
    %mul3A_697 = arith.muli %and3A_695, %mul3A_696 : i32
    %dma_wait3A_698 = tpu.memref_slice %arg3[%add3A_693, %mul3A_697] : memref<16250x1024xf32, #tpu.memory_space<hbm>> -> memref<313x128xf32, #tpu.memory_space<hbm>>
    %dma_wait3A_699 = tpu.memref_slice %arg3[%add3A_693, %mul3A_697] : memref<16250x1024xf32, #tpu.memory_space<hbm>> -> memref<313x128xf32, #tpu.memory_space<hbm>>
    tpu.wait_dma2 semaphore(%arg13 : memref<!tpu.dma_semaphore, #tpu.memory_space<semaphore_mem>>) src(%dma_wait3A_699 : memref<313x128xf32, #tpu.memory_space<hbm>>) dst(%arg10 : memref<313x128xf32, #tpu.memory_space<vmem>>)
    %mul3A_700 = arith.constant 13 : i32
    %mul3A_701 = arith.muli %arg0, %mul3A_700 : i32
    %add3A_702 = arith.constant 8 : i32
    %add3A_703 = arith.addi %mul3A_701, %add3A_702 : i32
    %mul3A_704 = arith.constant 40000 : i32
    %mul3A_705 = arith.muli %add3A_703, %mul3A_704 : i32
    %shift_right_arithmetic3A_706 = arith.constant 3 : i32
    %shift_right_arithmetic3A_707 = arith.shrsi %arg1, %shift_right_arithmetic3A_706 : i32
    %mul3A_708 = arith.constant 8125 : i32
    %mul3A_709 = arith.muli %shift_right_arithmetic3A_707, %mul3A_708 : i32
    %shift_right_arithmetic3A_710 = arith.constant 7 : i32
    %shift_right_arithmetic3A_711 = arith.shrsi %mul3A_705, %shift_right_arithmetic3A_710 : i32
    %add3A_712 = arith.addi %mul3A_709, %shift_right_arithmetic3A_711 : i32
    %and3A_713 = arith.constant 7 : i32
    %and3A_714 = arith.andi %arg1, %and3A_713 : i32
    %mul3A_715 = arith.constant 128 : i32
    %mul3A_716 = arith.muli %and3A_714, %mul3A_715 : i32
    %dma_start3A_717 = tpu.memref_slice %arg3[%add3A_712, %mul3A_716] : memref<16250x1024xf32, #tpu.memory_space<hbm>> -> memref<313x128xf32, #tpu.memory_space<hbm>>
    %dma_start3A_718 = tpu.memref_slice %arg3[%add3A_712, %mul3A_716] : memref<16250x1024xf32, #tpu.memory_space<hbm>> -> memref<313x128xf32, #tpu.memory_space<hbm>>
    tpu.enqueue_dma source(%dma_start3A_718 : memref<313x128xf32, #tpu.memory_space<hbm>>) target(%arg9 : memref<313x128xf32, #tpu.memory_space<vmem>>) target_semaphore(%arg13 : memref<!tpu.dma_semaphore, #tpu.memory_space<semaphore_mem>>)
    %mul3A_719 = arith.constant 13 : i32
    %mul3A_720 = arith.muli %arg0, %mul3A_719 : i32
    %add3A_721 = arith.constant 7 : i32
    %add3A_722 = arith.addi %mul3A_720, %add3A_721 : i32
    %dma_wait3A_723 = arith.constant 0 : i32
    %dma_wait3A_724 = tpu.memref_slice %arg2[%add3A_722, %dma_wait3A_723] : memref<26x16384xi32, #tpu.memory_space<hbm>> -> memref<1x8192xi32, #tpu.memory_space<hbm>>
    %dma_wait3A_725 = tpu.memref_squeeze %dma_wait3A_724 : memref<1x8192xi32, #tpu.memory_space<hbm>> -> memref<8192xi32, #tpu.memory_space<hbm>>
    %dma_wait3A_726 = arith.constant 0 : i32
    %dma_wait3A_727 = tpu.memref_slice %arg2[%add3A_722, %dma_wait3A_726] : memref<26x16384xi32, #tpu.memory_space<hbm>> -> memref<1x8192xi32, #tpu.memory_space<hbm>>
    %dma_wait3A_728 = tpu.memref_squeeze %dma_wait3A_727 : memref<1x8192xi32, #tpu.memory_space<hbm>> -> memref<8192xi32, #tpu.memory_space<hbm>>
    tpu.wait_dma2 semaphore(%arg14 : memref<!tpu.dma_semaphore, #tpu.memory_space<semaphore_mem>>) src(%dma_wait3A_728 : memref<8192xi32, #tpu.memory_space<hbm>>) dst(%arg7 : memref<8192xi32, #tpu.memory_space<vmem>>)
    %mul3A_729 = arith.constant 13 : i32
    %mul3A_730 = arith.muli %arg0, %mul3A_729 : i32
    %add3A_731 = arith.constant 7 : i32
    %add3A_732 = arith.addi %mul3A_730, %add3A_731 : i32
    %dma_start3A_733 = arith.constant 8192 : i32
    %dma_start3A_734 = tpu.memref_slice %arg2[%add3A_732, %dma_start3A_733] : memref<26x16384xi32, #tpu.memory_space<hbm>> -> memref<1x8192xi32, #tpu.memory_space<hbm>>
    %dma_start3A_735 = tpu.memref_squeeze %dma_start3A_734 : memref<1x8192xi32, #tpu.memory_space<hbm>> -> memref<8192xi32, #tpu.memory_space<hbm>>
    %dma_start3A_736 = arith.constant 8192 : i32
    %dma_start3A_737 = tpu.memref_slice %arg2[%add3A_732, %dma_start3A_736] : memref<26x16384xi32, #tpu.memory_space<hbm>> -> memref<1x8192xi32, #tpu.memory_space<hbm>>
    %dma_start3A_738 = tpu.memref_squeeze %dma_start3A_737 : memref<1x8192xi32, #tpu.memory_space<hbm>> -> memref<8192xi32, #tpu.memory_space<hbm>>
    tpu.enqueue_dma source(%dma_start3A_738 : memref<8192xi32, #tpu.memory_space<hbm>>) target(%arg8 : memref<8192xi32, #tpu.memory_space<vmem>>) target_semaphore(%arg14 : memref<!tpu.dma_semaphore, #tpu.memory_space<semaphore_mem>>)
    %broadcast_in_dim3A_739 = arith.constant 0 : i32
    %broadcast_in_dim3A_740 = vector.broadcast %broadcast_in_dim3A_739 : i32 to vector<16xi32>
    %iota3A_741 = tpu.iota {dimensions = array<i32: 0>} : vector<16xi32>
    %scan3A_742 = arith.constant 0 : i32
    %scan3A_743 = arith.constant 512 : i32
    %scan3A_744 = arith.addi %scan3A_742, %scan3A_743 : i32
    %scan3A_745 = arith.constant 4 : i32
    scf.for %scan3A_1228 = %scan3A_742 to %scan3A_744 step %scan3A_745  : i32 {
      %mul3A_1229 = arith.constant 1 : i32
      %mul3A_1230 = arith.muli %scan3A_1228, %mul3A_1229 : i32
      %add3A_1231 = arith.constant 0 : i32
      %add3A_1232 = arith.addi %add3A_1231, %mul3A_1230 : i32
      %mul3A_1233 = arith.constant 16 : i32
      %mul3A_1234 = arith.muli %add3A_1232, %mul3A_1233 : i32
      %get3A = arith.index_cast %mul3A_1234 : i32 to index
      %get3A_1235 = tpu.vector_load %arg7[%get3A] {strides = array<i32>} : memref<8192xi32, #tpu.memory_space<vmem>>, vector<16xi32>,
      %gather3A = tpu.vector_load_idx %arg10[%broadcast_in_dim3A_740, %get3A_1235] : memref<313x128xf32, #tpu.memory_space<vmem>>[vector<16xi32>, vector<16xi32>], vector<16xf32>,
      %mul3A_1236 = arith.constant 16 : i32
      %mul3A_1237 = arith.muli %add3A_1232, %mul3A_1236 : i32
      %add3A_1238 = arith.constant 0 : i32
      %add3A_1239 = arith.addi %add3A_1238, %mul3A_1237 : i32
      %add3A_1240 = vector.broadcast %add3A_1239 : i32 to vector<16xi32>
      %add3A_1241 = arith.addi %iota3A_741, %add3A_1240 : vector<16xi32>
      tpu.vector_store_idx %arg11[%add3A_1241], %gather3A {add = true} : memref<16384xf32, #tpu.memory_space<vmem>>[vector<16xi32>], vector<16xf32>,
      %mul3A_1242 = arith.mulf %gather3A, %gather3A : vector<16xf32>
      tpu.vector_store_idx %arg12[%add3A_1241], %mul3A_1242 {add = true} : memref<16384xf32, #tpu.memory_space<vmem>>[vector<16xi32>], vector<16xf32>,
      %scan3A_1243 = arith.constant 1 : i32
      %scan3A_1244 = arith.addi %scan3A_1228, %scan3A_1243 : i32
      %mul3A_1245 = arith.constant 1 : i32
      %mul3A_1246 = arith.muli %scan3A_1244, %mul3A_1245 : i32
      %add3A_1247 = arith.constant 0 : i32
      %add3A_1248 = arith.addi %add3A_1247, %mul3A_1246 : i32
      %mul3A_1249 = arith.constant 16 : i32
      %mul3A_1250 = arith.muli %add3A_1248, %mul3A_1249 : i32
      %get3A_1251 = arith.index_cast %mul3A_1250 : i32 to index
      %get3A_1252 = tpu.vector_load %arg7[%get3A_1251] {strides = array<i32>} : memref<8192xi32, #tpu.memory_space<vmem>>, vector<16xi32>,
      %gather3A_1253 = tpu.vector_load_idx %arg10[%broadcast_in_dim3A_740, %get3A_1252] : memref<313x128xf32, #tpu.memory_space<vmem>>[vector<16xi32>, vector<16xi32>], vector<16xf32>,
      %mul3A_1254 = arith.constant 16 : i32
      %mul3A_1255 = arith.muli %add3A_1248, %mul3A_1254 : i32
      %add3A_1256 = arith.constant 0 : i32
      %add3A_1257 = arith.addi %add3A_1256, %mul3A_1255 : i32
      %add3A_1258 = vector.broadcast %add3A_1257 : i32 to vector<16xi32>
      %add3A_1259 = arith.addi %iota3A_741, %add3A_1258 : vector<16xi32>
      tpu.vector_store_idx %arg11[%add3A_1259], %gather3A_1253 {add = true} : memref<16384xf32, #tpu.memory_space<vmem>>[vector<16xi32>], vector<16xf32>,
      %mul3A_1260 = arith.mulf %gather3A_1253, %gather3A_1253 : vector<16xf32>
      tpu.vector_store_idx %arg12[%add3A_1259], %mul3A_1260 {add = true} : memref<16384xf32, #tpu.memory_space<vmem>>[vector<16xi32>], vector<16xf32>,
      %scan3A_1261 = arith.constant 2 : i32
      %scan3A_1262 = arith.addi %scan3A_1228, %scan3A_1261 : i32
      %mul3A_1263 = arith.constant 1 : i32
      %mul3A_1264 = arith.muli %scan3A_1262, %mul3A_1263 : i32
      %add3A_1265 = arith.constant 0 : i32
      %add3A_1266 = arith.addi %add3A_1265, %mul3A_1264 : i32
      %mul3A_1267 = arith.constant 16 : i32
      %mul3A_1268 = arith.muli %add3A_1266, %mul3A_1267 : i32
      %get3A_1269 = arith.index_cast %mul3A_1268 : i32 to index
      %get3A_1270 = tpu.vector_load %arg7[%get3A_1269] {strides = array<i32>} : memref<8192xi32, #tpu.memory_space<vmem>>, vector<16xi32>,
      %gather3A_1271 = tpu.vector_load_idx %arg10[%broadcast_in_dim3A_740, %get3A_1270] : memref<313x128xf32, #tpu.memory_space<vmem>>[vector<16xi32>, vector<16xi32>], vector<16xf32>,
      %mul3A_1272 = arith.constant 16 : i32
      %mul3A_1273 = arith.muli %add3A_1266, %mul3A_1272 : i32
      %add3A_1274 = arith.constant 0 : i32
      %add3A_1275 = arith.addi %add3A_1274, %mul3A_1273 : i32
      %add3A_1276 = vector.broadcast %add3A_1275 : i32 to vector<16xi32>
      %add3A_1277 = arith.addi %iota3A_741, %add3A_1276 : vector<16xi32>
      tpu.vector_store_idx %arg11[%add3A_1277], %gather3A_1271 {add = true} : memref<16384xf32, #tpu.memory_space<vmem>>[vector<16xi32>], vector<16xf32>,
      %mul3A_1278 = arith.mulf %gather3A_1271, %gather3A_1271 : vector<16xf32>
      tpu.vector_store_idx %arg12[%add3A_1277], %mul3A_1278 {add = true} : memref<16384xf32, #tpu.memory_space<vmem>>[vector<16xi32>], vector<16xf32>,
      %scan3A_1279 = arith.constant 3 : i32
      %scan3A_1280 = arith.addi %scan3A_1228, %scan3A_1279 : i32
      %mul3A_1281 = arith.constant 1 : i32
      %mul3A_1282 = arith.muli %scan3A_1280, %mul3A_1281 : i32
      %add3A_1283 = arith.constant 0 : i32
      %add3A_1284 = arith.addi %add3A_1283, %mul3A_1282 : i32
      %mul3A_1285 = arith.constant 16 : i32
      %mul3A_1286 = arith.muli %add3A_1284, %mul3A_1285 : i32
      %get3A_1287 = arith.index_cast %mul3A_1286 : i32 to index
      %get3A_1288 = tpu.vector_load %arg7[%get3A_1287] {strides = array<i32>} : memref<8192xi32, #tpu.memory_space<vmem>>, vector<16xi32>,
      %gather3A_1289 = tpu.vector_load_idx %arg10[%broadcast_in_dim3A_740, %get3A_1288] : memref<313x128xf32, #tpu.memory_space<vmem>>[vector<16xi32>, vector<16xi32>], vector<16xf32>,
      %mul3A_1290 = arith.constant 16 : i32
      %mul3A_1291 = arith.muli %add3A_1284, %mul3A_1290 : i32
      %add3A_1292 = arith.constant 0 : i32
      %add3A_1293 = arith.addi %add3A_1292, %mul3A_1291 : i32
      %add3A_1294 = vector.broadcast %add3A_1293 : i32 to vector<16xi32>
      %add3A_1295 = arith.addi %iota3A_741, %add3A_1294 : vector<16xi32>
      tpu.vector_store_idx %arg11[%add3A_1295], %gather3A_1289 {add = true} : memref<16384xf32, #tpu.memory_space<vmem>>[vector<16xi32>], vector<16xf32>,
      %mul3A_1296 = arith.mulf %gather3A_1289, %gather3A_1289 : vector<16xf32>
      tpu.vector_store_idx %arg12[%add3A_1295], %mul3A_1296 {add = true} : memref<16384xf32, #tpu.memory_space<vmem>>[vector<16xi32>], vector<16xf32>,
    }
    %scan3A_746 = arith.constant 512 : i32
    %mul3A_747 = arith.constant 13 : i32
    %mul3A_748 = arith.muli %arg0, %mul3A_747 : i32
    %add3A_749 = arith.constant 7 : i32
    %add3A_750 = arith.addi %mul3A_748, %add3A_749 : i32
    %dma_wait3A_751 = arith.constant 8192 : i32
    %dma_wait3A_752 = tpu.memref_slice %arg2[%add3A_750, %dma_wait3A_751] : memref<26x16384xi32, #tpu.memory_space<hbm>> -> memref<1x8192xi32, #tpu.memory_space<hbm>>
    %dma_wait3A_753 = tpu.memref_squeeze %dma_wait3A_752 : memref<1x8192xi32, #tpu.memory_space<hbm>> -> memref<8192xi32, #tpu.memory_space<hbm>>
    %dma_wait3A_754 = arith.constant 8192 : i32
    %dma_wait3A_755 = tpu.memref_slice %arg2[%add3A_750, %dma_wait3A_754] : memref<26x16384xi32, #tpu.memory_space<hbm>> -> memref<1x8192xi32, #tpu.memory_space<hbm>>
    %dma_wait3A_756 = tpu.memref_squeeze %dma_wait3A_755 : memref<1x8192xi32, #tpu.memory_space<hbm>> -> memref<8192xi32, #tpu.memory_space<hbm>>
    tpu.wait_dma2 semaphore(%arg14 : memref<!tpu.dma_semaphore, #tpu.memory_space<semaphore_mem>>) src(%dma_wait3A_756 : memref<8192xi32, #tpu.memory_space<hbm>>) dst(%arg8 : memref<8192xi32, #tpu.memory_space<vmem>>)
    %mul3A_757 = arith.constant 13 : i32
    %mul3A_758 = arith.muli %arg0, %mul3A_757 : i32
    %add3A_759 = arith.constant 8 : i32
    %add3A_760 = arith.addi %mul3A_758, %add3A_759 : i32
    %dma_start3A_761 = arith.constant 0 : i32
    %dma_start3A_762 = tpu.memref_slice %arg2[%add3A_760, %dma_start3A_761] : memref<26x16384xi32, #tpu.memory_space<hbm>> -> memref<1x8192xi32, #tpu.memory_space<hbm>>
    %dma_start3A_763 = tpu.memref_squeeze %dma_start3A_762 : memref<1x8192xi32, #tpu.memory_space<hbm>> -> memref<8192xi32, #tpu.memory_space<hbm>>
    %dma_start3A_764 = arith.constant 0 : i32
    %dma_start3A_765 = tpu.memref_slice %arg2[%add3A_760, %dma_start3A_764] : memref<26x16384xi32, #tpu.memory_space<hbm>> -> memref<1x8192xi32, #tpu.memory_space<hbm>>
    %dma_start3A_766 = tpu.memref_squeeze %dma_start3A_765 : memref<1x8192xi32, #tpu.memory_space<hbm>> -> memref<8192xi32, #tpu.memory_space<hbm>>
    tpu.enqueue_dma source(%dma_start3A_766 : memref<8192xi32, #tpu.memory_space<hbm>>) target(%arg7 : memref<8192xi32, #tpu.memory_space<vmem>>) target_semaphore(%arg14 : memref<!tpu.dma_semaphore, #tpu.memory_space<semaphore_mem>>)
    %broadcast_in_dim3A_767 = arith.constant 0 : i32
    %broadcast_in_dim3A_768 = vector.broadcast %broadcast_in_dim3A_767 : i32 to vector<16xi32>
    %iota3A_769 = tpu.iota {dimensions = array<i32: 0>} : vector<16xi32>
    %scan3A_770 = arith.constant 0 : i32
    %scan3A_771 = arith.constant 512 : i32
    %scan3A_772 = arith.addi %scan3A_770, %scan3A_771 : i32
    %scan3A_773 = arith.constant 4 : i32
    scf.for %scan3A_1228 = %scan3A_770 to %scan3A_772 step %scan3A_773  : i32 {
      %mul3A_1229 = arith.constant 1 : i32
      %mul3A_1230 = arith.muli %scan3A_1228, %mul3A_1229 : i32
      %add3A_1231 = arith.constant 0 : i32
      %add3A_1232 = arith.addi %add3A_1231, %mul3A_1230 : i32
      %mul3A_1233 = arith.constant 16 : i32
      %mul3A_1234 = arith.muli %add3A_1232, %mul3A_1233 : i32
      %get3A = arith.index_cast %mul3A_1234 : i32 to index
      %get3A_1235 = tpu.vector_load %arg8[%get3A] {strides = array<i32>} : memref<8192xi32, #tpu.memory_space<vmem>>, vector<16xi32>,
      %gather3A = tpu.vector_load_idx %arg10[%broadcast_in_dim3A_768, %get3A_1235] : memref<313x128xf32, #tpu.memory_space<vmem>>[vector<16xi32>, vector<16xi32>], vector<16xf32>,
      %mul3A_1236 = arith.constant 16 : i32
      %mul3A_1237 = arith.muli %add3A_1232, %mul3A_1236 : i32
      %add3A_1238 = arith.constant 8192 : i32
      %add3A_1239 = arith.addi %add3A_1238, %mul3A_1237 : i32
      %add3A_1240 = vector.broadcast %add3A_1239 : i32 to vector<16xi32>
      %add3A_1241 = arith.addi %iota3A_769, %add3A_1240 : vector<16xi32>
      tpu.vector_store_idx %arg11[%add3A_1241], %gather3A {add = true} : memref<16384xf32, #tpu.memory_space<vmem>>[vector<16xi32>], vector<16xf32>,
      %mul3A_1242 = arith.mulf %gather3A, %gather3A : vector<16xf32>
      tpu.vector_store_idx %arg12[%add3A_1241], %mul3A_1242 {add = true} : memref<16384xf32, #tpu.memory_space<vmem>>[vector<16xi32>], vector<16xf32>,
      %scan3A_1243 = arith.constant 1 : i32
      %scan3A_1244 = arith.addi %scan3A_1228, %scan3A_1243 : i32
      %mul3A_1245 = arith.constant 1 : i32
      %mul3A_1246 = arith.muli %scan3A_1244, %mul3A_1245 : i32
      %add3A_1247 = arith.constant 0 : i32
      %add3A_1248 = arith.addi %add3A_1247, %mul3A_1246 : i32
      %mul3A_1249 = arith.constant 16 : i32
      %mul3A_1250 = arith.muli %add3A_1248, %mul3A_1249 : i32
      %get3A_1251 = arith.index_cast %mul3A_1250 : i32 to index
      %get3A_1252 = tpu.vector_load %arg8[%get3A_1251] {strides = array<i32>} : memref<8192xi32, #tpu.memory_space<vmem>>, vector<16xi32>,
      %gather3A_1253 = tpu.vector_load_idx %arg10[%broadcast_in_dim3A_768, %get3A_1252] : memref<313x128xf32, #tpu.memory_space<vmem>>[vector<16xi32>, vector<16xi32>], vector<16xf32>,
      %mul3A_1254 = arith.constant 16 : i32
      %mul3A_1255 = arith.muli %add3A_1248, %mul3A_1254 : i32
      %add3A_1256 = arith.constant 8192 : i32
      %add3A_1257 = arith.addi %add3A_1256, %mul3A_1255 : i32
      %add3A_1258 = vector.broadcast %add3A_1257 : i32 to vector<16xi32>
      %add3A_1259 = arith.addi %iota3A_769, %add3A_1258 : vector<16xi32>
      tpu.vector_store_idx %arg11[%add3A_1259], %gather3A_1253 {add = true} : memref<16384xf32, #tpu.memory_space<vmem>>[vector<16xi32>], vector<16xf32>,
      %mul3A_1260 = arith.mulf %gather3A_1253, %gather3A_1253 : vector<16xf32>
      tpu.vector_store_idx %arg12[%add3A_1259], %mul3A_1260 {add = true} : memref<16384xf32, #tpu.memory_space<vmem>>[vector<16xi32>], vector<16xf32>,
      %scan3A_1261 = arith.constant 2 : i32
      %scan3A_1262 = arith.addi %scan3A_1228, %scan3A_1261 : i32
      %mul3A_1263 = arith.constant 1 : i32
      %mul3A_1264 = arith.muli %scan3A_1262, %mul3A_1263 : i32
      %add3A_1265 = arith.constant 0 : i32
      %add3A_1266 = arith.addi %add3A_1265, %mul3A_1264 : i32
      %mul3A_1267 = arith.constant 16 : i32
      %mul3A_1268 = arith.muli %add3A_1266, %mul3A_1267 : i32
      %get3A_1269 = arith.index_cast %mul3A_1268 : i32 to index
      %get3A_1270 = tpu.vector_load %arg8[%get3A_1269] {strides = array<i32>} : memref<8192xi32, #tpu.memory_space<vmem>>, vector<16xi32>,
      %gather3A_1271 = tpu.vector_load_idx %arg10[%broadcast_in_dim3A_768, %get3A_1270] : memref<313x128xf32, #tpu.memory_space<vmem>>[vector<16xi32>, vector<16xi32>], vector<16xf32>,
      %mul3A_1272 = arith.constant 16 : i32
      %mul3A_1273 = arith.muli %add3A_1266, %mul3A_1272 : i32
      %add3A_1274 = arith.constant 8192 : i32
      %add3A_1275 = arith.addi %add3A_1274, %mul3A_1273 : i32
      %add3A_1276 = vector.broadcast %add3A_1275 : i32 to vector<16xi32>
      %add3A_1277 = arith.addi %iota3A_769, %add3A_1276 : vector<16xi32>
      tpu.vector_store_idx %arg11[%add3A_1277], %gather3A_1271 {add = true} : memref<16384xf32, #tpu.memory_space<vmem>>[vector<16xi32>], vector<16xf32>,
      %mul3A_1278 = arith.mulf %gather3A_1271, %gather3A_1271 : vector<16xf32>
      tpu.vector_store_idx %arg12[%add3A_1277], %mul3A_1278 {add = true} : memref<16384xf32, #tpu.memory_space<vmem>>[vector<16xi32>], vector<16xf32>,
      %scan3A_1279 = arith.constant 3 : i32
      %scan3A_1280 = arith.addi %scan3A_1228, %scan3A_1279 : i32
      %mul3A_1281 = arith.constant 1 : i32
      %mul3A_1282 = arith.muli %scan3A_1280, %mul3A_1281 : i32
      %add3A_1283 = arith.constant 0 : i32
      %add3A_1284 = arith.addi %add3A_1283, %mul3A_1282 : i32
      %mul3A_1285 = arith.constant 16 : i32
      %mul3A_1286 = arith.muli %add3A_1284, %mul3A_1285 : i32
      %get3A_1287 = arith.index_cast %mul3A_1286 : i32 to index
      %get3A_1288 = tpu.vector_load %arg8[%get3A_1287] {strides = array<i32>} : memref<8192xi32, #tpu.memory_space<vmem>>, vector<16xi32>,
      %gather3A_1289 = tpu.vector_load_idx %arg10[%broadcast_in_dim3A_768, %get3A_1288] : memref<313x128xf32, #tpu.memory_space<vmem>>[vector<16xi32>, vector<16xi32>], vector<16xf32>,
      %mul3A_1290 = arith.constant 16 : i32
      %mul3A_1291 = arith.muli %add3A_1284, %mul3A_1290 : i32
      %add3A_1292 = arith.constant 8192 : i32
      %add3A_1293 = arith.addi %add3A_1292, %mul3A_1291 : i32
      %add3A_1294 = vector.broadcast %add3A_1293 : i32 to vector<16xi32>
      %add3A_1295 = arith.addi %iota3A_769, %add3A_1294 : vector<16xi32>
      tpu.vector_store_idx %arg11[%add3A_1295], %gather3A_1289 {add = true} : memref<16384xf32, #tpu.memory_space<vmem>>[vector<16xi32>], vector<16xf32>,
      %mul3A_1296 = arith.mulf %gather3A_1289, %gather3A_1289 : vector<16xf32>
      tpu.vector_store_idx %arg12[%add3A_1295], %mul3A_1296 {add = true} : memref<16384xf32, #tpu.memory_space<vmem>>[vector<16xi32>], vector<16xf32>,
    }
    %scan3A_774 = arith.constant 512 : i32
    %mul3A_775 = arith.constant 13 : i32
    %mul3A_776 = arith.muli %arg0, %mul3A_775 : i32
    %add3A_777 = arith.constant 8 : i32
    %add3A_778 = arith.addi %mul3A_776, %add3A_777 : i32
    %mul3A_779 = arith.constant 40000 : i32
    %mul3A_780 = arith.muli %add3A_778, %mul3A_779 : i32
    %shift_right_arithmetic3A_781 = arith.constant 3 : i32
    %shift_right_arithmetic3A_782 = arith.shrsi %arg1, %shift_right_arithmetic3A_781 : i32
    %mul3A_783 = arith.constant 8125 : i32
    %mul3A_784 = arith.muli %shift_right_arithmetic3A_782, %mul3A_783 : i32
    %shift_right_arithmetic3A_785 = arith.constant 7 : i32
    %shift_right_arithmetic3A_786 = arith.shrsi %mul3A_780, %shift_right_arithmetic3A_785 : i32
    %add3A_787 = arith.addi %mul3A_784, %shift_right_arithmetic3A_786 : i32
    %and3A_788 = arith.constant 7 : i32
    %and3A_789 = arith.andi %arg1, %and3A_788 : i32
    %mul3A_790 = arith.constant 128 : i32
    %mul3A_791 = arith.muli %and3A_789, %mul3A_790 : i32
    %dma_wait3A_792 = tpu.memref_slice %arg3[%add3A_787, %mul3A_791] : memref<16250x1024xf32, #tpu.memory_space<hbm>> -> memref<313x128xf32, #tpu.memory_space<hbm>>
    %dma_wait3A_793 = tpu.memref_slice %arg3[%add3A_787, %mul3A_791] : memref<16250x1024xf32, #tpu.memory_space<hbm>> -> memref<313x128xf32, #tpu.memory_space<hbm>>
    tpu.wait_dma2 semaphore(%arg13 : memref<!tpu.dma_semaphore, #tpu.memory_space<semaphore_mem>>) src(%dma_wait3A_793 : memref<313x128xf32, #tpu.memory_space<hbm>>) dst(%arg9 : memref<313x128xf32, #tpu.memory_space<vmem>>)
    %mul3A_794 = arith.constant 13 : i32
    %mul3A_795 = arith.muli %arg0, %mul3A_794 : i32
    %add3A_796 = arith.constant 9 : i32
    %add3A_797 = arith.addi %mul3A_795, %add3A_796 : i32
    %mul3A_798 = arith.constant 40000 : i32
    %mul3A_799 = arith.muli %add3A_797, %mul3A_798 : i32
    %shift_right_arithmetic3A_800 = arith.constant 3 : i32
    %shift_right_arithmetic3A_801 = arith.shrsi %arg1, %shift_right_arithmetic3A_800 : i32
    %mul3A_802 = arith.constant 8125 : i32
    %mul3A_803 = arith.muli %shift_right_arithmetic3A_801, %mul3A_802 : i32
    %shift_right_arithmetic3A_804 = arith.constant 7 : i32
    %shift_right_arithmetic3A_805 = arith.shrsi %mul3A_799, %shift_right_arithmetic3A_804 : i32
    %add3A_806 = arith.addi %mul3A_803, %shift_right_arithmetic3A_805 : i32
    %and3A_807 = arith.constant 7 : i32
    %and3A_808 = arith.andi %arg1, %and3A_807 : i32
    %mul3A_809 = arith.constant 128 : i32
    %mul3A_810 = arith.muli %and3A_808, %mul3A_809 : i32
    %dma_start3A_811 = tpu.memref_slice %arg3[%add3A_806, %mul3A_810] : memref<16250x1024xf32, #tpu.memory_space<hbm>> -> memref<313x128xf32, #tpu.memory_space<hbm>>
    %dma_start3A_812 = tpu.memref_slice %arg3[%add3A_806, %mul3A_810] : memref<16250x1024xf32, #tpu.memory_space<hbm>> -> memref<313x128xf32, #tpu.memory_space<hbm>>
    tpu.enqueue_dma source(%dma_start3A_812 : memref<313x128xf32, #tpu.memory_space<hbm>>) target(%arg10 : memref<313x128xf32, #tpu.memory_space<vmem>>) target_semaphore(%arg13 : memref<!tpu.dma_semaphore, #tpu.memory_space<semaphore_mem>>)
    %mul3A_813 = arith.constant 13 : i32
    %mul3A_814 = arith.muli %arg0, %mul3A_813 : i32
    %add3A_815 = arith.constant 8 : i32
    %add3A_816 = arith.addi %mul3A_814, %add3A_815 : i32
    %dma_wait3A_817 = arith.constant 0 : i32
    %dma_wait3A_818 = tpu.memref_slice %arg2[%add3A_816, %dma_wait3A_817] : memref<26x16384xi32, #tpu.memory_space<hbm>> -> memref<1x8192xi32, #tpu.memory_space<hbm>>
    %dma_wait3A_819 = tpu.memref_squeeze %dma_wait3A_818 : memref<1x8192xi32, #tpu.memory_space<hbm>> -> memref<8192xi32, #tpu.memory_space<hbm>>
    %dma_wait3A_820 = arith.constant 0 : i32
    %dma_wait3A_821 = tpu.memref_slice %arg2[%add3A_816, %dma_wait3A_820] : memref<26x16384xi32, #tpu.memory_space<hbm>> -> memref<1x8192xi32, #tpu.memory_space<hbm>>
    %dma_wait3A_822 = tpu.memref_squeeze %dma_wait3A_821 : memref<1x8192xi32, #tpu.memory_space<hbm>> -> memref<8192xi32, #tpu.memory_space<hbm>>
    tpu.wait_dma2 semaphore(%arg14 : memref<!tpu.dma_semaphore, #tpu.memory_space<semaphore_mem>>) src(%dma_wait3A_822 : memref<8192xi32, #tpu.memory_space<hbm>>) dst(%arg7 : memref<8192xi32, #tpu.memory_space<vmem>>)
    %mul3A_823 = arith.constant 13 : i32
    %mul3A_824 = arith.muli %arg0, %mul3A_823 : i32
    %add3A_825 = arith.constant 8 : i32
    %add3A_826 = arith.addi %mul3A_824, %add3A_825 : i32
    %dma_start3A_827 = arith.constant 8192 : i32
    %dma_start3A_828 = tpu.memref_slice %arg2[%add3A_826, %dma_start3A_827] : memref<26x16384xi32, #tpu.memory_space<hbm>> -> memref<1x8192xi32, #tpu.memory_space<hbm>>
    %dma_start3A_829 = tpu.memref_squeeze %dma_start3A_828 : memref<1x8192xi32, #tpu.memory_space<hbm>> -> memref<8192xi32, #tpu.memory_space<hbm>>
    %dma_start3A_830 = arith.constant 8192 : i32
    %dma_start3A_831 = tpu.memref_slice %arg2[%add3A_826, %dma_start3A_830] : memref<26x16384xi32, #tpu.memory_space<hbm>> -> memref<1x8192xi32, #tpu.memory_space<hbm>>
    %dma_start3A_832 = tpu.memref_squeeze %dma_start3A_831 : memref<1x8192xi32, #tpu.memory_space<hbm>> -> memref<8192xi32, #tpu.memory_space<hbm>>
    tpu.enqueue_dma source(%dma_start3A_832 : memref<8192xi32, #tpu.memory_space<hbm>>) target(%arg8 : memref<8192xi32, #tpu.memory_space<vmem>>) target_semaphore(%arg14 : memref<!tpu.dma_semaphore, #tpu.memory_space<semaphore_mem>>)
    %broadcast_in_dim3A_833 = arith.constant 0 : i32
    %broadcast_in_dim3A_834 = vector.broadcast %broadcast_in_dim3A_833 : i32 to vector<16xi32>
    %iota3A_835 = tpu.iota {dimensions = array<i32: 0>} : vector<16xi32>
    %scan3A_836 = arith.constant 0 : i32
    %scan3A_837 = arith.constant 512 : i32
    %scan3A_838 = arith.addi %scan3A_836, %scan3A_837 : i32
    %scan3A_839 = arith.constant 4 : i32
    scf.for %scan3A_1228 = %scan3A_836 to %scan3A_838 step %scan3A_839  : i32 {
      %mul3A_1229 = arith.constant 1 : i32
      %mul3A_1230 = arith.muli %scan3A_1228, %mul3A_1229 : i32
      %add3A_1231 = arith.constant 0 : i32
      %add3A_1232 = arith.addi %add3A_1231, %mul3A_1230 : i32
      %mul3A_1233 = arith.constant 16 : i32
      %mul3A_1234 = arith.muli %add3A_1232, %mul3A_1233 : i32
      %get3A = arith.index_cast %mul3A_1234 : i32 to index
      %get3A_1235 = tpu.vector_load %arg7[%get3A] {strides = array<i32>} : memref<8192xi32, #tpu.memory_space<vmem>>, vector<16xi32>,
      %gather3A = tpu.vector_load_idx %arg9[%broadcast_in_dim3A_834, %get3A_1235] : memref<313x128xf32, #tpu.memory_space<vmem>>[vector<16xi32>, vector<16xi32>], vector<16xf32>,
      %mul3A_1236 = arith.constant 16 : i32
      %mul3A_1237 = arith.muli %add3A_1232, %mul3A_1236 : i32
      %add3A_1238 = arith.constant 0 : i32
      %add3A_1239 = arith.addi %add3A_1238, %mul3A_1237 : i32
      %add3A_1240 = vector.broadcast %add3A_1239 : i32 to vector<16xi32>
      %add3A_1241 = arith.addi %iota3A_835, %add3A_1240 : vector<16xi32>
      tpu.vector_store_idx %arg11[%add3A_1241], %gather3A {add = true} : memref<16384xf32, #tpu.memory_space<vmem>>[vector<16xi32>], vector<16xf32>,
      %mul3A_1242 = arith.mulf %gather3A, %gather3A : vector<16xf32>
      tpu.vector_store_idx %arg12[%add3A_1241], %mul3A_1242 {add = true} : memref<16384xf32, #tpu.memory_space<vmem>>[vector<16xi32>], vector<16xf32>,
      %scan3A_1243 = arith.constant 1 : i32
      %scan3A_1244 = arith.addi %scan3A_1228, %scan3A_1243 : i32
      %mul3A_1245 = arith.constant 1 : i32
      %mul3A_1246 = arith.muli %scan3A_1244, %mul3A_1245 : i32
      %add3A_1247 = arith.constant 0 : i32
      %add3A_1248 = arith.addi %add3A_1247, %mul3A_1246 : i32
      %mul3A_1249 = arith.constant 16 : i32
      %mul3A_1250 = arith.muli %add3A_1248, %mul3A_1249 : i32
      %get3A_1251 = arith.index_cast %mul3A_1250 : i32 to index
      %get3A_1252 = tpu.vector_load %arg7[%get3A_1251] {strides = array<i32>} : memref<8192xi32, #tpu.memory_space<vmem>>, vector<16xi32>,
      %gather3A_1253 = tpu.vector_load_idx %arg9[%broadcast_in_dim3A_834, %get3A_1252] : memref<313x128xf32, #tpu.memory_space<vmem>>[vector<16xi32>, vector<16xi32>], vector<16xf32>,
      %mul3A_1254 = arith.constant 16 : i32
      %mul3A_1255 = arith.muli %add3A_1248, %mul3A_1254 : i32
      %add3A_1256 = arith.constant 0 : i32
      %add3A_1257 = arith.addi %add3A_1256, %mul3A_1255 : i32
      %add3A_1258 = vector.broadcast %add3A_1257 : i32 to vector<16xi32>
      %add3A_1259 = arith.addi %iota3A_835, %add3A_1258 : vector<16xi32>
      tpu.vector_store_idx %arg11[%add3A_1259], %gather3A_1253 {add = true} : memref<16384xf32, #tpu.memory_space<vmem>>[vector<16xi32>], vector<16xf32>,
      %mul3A_1260 = arith.mulf %gather3A_1253, %gather3A_1253 : vector<16xf32>
      tpu.vector_store_idx %arg12[%add3A_1259], %mul3A_1260 {add = true} : memref<16384xf32, #tpu.memory_space<vmem>>[vector<16xi32>], vector<16xf32>,
      %scan3A_1261 = arith.constant 2 : i32
      %scan3A_1262 = arith.addi %scan3A_1228, %scan3A_1261 : i32
      %mul3A_1263 = arith.constant 1 : i32
      %mul3A_1264 = arith.muli %scan3A_1262, %mul3A_1263 : i32
      %add3A_1265 = arith.constant 0 : i32
      %add3A_1266 = arith.addi %add3A_1265, %mul3A_1264 : i32
      %mul3A_1267 = arith.constant 16 : i32
      %mul3A_1268 = arith.muli %add3A_1266, %mul3A_1267 : i32
      %get3A_1269 = arith.index_cast %mul3A_1268 : i32 to index
      %get3A_1270 = tpu.vector_load %arg7[%get3A_1269] {strides = array<i32>} : memref<8192xi32, #tpu.memory_space<vmem>>, vector<16xi32>,
      %gather3A_1271 = tpu.vector_load_idx %arg9[%broadcast_in_dim3A_834, %get3A_1270] : memref<313x128xf32, #tpu.memory_space<vmem>>[vector<16xi32>, vector<16xi32>], vector<16xf32>,
      %mul3A_1272 = arith.constant 16 : i32
      %mul3A_1273 = arith.muli %add3A_1266, %mul3A_1272 : i32
      %add3A_1274 = arith.constant 0 : i32
      %add3A_1275 = arith.addi %add3A_1274, %mul3A_1273 : i32
      %add3A_1276 = vector.broadcast %add3A_1275 : i32 to vector<16xi32>
      %add3A_1277 = arith.addi %iota3A_835, %add3A_1276 : vector<16xi32>
      tpu.vector_store_idx %arg11[%add3A_1277], %gather3A_1271 {add = true} : memref<16384xf32, #tpu.memory_space<vmem>>[vector<16xi32>], vector<16xf32>,
      %mul3A_1278 = arith.mulf %gather3A_1271, %gather3A_1271 : vector<16xf32>
      tpu.vector_store_idx %arg12[%add3A_1277], %mul3A_1278 {add = true} : memref<16384xf32, #tpu.memory_space<vmem>>[vector<16xi32>], vector<16xf32>,
      %scan3A_1279 = arith.constant 3 : i32
      %scan3A_1280 = arith.addi %scan3A_1228, %scan3A_1279 : i32
      %mul3A_1281 = arith.constant 1 : i32
      %mul3A_1282 = arith.muli %scan3A_1280, %mul3A_1281 : i32
      %add3A_1283 = arith.constant 0 : i32
      %add3A_1284 = arith.addi %add3A_1283, %mul3A_1282 : i32
      %mul3A_1285 = arith.constant 16 : i32
      %mul3A_1286 = arith.muli %add3A_1284, %mul3A_1285 : i32
      %get3A_1287 = arith.index_cast %mul3A_1286 : i32 to index
      %get3A_1288 = tpu.vector_load %arg7[%get3A_1287] {strides = array<i32>} : memref<8192xi32, #tpu.memory_space<vmem>>, vector<16xi32>,
      %gather3A_1289 = tpu.vector_load_idx %arg9[%broadcast_in_dim3A_834, %get3A_1288] : memref<313x128xf32, #tpu.memory_space<vmem>>[vector<16xi32>, vector<16xi32>], vector<16xf32>,
      %mul3A_1290 = arith.constant 16 : i32
      %mul3A_1291 = arith.muli %add3A_1284, %mul3A_1290 : i32
      %add3A_1292 = arith.constant 0 : i32
      %add3A_1293 = arith.addi %add3A_1292, %mul3A_1291 : i32
      %add3A_1294 = vector.broadcast %add3A_1293 : i32 to vector<16xi32>
      %add3A_1295 = arith.addi %iota3A_835, %add3A_1294 : vector<16xi32>
      tpu.vector_store_idx %arg11[%add3A_1295], %gather3A_1289 {add = true} : memref<16384xf32, #tpu.memory_space<vmem>>[vector<16xi32>], vector<16xf32>,
      %mul3A_1296 = arith.mulf %gather3A_1289, %gather3A_1289 : vector<16xf32>
      tpu.vector_store_idx %arg12[%add3A_1295], %mul3A_1296 {add = true} : memref<16384xf32, #tpu.memory_space<vmem>>[vector<16xi32>], vector<16xf32>,
    }
    %scan3A_840 = arith.constant 512 : i32
    %mul3A_841 = arith.constant 13 : i32
    %mul3A_842 = arith.muli %arg0, %mul3A_841 : i32
    %add3A_843 = arith.constant 8 : i32
    %add3A_844 = arith.addi %mul3A_842, %add3A_843 : i32
    %dma_wait3A_845 = arith.constant 8192 : i32
    %dma_wait3A_846 = tpu.memref_slice %arg2[%add3A_844, %dma_wait3A_845] : memref<26x16384xi32, #tpu.memory_space<hbm>> -> memref<1x8192xi32, #tpu.memory_space<hbm>>
    %dma_wait3A_847 = tpu.memref_squeeze %dma_wait3A_846 : memref<1x8192xi32, #tpu.memory_space<hbm>> -> memref<8192xi32, #tpu.memory_space<hbm>>
    %dma_wait3A_848 = arith.constant 8192 : i32
    %dma_wait3A_849 = tpu.memref_slice %arg2[%add3A_844, %dma_wait3A_848] : memref<26x16384xi32, #tpu.memory_space<hbm>> -> memref<1x8192xi32, #tpu.memory_space<hbm>>
    %dma_wait3A_850 = tpu.memref_squeeze %dma_wait3A_849 : memref<1x8192xi32, #tpu.memory_space<hbm>> -> memref<8192xi32, #tpu.memory_space<hbm>>
    tpu.wait_dma2 semaphore(%arg14 : memref<!tpu.dma_semaphore, #tpu.memory_space<semaphore_mem>>) src(%dma_wait3A_850 : memref<8192xi32, #tpu.memory_space<hbm>>) dst(%arg8 : memref<8192xi32, #tpu.memory_space<vmem>>)
    %mul3A_851 = arith.constant 13 : i32
    %mul3A_852 = arith.muli %arg0, %mul3A_851 : i32
    %add3A_853 = arith.constant 9 : i32
    %add3A_854 = arith.addi %mul3A_852, %add3A_853 : i32
    %dma_start3A_855 = arith.constant 0 : i32
    %dma_start3A_856 = tpu.memref_slice %arg2[%add3A_854, %dma_start3A_855] : memref<26x16384xi32, #tpu.memory_space<hbm>> -> memref<1x8192xi32, #tpu.memory_space<hbm>>
    %dma_start3A_857 = tpu.memref_squeeze %dma_start3A_856 : memref<1x8192xi32, #tpu.memory_space<hbm>> -> memref<8192xi32, #tpu.memory_space<hbm>>
    %dma_start3A_858 = arith.constant 0 : i32
    %dma_start3A_859 = tpu.memref_slice %arg2[%add3A_854, %dma_start3A_858] : memref<26x16384xi32, #tpu.memory_space<hbm>> -> memref<1x8192xi32, #tpu.memory_space<hbm>>
    %dma_start3A_860 = tpu.memref_squeeze %dma_start3A_859 : memref<1x8192xi32, #tpu.memory_space<hbm>> -> memref<8192xi32, #tpu.memory_space<hbm>>
    tpu.enqueue_dma source(%dma_start3A_860 : memref<8192xi32, #tpu.memory_space<hbm>>) target(%arg7 : memref<8192xi32, #tpu.memory_space<vmem>>) target_semaphore(%arg14 : memref<!tpu.dma_semaphore, #tpu.memory_space<semaphore_mem>>)
    %broadcast_in_dim3A_861 = arith.constant 0 : i32
    %broadcast_in_dim3A_862 = vector.broadcast %broadcast_in_dim3A_861 : i32 to vector<16xi32>
    %iota3A_863 = tpu.iota {dimensions = array<i32: 0>} : vector<16xi32>
    %scan3A_864 = arith.constant 0 : i32
    %scan3A_865 = arith.constant 512 : i32
    %scan3A_866 = arith.addi %scan3A_864, %scan3A_865 : i32
    %scan3A_867 = arith.constant 4 : i32
    scf.for %scan3A_1228 = %scan3A_864 to %scan3A_866 step %scan3A_867  : i32 {
      %mul3A_1229 = arith.constant 1 : i32
      %mul3A_1230 = arith.muli %scan3A_1228, %mul3A_1229 : i32
      %add3A_1231 = arith.constant 0 : i32
      %add3A_1232 = arith.addi %add3A_1231, %mul3A_1230 : i32
      %mul3A_1233 = arith.constant 16 : i32
      %mul3A_1234 = arith.muli %add3A_1232, %mul3A_1233 : i32
      %get3A = arith.index_cast %mul3A_1234 : i32 to index
      %get3A_1235 = tpu.vector_load %arg8[%get3A] {strides = array<i32>} : memref<8192xi32, #tpu.memory_space<vmem>>, vector<16xi32>,
      %gather3A = tpu.vector_load_idx %arg9[%broadcast_in_dim3A_862, %get3A_1235] : memref<313x128xf32, #tpu.memory_space<vmem>>[vector<16xi32>, vector<16xi32>], vector<16xf32>,
      %mul3A_1236 = arith.constant 16 : i32
      %mul3A_1237 = arith.muli %add3A_1232, %mul3A_1236 : i32
      %add3A_1238 = arith.constant 8192 : i32
      %add3A_1239 = arith.addi %add3A_1238, %mul3A_1237 : i32
      %add3A_1240 = vector.broadcast %add3A_1239 : i32 to vector<16xi32>
      %add3A_1241 = arith.addi %iota3A_863, %add3A_1240 : vector<16xi32>
      tpu.vector_store_idx %arg11[%add3A_1241], %gather3A {add = true} : memref<16384xf32, #tpu.memory_space<vmem>>[vector<16xi32>], vector<16xf32>,
      %mul3A_1242 = arith.mulf %gather3A, %gather3A : vector<16xf32>
      tpu.vector_store_idx %arg12[%add3A_1241], %mul3A_1242 {add = true} : memref<16384xf32, #tpu.memory_space<vmem>>[vector<16xi32>], vector<16xf32>,
      %scan3A_1243 = arith.constant 1 : i32
      %scan3A_1244 = arith.addi %scan3A_1228, %scan3A_1243 : i32
      %mul3A_1245 = arith.constant 1 : i32
      %mul3A_1246 = arith.muli %scan3A_1244, %mul3A_1245 : i32
      %add3A_1247 = arith.constant 0 : i32
      %add3A_1248 = arith.addi %add3A_1247, %mul3A_1246 : i32
      %mul3A_1249 = arith.constant 16 : i32
      %mul3A_1250 = arith.muli %add3A_1248, %mul3A_1249 : i32
      %get3A_1251 = arith.index_cast %mul3A_1250 : i32 to index
      %get3A_1252 = tpu.vector_load %arg8[%get3A_1251] {strides = array<i32>} : memref<8192xi32, #tpu.memory_space<vmem>>, vector<16xi32>,
      %gather3A_1253 = tpu.vector_load_idx %arg9[%broadcast_in_dim3A_862, %get3A_1252] : memref<313x128xf32, #tpu.memory_space<vmem>>[vector<16xi32>, vector<16xi32>], vector<16xf32>,
      %mul3A_1254 = arith.constant 16 : i32
      %mul3A_1255 = arith.muli %add3A_1248, %mul3A_1254 : i32
      %add3A_1256 = arith.constant 8192 : i32
      %add3A_1257 = arith.addi %add3A_1256, %mul3A_1255 : i32
      %add3A_1258 = vector.broadcast %add3A_1257 : i32 to vector<16xi32>
      %add3A_1259 = arith.addi %iota3A_863, %add3A_1258 : vector<16xi32>
      tpu.vector_store_idx %arg11[%add3A_1259], %gather3A_1253 {add = true} : memref<16384xf32, #tpu.memory_space<vmem>>[vector<16xi32>], vector<16xf32>,
      %mul3A_1260 = arith.mulf %gather3A_1253, %gather3A_1253 : vector<16xf32>
      tpu.vector_store_idx %arg12[%add3A_1259], %mul3A_1260 {add = true} : memref<16384xf32, #tpu.memory_space<vmem>>[vector<16xi32>], vector<16xf32>,
      %scan3A_1261 = arith.constant 2 : i32
      %scan3A_1262 = arith.addi %scan3A_1228, %scan3A_1261 : i32
      %mul3A_1263 = arith.constant 1 : i32
      %mul3A_1264 = arith.muli %scan3A_1262, %mul3A_1263 : i32
      %add3A_1265 = arith.constant 0 : i32
      %add3A_1266 = arith.addi %add3A_1265, %mul3A_1264 : i32
      %mul3A_1267 = arith.constant 16 : i32
      %mul3A_1268 = arith.muli %add3A_1266, %mul3A_1267 : i32
      %get3A_1269 = arith.index_cast %mul3A_1268 : i32 to index
      %get3A_1270 = tpu.vector_load %arg8[%get3A_1269] {strides = array<i32>} : memref<8192xi32, #tpu.memory_space<vmem>>, vector<16xi32>,
      %gather3A_1271 = tpu.vector_load_idx %arg9[%broadcast_in_dim3A_862, %get3A_1270] : memref<313x128xf32, #tpu.memory_space<vmem>>[vector<16xi32>, vector<16xi32>], vector<16xf32>,
      %mul3A_1272 = arith.constant 16 : i32
      %mul3A_1273 = arith.muli %add3A_1266, %mul3A_1272 : i32
      %add3A_1274 = arith.constant 8192 : i32
      %add3A_1275 = arith.addi %add3A_1274, %mul3A_1273 : i32
      %add3A_1276 = vector.broadcast %add3A_1275 : i32 to vector<16xi32>
      %add3A_1277 = arith.addi %iota3A_863, %add3A_1276 : vector<16xi32>
      tpu.vector_store_idx %arg11[%add3A_1277], %gather3A_1271 {add = true} : memref<16384xf32, #tpu.memory_space<vmem>>[vector<16xi32>], vector<16xf32>,
      %mul3A_1278 = arith.mulf %gather3A_1271, %gather3A_1271 : vector<16xf32>
      tpu.vector_store_idx %arg12[%add3A_1277], %mul3A_1278 {add = true} : memref<16384xf32, #tpu.memory_space<vmem>>[vector<16xi32>], vector<16xf32>,
      %scan3A_1279 = arith.constant 3 : i32
      %scan3A_1280 = arith.addi %scan3A_1228, %scan3A_1279 : i32
      %mul3A_1281 = arith.constant 1 : i32
      %mul3A_1282 = arith.muli %scan3A_1280, %mul3A_1281 : i32
      %add3A_1283 = arith.constant 0 : i32
      %add3A_1284 = arith.addi %add3A_1283, %mul3A_1282 : i32
      %mul3A_1285 = arith.constant 16 : i32
      %mul3A_1286 = arith.muli %add3A_1284, %mul3A_1285 : i32
      %get3A_1287 = arith.index_cast %mul3A_1286 : i32 to index
      %get3A_1288 = tpu.vector_load %arg8[%get3A_1287] {strides = array<i32>} : memref<8192xi32, #tpu.memory_space<vmem>>, vector<16xi32>,
      %gather3A_1289 = tpu.vector_load_idx %arg9[%broadcast_in_dim3A_862, %get3A_1288] : memref<313x128xf32, #tpu.memory_space<vmem>>[vector<16xi32>, vector<16xi32>], vector<16xf32>,
      %mul3A_1290 = arith.constant 16 : i32
      %mul3A_1291 = arith.muli %add3A_1284, %mul3A_1290 : i32
      %add3A_1292 = arith.constant 8192 : i32
      %add3A_1293 = arith.addi %add3A_1292, %mul3A_1291 : i32
      %add3A_1294 = vector.broadcast %add3A_1293 : i32 to vector<16xi32>
      %add3A_1295 = arith.addi %iota3A_863, %add3A_1294 : vector<16xi32>
      tpu.vector_store_idx %arg11[%add3A_1295], %gather3A_1289 {add = true} : memref<16384xf32, #tpu.memory_space<vmem>>[vector<16xi32>], vector<16xf32>,
      %mul3A_1296 = arith.mulf %gather3A_1289, %gather3A_1289 : vector<16xf32>
      tpu.vector_store_idx %arg12[%add3A_1295], %mul3A_1296 {add = true} : memref<16384xf32, #tpu.memory_space<vmem>>[vector<16xi32>], vector<16xf32>,
    }
    %scan3A_868 = arith.constant 512 : i32
    %mul3A_869 = arith.constant 13 : i32
    %mul3A_870 = arith.muli %arg0, %mul3A_869 : i32
    %add3A_871 = arith.constant 9 : i32
    %add3A_872 = arith.addi %mul3A_870, %add3A_871 : i32
    %mul3A_873 = arith.constant 40000 : i32
    %mul3A_874 = arith.muli %add3A_872, %mul3A_873 : i32
    %shift_right_arithmetic3A_875 = arith.constant 3 : i32
    %shift_right_arithmetic3A_876 = arith.shrsi %arg1, %shift_right_arithmetic3A_875 : i32
    %mul3A_877 = arith.constant 8125 : i32
    %mul3A_878 = arith.muli %shift_right_arithmetic3A_876, %mul3A_877 : i32
    %shift_right_arithmetic3A_879 = arith.constant 7 : i32
    %shift_right_arithmetic3A_880 = arith.shrsi %mul3A_874, %shift_right_arithmetic3A_879 : i32
    %add3A_881 = arith.addi %mul3A_878, %shift_right_arithmetic3A_880 : i32
    %and3A_882 = arith.constant 7 : i32
    %and3A_883 = arith.andi %arg1, %and3A_882 : i32
    %mul3A_884 = arith.constant 128 : i32
    %mul3A_885 = arith.muli %and3A_883, %mul3A_884 : i32
    %dma_wait3A_886 = tpu.memref_slice %arg3[%add3A_881, %mul3A_885] : memref<16250x1024xf32, #tpu.memory_space<hbm>> -> memref<313x128xf32, #tpu.memory_space<hbm>>
    %dma_wait3A_887 = tpu.memref_slice %arg3[%add3A_881, %mul3A_885] : memref<16250x1024xf32, #tpu.memory_space<hbm>> -> memref<313x128xf32, #tpu.memory_space<hbm>>
    tpu.wait_dma2 semaphore(%arg13 : memref<!tpu.dma_semaphore, #tpu.memory_space<semaphore_mem>>) src(%dma_wait3A_887 : memref<313x128xf32, #tpu.memory_space<hbm>>) dst(%arg10 : memref<313x128xf32, #tpu.memory_space<vmem>>)
    %mul3A_888 = arith.constant 13 : i32
    %mul3A_889 = arith.muli %arg0, %mul3A_888 : i32
    %add3A_890 = arith.constant 10 : i32
    %add3A_891 = arith.addi %mul3A_889, %add3A_890 : i32
    %mul3A_892 = arith.constant 40000 : i32
    %mul3A_893 = arith.muli %add3A_891, %mul3A_892 : i32
    %shift_right_arithmetic3A_894 = arith.constant 3 : i32
    %shift_right_arithmetic3A_895 = arith.shrsi %arg1, %shift_right_arithmetic3A_894 : i32
    %mul3A_896 = arith.constant 8125 : i32
    %mul3A_897 = arith.muli %shift_right_arithmetic3A_895, %mul3A_896 : i32
    %shift_right_arithmetic3A_898 = arith.constant 7 : i32
    %shift_right_arithmetic3A_899 = arith.shrsi %mul3A_893, %shift_right_arithmetic3A_898 : i32
    %add3A_900 = arith.addi %mul3A_897, %shift_right_arithmetic3A_899 : i32
    %and3A_901 = arith.constant 7 : i32
    %and3A_902 = arith.andi %arg1, %and3A_901 : i32
    %mul3A_903 = arith.constant 128 : i32
    %mul3A_904 = arith.muli %and3A_902, %mul3A_903 : i32
    %dma_start3A_905 = tpu.memref_slice %arg3[%add3A_900, %mul3A_904] : memref<16250x1024xf32, #tpu.memory_space<hbm>> -> memref<313x128xf32, #tpu.memory_space<hbm>>
    %dma_start3A_906 = tpu.memref_slice %arg3[%add3A_900, %mul3A_904] : memref<16250x1024xf32, #tpu.memory_space<hbm>> -> memref<313x128xf32, #tpu.memory_space<hbm>>
    tpu.enqueue_dma source(%dma_start3A_906 : memref<313x128xf32, #tpu.memory_space<hbm>>) target(%arg9 : memref<313x128xf32, #tpu.memory_space<vmem>>) target_semaphore(%arg13 : memref<!tpu.dma_semaphore, #tpu.memory_space<semaphore_mem>>)
    %mul3A_907 = arith.constant 13 : i32
    %mul3A_908 = arith.muli %arg0, %mul3A_907 : i32
    %add3A_909 = arith.constant 9 : i32
    %add3A_910 = arith.addi %mul3A_908, %add3A_909 : i32
    %dma_wait3A_911 = arith.constant 0 : i32
    %dma_wait3A_912 = tpu.memref_slice %arg2[%add3A_910, %dma_wait3A_911] : memref<26x16384xi32, #tpu.memory_space<hbm>> -> memref<1x8192xi32, #tpu.memory_space<hbm>>
    %dma_wait3A_913 = tpu.memref_squeeze %dma_wait3A_912 : memref<1x8192xi32, #tpu.memory_space<hbm>> -> memref<8192xi32, #tpu.memory_space<hbm>>
    %dma_wait3A_914 = arith.constant 0 : i32
    %dma_wait3A_915 = tpu.memref_slice %arg2[%add3A_910, %dma_wait3A_914] : memref<26x16384xi32, #tpu.memory_space<hbm>> -> memref<1x8192xi32, #tpu.memory_space<hbm>>
    %dma_wait3A_916 = tpu.memref_squeeze %dma_wait3A_915 : memref<1x8192xi32, #tpu.memory_space<hbm>> -> memref<8192xi32, #tpu.memory_space<hbm>>
    tpu.wait_dma2 semaphore(%arg14 : memref<!tpu.dma_semaphore, #tpu.memory_space<semaphore_mem>>) src(%dma_wait3A_916 : memref<8192xi32, #tpu.memory_space<hbm>>) dst(%arg7 : memref<8192xi32, #tpu.memory_space<vmem>>)
    %mul3A_917 = arith.constant 13 : i32
    %mul3A_918 = arith.muli %arg0, %mul3A_917 : i32
    %add3A_919 = arith.constant 9 : i32
    %add3A_920 = arith.addi %mul3A_918, %add3A_919 : i32
    %dma_start3A_921 = arith.constant 8192 : i32
    %dma_start3A_922 = tpu.memref_slice %arg2[%add3A_920, %dma_start3A_921] : memref<26x16384xi32, #tpu.memory_space<hbm>> -> memref<1x8192xi32, #tpu.memory_space<hbm>>
    %dma_start3A_923 = tpu.memref_squeeze %dma_start3A_922 : memref<1x8192xi32, #tpu.memory_space<hbm>> -> memref<8192xi32, #tpu.memory_space<hbm>>
    %dma_start3A_924 = arith.constant 8192 : i32
    %dma_start3A_925 = tpu.memref_slice %arg2[%add3A_920, %dma_start3A_924] : memref<26x16384xi32, #tpu.memory_space<hbm>> -> memref<1x8192xi32, #tpu.memory_space<hbm>>
    %dma_start3A_926 = tpu.memref_squeeze %dma_start3A_925 : memref<1x8192xi32, #tpu.memory_space<hbm>> -> memref<8192xi32, #tpu.memory_space<hbm>>
    tpu.enqueue_dma source(%dma_start3A_926 : memref<8192xi32, #tpu.memory_space<hbm>>) target(%arg8 : memref<8192xi32, #tpu.memory_space<vmem>>) target_semaphore(%arg14 : memref<!tpu.dma_semaphore, #tpu.memory_space<semaphore_mem>>)
    %broadcast_in_dim3A_927 = arith.constant 0 : i32
    %broadcast_in_dim3A_928 = vector.broadcast %broadcast_in_dim3A_927 : i32 to vector<16xi32>
    %iota3A_929 = tpu.iota {dimensions = array<i32: 0>} : vector<16xi32>
    %scan3A_930 = arith.constant 0 : i32
    %scan3A_931 = arith.constant 512 : i32
    %scan3A_932 = arith.addi %scan3A_930, %scan3A_931 : i32
    %scan3A_933 = arith.constant 4 : i32
    scf.for %scan3A_1228 = %scan3A_930 to %scan3A_932 step %scan3A_933  : i32 {
      %mul3A_1229 = arith.constant 1 : i32
      %mul3A_1230 = arith.muli %scan3A_1228, %mul3A_1229 : i32
      %add3A_1231 = arith.constant 0 : i32
      %add3A_1232 = arith.addi %add3A_1231, %mul3A_1230 : i32
      %mul3A_1233 = arith.constant 16 : i32
      %mul3A_1234 = arith.muli %add3A_1232, %mul3A_1233 : i32
      %get3A = arith.index_cast %mul3A_1234 : i32 to index
      %get3A_1235 = tpu.vector_load %arg7[%get3A] {strides = array<i32>} : memref<8192xi32, #tpu.memory_space<vmem>>, vector<16xi32>,
      %gather3A = tpu.vector_load_idx %arg10[%broadcast_in_dim3A_928, %get3A_1235] : memref<313x128xf32, #tpu.memory_space<vmem>>[vector<16xi32>, vector<16xi32>], vector<16xf32>,
      %mul3A_1236 = arith.constant 16 : i32
      %mul3A_1237 = arith.muli %add3A_1232, %mul3A_1236 : i32
      %add3A_1238 = arith.constant 0 : i32
      %add3A_1239 = arith.addi %add3A_1238, %mul3A_1237 : i32
      %add3A_1240 = vector.broadcast %add3A_1239 : i32 to vector<16xi32>
      %add3A_1241 = arith.addi %iota3A_929, %add3A_1240 : vector<16xi32>
      tpu.vector_store_idx %arg11[%add3A_1241], %gather3A {add = true} : memref<16384xf32, #tpu.memory_space<vmem>>[vector<16xi32>], vector<16xf32>,
      %mul3A_1242 = arith.mulf %gather3A, %gather3A : vector<16xf32>
      tpu.vector_store_idx %arg12[%add3A_1241], %mul3A_1242 {add = true} : memref<16384xf32, #tpu.memory_space<vmem>>[vector<16xi32>], vector<16xf32>,
      %scan3A_1243 = arith.constant 1 : i32
      %scan3A_1244 = arith.addi %scan3A_1228, %scan3A_1243 : i32
      %mul3A_1245 = arith.constant 1 : i32
      %mul3A_1246 = arith.muli %scan3A_1244, %mul3A_1245 : i32
      %add3A_1247 = arith.constant 0 : i32
      %add3A_1248 = arith.addi %add3A_1247, %mul3A_1246 : i32
      %mul3A_1249 = arith.constant 16 : i32
      %mul3A_1250 = arith.muli %add3A_1248, %mul3A_1249 : i32
      %get3A_1251 = arith.index_cast %mul3A_1250 : i32 to index
      %get3A_1252 = tpu.vector_load %arg7[%get3A_1251] {strides = array<i32>} : memref<8192xi32, #tpu.memory_space<vmem>>, vector<16xi32>,
      %gather3A_1253 = tpu.vector_load_idx %arg10[%broadcast_in_dim3A_928, %get3A_1252] : memref<313x128xf32, #tpu.memory_space<vmem>>[vector<16xi32>, vector<16xi32>], vector<16xf32>,
      %mul3A_1254 = arith.constant 16 : i32
      %mul3A_1255 = arith.muli %add3A_1248, %mul3A_1254 : i32
      %add3A_1256 = arith.constant 0 : i32
      %add3A_1257 = arith.addi %add3A_1256, %mul3A_1255 : i32
      %add3A_1258 = vector.broadcast %add3A_1257 : i32 to vector<16xi32>
      %add3A_1259 = arith.addi %iota3A_929, %add3A_1258 : vector<16xi32>
      tpu.vector_store_idx %arg11[%add3A_1259], %gather3A_1253 {add = true} : memref<16384xf32, #tpu.memory_space<vmem>>[vector<16xi32>], vector<16xf32>,
      %mul3A_1260 = arith.mulf %gather3A_1253, %gather3A_1253 : vector<16xf32>
      tpu.vector_store_idx %arg12[%add3A_1259], %mul3A_1260 {add = true} : memref<16384xf32, #tpu.memory_space<vmem>>[vector<16xi32>], vector<16xf32>,
      %scan3A_1261 = arith.constant 2 : i32
      %scan3A_1262 = arith.addi %scan3A_1228, %scan3A_1261 : i32
      %mul3A_1263 = arith.constant 1 : i32
      %mul3A_1264 = arith.muli %scan3A_1262, %mul3A_1263 : i32
      %add3A_1265 = arith.constant 0 : i32
      %add3A_1266 = arith.addi %add3A_1265, %mul3A_1264 : i32
      %mul3A_1267 = arith.constant 16 : i32
      %mul3A_1268 = arith.muli %add3A_1266, %mul3A_1267 : i32
      %get3A_1269 = arith.index_cast %mul3A_1268 : i32 to index
      %get3A_1270 = tpu.vector_load %arg7[%get3A_1269] {strides = array<i32>} : memref<8192xi32, #tpu.memory_space<vmem>>, vector<16xi32>,
      %gather3A_1271 = tpu.vector_load_idx %arg10[%broadcast_in_dim3A_928, %get3A_1270] : memref<313x128xf32, #tpu.memory_space<vmem>>[vector<16xi32>, vector<16xi32>], vector<16xf32>,
      %mul3A_1272 = arith.constant 16 : i32
      %mul3A_1273 = arith.muli %add3A_1266, %mul3A_1272 : i32
      %add3A_1274 = arith.constant 0 : i32
      %add3A_1275 = arith.addi %add3A_1274, %mul3A_1273 : i32
      %add3A_1276 = vector.broadcast %add3A_1275 : i32 to vector<16xi32>
      %add3A_1277 = arith.addi %iota3A_929, %add3A_1276 : vector<16xi32>
      tpu.vector_store_idx %arg11[%add3A_1277], %gather3A_1271 {add = true} : memref<16384xf32, #tpu.memory_space<vmem>>[vector<16xi32>], vector<16xf32>,
      %mul3A_1278 = arith.mulf %gather3A_1271, %gather3A_1271 : vector<16xf32>
      tpu.vector_store_idx %arg12[%add3A_1277], %mul3A_1278 {add = true} : memref<16384xf32, #tpu.memory_space<vmem>>[vector<16xi32>], vector<16xf32>,
      %scan3A_1279 = arith.constant 3 : i32
      %scan3A_1280 = arith.addi %scan3A_1228, %scan3A_1279 : i32
      %mul3A_1281 = arith.constant 1 : i32
      %mul3A_1282 = arith.muli %scan3A_1280, %mul3A_1281 : i32
      %add3A_1283 = arith.constant 0 : i32
      %add3A_1284 = arith.addi %add3A_1283, %mul3A_1282 : i32
      %mul3A_1285 = arith.constant 16 : i32
      %mul3A_1286 = arith.muli %add3A_1284, %mul3A_1285 : i32
      %get3A_1287 = arith.index_cast %mul3A_1286 : i32 to index
      %get3A_1288 = tpu.vector_load %arg7[%get3A_1287] {strides = array<i32>} : memref<8192xi32, #tpu.memory_space<vmem>>, vector<16xi32>,
      %gather3A_1289 = tpu.vector_load_idx %arg10[%broadcast_in_dim3A_928, %get3A_1288] : memref<313x128xf32, #tpu.memory_space<vmem>>[vector<16xi32>, vector<16xi32>], vector<16xf32>,
      %mul3A_1290 = arith.constant 16 : i32
      %mul3A_1291 = arith.muli %add3A_1284, %mul3A_1290 : i32
      %add3A_1292 = arith.constant 0 : i32
      %add3A_1293 = arith.addi %add3A_1292, %mul3A_1291 : i32
      %add3A_1294 = vector.broadcast %add3A_1293 : i32 to vector<16xi32>
      %add3A_1295 = arith.addi %iota3A_929, %add3A_1294 : vector<16xi32>
      tpu.vector_store_idx %arg11[%add3A_1295], %gather3A_1289 {add = true} : memref<16384xf32, #tpu.memory_space<vmem>>[vector<16xi32>], vector<16xf32>,
      %mul3A_1296 = arith.mulf %gather3A_1289, %gather3A_1289 : vector<16xf32>
      tpu.vector_store_idx %arg12[%add3A_1295], %mul3A_1296 {add = true} : memref<16384xf32, #tpu.memory_space<vmem>>[vector<16xi32>], vector<16xf32>,
    }
    %scan3A_934 = arith.constant 512 : i32
    %mul3A_935 = arith.constant 13 : i32
    %mul3A_936 = arith.muli %arg0, %mul3A_935 : i32
    %add3A_937 = arith.constant 9 : i32
    %add3A_938 = arith.addi %mul3A_936, %add3A_937 : i32
    %dma_wait3A_939 = arith.constant 8192 : i32
    %dma_wait3A_940 = tpu.memref_slice %arg2[%add3A_938, %dma_wait3A_939] : memref<26x16384xi32, #tpu.memory_space<hbm>> -> memref<1x8192xi32, #tpu.memory_space<hbm>>
    %dma_wait3A_941 = tpu.memref_squeeze %dma_wait3A_940 : memref<1x8192xi32, #tpu.memory_space<hbm>> -> memref<8192xi32, #tpu.memory_space<hbm>>
    %dma_wait3A_942 = arith.constant 8192 : i32
    %dma_wait3A_943 = tpu.memref_slice %arg2[%add3A_938, %dma_wait3A_942] : memref<26x16384xi32, #tpu.memory_space<hbm>> -> memref<1x8192xi32, #tpu.memory_space<hbm>>
    %dma_wait3A_944 = tpu.memref_squeeze %dma_wait3A_943 : memref<1x8192xi32, #tpu.memory_space<hbm>> -> memref<8192xi32, #tpu.memory_space<hbm>>
    tpu.wait_dma2 semaphore(%arg14 : memref<!tpu.dma_semaphore, #tpu.memory_space<semaphore_mem>>) src(%dma_wait3A_944 : memref<8192xi32, #tpu.memory_space<hbm>>) dst(%arg8 : memref<8192xi32, #tpu.memory_space<vmem>>)
    %mul3A_945 = arith.constant 13 : i32
    %mul3A_946 = arith.muli %arg0, %mul3A_945 : i32
    %add3A_947 = arith.constant 10 : i32
    %add3A_948 = arith.addi %mul3A_946, %add3A_947 : i32
    %dma_start3A_949 = arith.constant 0 : i32
    %dma_start3A_950 = tpu.memref_slice %arg2[%add3A_948, %dma_start3A_949] : memref<26x16384xi32, #tpu.memory_space<hbm>> -> memref<1x8192xi32, #tpu.memory_space<hbm>>
    %dma_start3A_951 = tpu.memref_squeeze %dma_start3A_950 : memref<1x8192xi32, #tpu.memory_space<hbm>> -> memref<8192xi32, #tpu.memory_space<hbm>>
    %dma_start3A_952 = arith.constant 0 : i32
    %dma_start3A_953 = tpu.memref_slice %arg2[%add3A_948, %dma_start3A_952] : memref<26x16384xi32, #tpu.memory_space<hbm>> -> memref<1x8192xi32, #tpu.memory_space<hbm>>
    %dma_start3A_954 = tpu.memref_squeeze %dma_start3A_953 : memref<1x8192xi32, #tpu.memory_space<hbm>> -> memref<8192xi32, #tpu.memory_space<hbm>>
    tpu.enqueue_dma source(%dma_start3A_954 : memref<8192xi32, #tpu.memory_space<hbm>>) target(%arg7 : memref<8192xi32, #tpu.memory_space<vmem>>) target_semaphore(%arg14 : memref<!tpu.dma_semaphore, #tpu.memory_space<semaphore_mem>>)
    %broadcast_in_dim3A_955 = arith.constant 0 : i32
    %broadcast_in_dim3A_956 = vector.broadcast %broadcast_in_dim3A_955 : i32 to vector<16xi32>
    %iota3A_957 = tpu.iota {dimensions = array<i32: 0>} : vector<16xi32>
    %scan3A_958 = arith.constant 0 : i32
    %scan3A_959 = arith.constant 512 : i32
    %scan3A_960 = arith.addi %scan3A_958, %scan3A_959 : i32
    %scan3A_961 = arith.constant 4 : i32
    scf.for %scan3A_1228 = %scan3A_958 to %scan3A_960 step %scan3A_961  : i32 {
      %mul3A_1229 = arith.constant 1 : i32
      %mul3A_1230 = arith.muli %scan3A_1228, %mul3A_1229 : i32
      %add3A_1231 = arith.constant 0 : i32
      %add3A_1232 = arith.addi %add3A_1231, %mul3A_1230 : i32
      %mul3A_1233 = arith.constant 16 : i32
      %mul3A_1234 = arith.muli %add3A_1232, %mul3A_1233 : i32
      %get3A = arith.index_cast %mul3A_1234 : i32 to index
      %get3A_1235 = tpu.vector_load %arg8[%get3A] {strides = array<i32>} : memref<8192xi32, #tpu.memory_space<vmem>>, vector<16xi32>,
      %gather3A = tpu.vector_load_idx %arg10[%broadcast_in_dim3A_956, %get3A_1235] : memref<313x128xf32, #tpu.memory_space<vmem>>[vector<16xi32>, vector<16xi32>], vector<16xf32>,
      %mul3A_1236 = arith.constant 16 : i32
      %mul3A_1237 = arith.muli %add3A_1232, %mul3A_1236 : i32
      %add3A_1238 = arith.constant 8192 : i32
      %add3A_1239 = arith.addi %add3A_1238, %mul3A_1237 : i32
      %add3A_1240 = vector.broadcast %add3A_1239 : i32 to vector<16xi32>
      %add3A_1241 = arith.addi %iota3A_957, %add3A_1240 : vector<16xi32>
      tpu.vector_store_idx %arg11[%add3A_1241], %gather3A {add = true} : memref<16384xf32, #tpu.memory_space<vmem>>[vector<16xi32>], vector<16xf32>,
      %mul3A_1242 = arith.mulf %gather3A, %gather3A : vector<16xf32>
      tpu.vector_store_idx %arg12[%add3A_1241], %mul3A_1242 {add = true} : memref<16384xf32, #tpu.memory_space<vmem>>[vector<16xi32>], vector<16xf32>,
      %scan3A_1243 = arith.constant 1 : i32
      %scan3A_1244 = arith.addi %scan3A_1228, %scan3A_1243 : i32
      %mul3A_1245 = arith.constant 1 : i32
      %mul3A_1246 = arith.muli %scan3A_1244, %mul3A_1245 : i32
      %add3A_1247 = arith.constant 0 : i32
      %add3A_1248 = arith.addi %add3A_1247, %mul3A_1246 : i32
      %mul3A_1249 = arith.constant 16 : i32
      %mul3A_1250 = arith.muli %add3A_1248, %mul3A_1249 : i32
      %get3A_1251 = arith.index_cast %mul3A_1250 : i32 to index
      %get3A_1252 = tpu.vector_load %arg8[%get3A_1251] {strides = array<i32>} : memref<8192xi32, #tpu.memory_space<vmem>>, vector<16xi32>,
      %gather3A_1253 = tpu.vector_load_idx %arg10[%broadcast_in_dim3A_956, %get3A_1252] : memref<313x128xf32, #tpu.memory_space<vmem>>[vector<16xi32>, vector<16xi32>], vector<16xf32>,
      %mul3A_1254 = arith.constant 16 : i32
      %mul3A_1255 = arith.muli %add3A_1248, %mul3A_1254 : i32
      %add3A_1256 = arith.constant 8192 : i32
      %add3A_1257 = arith.addi %add3A_1256, %mul3A_1255 : i32
      %add3A_1258 = vector.broadcast %add3A_1257 : i32 to vector<16xi32>
      %add3A_1259 = arith.addi %iota3A_957, %add3A_1258 : vector<16xi32>
      tpu.vector_store_idx %arg11[%add3A_1259], %gather3A_1253 {add = true} : memref<16384xf32, #tpu.memory_space<vmem>>[vector<16xi32>], vector<16xf32>,
      %mul3A_1260 = arith.mulf %gather3A_1253, %gather3A_1253 : vector<16xf32>
      tpu.vector_store_idx %arg12[%add3A_1259], %mul3A_1260 {add = true} : memref<16384xf32, #tpu.memory_space<vmem>>[vector<16xi32>], vector<16xf32>,
      %scan3A_1261 = arith.constant 2 : i32
      %scan3A_1262 = arith.addi %scan3A_1228, %scan3A_1261 : i32
      %mul3A_1263 = arith.constant 1 : i32
      %mul3A_1264 = arith.muli %scan3A_1262, %mul3A_1263 : i32
      %add3A_1265 = arith.constant 0 : i32
      %add3A_1266 = arith.addi %add3A_1265, %mul3A_1264 : i32
      %mul3A_1267 = arith.constant 16 : i32
      %mul3A_1268 = arith.muli %add3A_1266, %mul3A_1267 : i32
      %get3A_1269 = arith.index_cast %mul3A_1268 : i32 to index
      %get3A_1270 = tpu.vector_load %arg8[%get3A_1269] {strides = array<i32>} : memref<8192xi32, #tpu.memory_space<vmem>>, vector<16xi32>,
      %gather3A_1271 = tpu.vector_load_idx %arg10[%broadcast_in_dim3A_956, %get3A_1270] : memref<313x128xf32, #tpu.memory_space<vmem>>[vector<16xi32>, vector<16xi32>], vector<16xf32>,
      %mul3A_1272 = arith.constant 16 : i32
      %mul3A_1273 = arith.muli %add3A_1266, %mul3A_1272 : i32
      %add3A_1274 = arith.constant 8192 : i32
      %add3A_1275 = arith.addi %add3A_1274, %mul3A_1273 : i32
      %add3A_1276 = vector.broadcast %add3A_1275 : i32 to vector<16xi32>
      %add3A_1277 = arith.addi %iota3A_957, %add3A_1276 : vector<16xi32>
      tpu.vector_store_idx %arg11[%add3A_1277], %gather3A_1271 {add = true} : memref<16384xf32, #tpu.memory_space<vmem>>[vector<16xi32>], vector<16xf32>,
      %mul3A_1278 = arith.mulf %gather3A_1271, %gather3A_1271 : vector<16xf32>
      tpu.vector_store_idx %arg12[%add3A_1277], %mul3A_1278 {add = true} : memref<16384xf32, #tpu.memory_space<vmem>>[vector<16xi32>], vector<16xf32>,
      %scan3A_1279 = arith.constant 3 : i32
      %scan3A_1280 = arith.addi %scan3A_1228, %scan3A_1279 : i32
      %mul3A_1281 = arith.constant 1 : i32
      %mul3A_1282 = arith.muli %scan3A_1280, %mul3A_1281 : i32
      %add3A_1283 = arith.constant 0 : i32
      %add3A_1284 = arith.addi %add3A_1283, %mul3A_1282 : i32
      %mul3A_1285 = arith.constant 16 : i32
      %mul3A_1286 = arith.muli %add3A_1284, %mul3A_1285 : i32
      %get3A_1287 = arith.index_cast %mul3A_1286 : i32 to index
      %get3A_1288 = tpu.vector_load %arg8[%get3A_1287] {strides = array<i32>} : memref<8192xi32, #tpu.memory_space<vmem>>, vector<16xi32>,
      %gather3A_1289 = tpu.vector_load_idx %arg10[%broadcast_in_dim3A_956, %get3A_1288] : memref<313x128xf32, #tpu.memory_space<vmem>>[vector<16xi32>, vector<16xi32>], vector<16xf32>,
      %mul3A_1290 = arith.constant 16 : i32
      %mul3A_1291 = arith.muli %add3A_1284, %mul3A_1290 : i32
      %add3A_1292 = arith.constant 8192 : i32
      %add3A_1293 = arith.addi %add3A_1292, %mul3A_1291 : i32
      %add3A_1294 = vector.broadcast %add3A_1293 : i32 to vector<16xi32>
      %add3A_1295 = arith.addi %iota3A_957, %add3A_1294 : vector<16xi32>
      tpu.vector_store_idx %arg11[%add3A_1295], %gather3A_1289 {add = true} : memref<16384xf32, #tpu.memory_space<vmem>>[vector<16xi32>], vector<16xf32>,
      %mul3A_1296 = arith.mulf %gather3A_1289, %gather3A_1289 : vector<16xf32>
      tpu.vector_store_idx %arg12[%add3A_1295], %mul3A_1296 {add = true} : memref<16384xf32, #tpu.memory_space<vmem>>[vector<16xi32>], vector<16xf32>,
    }
    %scan3A_962 = arith.constant 512 : i32
    %mul3A_963 = arith.constant 13 : i32
    %mul3A_964 = arith.muli %arg0, %mul3A_963 : i32
    %add3A_965 = arith.constant 10 : i32
    %add3A_966 = arith.addi %mul3A_964, %add3A_965 : i32
    %mul3A_967 = arith.constant 40000 : i32
    %mul3A_968 = arith.muli %add3A_966, %mul3A_967 : i32
    %shift_right_arithmetic3A_969 = arith.constant 3 : i32
    %shift_right_arithmetic3A_970 = arith.shrsi %arg1, %shift_right_arithmetic3A_969 : i32
    %mul3A_971 = arith.constant 8125 : i32
    %mul3A_972 = arith.muli %shift_right_arithmetic3A_970, %mul3A_971 : i32
    %shift_right_arithmetic3A_973 = arith.constant 7 : i32
    %shift_right_arithmetic3A_974 = arith.shrsi %mul3A_968, %shift_right_arithmetic3A_973 : i32
    %add3A_975 = arith.addi %mul3A_972, %shift_right_arithmetic3A_974 : i32
    %and3A_976 = arith.constant 7 : i32
    %and3A_977 = arith.andi %arg1, %and3A_976 : i32
    %mul3A_978 = arith.constant 128 : i32
    %mul3A_979 = arith.muli %and3A_977, %mul3A_978 : i32
    %dma_wait3A_980 = tpu.memref_slice %arg3[%add3A_975, %mul3A_979] : memref<16250x1024xf32, #tpu.memory_space<hbm>> -> memref<313x128xf32, #tpu.memory_space<hbm>>
    %dma_wait3A_981 = tpu.memref_slice %arg3[%add3A_975, %mul3A_979] : memref<16250x1024xf32, #tpu.memory_space<hbm>> -> memref<313x128xf32, #tpu.memory_space<hbm>>
    tpu.wait_dma2 semaphore(%arg13 : memref<!tpu.dma_semaphore, #tpu.memory_space<semaphore_mem>>) src(%dma_wait3A_981 : memref<313x128xf32, #tpu.memory_space<hbm>>) dst(%arg9 : memref<313x128xf32, #tpu.memory_space<vmem>>)
    %mul3A_982 = arith.constant 13 : i32
    %mul3A_983 = arith.muli %arg0, %mul3A_982 : i32
    %add3A_984 = arith.constant 11 : i32
    %add3A_985 = arith.addi %mul3A_983, %add3A_984 : i32
    %mul3A_986 = arith.constant 40000 : i32
    %mul3A_987 = arith.muli %add3A_985, %mul3A_986 : i32
    %shift_right_arithmetic3A_988 = arith.constant 3 : i32
    %shift_right_arithmetic3A_989 = arith.shrsi %arg1, %shift_right_arithmetic3A_988 : i32
    %mul3A_990 = arith.constant 8125 : i32
    %mul3A_991 = arith.muli %shift_right_arithmetic3A_989, %mul3A_990 : i32
    %shift_right_arithmetic3A_992 = arith.constant 7 : i32
    %shift_right_arithmetic3A_993 = arith.shrsi %mul3A_987, %shift_right_arithmetic3A_992 : i32
    %add3A_994 = arith.addi %mul3A_991, %shift_right_arithmetic3A_993 : i32
    %and3A_995 = arith.constant 7 : i32
    %and3A_996 = arith.andi %arg1, %and3A_995 : i32
    %mul3A_997 = arith.constant 128 : i32
    %mul3A_998 = arith.muli %and3A_996, %mul3A_997 : i32
    %dma_start3A_999 = tpu.memref_slice %arg3[%add3A_994, %mul3A_998] : memref<16250x1024xf32, #tpu.memory_space<hbm>> -> memref<313x128xf32, #tpu.memory_space<hbm>>
    %dma_start3A_1000 = tpu.memref_slice %arg3[%add3A_994, %mul3A_998] : memref<16250x1024xf32, #tpu.memory_space<hbm>> -> memref<313x128xf32, #tpu.memory_space<hbm>>
    tpu.enqueue_dma source(%dma_start3A_1000 : memref<313x128xf32, #tpu.memory_space<hbm>>) target(%arg10 : memref<313x128xf32, #tpu.memory_space<vmem>>) target_semaphore(%arg13 : memref<!tpu.dma_semaphore, #tpu.memory_space<semaphore_mem>>)
    %mul3A_1001 = arith.constant 13 : i32
    %mul3A_1002 = arith.muli %arg0, %mul3A_1001 : i32
    %add3A_1003 = arith.constant 10 : i32
    %add3A_1004 = arith.addi %mul3A_1002, %add3A_1003 : i32
    %dma_wait3A_1005 = arith.constant 0 : i32
    %dma_wait3A_1006 = tpu.memref_slice %arg2[%add3A_1004, %dma_wait3A_1005] : memref<26x16384xi32, #tpu.memory_space<hbm>> -> memref<1x8192xi32, #tpu.memory_space<hbm>>
    %dma_wait3A_1007 = tpu.memref_squeeze %dma_wait3A_1006 : memref<1x8192xi32, #tpu.memory_space<hbm>> -> memref<8192xi32, #tpu.memory_space<hbm>>
    %dma_wait3A_1008 = arith.constant 0 : i32
    %dma_wait3A_1009 = tpu.memref_slice %arg2[%add3A_1004, %dma_wait3A_1008] : memref<26x16384xi32, #tpu.memory_space<hbm>> -> memref<1x8192xi32, #tpu.memory_space<hbm>>
    %dma_wait3A_1010 = tpu.memref_squeeze %dma_wait3A_1009 : memref<1x8192xi32, #tpu.memory_space<hbm>> -> memref<8192xi32, #tpu.memory_space<hbm>>
    tpu.wait_dma2 semaphore(%arg14 : memref<!tpu.dma_semaphore, #tpu.memory_space<semaphore_mem>>) src(%dma_wait3A_1010 : memref<8192xi32, #tpu.memory_space<hbm>>) dst(%arg7 : memref<8192xi32, #tpu.memory_space<vmem>>)
    %mul3A_1011 = arith.constant 13 : i32
    %mul3A_1012 = arith.muli %arg0, %mul3A_1011 : i32
    %add3A_1013 = arith.constant 10 : i32
    %add3A_1014 = arith.addi %mul3A_1012, %add3A_1013 : i32
    %dma_start3A_1015 = arith.constant 8192 : i32
    %dma_start3A_1016 = tpu.memref_slice %arg2[%add3A_1014, %dma_start3A_1015] : memref<26x16384xi32, #tpu.memory_space<hbm>> -> memref<1x8192xi32, #tpu.memory_space<hbm>>
    %dma_start3A_1017 = tpu.memref_squeeze %dma_start3A_1016 : memref<1x8192xi32, #tpu.memory_space<hbm>> -> memref<8192xi32, #tpu.memory_space<hbm>>
    %dma_start3A_1018 = arith.constant 8192 : i32
    %dma_start3A_1019 = tpu.memref_slice %arg2[%add3A_1014, %dma_start3A_1018] : memref<26x16384xi32, #tpu.memory_space<hbm>> -> memref<1x8192xi32, #tpu.memory_space<hbm>>
    %dma_start3A_1020 = tpu.memref_squeeze %dma_start3A_1019 : memref<1x8192xi32, #tpu.memory_space<hbm>> -> memref<8192xi32, #tpu.memory_space<hbm>>
    tpu.enqueue_dma source(%dma_start3A_1020 : memref<8192xi32, #tpu.memory_space<hbm>>) target(%arg8 : memref<8192xi32, #tpu.memory_space<vmem>>) target_semaphore(%arg14 : memref<!tpu.dma_semaphore, #tpu.memory_space<semaphore_mem>>)
    %broadcast_in_dim3A_1021 = arith.constant 0 : i32
    %broadcast_in_dim3A_1022 = vector.broadcast %broadcast_in_dim3A_1021 : i32 to vector<16xi32>
    %iota3A_1023 = tpu.iota {dimensions = array<i32: 0>} : vector<16xi32>
    %scan3A_1024 = arith.constant 0 : i32
    %scan3A_1025 = arith.constant 512 : i32
    %scan3A_1026 = arith.addi %scan3A_1024, %scan3A_1025 : i32
    %scan3A_1027 = arith.constant 4 : i32
    scf.for %scan3A_1228 = %scan3A_1024 to %scan3A_1026 step %scan3A_1027  : i32 {
      %mul3A_1229 = arith.constant 1 : i32
      %mul3A_1230 = arith.muli %scan3A_1228, %mul3A_1229 : i32
      %add3A_1231 = arith.constant 0 : i32
      %add3A_1232 = arith.addi %add3A_1231, %mul3A_1230 : i32
      %mul3A_1233 = arith.constant 16 : i32
      %mul3A_1234 = arith.muli %add3A_1232, %mul3A_1233 : i32
      %get3A = arith.index_cast %mul3A_1234 : i32 to index
      %get3A_1235 = tpu.vector_load %arg7[%get3A] {strides = array<i32>} : memref<8192xi32, #tpu.memory_space<vmem>>, vector<16xi32>,
      %gather3A = tpu.vector_load_idx %arg9[%broadcast_in_dim3A_1022, %get3A_1235] : memref<313x128xf32, #tpu.memory_space<vmem>>[vector<16xi32>, vector<16xi32>], vector<16xf32>,
      %mul3A_1236 = arith.constant 16 : i32
      %mul3A_1237 = arith.muli %add3A_1232, %mul3A_1236 : i32
      %add3A_1238 = arith.constant 0 : i32
      %add3A_1239 = arith.addi %add3A_1238, %mul3A_1237 : i32
      %add3A_1240 = vector.broadcast %add3A_1239 : i32 to vector<16xi32>
      %add3A_1241 = arith.addi %iota3A_1023, %add3A_1240 : vector<16xi32>
      tpu.vector_store_idx %arg11[%add3A_1241], %gather3A {add = true} : memref<16384xf32, #tpu.memory_space<vmem>>[vector<16xi32>], vector<16xf32>,
      %mul3A_1242 = arith.mulf %gather3A, %gather3A : vector<16xf32>
      tpu.vector_store_idx %arg12[%add3A_1241], %mul3A_1242 {add = true} : memref<16384xf32, #tpu.memory_space<vmem>>[vector<16xi32>], vector<16xf32>,
      %scan3A_1243 = arith.constant 1 : i32
      %scan3A_1244 = arith.addi %scan3A_1228, %scan3A_1243 : i32
      %mul3A_1245 = arith.constant 1 : i32
      %mul3A_1246 = arith.muli %scan3A_1244, %mul3A_1245 : i32
      %add3A_1247 = arith.constant 0 : i32
      %add3A_1248 = arith.addi %add3A_1247, %mul3A_1246 : i32
      %mul3A_1249 = arith.constant 16 : i32
      %mul3A_1250 = arith.muli %add3A_1248, %mul3A_1249 : i32
      %get3A_1251 = arith.index_cast %mul3A_1250 : i32 to index
      %get3A_1252 = tpu.vector_load %arg7[%get3A_1251] {strides = array<i32>} : memref<8192xi32, #tpu.memory_space<vmem>>, vector<16xi32>,
      %gather3A_1253 = tpu.vector_load_idx %arg9[%broadcast_in_dim3A_1022, %get3A_1252] : memref<313x128xf32, #tpu.memory_space<vmem>>[vector<16xi32>, vector<16xi32>], vector<16xf32>,
      %mul3A_1254 = arith.constant 16 : i32
      %mul3A_1255 = arith.muli %add3A_1248, %mul3A_1254 : i32
      %add3A_1256 = arith.constant 0 : i32
      %add3A_1257 = arith.addi %add3A_1256, %mul3A_1255 : i32
      %add3A_1258 = vector.broadcast %add3A_1257 : i32 to vector<16xi32>
      %add3A_1259 = arith.addi %iota3A_1023, %add3A_1258 : vector<16xi32>
      tpu.vector_store_idx %arg11[%add3A_1259], %gather3A_1253 {add = true} : memref<16384xf32, #tpu.memory_space<vmem>>[vector<16xi32>], vector<16xf32>,
      %mul3A_1260 = arith.mulf %gather3A_1253, %gather3A_1253 : vector<16xf32>
      tpu.vector_store_idx %arg12[%add3A_1259], %mul3A_1260 {add = true} : memref<16384xf32, #tpu.memory_space<vmem>>[vector<16xi32>], vector<16xf32>,
      %scan3A_1261 = arith.constant 2 : i32
      %scan3A_1262 = arith.addi %scan3A_1228, %scan3A_1261 : i32
      %mul3A_1263 = arith.constant 1 : i32
      %mul3A_1264 = arith.muli %scan3A_1262, %mul3A_1263 : i32
      %add3A_1265 = arith.constant 0 : i32
      %add3A_1266 = arith.addi %add3A_1265, %mul3A_1264 : i32
      %mul3A_1267 = arith.constant 16 : i32
      %mul3A_1268 = arith.muli %add3A_1266, %mul3A_1267 : i32
      %get3A_1269 = arith.index_cast %mul3A_1268 : i32 to index
      %get3A_1270 = tpu.vector_load %arg7[%get3A_1269] {strides = array<i32>} : memref<8192xi32, #tpu.memory_space<vmem>>, vector<16xi32>,
      %gather3A_1271 = tpu.vector_load_idx %arg9[%broadcast_in_dim3A_1022, %get3A_1270] : memref<313x128xf32, #tpu.memory_space<vmem>>[vector<16xi32>, vector<16xi32>], vector<16xf32>,
      %mul3A_1272 = arith.constant 16 : i32
      %mul3A_1273 = arith.muli %add3A_1266, %mul3A_1272 : i32
      %add3A_1274 = arith.constant 0 : i32
      %add3A_1275 = arith.addi %add3A_1274, %mul3A_1273 : i32
      %add3A_1276 = vector.broadcast %add3A_1275 : i32 to vector<16xi32>
      %add3A_1277 = arith.addi %iota3A_1023, %add3A_1276 : vector<16xi32>
      tpu.vector_store_idx %arg11[%add3A_1277], %gather3A_1271 {add = true} : memref<16384xf32, #tpu.memory_space<vmem>>[vector<16xi32>], vector<16xf32>,
      %mul3A_1278 = arith.mulf %gather3A_1271, %gather3A_1271 : vector<16xf32>
      tpu.vector_store_idx %arg12[%add3A_1277], %mul3A_1278 {add = true} : memref<16384xf32, #tpu.memory_space<vmem>>[vector<16xi32>], vector<16xf32>,
      %scan3A_1279 = arith.constant 3 : i32
      %scan3A_1280 = arith.addi %scan3A_1228, %scan3A_1279 : i32
      %mul3A_1281 = arith.constant 1 : i32
      %mul3A_1282 = arith.muli %scan3A_1280, %mul3A_1281 : i32
      %add3A_1283 = arith.constant 0 : i32
      %add3A_1284 = arith.addi %add3A_1283, %mul3A_1282 : i32
      %mul3A_1285 = arith.constant 16 : i32
      %mul3A_1286 = arith.muli %add3A_1284, %mul3A_1285 : i32
      %get3A_1287 = arith.index_cast %mul3A_1286 : i32 to index
      %get3A_1288 = tpu.vector_load %arg7[%get3A_1287] {strides = array<i32>} : memref<8192xi32, #tpu.memory_space<vmem>>, vector<16xi32>,
      %gather3A_1289 = tpu.vector_load_idx %arg9[%broadcast_in_dim3A_1022, %get3A_1288] : memref<313x128xf32, #tpu.memory_space<vmem>>[vector<16xi32>, vector<16xi32>], vector<16xf32>,
      %mul3A_1290 = arith.constant 16 : i32
      %mul3A_1291 = arith.muli %add3A_1284, %mul3A_1290 : i32
      %add3A_1292 = arith.constant 0 : i32
      %add3A_1293 = arith.addi %add3A_1292, %mul3A_1291 : i32
      %add3A_1294 = vector.broadcast %add3A_1293 : i32 to vector<16xi32>
      %add3A_1295 = arith.addi %iota3A_1023, %add3A_1294 : vector<16xi32>
      tpu.vector_store_idx %arg11[%add3A_1295], %gather3A_1289 {add = true} : memref<16384xf32, #tpu.memory_space<vmem>>[vector<16xi32>], vector<16xf32>,
      %mul3A_1296 = arith.mulf %gather3A_1289, %gather3A_1289 : vector<16xf32>
      tpu.vector_store_idx %arg12[%add3A_1295], %mul3A_1296 {add = true} : memref<16384xf32, #tpu.memory_space<vmem>>[vector<16xi32>], vector<16xf32>,
    }
    %scan3A_1028 = arith.constant 512 : i32
    %mul3A_1029 = arith.constant 13 : i32
    %mul3A_1030 = arith.muli %arg0, %mul3A_1029 : i32
    %add3A_1031 = arith.constant 10 : i32
    %add3A_1032 = arith.addi %mul3A_1030, %add3A_1031 : i32
    %dma_wait3A_1033 = arith.constant 8192 : i32
    %dma_wait3A_1034 = tpu.memref_slice %arg2[%add3A_1032, %dma_wait3A_1033] : memref<26x16384xi32, #tpu.memory_space<hbm>> -> memref<1x8192xi32, #tpu.memory_space<hbm>>
    %dma_wait3A_1035 = tpu.memref_squeeze %dma_wait3A_1034 : memref<1x8192xi32, #tpu.memory_space<hbm>> -> memref<8192xi32, #tpu.memory_space<hbm>>
    %dma_wait3A_1036 = arith.constant 8192 : i32
    %dma_wait3A_1037 = tpu.memref_slice %arg2[%add3A_1032, %dma_wait3A_1036] : memref<26x16384xi32, #tpu.memory_space<hbm>> -> memref<1x8192xi32, #tpu.memory_space<hbm>>
    %dma_wait3A_1038 = tpu.memref_squeeze %dma_wait3A_1037 : memref<1x8192xi32, #tpu.memory_space<hbm>> -> memref<8192xi32, #tpu.memory_space<hbm>>
    tpu.wait_dma2 semaphore(%arg14 : memref<!tpu.dma_semaphore, #tpu.memory_space<semaphore_mem>>) src(%dma_wait3A_1038 : memref<8192xi32, #tpu.memory_space<hbm>>) dst(%arg8 : memref<8192xi32, #tpu.memory_space<vmem>>)
    %mul3A_1039 = arith.constant 13 : i32
    %mul3A_1040 = arith.muli %arg0, %mul3A_1039 : i32
    %add3A_1041 = arith.constant 11 : i32
    %add3A_1042 = arith.addi %mul3A_1040, %add3A_1041 : i32
    %dma_start3A_1043 = arith.constant 0 : i32
    %dma_start3A_1044 = tpu.memref_slice %arg2[%add3A_1042, %dma_start3A_1043] : memref<26x16384xi32, #tpu.memory_space<hbm>> -> memref<1x8192xi32, #tpu.memory_space<hbm>>
    %dma_start3A_1045 = tpu.memref_squeeze %dma_start3A_1044 : memref<1x8192xi32, #tpu.memory_space<hbm>> -> memref<8192xi32, #tpu.memory_space<hbm>>
    %dma_start3A_1046 = arith.constant 0 : i32
    %dma_start3A_1047 = tpu.memref_slice %arg2[%add3A_1042, %dma_start3A_1046] : memref<26x16384xi32, #tpu.memory_space<hbm>> -> memref<1x8192xi32, #tpu.memory_space<hbm>>
    %dma_start3A_1048 = tpu.memref_squeeze %dma_start3A_1047 : memref<1x8192xi32, #tpu.memory_space<hbm>> -> memref<8192xi32, #tpu.memory_space<hbm>>
    tpu.enqueue_dma source(%dma_start3A_1048 : memref<8192xi32, #tpu.memory_space<hbm>>) target(%arg7 : memref<8192xi32, #tpu.memory_space<vmem>>) target_semaphore(%arg14 : memref<!tpu.dma_semaphore, #tpu.memory_space<semaphore_mem>>)
    %broadcast_in_dim3A_1049 = arith.constant 0 : i32
    %broadcast_in_dim3A_1050 = vector.broadcast %broadcast_in_dim3A_1049 : i32 to vector<16xi32>
    %iota3A_1051 = tpu.iota {dimensions = array<i32: 0>} : vector<16xi32>
    %scan3A_1052 = arith.constant 0 : i32
    %scan3A_1053 = arith.constant 512 : i32
    %scan3A_1054 = arith.addi %scan3A_1052, %scan3A_1053 : i32
    %scan3A_1055 = arith.constant 4 : i32
    scf.for %scan3A_1228 = %scan3A_1052 to %scan3A_1054 step %scan3A_1055  : i32 {
      %mul3A_1229 = arith.constant 1 : i32
      %mul3A_1230 = arith.muli %scan3A_1228, %mul3A_1229 : i32
      %add3A_1231 = arith.constant 0 : i32
      %add3A_1232 = arith.addi %add3A_1231, %mul3A_1230 : i32
      %mul3A_1233 = arith.constant 16 : i32
      %mul3A_1234 = arith.muli %add3A_1232, %mul3A_1233 : i32
      %get3A = arith.index_cast %mul3A_1234 : i32 to index
      %get3A_1235 = tpu.vector_load %arg8[%get3A] {strides = array<i32>} : memref<8192xi32, #tpu.memory_space<vmem>>, vector<16xi32>,
      %gather3A = tpu.vector_load_idx %arg9[%broadcast_in_dim3A_1050, %get3A_1235] : memref<313x128xf32, #tpu.memory_space<vmem>>[vector<16xi32>, vector<16xi32>], vector<16xf32>,
      %mul3A_1236 = arith.constant 16 : i32
      %mul3A_1237 = arith.muli %add3A_1232, %mul3A_1236 : i32
      %add3A_1238 = arith.constant 8192 : i32
      %add3A_1239 = arith.addi %add3A_1238, %mul3A_1237 : i32
      %add3A_1240 = vector.broadcast %add3A_1239 : i32 to vector<16xi32>
      %add3A_1241 = arith.addi %iota3A_1051, %add3A_1240 : vector<16xi32>
      tpu.vector_store_idx %arg11[%add3A_1241], %gather3A {add = true} : memref<16384xf32, #tpu.memory_space<vmem>>[vector<16xi32>], vector<16xf32>,
      %mul3A_1242 = arith.mulf %gather3A, %gather3A : vector<16xf32>
      tpu.vector_store_idx %arg12[%add3A_1241], %mul3A_1242 {add = true} : memref<16384xf32, #tpu.memory_space<vmem>>[vector<16xi32>], vector<16xf32>,
      %scan3A_1243 = arith.constant 1 : i32
      %scan3A_1244 = arith.addi %scan3A_1228, %scan3A_1243 : i32
      %mul3A_1245 = arith.constant 1 : i32
      %mul3A_1246 = arith.muli %scan3A_1244, %mul3A_1245 : i32
      %add3A_1247 = arith.constant 0 : i32
      %add3A_1248 = arith.addi %add3A_1247, %mul3A_1246 : i32
      %mul3A_1249 = arith.constant 16 : i32
      %mul3A_1250 = arith.muli %add3A_1248, %mul3A_1249 : i32
      %get3A_1251 = arith.index_cast %mul3A_1250 : i32 to index
      %get3A_1252 = tpu.vector_load %arg8[%get3A_1251] {strides = array<i32>} : memref<8192xi32, #tpu.memory_space<vmem>>, vector<16xi32>,
      %gather3A_1253 = tpu.vector_load_idx %arg9[%broadcast_in_dim3A_1050, %get3A_1252] : memref<313x128xf32, #tpu.memory_space<vmem>>[vector<16xi32>, vector<16xi32>], vector<16xf32>,
      %mul3A_1254 = arith.constant 16 : i32
      %mul3A_1255 = arith.muli %add3A_1248, %mul3A_1254 : i32
      %add3A_1256 = arith.constant 8192 : i32
      %add3A_1257 = arith.addi %add3A_1256, %mul3A_1255 : i32
      %add3A_1258 = vector.broadcast %add3A_1257 : i32 to vector<16xi32>
      %add3A_1259 = arith.addi %iota3A_1051, %add3A_1258 : vector<16xi32>
      tpu.vector_store_idx %arg11[%add3A_1259], %gather3A_1253 {add = true} : memref<16384xf32, #tpu.memory_space<vmem>>[vector<16xi32>], vector<16xf32>,
      %mul3A_1260 = arith.mulf %gather3A_1253, %gather3A_1253 : vector<16xf32>
      tpu.vector_store_idx %arg12[%add3A_1259], %mul3A_1260 {add = true} : memref<16384xf32, #tpu.memory_space<vmem>>[vector<16xi32>], vector<16xf32>,
      %scan3A_1261 = arith.constant 2 : i32
      %scan3A_1262 = arith.addi %scan3A_1228, %scan3A_1261 : i32
      %mul3A_1263 = arith.constant 1 : i32
      %mul3A_1264 = arith.muli %scan3A_1262, %mul3A_1263 : i32
      %add3A_1265 = arith.constant 0 : i32
      %add3A_1266 = arith.addi %add3A_1265, %mul3A_1264 : i32
      %mul3A_1267 = arith.constant 16 : i32
      %mul3A_1268 = arith.muli %add3A_1266, %mul3A_1267 : i32
      %get3A_1269 = arith.index_cast %mul3A_1268 : i32 to index
      %get3A_1270 = tpu.vector_load %arg8[%get3A_1269] {strides = array<i32>} : memref<8192xi32, #tpu.memory_space<vmem>>, vector<16xi32>,
      %gather3A_1271 = tpu.vector_load_idx %arg9[%broadcast_in_dim3A_1050, %get3A_1270] : memref<313x128xf32, #tpu.memory_space<vmem>>[vector<16xi32>, vector<16xi32>], vector<16xf32>,
      %mul3A_1272 = arith.constant 16 : i32
      %mul3A_1273 = arith.muli %add3A_1266, %mul3A_1272 : i32
      %add3A_1274 = arith.constant 8192 : i32
      %add3A_1275 = arith.addi %add3A_1274, %mul3A_1273 : i32
      %add3A_1276 = vector.broadcast %add3A_1275 : i32 to vector<16xi32>
      %add3A_1277 = arith.addi %iota3A_1051, %add3A_1276 : vector<16xi32>
      tpu.vector_store_idx %arg11[%add3A_1277], %gather3A_1271 {add = true} : memref<16384xf32, #tpu.memory_space<vmem>>[vector<16xi32>], vector<16xf32>,
      %mul3A_1278 = arith.mulf %gather3A_1271, %gather3A_1271 : vector<16xf32>
      tpu.vector_store_idx %arg12[%add3A_1277], %mul3A_1278 {add = true} : memref<16384xf32, #tpu.memory_space<vmem>>[vector<16xi32>], vector<16xf32>,
      %scan3A_1279 = arith.constant 3 : i32
      %scan3A_1280 = arith.addi %scan3A_1228, %scan3A_1279 : i32
      %mul3A_1281 = arith.constant 1 : i32
      %mul3A_1282 = arith.muli %scan3A_1280, %mul3A_1281 : i32
      %add3A_1283 = arith.constant 0 : i32
      %add3A_1284 = arith.addi %add3A_1283, %mul3A_1282 : i32
      %mul3A_1285 = arith.constant 16 : i32
      %mul3A_1286 = arith.muli %add3A_1284, %mul3A_1285 : i32
      %get3A_1287 = arith.index_cast %mul3A_1286 : i32 to index
      %get3A_1288 = tpu.vector_load %arg8[%get3A_1287] {strides = array<i32>} : memref<8192xi32, #tpu.memory_space<vmem>>, vector<16xi32>,
      %gather3A_1289 = tpu.vector_load_idx %arg9[%broadcast_in_dim3A_1050, %get3A_1288] : memref<313x128xf32, #tpu.memory_space<vmem>>[vector<16xi32>, vector<16xi32>], vector<16xf32>,
      %mul3A_1290 = arith.constant 16 : i32
      %mul3A_1291 = arith.muli %add3A_1284, %mul3A_1290 : i32
      %add3A_1292 = arith.constant 8192 : i32
      %add3A_1293 = arith.addi %add3A_1292, %mul3A_1291 : i32
      %add3A_1294 = vector.broadcast %add3A_1293 : i32 to vector<16xi32>
      %add3A_1295 = arith.addi %iota3A_1051, %add3A_1294 : vector<16xi32>
      tpu.vector_store_idx %arg11[%add3A_1295], %gather3A_1289 {add = true} : memref<16384xf32, #tpu.memory_space<vmem>>[vector<16xi32>], vector<16xf32>,
      %mul3A_1296 = arith.mulf %gather3A_1289, %gather3A_1289 : vector<16xf32>
      tpu.vector_store_idx %arg12[%add3A_1295], %mul3A_1296 {add = true} : memref<16384xf32, #tpu.memory_space<vmem>>[vector<16xi32>], vector<16xf32>,
    }
    %scan3A_1056 = arith.constant 512 : i32
    %mul3A_1057 = arith.constant 13 : i32
    %mul3A_1058 = arith.muli %arg0, %mul3A_1057 : i32
    %add3A_1059 = arith.constant 11 : i32
    %add3A_1060 = arith.addi %mul3A_1058, %add3A_1059 : i32
    %mul3A_1061 = arith.constant 40000 : i32
    %mul3A_1062 = arith.muli %add3A_1060, %mul3A_1061 : i32
    %shift_right_arithmetic3A_1063 = arith.constant 3 : i32
    %shift_right_arithmetic3A_1064 = arith.shrsi %arg1, %shift_right_arithmetic3A_1063 : i32
    %mul3A_1065 = arith.constant 8125 : i32
    %mul3A_1066 = arith.muli %shift_right_arithmetic3A_1064, %mul3A_1065 : i32
    %shift_right_arithmetic3A_1067 = arith.constant 7 : i32
    %shift_right_arithmetic3A_1068 = arith.shrsi %mul3A_1062, %shift_right_arithmetic3A_1067 : i32
    %add3A_1069 = arith.addi %mul3A_1066, %shift_right_arithmetic3A_1068 : i32
    %and3A_1070 = arith.constant 7 : i32
    %and3A_1071 = arith.andi %arg1, %and3A_1070 : i32
    %mul3A_1072 = arith.constant 128 : i32
    %mul3A_1073 = arith.muli %and3A_1071, %mul3A_1072 : i32
    %dma_wait3A_1074 = tpu.memref_slice %arg3[%add3A_1069, %mul3A_1073] : memref<16250x1024xf32, #tpu.memory_space<hbm>> -> memref<313x128xf32, #tpu.memory_space<hbm>>
    %dma_wait3A_1075 = tpu.memref_slice %arg3[%add3A_1069, %mul3A_1073] : memref<16250x1024xf32, #tpu.memory_space<hbm>> -> memref<313x128xf32, #tpu.memory_space<hbm>>
    tpu.wait_dma2 semaphore(%arg13 : memref<!tpu.dma_semaphore, #tpu.memory_space<semaphore_mem>>) src(%dma_wait3A_1075 : memref<313x128xf32, #tpu.memory_space<hbm>>) dst(%arg10 : memref<313x128xf32, #tpu.memory_space<vmem>>)
    %mul3A_1076 = arith.constant 13 : i32
    %mul3A_1077 = arith.muli %arg0, %mul3A_1076 : i32
    %add3A_1078 = arith.constant 12 : i32
    %add3A_1079 = arith.addi %mul3A_1077, %add3A_1078 : i32
    %mul3A_1080 = arith.constant 40000 : i32
    %mul3A_1081 = arith.muli %add3A_1079, %mul3A_1080 : i32
    %shift_right_arithmetic3A_1082 = arith.constant 3 : i32
    %shift_right_arithmetic3A_1083 = arith.shrsi %arg1, %shift_right_arithmetic3A_1082 : i32
    %mul3A_1084 = arith.constant 8125 : i32
    %mul3A_1085 = arith.muli %shift_right_arithmetic3A_1083, %mul3A_1084 : i32
    %shift_right_arithmetic3A_1086 = arith.constant 7 : i32
    %shift_right_arithmetic3A_1087 = arith.shrsi %mul3A_1081, %shift_right_arithmetic3A_1086 : i32
    %add3A_1088 = arith.addi %mul3A_1085, %shift_right_arithmetic3A_1087 : i32
    %and3A_1089 = arith.constant 7 : i32
    %and3A_1090 = arith.andi %arg1, %and3A_1089 : i32
    %mul3A_1091 = arith.constant 128 : i32
    %mul3A_1092 = arith.muli %and3A_1090, %mul3A_1091 : i32
    %dma_start3A_1093 = tpu.memref_slice %arg3[%add3A_1088, %mul3A_1092] : memref<16250x1024xf32, #tpu.memory_space<hbm>> -> memref<313x128xf32, #tpu.memory_space<hbm>>
    %dma_start3A_1094 = tpu.memref_slice %arg3[%add3A_1088, %mul3A_1092] : memref<16250x1024xf32, #tpu.memory_space<hbm>> -> memref<313x128xf32, #tpu.memory_space<hbm>>
    tpu.enqueue_dma source(%dma_start3A_1094 : memref<313x128xf32, #tpu.memory_space<hbm>>) target(%arg9 : memref<313x128xf32, #tpu.memory_space<vmem>>) target_semaphore(%arg13 : memref<!tpu.dma_semaphore, #tpu.memory_space<semaphore_mem>>)
    %mul3A_1095 = arith.constant 13 : i32
    %mul3A_1096 = arith.muli %arg0, %mul3A_1095 : i32
    %add3A_1097 = arith.constant 11 : i32
    %add3A_1098 = arith.addi %mul3A_1096, %add3A_1097 : i32
    %dma_wait3A_1099 = arith.constant 0 : i32
    %dma_wait3A_1100 = tpu.memref_slice %arg2[%add3A_1098, %dma_wait3A_1099] : memref<26x16384xi32, #tpu.memory_space<hbm>> -> memref<1x8192xi32, #tpu.memory_space<hbm>>
    %dma_wait3A_1101 = tpu.memref_squeeze %dma_wait3A_1100 : memref<1x8192xi32, #tpu.memory_space<hbm>> -> memref<8192xi32, #tpu.memory_space<hbm>>
    %dma_wait3A_1102 = arith.constant 0 : i32
    %dma_wait3A_1103 = tpu.memref_slice %arg2[%add3A_1098, %dma_wait3A_1102] : memref<26x16384xi32, #tpu.memory_space<hbm>> -> memref<1x8192xi32, #tpu.memory_space<hbm>>
    %dma_wait3A_1104 = tpu.memref_squeeze %dma_wait3A_1103 : memref<1x8192xi32, #tpu.memory_space<hbm>> -> memref<8192xi32, #tpu.memory_space<hbm>>
    tpu.wait_dma2 semaphore(%arg14 : memref<!tpu.dma_semaphore, #tpu.memory_space<semaphore_mem>>) src(%dma_wait3A_1104 : memref<8192xi32, #tpu.memory_space<hbm>>) dst(%arg7 : memref<8192xi32, #tpu.memory_space<vmem>>)
    %mul3A_1105 = arith.constant 13 : i32
    %mul3A_1106 = arith.muli %arg0, %mul3A_1105 : i32
    %add3A_1107 = arith.constant 11 : i32
    %add3A_1108 = arith.addi %mul3A_1106, %add3A_1107 : i32
    %dma_start3A_1109 = arith.constant 8192 : i32
    %dma_start3A_1110 = tpu.memref_slice %arg2[%add3A_1108, %dma_start3A_1109] : memref<26x16384xi32, #tpu.memory_space<hbm>> -> memref<1x8192xi32, #tpu.memory_space<hbm>>
    %dma_start3A_1111 = tpu.memref_squeeze %dma_start3A_1110 : memref<1x8192xi32, #tpu.memory_space<hbm>> -> memref<8192xi32, #tpu.memory_space<hbm>>
    %dma_start3A_1112 = arith.constant 8192 : i32
    %dma_start3A_1113 = tpu.memref_slice %arg2[%add3A_1108, %dma_start3A_1112] : memref<26x16384xi32, #tpu.memory_space<hbm>> -> memref<1x8192xi32, #tpu.memory_space<hbm>>
    %dma_start3A_1114 = tpu.memref_squeeze %dma_start3A_1113 : memref<1x8192xi32, #tpu.memory_space<hbm>> -> memref<8192xi32, #tpu.memory_space<hbm>>
    tpu.enqueue_dma source(%dma_start3A_1114 : memref<8192xi32, #tpu.memory_space<hbm>>) target(%arg8 : memref<8192xi32, #tpu.memory_space<vmem>>) target_semaphore(%arg14 : memref<!tpu.dma_semaphore, #tpu.memory_space<semaphore_mem>>)
    %broadcast_in_dim3A_1115 = arith.constant 0 : i32
    %broadcast_in_dim3A_1116 = vector.broadcast %broadcast_in_dim3A_1115 : i32 to vector<16xi32>
    %iota3A_1117 = tpu.iota {dimensions = array<i32: 0>} : vector<16xi32>
    %scan3A_1118 = arith.constant 0 : i32
    %scan3A_1119 = arith.constant 512 : i32
    %scan3A_1120 = arith.addi %scan3A_1118, %scan3A_1119 : i32
    %scan3A_1121 = arith.constant 4 : i32
    scf.for %scan3A_1228 = %scan3A_1118 to %scan3A_1120 step %scan3A_1121  : i32 {
      %mul3A_1229 = arith.constant 1 : i32
      %mul3A_1230 = arith.muli %scan3A_1228, %mul3A_1229 : i32
      %add3A_1231 = arith.constant 0 : i32
      %add3A_1232 = arith.addi %add3A_1231, %mul3A_1230 : i32
      %mul3A_1233 = arith.constant 16 : i32
      %mul3A_1234 = arith.muli %add3A_1232, %mul3A_1233 : i32
      %get3A = arith.index_cast %mul3A_1234 : i32 to index
      %get3A_1235 = tpu.vector_load %arg7[%get3A] {strides = array<i32>} : memref<8192xi32, #tpu.memory_space<vmem>>, vector<16xi32>,
      %gather3A = tpu.vector_load_idx %arg10[%broadcast_in_dim3A_1116, %get3A_1235] : memref<313x128xf32, #tpu.memory_space<vmem>>[vector<16xi32>, vector<16xi32>], vector<16xf32>,
      %mul3A_1236 = arith.constant 16 : i32
      %mul3A_1237 = arith.muli %add3A_1232, %mul3A_1236 : i32
      %add3A_1238 = arith.constant 0 : i32
      %add3A_1239 = arith.addi %add3A_1238, %mul3A_1237 : i32
      %add3A_1240 = vector.broadcast %add3A_1239 : i32 to vector<16xi32>
      %add3A_1241 = arith.addi %iota3A_1117, %add3A_1240 : vector<16xi32>
      tpu.vector_store_idx %arg11[%add3A_1241], %gather3A {add = true} : memref<16384xf32, #tpu.memory_space<vmem>>[vector<16xi32>], vector<16xf32>,
      %mul3A_1242 = arith.mulf %gather3A, %gather3A : vector<16xf32>
      tpu.vector_store_idx %arg12[%add3A_1241], %mul3A_1242 {add = true} : memref<16384xf32, #tpu.memory_space<vmem>>[vector<16xi32>], vector<16xf32>,
      %scan3A_1243 = arith.constant 1 : i32
      %scan3A_1244 = arith.addi %scan3A_1228, %scan3A_1243 : i32
      %mul3A_1245 = arith.constant 1 : i32
      %mul3A_1246 = arith.muli %scan3A_1244, %mul3A_1245 : i32
      %add3A_1247 = arith.constant 0 : i32
      %add3A_1248 = arith.addi %add3A_1247, %mul3A_1246 : i32
      %mul3A_1249 = arith.constant 16 : i32
      %mul3A_1250 = arith.muli %add3A_1248, %mul3A_1249 : i32
      %get3A_1251 = arith.index_cast %mul3A_1250 : i32 to index
      %get3A_1252 = tpu.vector_load %arg7[%get3A_1251] {strides = array<i32>} : memref<8192xi32, #tpu.memory_space<vmem>>, vector<16xi32>,
      %gather3A_1253 = tpu.vector_load_idx %arg10[%broadcast_in_dim3A_1116, %get3A_1252] : memref<313x128xf32, #tpu.memory_space<vmem>>[vector<16xi32>, vector<16xi32>], vector<16xf32>,
      %mul3A_1254 = arith.constant 16 : i32
      %mul3A_1255 = arith.muli %add3A_1248, %mul3A_1254 : i32
      %add3A_1256 = arith.constant 0 : i32
      %add3A_1257 = arith.addi %add3A_1256, %mul3A_1255 : i32
      %add3A_1258 = vector.broadcast %add3A_1257 : i32 to vector<16xi32>
      %add3A_1259 = arith.addi %iota3A_1117, %add3A_1258 : vector<16xi32>
      tpu.vector_store_idx %arg11[%add3A_1259], %gather3A_1253 {add = true} : memref<16384xf32, #tpu.memory_space<vmem>>[vector<16xi32>], vector<16xf32>,
      %mul3A_1260 = arith.mulf %gather3A_1253, %gather3A_1253 : vector<16xf32>
      tpu.vector_store_idx %arg12[%add3A_1259], %mul3A_1260 {add = true} : memref<16384xf32, #tpu.memory_space<vmem>>[vector<16xi32>], vector<16xf32>,
      %scan3A_1261 = arith.constant 2 : i32
      %scan3A_1262 = arith.addi %scan3A_1228, %scan3A_1261 : i32
      %mul3A_1263 = arith.constant 1 : i32
      %mul3A_1264 = arith.muli %scan3A_1262, %mul3A_1263 : i32
      %add3A_1265 = arith.constant 0 : i32
      %add3A_1266 = arith.addi %add3A_1265, %mul3A_1264 : i32
      %mul3A_1267 = arith.constant 16 : i32
      %mul3A_1268 = arith.muli %add3A_1266, %mul3A_1267 : i32
      %get3A_1269 = arith.index_cast %mul3A_1268 : i32 to index
      %get3A_1270 = tpu.vector_load %arg7[%get3A_1269] {strides = array<i32>} : memref<8192xi32, #tpu.memory_space<vmem>>, vector<16xi32>,
      %gather3A_1271 = tpu.vector_load_idx %arg10[%broadcast_in_dim3A_1116, %get3A_1270] : memref<313x128xf32, #tpu.memory_space<vmem>>[vector<16xi32>, vector<16xi32>], vector<16xf32>,
      %mul3A_1272 = arith.constant 16 : i32
      %mul3A_1273 = arith.muli %add3A_1266, %mul3A_1272 : i32
      %add3A_1274 = arith.constant 0 : i32
      %add3A_1275 = arith.addi %add3A_1274, %mul3A_1273 : i32
      %add3A_1276 = vector.broadcast %add3A_1275 : i32 to vector<16xi32>
      %add3A_1277 = arith.addi %iota3A_1117, %add3A_1276 : vector<16xi32>
      tpu.vector_store_idx %arg11[%add3A_1277], %gather3A_1271 {add = true} : memref<16384xf32, #tpu.memory_space<vmem>>[vector<16xi32>], vector<16xf32>,
      %mul3A_1278 = arith.mulf %gather3A_1271, %gather3A_1271 : vector<16xf32>
      tpu.vector_store_idx %arg12[%add3A_1277], %mul3A_1278 {add = true} : memref<16384xf32, #tpu.memory_space<vmem>>[vector<16xi32>], vector<16xf32>,
      %scan3A_1279 = arith.constant 3 : i32
      %scan3A_1280 = arith.addi %scan3A_1228, %scan3A_1279 : i32
      %mul3A_1281 = arith.constant 1 : i32
      %mul3A_1282 = arith.muli %scan3A_1280, %mul3A_1281 : i32
      %add3A_1283 = arith.constant 0 : i32
      %add3A_1284 = arith.addi %add3A_1283, %mul3A_1282 : i32
      %mul3A_1285 = arith.constant 16 : i32
      %mul3A_1286 = arith.muli %add3A_1284, %mul3A_1285 : i32
      %get3A_1287 = arith.index_cast %mul3A_1286 : i32 to index
      %get3A_1288 = tpu.vector_load %arg7[%get3A_1287] {strides = array<i32>} : memref<8192xi32, #tpu.memory_space<vmem>>, vector<16xi32>,
      %gather3A_1289 = tpu.vector_load_idx %arg10[%broadcast_in_dim3A_1116, %get3A_1288] : memref<313x128xf32, #tpu.memory_space<vmem>>[vector<16xi32>, vector<16xi32>], vector<16xf32>,
      %mul3A_1290 = arith.constant 16 : i32
      %mul3A_1291 = arith.muli %add3A_1284, %mul3A_1290 : i32
      %add3A_1292 = arith.constant 0 : i32
      %add3A_1293 = arith.addi %add3A_1292, %mul3A_1291 : i32
      %add3A_1294 = vector.broadcast %add3A_1293 : i32 to vector<16xi32>
      %add3A_1295 = arith.addi %iota3A_1117, %add3A_1294 : vector<16xi32>
      tpu.vector_store_idx %arg11[%add3A_1295], %gather3A_1289 {add = true} : memref<16384xf32, #tpu.memory_space<vmem>>[vector<16xi32>], vector<16xf32>,
      %mul3A_1296 = arith.mulf %gather3A_1289, %gather3A_1289 : vector<16xf32>
      tpu.vector_store_idx %arg12[%add3A_1295], %mul3A_1296 {add = true} : memref<16384xf32, #tpu.memory_space<vmem>>[vector<16xi32>], vector<16xf32>,
    }
    %scan3A_1122 = arith.constant 512 : i32
    %mul3A_1123 = arith.constant 13 : i32
    %mul3A_1124 = arith.muli %arg0, %mul3A_1123 : i32
    %add3A_1125 = arith.constant 11 : i32
    %add3A_1126 = arith.addi %mul3A_1124, %add3A_1125 : i32
    %dma_wait3A_1127 = arith.constant 8192 : i32
    %dma_wait3A_1128 = tpu.memref_slice %arg2[%add3A_1126, %dma_wait3A_1127] : memref<26x16384xi32, #tpu.memory_space<hbm>> -> memref<1x8192xi32, #tpu.memory_space<hbm>>
    %dma_wait3A_1129 = tpu.memref_squeeze %dma_wait3A_1128 : memref<1x8192xi32, #tpu.memory_space<hbm>> -> memref<8192xi32, #tpu.memory_space<hbm>>
    %dma_wait3A_1130 = arith.constant 8192 : i32
    %dma_wait3A_1131 = tpu.memref_slice %arg2[%add3A_1126, %dma_wait3A_1130] : memref<26x16384xi32, #tpu.memory_space<hbm>> -> memref<1x8192xi32, #tpu.memory_space<hbm>>
    %dma_wait3A_1132 = tpu.memref_squeeze %dma_wait3A_1131 : memref<1x8192xi32, #tpu.memory_space<hbm>> -> memref<8192xi32, #tpu.memory_space<hbm>>
    tpu.wait_dma2 semaphore(%arg14 : memref<!tpu.dma_semaphore, #tpu.memory_space<semaphore_mem>>) src(%dma_wait3A_1132 : memref<8192xi32, #tpu.memory_space<hbm>>) dst(%arg8 : memref<8192xi32, #tpu.memory_space<vmem>>)
    %mul3A_1133 = arith.constant 13 : i32
    %mul3A_1134 = arith.muli %arg0, %mul3A_1133 : i32
    %add3A_1135 = arith.constant 12 : i32
    %add3A_1136 = arith.addi %mul3A_1134, %add3A_1135 : i32
    %dma_start3A_1137 = arith.constant 0 : i32
    %dma_start3A_1138 = tpu.memref_slice %arg2[%add3A_1136, %dma_start3A_1137] : memref<26x16384xi32, #tpu.memory_space<hbm>> -> memref<1x8192xi32, #tpu.memory_space<hbm>>
    %dma_start3A_1139 = tpu.memref_squeeze %dma_start3A_1138 : memref<1x8192xi32, #tpu.memory_space<hbm>> -> memref<8192xi32, #tpu.memory_space<hbm>>
    %dma_start3A_1140 = arith.constant 0 : i32
    %dma_start3A_1141 = tpu.memref_slice %arg2[%add3A_1136, %dma_start3A_1140] : memref<26x16384xi32, #tpu.memory_space<hbm>> -> memref<1x8192xi32, #tpu.memory_space<hbm>>
    %dma_start3A_1142 = tpu.memref_squeeze %dma_start3A_1141 : memref<1x8192xi32, #tpu.memory_space<hbm>> -> memref<8192xi32, #tpu.memory_space<hbm>>
    tpu.enqueue_dma source(%dma_start3A_1142 : memref<8192xi32, #tpu.memory_space<hbm>>) target(%arg7 : memref<8192xi32, #tpu.memory_space<vmem>>) target_semaphore(%arg14 : memref<!tpu.dma_semaphore, #tpu.memory_space<semaphore_mem>>)
    %broadcast_in_dim3A_1143 = arith.constant 0 : i32
    %broadcast_in_dim3A_1144 = vector.broadcast %broadcast_in_dim3A_1143 : i32 to vector<16xi32>
    %iota3A_1145 = tpu.iota {dimensions = array<i32: 0>} : vector<16xi32>
    %scan3A_1146 = arith.constant 0 : i32
    %scan3A_1147 = arith.constant 512 : i32
    %scan3A_1148 = arith.addi %scan3A_1146, %scan3A_1147 : i32
    %scan3A_1149 = arith.constant 4 : i32
    scf.for %scan3A_1228 = %scan3A_1146 to %scan3A_1148 step %scan3A_1149  : i32 {
      %mul3A_1229 = arith.constant 1 : i32
      %mul3A_1230 = arith.muli %scan3A_1228, %mul3A_1229 : i32
      %add3A_1231 = arith.constant 0 : i32
      %add3A_1232 = arith.addi %add3A_1231, %mul3A_1230 : i32
      %mul3A_1233 = arith.constant 16 : i32
      %mul3A_1234 = arith.muli %add3A_1232, %mul3A_1233 : i32
      %get3A = arith.index_cast %mul3A_1234 : i32 to index
      %get3A_1235 = tpu.vector_load %arg8[%get3A] {strides = array<i32>} : memref<8192xi32, #tpu.memory_space<vmem>>, vector<16xi32>,
      %gather3A = tpu.vector_load_idx %arg10[%broadcast_in_dim3A_1144, %get3A_1235] : memref<313x128xf32, #tpu.memory_space<vmem>>[vector<16xi32>, vector<16xi32>], vector<16xf32>,
      %mul3A_1236 = arith.constant 16 : i32
      %mul3A_1237 = arith.muli %add3A_1232, %mul3A_1236 : i32
      %add3A_1238 = arith.constant 8192 : i32
      %add3A_1239 = arith.addi %add3A_1238, %mul3A_1237 : i32
      %add3A_1240 = vector.broadcast %add3A_1239 : i32 to vector<16xi32>
      %add3A_1241 = arith.addi %iota3A_1145, %add3A_1240 : vector<16xi32>
      tpu.vector_store_idx %arg11[%add3A_1241], %gather3A {add = true} : memref<16384xf32, #tpu.memory_space<vmem>>[vector<16xi32>], vector<16xf32>,
      %mul3A_1242 = arith.mulf %gather3A, %gather3A : vector<16xf32>
      tpu.vector_store_idx %arg12[%add3A_1241], %mul3A_1242 {add = true} : memref<16384xf32, #tpu.memory_space<vmem>>[vector<16xi32>], vector<16xf32>,
      %scan3A_1243 = arith.constant 1 : i32
      %scan3A_1244 = arith.addi %scan3A_1228, %scan3A_1243 : i32
      %mul3A_1245 = arith.constant 1 : i32
      %mul3A_1246 = arith.muli %scan3A_1244, %mul3A_1245 : i32
      %add3A_1247 = arith.constant 0 : i32
      %add3A_1248 = arith.addi %add3A_1247, %mul3A_1246 : i32
      %mul3A_1249 = arith.constant 16 : i32
      %mul3A_1250 = arith.muli %add3A_1248, %mul3A_1249 : i32
      %get3A_1251 = arith.index_cast %mul3A_1250 : i32 to index
      %get3A_1252 = tpu.vector_load %arg8[%get3A_1251] {strides = array<i32>} : memref<8192xi32, #tpu.memory_space<vmem>>, vector<16xi32>,
      %gather3A_1253 = tpu.vector_load_idx %arg10[%broadcast_in_dim3A_1144, %get3A_1252] : memref<313x128xf32, #tpu.memory_space<vmem>>[vector<16xi32>, vector<16xi32>], vector<16xf32>,
      %mul3A_1254 = arith.constant 16 : i32
      %mul3A_1255 = arith.muli %add3A_1248, %mul3A_1254 : i32
      %add3A_1256 = arith.constant 8192 : i32
      %add3A_1257 = arith.addi %add3A_1256, %mul3A_1255 : i32
      %add3A_1258 = vector.broadcast %add3A_1257 : i32 to vector<16xi32>
      %add3A_1259 = arith.addi %iota3A_1145, %add3A_1258 : vector<16xi32>
      tpu.vector_store_idx %arg11[%add3A_1259], %gather3A_1253 {add = true} : memref<16384xf32, #tpu.memory_space<vmem>>[vector<16xi32>], vector<16xf32>,
      %mul3A_1260 = arith.mulf %gather3A_1253, %gather3A_1253 : vector<16xf32>
      tpu.vector_store_idx %arg12[%add3A_1259], %mul3A_1260 {add = true} : memref<16384xf32, #tpu.memory_space<vmem>>[vector<16xi32>], vector<16xf32>,
      %scan3A_1261 = arith.constant 2 : i32
      %scan3A_1262 = arith.addi %scan3A_1228, %scan3A_1261 : i32
      %mul3A_1263 = arith.constant 1 : i32
      %mul3A_1264 = arith.muli %scan3A_1262, %mul3A_1263 : i32
      %add3A_1265 = arith.constant 0 : i32
      %add3A_1266 = arith.addi %add3A_1265, %mul3A_1264 : i32
      %mul3A_1267 = arith.constant 16 : i32
      %mul3A_1268 = arith.muli %add3A_1266, %mul3A_1267 : i32
      %get3A_1269 = arith.index_cast %mul3A_1268 : i32 to index
      %get3A_1270 = tpu.vector_load %arg8[%get3A_1269] {strides = array<i32>} : memref<8192xi32, #tpu.memory_space<vmem>>, vector<16xi32>,
      %gather3A_1271 = tpu.vector_load_idx %arg10[%broadcast_in_dim3A_1144, %get3A_1270] : memref<313x128xf32, #tpu.memory_space<vmem>>[vector<16xi32>, vector<16xi32>], vector<16xf32>,
      %mul3A_1272 = arith.constant 16 : i32
      %mul3A_1273 = arith.muli %add3A_1266, %mul3A_1272 : i32
      %add3A_1274 = arith.constant 8192 : i32
      %add3A_1275 = arith.addi %add3A_1274, %mul3A_1273 : i32
      %add3A_1276 = vector.broadcast %add3A_1275 : i32 to vector<16xi32>
      %add3A_1277 = arith.addi %iota3A_1145, %add3A_1276 : vector<16xi32>
      tpu.vector_store_idx %arg11[%add3A_1277], %gather3A_1271 {add = true} : memref<16384xf32, #tpu.memory_space<vmem>>[vector<16xi32>], vector<16xf32>,
      %mul3A_1278 = arith.mulf %gather3A_1271, %gather3A_1271 : vector<16xf32>
      tpu.vector_store_idx %arg12[%add3A_1277], %mul3A_1278 {add = true} : memref<16384xf32, #tpu.memory_space<vmem>>[vector<16xi32>], vector<16xf32>,
      %scan3A_1279 = arith.constant 3 : i32
      %scan3A_1280 = arith.addi %scan3A_1228, %scan3A_1279 : i32
      %mul3A_1281 = arith.constant 1 : i32
      %mul3A_1282 = arith.muli %scan3A_1280, %mul3A_1281 : i32
      %add3A_1283 = arith.constant 0 : i32
      %add3A_1284 = arith.addi %add3A_1283, %mul3A_1282 : i32
      %mul3A_1285 = arith.constant 16 : i32
      %mul3A_1286 = arith.muli %add3A_1284, %mul3A_1285 : i32
      %get3A_1287 = arith.index_cast %mul3A_1286 : i32 to index
      %get3A_1288 = tpu.vector_load %arg8[%get3A_1287] {strides = array<i32>} : memref<8192xi32, #tpu.memory_space<vmem>>, vector<16xi32>,
      %gather3A_1289 = tpu.vector_load_idx %arg10[%broadcast_in_dim3A_1144, %get3A_1288] : memref<313x128xf32, #tpu.memory_space<vmem>>[vector<16xi32>, vector<16xi32>], vector<16xf32>,
      %mul3A_1290 = arith.constant 16 : i32
      %mul3A_1291 = arith.muli %add3A_1284, %mul3A_1290 : i32
      %add3A_1292 = arith.constant 8192 : i32
      %add3A_1293 = arith.addi %add3A_1292, %mul3A_1291 : i32
      %add3A_1294 = vector.broadcast %add3A_1293 : i32 to vector<16xi32>
      %add3A_1295 = arith.addi %iota3A_1145, %add3A_1294 : vector<16xi32>
      tpu.vector_store_idx %arg11[%add3A_1295], %gather3A_1289 {add = true} : memref<16384xf32, #tpu.memory_space<vmem>>[vector<16xi32>], vector<16xf32>,
      %mul3A_1296 = arith.mulf %gather3A_1289, %gather3A_1289 : vector<16xf32>
      tpu.vector_store_idx %arg12[%add3A_1295], %mul3A_1296 {add = true} : memref<16384xf32, #tpu.memory_space<vmem>>[vector<16xi32>], vector<16xf32>,
    }
    %scan3A_1150 = arith.constant 512 : i32
    %mul3A_1151 = arith.constant 13 : i32
    %mul3A_1152 = arith.muli %arg0, %mul3A_1151 : i32
    %add3A_1153 = arith.constant 12 : i32
    %add3A_1154 = arith.addi %mul3A_1152, %add3A_1153 : i32
    %mul3A_1155 = arith.constant 40000 : i32
    %mul3A_1156 = arith.muli %add3A_1154, %mul3A_1155 : i32
    %shift_right_arithmetic3A_1157 = arith.constant 3 : i32
    %shift_right_arithmetic3A_1158 = arith.shrsi %arg1, %shift_right_arithmetic3A_1157 : i32
    %mul3A_1159 = arith.constant 8125 : i32
    %mul3A_1160 = arith.muli %shift_right_arithmetic3A_1158, %mul3A_1159 : i32
    %shift_right_arithmetic3A_1161 = arith.constant 7 : i32
    %shift_right_arithmetic3A_1162 = arith.shrsi %mul3A_1156, %shift_right_arithmetic3A_1161 : i32
    %add3A_1163 = arith.addi %mul3A_1160, %shift_right_arithmetic3A_1162 : i32
    %and3A_1164 = arith.constant 7 : i32
    %and3A_1165 = arith.andi %arg1, %and3A_1164 : i32
    %mul3A_1166 = arith.constant 128 : i32
    %mul3A_1167 = arith.muli %and3A_1165, %mul3A_1166 : i32
    %dma_wait3A_1168 = tpu.memref_slice %arg3[%add3A_1163, %mul3A_1167] : memref<16250x1024xf32, #tpu.memory_space<hbm>> -> memref<313x128xf32, #tpu.memory_space<hbm>>
    %dma_wait3A_1169 = tpu.memref_slice %arg3[%add3A_1163, %mul3A_1167] : memref<16250x1024xf32, #tpu.memory_space<hbm>> -> memref<313x128xf32, #tpu.memory_space<hbm>>
    tpu.wait_dma2 semaphore(%arg13 : memref<!tpu.dma_semaphore, #tpu.memory_space<semaphore_mem>>) src(%dma_wait3A_1169 : memref<313x128xf32, #tpu.memory_space<hbm>>) dst(%arg9 : memref<313x128xf32, #tpu.memory_space<vmem>>)
    %lt3A = arith.constant 13 : i32
    %lt3A_1170 = arith.cmpi slt, %arg1, %lt3A : i32
    %convert_element_type3A = arith.extui %lt3A_1170 : i1 to i32
    %cond3A = arith.constant 0 : i32
    %cond3A_1171 = arith.cmpi ne, %convert_element_type3A, %cond3A : i32
    scf.if %cond3A_1171 {
      %mul3A_1228 = arith.constant 13 : i32
      %mul3A_1229 = arith.muli %arg0, %mul3A_1228 : i32
      %add3A_1230 = arith.addi %mul3A_1229, %arg1 : i32
      %mul3A_1231 = arith.constant 40000 : i32
      %mul3A_1232 = arith.muli %add3A_1230, %mul3A_1231 : i32
      %shift_right_arithmetic3A_1233 = arith.constant 7 : i32
      %shift_right_arithmetic3A_1234 = arith.shrsi %mul3A_1232, %shift_right_arithmetic3A_1233 : i32
      %dma_start3A_1235 = arith.constant 0 : i32
      %dma_start3A_1236 = tpu.memref_slice %arg4[%shift_right_arithmetic3A_1234, %dma_start3A_1235] : memref<8125x128xf32, #tpu.memory_space<hbm>> -> memref<313x128xf32, #tpu.memory_space<hbm>>
      %dma_start3A_1237 = arith.constant 0 : i32
      %dma_start3A_1238 = tpu.memref_slice %arg4[%shift_right_arithmetic3A_1234, %dma_start3A_1237] : memref<8125x128xf32, #tpu.memory_space<hbm>> -> memref<313x128xf32, #tpu.memory_space<hbm>>
      tpu.enqueue_dma source(%dma_start3A_1238 : memref<313x128xf32, #tpu.memory_space<hbm>>) target(%arg10 : memref<313x128xf32, #tpu.memory_space<vmem>>) target_semaphore(%arg13 : memref<!tpu.dma_semaphore, #tpu.memory_space<semaphore_mem>>)
    } else {
    }
    %mul3A_1172 = arith.constant 13 : i32
    %mul3A_1173 = arith.muli %arg0, %mul3A_1172 : i32
    %add3A_1174 = arith.constant 12 : i32
    %add3A_1175 = arith.addi %mul3A_1173, %add3A_1174 : i32
    %dma_wait3A_1176 = arith.constant 0 : i32
    %dma_wait3A_1177 = tpu.memref_slice %arg2[%add3A_1175, %dma_wait3A_1176] : memref<26x16384xi32, #tpu.memory_space<hbm>> -> memref<1x8192xi32, #tpu.memory_space<hbm>>
    %dma_wait3A_1178 = tpu.memref_squeeze %dma_wait3A_1177 : memref<1x8192xi32, #tpu.memory_space<hbm>> -> memref<8192xi32, #tpu.memory_space<hbm>>
    %dma_wait3A_1179 = arith.constant 0 : i32
    %dma_wait3A_1180 = tpu.memref_slice %arg2[%add3A_1175, %dma_wait3A_1179] : memref<26x16384xi32, #tpu.memory_space<hbm>> -> memref<1x8192xi32, #tpu.memory_space<hbm>>
    %dma_wait3A_1181 = tpu.memref_squeeze %dma_wait3A_1180 : memref<1x8192xi32, #tpu.memory_space<hbm>> -> memref<8192xi32, #tpu.memory_space<hbm>>
    tpu.wait_dma2 semaphore(%arg14 : memref<!tpu.dma_semaphore, #tpu.memory_space<semaphore_mem>>) src(%dma_wait3A_1181 : memref<8192xi32, #tpu.memory_space<hbm>>) dst(%arg7 : memref<8192xi32, #tpu.memory_space<vmem>>)
    %mul3A_1182 = arith.constant 13 : i32
    %mul3A_1183 = arith.muli %arg0, %mul3A_1182 : i32
    %add3A_1184 = arith.constant 12 : i32
    %add3A_1185 = arith.addi %mul3A_1183, %add3A_1184 : i32
    %dma_start3A_1186 = arith.constant 8192 : i32
    %dma_start3A_1187 = tpu.memref_slice %arg2[%add3A_1185, %dma_start3A_1186] : memref<26x16384xi32, #tpu.memory_space<hbm>> -> memref<1x8192xi32, #tpu.memory_space<hbm>>
    %dma_start3A_1188 = tpu.memref_squeeze %dma_start3A_1187 : memref<1x8192xi32, #tpu.memory_space<hbm>> -> memref<8192xi32, #tpu.memory_space<hbm>>
    %dma_start3A_1189 = arith.constant 8192 : i32
    %dma_start3A_1190 = tpu.memref_slice %arg2[%add3A_1185, %dma_start3A_1189] : memref<26x16384xi32, #tpu.memory_space<hbm>> -> memref<1x8192xi32, #tpu.memory_space<hbm>>
    %dma_start3A_1191 = tpu.memref_squeeze %dma_start3A_1190 : memref<1x8192xi32, #tpu.memory_space<hbm>> -> memref<8192xi32, #tpu.memory_space<hbm>>
    tpu.enqueue_dma source(%dma_start3A_1191 : memref<8192xi32, #tpu.memory_space<hbm>>) target(%arg8 : memref<8192xi32, #tpu.memory_space<vmem>>) target_semaphore(%arg14 : memref<!tpu.dma_semaphore, #tpu.memory_space<semaphore_mem>>)
    %broadcast_in_dim3A_1192 = arith.constant 0 : i32
    %broadcast_in_dim3A_1193 = vector.broadcast %broadcast_in_dim3A_1192 : i32 to vector<16xi32>
    %iota3A_1194 = tpu.iota {dimensions = array<i32: 0>} : vector<16xi32>
    %scan3A_1195 = arith.constant 0 : i32
    %scan3A_1196 = arith.constant 512 : i32
    %scan3A_1197 = arith.addi %scan3A_1195, %scan3A_1196 : i32
    %scan3A_1198 = arith.constant 4 : i32
    scf.for %scan3A_1228 = %scan3A_1195 to %scan3A_1197 step %scan3A_1198  : i32 {
      %mul3A_1229 = arith.constant 1 : i32
      %mul3A_1230 = arith.muli %scan3A_1228, %mul3A_1229 : i32
      %add3A_1231 = arith.constant 0 : i32
      %add3A_1232 = arith.addi %add3A_1231, %mul3A_1230 : i32
      %mul3A_1233 = arith.constant 16 : i32
      %mul3A_1234 = arith.muli %add3A_1232, %mul3A_1233 : i32
      %get3A = arith.index_cast %mul3A_1234 : i32 to index
      %get3A_1235 = tpu.vector_load %arg7[%get3A] {strides = array<i32>} : memref<8192xi32, #tpu.memory_space<vmem>>, vector<16xi32>,
      %gather3A = tpu.vector_load_idx %arg9[%broadcast_in_dim3A_1193, %get3A_1235] : memref<313x128xf32, #tpu.memory_space<vmem>>[vector<16xi32>, vector<16xi32>], vector<16xf32>,
      %mul3A_1236 = arith.constant 16 : i32
      %mul3A_1237 = arith.muli %add3A_1232, %mul3A_1236 : i32
      %add3A_1238 = arith.constant 0 : i32
      %add3A_1239 = arith.addi %add3A_1238, %mul3A_1237 : i32
      %add3A_1240 = vector.broadcast %add3A_1239 : i32 to vector<16xi32>
      %add3A_1241 = arith.addi %iota3A_1194, %add3A_1240 : vector<16xi32>
      tpu.vector_store_idx %arg11[%add3A_1241], %gather3A {add = true} : memref<16384xf32, #tpu.memory_space<vmem>>[vector<16xi32>], vector<16xf32>,
      %mul3A_1242 = arith.mulf %gather3A, %gather3A : vector<16xf32>
      tpu.vector_store_idx %arg12[%add3A_1241], %mul3A_1242 {add = true} : memref<16384xf32, #tpu.memory_space<vmem>>[vector<16xi32>], vector<16xf32>,
      %scan3A_1243 = arith.constant 1 : i32
      %scan3A_1244 = arith.addi %scan3A_1228, %scan3A_1243 : i32
      %mul3A_1245 = arith.constant 1 : i32
      %mul3A_1246 = arith.muli %scan3A_1244, %mul3A_1245 : i32
      %add3A_1247 = arith.constant 0 : i32
      %add3A_1248 = arith.addi %add3A_1247, %mul3A_1246 : i32
      %mul3A_1249 = arith.constant 16 : i32
      %mul3A_1250 = arith.muli %add3A_1248, %mul3A_1249 : i32
      %get3A_1251 = arith.index_cast %mul3A_1250 : i32 to index
      %get3A_1252 = tpu.vector_load %arg7[%get3A_1251] {strides = array<i32>} : memref<8192xi32, #tpu.memory_space<vmem>>, vector<16xi32>,
      %gather3A_1253 = tpu.vector_load_idx %arg9[%broadcast_in_dim3A_1193, %get3A_1252] : memref<313x128xf32, #tpu.memory_space<vmem>>[vector<16xi32>, vector<16xi32>], vector<16xf32>,
      %mul3A_1254 = arith.constant 16 : i32
      %mul3A_1255 = arith.muli %add3A_1248, %mul3A_1254 : i32
      %add3A_1256 = arith.constant 0 : i32
      %add3A_1257 = arith.addi %add3A_1256, %mul3A_1255 : i32
      %add3A_1258 = vector.broadcast %add3A_1257 : i32 to vector<16xi32>
      %add3A_1259 = arith.addi %iota3A_1194, %add3A_1258 : vector<16xi32>
      tpu.vector_store_idx %arg11[%add3A_1259], %gather3A_1253 {add = true} : memref<16384xf32, #tpu.memory_space<vmem>>[vector<16xi32>], vector<16xf32>,
      %mul3A_1260 = arith.mulf %gather3A_1253, %gather3A_1253 : vector<16xf32>
      tpu.vector_store_idx %arg12[%add3A_1259], %mul3A_1260 {add = true} : memref<16384xf32, #tpu.memory_space<vmem>>[vector<16xi32>], vector<16xf32>,
      %scan3A_1261 = arith.constant 2 : i32
      %scan3A_1262 = arith.addi %scan3A_1228, %scan3A_1261 : i32
      %mul3A_1263 = arith.constant 1 : i32
      %mul3A_1264 = arith.muli %scan3A_1262, %mul3A_1263 : i32
      %add3A_1265 = arith.constant 0 : i32
      %add3A_1266 = arith.addi %add3A_1265, %mul3A_1264 : i32
      %mul3A_1267 = arith.constant 16 : i32
      %mul3A_1268 = arith.muli %add3A_1266, %mul3A_1267 : i32
      %get3A_1269 = arith.index_cast %mul3A_1268 : i32 to index
      %get3A_1270 = tpu.vector_load %arg7[%get3A_1269] {strides = array<i32>} : memref<8192xi32, #tpu.memory_space<vmem>>, vector<16xi32>,
      %gather3A_1271 = tpu.vector_load_idx %arg9[%broadcast_in_dim3A_1193, %get3A_1270] : memref<313x128xf32, #tpu.memory_space<vmem>>[vector<16xi32>, vector<16xi32>], vector<16xf32>,
      %mul3A_1272 = arith.constant 16 : i32
      %mul3A_1273 = arith.muli %add3A_1266, %mul3A_1272 : i32
      %add3A_1274 = arith.constant 0 : i32
      %add3A_1275 = arith.addi %add3A_1274, %mul3A_1273 : i32
      %add3A_1276 = vector.broadcast %add3A_1275 : i32 to vector<16xi32>
      %add3A_1277 = arith.addi %iota3A_1194, %add3A_1276 : vector<16xi32>
      tpu.vector_store_idx %arg11[%add3A_1277], %gather3A_1271 {add = true} : memref<16384xf32, #tpu.memory_space<vmem>>[vector<16xi32>], vector<16xf32>,
      %mul3A_1278 = arith.mulf %gather3A_1271, %gather3A_1271 : vector<16xf32>
      tpu.vector_store_idx %arg12[%add3A_1277], %mul3A_1278 {add = true} : memref<16384xf32, #tpu.memory_space<vmem>>[vector<16xi32>], vector<16xf32>,
      %scan3A_1279 = arith.constant 3 : i32
      %scan3A_1280 = arith.addi %scan3A_1228, %scan3A_1279 : i32
      %mul3A_1281 = arith.constant 1 : i32
      %mul3A_1282 = arith.muli %scan3A_1280, %mul3A_1281 : i32
      %add3A_1283 = arith.constant 0 : i32
      %add3A_1284 = arith.addi %add3A_1283, %mul3A_1282 : i32
      %mul3A_1285 = arith.constant 16 : i32
      %mul3A_1286 = arith.muli %add3A_1284, %mul3A_1285 : i32
      %get3A_1287 = arith.index_cast %mul3A_1286 : i32 to index
      %get3A_1288 = tpu.vector_load %arg7[%get3A_1287] {strides = array<i32>} : memref<8192xi32, #tpu.memory_space<vmem>>, vector<16xi32>,
      %gather3A_1289 = tpu.vector_load_idx %arg9[%broadcast_in_dim3A_1193, %get3A_1288] : memref<313x128xf32, #tpu.memory_space<vmem>>[vector<16xi32>, vector<16xi32>], vector<16xf32>,
      %mul3A_1290 = arith.constant 16 : i32
      %mul3A_1291 = arith.muli %add3A_1284, %mul3A_1290 : i32
      %add3A_1292 = arith.constant 0 : i32
      %add3A_1293 = arith.addi %add3A_1292, %mul3A_1291 : i32
      %add3A_1294 = vector.broadcast %add3A_1293 : i32 to vector<16xi32>
      %add3A_1295 = arith.addi %iota3A_1194, %add3A_1294 : vector<16xi32>
      tpu.vector_store_idx %arg11[%add3A_1295], %gather3A_1289 {add = true} : memref<16384xf32, #tpu.memory_space<vmem>>[vector<16xi32>], vector<16xf32>,
      %mul3A_1296 = arith.mulf %gather3A_1289, %gather3A_1289 : vector<16xf32>
      tpu.vector_store_idx %arg12[%add3A_1295], %mul3A_1296 {add = true} : memref<16384xf32, #tpu.memory_space<vmem>>[vector<16xi32>], vector<16xf32>,
    }
    %scan3A_1199 = arith.constant 512 : i32
    %mul3A_1200 = arith.constant 13 : i32
    %mul3A_1201 = arith.muli %arg0, %mul3A_1200 : i32
    %add3A_1202 = arith.constant 12 : i32
    %add3A_1203 = arith.addi %mul3A_1201, %add3A_1202 : i32
    %dma_wait3A_1204 = arith.constant 8192 : i32
    %dma_wait3A_1205 = tpu.memref_slice %arg2[%add3A_1203, %dma_wait3A_1204] : memref<26x16384xi32, #tpu.memory_space<hbm>> -> memref<1x8192xi32, #tpu.memory_space<hbm>>
    %dma_wait3A_1206 = tpu.memref_squeeze %dma_wait3A_1205 : memref<1x8192xi32, #tpu.memory_space<hbm>> -> memref<8192xi32, #tpu.memory_space<hbm>>
    %dma_wait3A_1207 = arith.constant 8192 : i32
    %dma_wait3A_1208 = tpu.memref_slice %arg2[%add3A_1203, %dma_wait3A_1207] : memref<26x16384xi32, #tpu.memory_space<hbm>> -> memref<1x8192xi32, #tpu.memory_space<hbm>>
    %dma_wait3A_1209 = tpu.memref_squeeze %dma_wait3A_1208 : memref<1x8192xi32, #tpu.memory_space<hbm>> -> memref<8192xi32, #tpu.memory_space<hbm>>
    tpu.wait_dma2 semaphore(%arg14 : memref<!tpu.dma_semaphore, #tpu.memory_space<semaphore_mem>>) src(%dma_wait3A_1209 : memref<8192xi32, #tpu.memory_space<hbm>>) dst(%arg8 : memref<8192xi32, #tpu.memory_space<vmem>>)
    %lt3A_1210 = arith.constant 13 : i32
    %lt3A_1211 = arith.cmpi slt, %arg1, %lt3A_1210 : i32
    %convert_element_type3A_1212 = arith.extui %lt3A_1211 : i1 to i32
    %cond3A_1213 = arith.constant 0 : i32
    %cond3A_1214 = arith.cmpi ne, %convert_element_type3A_1212, %cond3A_1213 : i32
    scf.if %cond3A_1214 {
      %mul3A_1228 = arith.constant 13 : i32
      %mul3A_1229 = arith.muli %arg0, %mul3A_1228 : i32
      %add3A_1230 = arith.addi %mul3A_1229, %arg1 : i32
      %dma_start3A_1231 = arith.constant 0 : i32
      %dma_start3A_1232 = tpu.memref_slice %arg2[%add3A_1230, %dma_start3A_1231] : memref<26x16384xi32, #tpu.memory_space<hbm>> -> memref<1x8192xi32, #tpu.memory_space<hbm>>
      %dma_start3A_1233 = tpu.memref_squeeze %dma_start3A_1232 : memref<1x8192xi32, #tpu.memory_space<hbm>> -> memref<8192xi32, #tpu.memory_space<hbm>>
      %dma_start3A_1234 = arith.constant 0 : i32
      %dma_start3A_1235 = tpu.memref_slice %arg2[%add3A_1230, %dma_start3A_1234] : memref<26x16384xi32, #tpu.memory_space<hbm>> -> memref<1x8192xi32, #tpu.memory_space<hbm>>
      %dma_start3A_1236 = tpu.memref_squeeze %dma_start3A_1235 : memref<1x8192xi32, #tpu.memory_space<hbm>> -> memref<8192xi32, #tpu.memory_space<hbm>>
      tpu.enqueue_dma source(%dma_start3A_1236 : memref<8192xi32, #tpu.memory_space<hbm>>) target(%arg7 : memref<8192xi32, #tpu.memory_space<vmem>>) target_semaphore(%arg14 : memref<!tpu.dma_semaphore, #tpu.memory_space<semaphore_mem>>)
    } else {
    }
    %broadcast_in_dim3A_1215 = arith.constant 0 : i32
    %broadcast_in_dim3A_1216 = vector.broadcast %broadcast_in_dim3A_1215 : i32 to vector<16xi32>
    %iota3A_1217 = tpu.iota {dimensions = array<i32: 0>} : vector<16xi32>
    %scan3A_1218 = arith.constant 0 : i32
    %scan3A_1219 = arith.constant 512 : i32
    %scan3A_1220 = arith.addi %scan3A_1218, %scan3A_1219 : i32
    %scan3A_1221 = arith.constant 4 : i32
    scf.for %scan3A_1228 = %scan3A_1218 to %scan3A_1220 step %scan3A_1221  : i32 {
      %mul3A_1229 = arith.constant 1 : i32
      %mul3A_1230 = arith.muli %scan3A_1228, %mul3A_1229 : i32
      %add3A_1231 = arith.constant 0 : i32
      %add3A_1232 = arith.addi %add3A_1231, %mul3A_1230 : i32
      %mul3A_1233 = arith.constant 16 : i32
      %mul3A_1234 = arith.muli %add3A_1232, %mul3A_1233 : i32
      %get3A = arith.index_cast %mul3A_1234 : i32 to index
      %get3A_1235 = tpu.vector_load %arg8[%get3A] {strides = array<i32>} : memref<8192xi32, #tpu.memory_space<vmem>>, vector<16xi32>,
      %gather3A = tpu.vector_load_idx %arg9[%broadcast_in_dim3A_1216, %get3A_1235] : memref<313x128xf32, #tpu.memory_space<vmem>>[vector<16xi32>, vector<16xi32>], vector<16xf32>,
      %mul3A_1236 = arith.constant 16 : i32
      %mul3A_1237 = arith.muli %add3A_1232, %mul3A_1236 : i32
      %add3A_1238 = arith.constant 8192 : i32
      %add3A_1239 = arith.addi %add3A_1238, %mul3A_1237 : i32
      %add3A_1240 = vector.broadcast %add3A_1239 : i32 to vector<16xi32>
      %add3A_1241 = arith.addi %iota3A_1217, %add3A_1240 : vector<16xi32>
      tpu.vector_store_idx %arg11[%add3A_1241], %gather3A {add = true} : memref<16384xf32, #tpu.memory_space<vmem>>[vector<16xi32>], vector<16xf32>,
      %mul3A_1242 = arith.mulf %gather3A, %gather3A : vector<16xf32>
      tpu.vector_store_idx %arg12[%add3A_1241], %mul3A_1242 {add = true} : memref<16384xf32, #tpu.memory_space<vmem>>[vector<16xi32>], vector<16xf32>,
      %scan3A_1243 = arith.constant 1 : i32
      %scan3A_1244 = arith.addi %scan3A_1228, %scan3A_1243 : i32
      %mul3A_1245 = arith.constant 1 : i32
      %mul3A_1246 = arith.muli %scan3A_1244, %mul3A_1245 : i32
      %add3A_1247 = arith.constant 0 : i32
      %add3A_1248 = arith.addi %add3A_1247, %mul3A_1246 : i32
      %mul3A_1249 = arith.constant 16 : i32
      %mul3A_1250 = arith.muli %add3A_1248, %mul3A_1249 : i32
      %get3A_1251 = arith.index_cast %mul3A_1250 : i32 to index
      %get3A_1252 = tpu.vector_load %arg8[%get3A_1251] {strides = array<i32>} : memref<8192xi32, #tpu.memory_space<vmem>>, vector<16xi32>,
      %gather3A_1253 = tpu.vector_load_idx %arg9[%broadcast_in_dim3A_1216, %get3A_1252] : memref<313x128xf32, #tpu.memory_space<vmem>>[vector<16xi32>, vector<16xi32>], vector<16xf32>,
      %mul3A_1254 = arith.constant 16 : i32
      %mul3A_1255 = arith.muli %add3A_1248, %mul3A_1254 : i32
      %add3A_1256 = arith.constant 8192 : i32
      %add3A_1257 = arith.addi %add3A_1256, %mul3A_1255 : i32
      %add3A_1258 = vector.broadcast %add3A_1257 : i32 to vector<16xi32>
      %add3A_1259 = arith.addi %iota3A_1217, %add3A_1258 : vector<16xi32>
      tpu.vector_store_idx %arg11[%add3A_1259], %gather3A_1253 {add = true} : memref<16384xf32, #tpu.memory_space<vmem>>[vector<16xi32>], vector<16xf32>,
      %mul3A_1260 = arith.mulf %gather3A_1253, %gather3A_1253 : vector<16xf32>
      tpu.vector_store_idx %arg12[%add3A_1259], %mul3A_1260 {add = true} : memref<16384xf32, #tpu.memory_space<vmem>>[vector<16xi32>], vector<16xf32>,
      %scan3A_1261 = arith.constant 2 : i32
      %scan3A_1262 = arith.addi %scan3A_1228, %scan3A_1261 : i32
      %mul3A_1263 = arith.constant 1 : i32
      %mul3A_1264 = arith.muli %scan3A_1262, %mul3A_1263 : i32
      %add3A_1265 = arith.constant 0 : i32
      %add3A_1266 = arith.addi %add3A_1265, %mul3A_1264 : i32
      %mul3A_1267 = arith.constant 16 : i32
      %mul3A_1268 = arith.muli %add3A_1266, %mul3A_1267 : i32
      %get3A_1269 = arith.index_cast %mul3A_1268 : i32 to index
      %get3A_1270 = tpu.vector_load %arg8[%get3A_1269] {strides = array<i32>} : memref<8192xi32, #tpu.memory_space<vmem>>, vector<16xi32>,
      %gather3A_1271 = tpu.vector_load_idx %arg9[%broadcast_in_dim3A_1216, %get3A_1270] : memref<313x128xf32, #tpu.memory_space<vmem>>[vector<16xi32>, vector<16xi32>], vector<16xf32>,
      %mul3A_1272 = arith.constant 16 : i32
      %mul3A_1273 = arith.muli %add3A_1266, %mul3A_1272 : i32
      %add3A_1274 = arith.constant 8192 : i32
      %add3A_1275 = arith.addi %add3A_1274, %mul3A_1273 : i32
      %add3A_1276 = vector.broadcast %add3A_1275 : i32 to vector<16xi32>
      %add3A_1277 = arith.addi %iota3A_1217, %add3A_1276 : vector<16xi32>
      tpu.vector_store_idx %arg11[%add3A_1277], %gather3A_1271 {add = true} : memref<16384xf32, #tpu.memory_space<vmem>>[vector<16xi32>], vector<16xf32>,
      %mul3A_1278 = arith.mulf %gather3A_1271, %gather3A_1271 : vector<16xf32>
      tpu.vector_store_idx %arg12[%add3A_1277], %mul3A_1278 {add = true} : memref<16384xf32, #tpu.memory_space<vmem>>[vector<16xi32>], vector<16xf32>,
      %scan3A_1279 = arith.constant 3 : i32
      %scan3A_1280 = arith.addi %scan3A_1228, %scan3A_1279 : i32
      %mul3A_1281 = arith.constant 1 : i32
      %mul3A_1282 = arith.muli %scan3A_1280, %mul3A_1281 : i32
      %add3A_1283 = arith.constant 0 : i32
      %add3A_1284 = arith.addi %add3A_1283, %mul3A_1282 : i32
      %mul3A_1285 = arith.constant 16 : i32
      %mul3A_1286 = arith.muli %add3A_1284, %mul3A_1285 : i32
      %get3A_1287 = arith.index_cast %mul3A_1286 : i32 to index
      %get3A_1288 = tpu.vector_load %arg8[%get3A_1287] {strides = array<i32>} : memref<8192xi32, #tpu.memory_space<vmem>>, vector<16xi32>,
      %gather3A_1289 = tpu.vector_load_idx %arg9[%broadcast_in_dim3A_1216, %get3A_1288] : memref<313x128xf32, #tpu.memory_space<vmem>>[vector<16xi32>, vector<16xi32>], vector<16xf32>,
      %mul3A_1290 = arith.constant 16 : i32
      %mul3A_1291 = arith.muli %add3A_1284, %mul3A_1290 : i32
      %add3A_1292 = arith.constant 8192 : i32
      %add3A_1293 = arith.addi %add3A_1292, %mul3A_1291 : i32
      %add3A_1294 = vector.broadcast %add3A_1293 : i32 to vector<16xi32>
      %add3A_1295 = arith.addi %iota3A_1217, %add3A_1294 : vector<16xi32>
      tpu.vector_store_idx %arg11[%add3A_1295], %gather3A_1289 {add = true} : memref<16384xf32, #tpu.memory_space<vmem>>[vector<16xi32>], vector<16xf32>,
      %mul3A_1296 = arith.mulf %gather3A_1289, %gather3A_1289 : vector<16xf32>
      tpu.vector_store_idx %arg12[%add3A_1295], %mul3A_1296 {add = true} : memref<16384xf32, #tpu.memory_space<vmem>>[vector<16xi32>], vector<16xf32>,
    }
    %scan3A_1222 = arith.constant 512 : i32
    %lt3A_1223 = arith.constant 13 : i32
    %lt3A_1224 = arith.cmpi slt, %arg1, %lt3A_1223 : i32
    %convert_element_type3A_1225 = arith.extui %lt3A_1224 : i1 to i32
    %cond3A_1226 = arith.constant 0 : i32
    %cond3A_1227 = arith.cmpi ne, %convert_element_type3A_1225, %cond3A_1226 : i32
    scf.if %cond3A_1227 {
      %mul3A_1228 = arith.constant 13 : i32
      %mul3A_1229 = arith.muli %arg0, %mul3A_1228 : i32
      %add3A_1230 = arith.addi %mul3A_1229, %arg1 : i32
      %mul3A_1231 = arith.constant 40000 : i32
      %mul3A_1232 = arith.muli %add3A_1230, %mul3A_1231 : i32
      %shift_right_arithmetic3A_1233 = arith.constant 7 : i32
      %shift_right_arithmetic3A_1234 = arith.shrsi %mul3A_1232, %shift_right_arithmetic3A_1233 : i32
      %dma_wait3A_1235 = arith.constant 0 : i32
      %dma_wait3A_1236 = tpu.memref_slice %arg4[%shift_right_arithmetic3A_1234, %dma_wait3A_1235] : memref<8125x128xf32, #tpu.memory_space<hbm>> -> memref<313x128xf32, #tpu.memory_space<hbm>>
      %dma_wait3A_1237 = arith.constant 0 : i32
      %dma_wait3A_1238 = tpu.memref_slice %arg4[%shift_right_arithmetic3A_1234, %dma_wait3A_1237] : memref<8125x128xf32, #tpu.memory_space<hbm>> -> memref<313x128xf32, #tpu.memory_space<hbm>>
      tpu.wait_dma2 semaphore(%arg13 : memref<!tpu.dma_semaphore, #tpu.memory_space<semaphore_mem>>) src(%dma_wait3A_1238 : memref<313x128xf32, #tpu.memory_space<hbm>>) dst(%arg10 : memref<313x128xf32, #tpu.memory_space<vmem>>)
      %mul3A_1239 = arith.constant 13 : i32
      %mul3A_1240 = arith.muli %arg0, %mul3A_1239 : i32
      %add3A_1241 = arith.addi %mul3A_1240, %arg1 : i32
      %dma_wait3A_1242 = arith.constant 0 : i32
      %dma_wait3A_1243 = tpu.memref_slice %arg2[%add3A_1241, %dma_wait3A_1242] : memref<26x16384xi32, #tpu.memory_space<hbm>> -> memref<1x8192xi32, #tpu.memory_space<hbm>>
      %dma_wait3A_1244 = tpu.memref_squeeze %dma_wait3A_1243 : memref<1x8192xi32, #tpu.memory_space<hbm>> -> memref<8192xi32, #tpu.memory_space<hbm>>
      %dma_wait3A_1245 = arith.constant 0 : i32
      %dma_wait3A_1246 = tpu.memref_slice %arg2[%add3A_1241, %dma_wait3A_1245] : memref<26x16384xi32, #tpu.memory_space<hbm>> -> memref<1x8192xi32, #tpu.memory_space<hbm>>
      %dma_wait3A_1247 = tpu.memref_squeeze %dma_wait3A_1246 : memref<1x8192xi32, #tpu.memory_space<hbm>> -> memref<8192xi32, #tpu.memory_space<hbm>>
      tpu.wait_dma2 semaphore(%arg14 : memref<!tpu.dma_semaphore, #tpu.memory_space<semaphore_mem>>) src(%dma_wait3A_1247 : memref<8192xi32, #tpu.memory_space<hbm>>) dst(%arg7 : memref<8192xi32, #tpu.memory_space<vmem>>)
      %mul3A_1248 = arith.constant 13 : i32
      %mul3A_1249 = arith.muli %arg0, %mul3A_1248 : i32
      %add3A_1250 = arith.addi %mul3A_1249, %arg1 : i32
      %dma_start3A_1251 = arith.constant 8192 : i32
      %dma_start3A_1252 = tpu.memref_slice %arg2[%add3A_1250, %dma_start3A_1251] : memref<26x16384xi32, #tpu.memory_space<hbm>> -> memref<1x8192xi32, #tpu.memory_space<hbm>>
      %dma_start3A_1253 = tpu.memref_squeeze %dma_start3A_1252 : memref<1x8192xi32, #tpu.memory_space<hbm>> -> memref<8192xi32, #tpu.memory_space<hbm>>
      %dma_start3A_1254 = arith.constant 8192 : i32
      %dma_start3A_1255 = tpu.memref_slice %arg2[%add3A_1250, %dma_start3A_1254] : memref<26x16384xi32, #tpu.memory_space<hbm>> -> memref<1x8192xi32, #tpu.memory_space<hbm>>
      %dma_start3A_1256 = tpu.memref_squeeze %dma_start3A_1255 : memref<1x8192xi32, #tpu.memory_space<hbm>> -> memref<8192xi32, #tpu.memory_space<hbm>>
      tpu.enqueue_dma source(%dma_start3A_1256 : memref<8192xi32, #tpu.memory_space<hbm>>) target(%arg8 : memref<8192xi32, #tpu.memory_space<vmem>>) target_semaphore(%arg14 : memref<!tpu.dma_semaphore, #tpu.memory_space<semaphore_mem>>)
      %broadcast_in_dim3A_1257 = arith.constant 0 : i32
      %broadcast_in_dim3A_1258 = vector.broadcast %broadcast_in_dim3A_1257 : i32 to vector<16xi32>
      %iota3A_1259 = tpu.iota {dimensions = array<i32: 0>} : vector<16xi32>
      %scan3A_1260 = arith.constant 0 : i32
      %scan3A_1261 = arith.constant 512 : i32
      %scan3A_1262 = arith.addi %scan3A_1260, %scan3A_1261 : i32
      %scan3A_1263 = arith.constant 4 : i32
      scf.for %scan3A_1282 = %scan3A_1260 to %scan3A_1262 step %scan3A_1263  : i32 {
        %mul3A_1283 = arith.constant 1 : i32
        %mul3A_1284 = arith.muli %scan3A_1282, %mul3A_1283 : i32
        %add3A_1285 = arith.constant 0 : i32
        %add3A_1286 = arith.addi %add3A_1285, %mul3A_1284 : i32
        %mul3A_1287 = arith.constant 16 : i32
        %mul3A_1288 = arith.muli %add3A_1286, %mul3A_1287 : i32
        %get3A = arith.index_cast %mul3A_1288 : i32 to index
        %get3A_1289 = tpu.vector_load %arg7[%get3A] {strides = array<i32>} : memref<8192xi32, #tpu.memory_space<vmem>>, vector<16xi32>,
        %gather3A = tpu.vector_load_idx %arg10[%broadcast_in_dim3A_1258, %get3A_1289] : memref<313x128xf32, #tpu.memory_space<vmem>>[vector<16xi32>, vector<16xi32>], vector<16xf32>,
        %mul3A_1290 = arith.constant 16 : i32
        %mul3A_1291 = arith.muli %add3A_1286, %mul3A_1290 : i32
        %add3A_1292 = arith.constant 0 : i32
        %add3A_1293 = arith.addi %add3A_1292, %mul3A_1291 : i32
        %add3A_1294 = vector.broadcast %add3A_1293 : i32 to vector<16xi32>
        %add3A_1295 = arith.addi %iota3A_1259, %add3A_1294 : vector<16xi32>
        %mul3A_1296 = arith.constant -2.000000e+00 : f32
        %mul3A_1297 = vector.broadcast %mul3A_1296 : f32 to vector<16xf32>
        %mul3A_1298 = arith.mulf %gather3A, %mul3A_1297 : vector<16xf32>
        tpu.vector_store_idx %arg12[%add3A_1295], %mul3A_1298 {add = true} : memref<16384xf32, #tpu.memory_space<vmem>>[vector<16xi32>], vector<16xf32>,
        %scan3A_1299 = arith.constant 1 : i32
        %scan3A_1300 = arith.addi %scan3A_1282, %scan3A_1299 : i32
        %mul3A_1301 = arith.constant 1 : i32
        %mul3A_1302 = arith.muli %scan3A_1300, %mul3A_1301 : i32
        %add3A_1303 = arith.constant 0 : i32
        %add3A_1304 = arith.addi %add3A_1303, %mul3A_1302 : i32
        %mul3A_1305 = arith.constant 16 : i32
        %mul3A_1306 = arith.muli %add3A_1304, %mul3A_1305 : i32
        %get3A_1307 = arith.index_cast %mul3A_1306 : i32 to index
        %get3A_1308 = tpu.vector_load %arg7[%get3A_1307] {strides = array<i32>} : memref<8192xi32, #tpu.memory_space<vmem>>, vector<16xi32>,
        %gather3A_1309 = tpu.vector_load_idx %arg10[%broadcast_in_dim3A_1258, %get3A_1308] : memref<313x128xf32, #tpu.memory_space<vmem>>[vector<16xi32>, vector<16xi32>], vector<16xf32>,
        %mul3A_1310 = arith.constant 16 : i32
        %mul3A_1311 = arith.muli %add3A_1304, %mul3A_1310 : i32
        %add3A_1312 = arith.constant 0 : i32
        %add3A_1313 = arith.addi %add3A_1312, %mul3A_1311 : i32
        %add3A_1314 = vector.broadcast %add3A_1313 : i32 to vector<16xi32>
        %add3A_1315 = arith.addi %iota3A_1259, %add3A_1314 : vector<16xi32>
        %mul3A_1316 = arith.constant -2.000000e+00 : f32
        %mul3A_1317 = vector.broadcast %mul3A_1316 : f32 to vector<16xf32>
        %mul3A_1318 = arith.mulf %gather3A_1309, %mul3A_1317 : vector<16xf32>
        tpu.vector_store_idx %arg12[%add3A_1315], %mul3A_1318 {add = true} : memref<16384xf32, #tpu.memory_space<vmem>>[vector<16xi32>], vector<16xf32>,
        %scan3A_1319 = arith.constant 2 : i32
        %scan3A_1320 = arith.addi %scan3A_1282, %scan3A_1319 : i32
        %mul3A_1321 = arith.constant 1 : i32
        %mul3A_1322 = arith.muli %scan3A_1320, %mul3A_1321 : i32
        %add3A_1323 = arith.constant 0 : i32
        %add3A_1324 = arith.addi %add3A_1323, %mul3A_1322 : i32
        %mul3A_1325 = arith.constant 16 : i32
        %mul3A_1326 = arith.muli %add3A_1324, %mul3A_1325 : i32
        %get3A_1327 = arith.index_cast %mul3A_1326 : i32 to index
        %get3A_1328 = tpu.vector_load %arg7[%get3A_1327] {strides = array<i32>} : memref<8192xi32, #tpu.memory_space<vmem>>, vector<16xi32>,
        %gather3A_1329 = tpu.vector_load_idx %arg10[%broadcast_in_dim3A_1258, %get3A_1328] : memref<313x128xf32, #tpu.memory_space<vmem>>[vector<16xi32>, vector<16xi32>], vector<16xf32>,
        %mul3A_1330 = arith.constant 16 : i32
        %mul3A_1331 = arith.muli %add3A_1324, %mul3A_1330 : i32
        %add3A_1332 = arith.constant 0 : i32
        %add3A_1333 = arith.addi %add3A_1332, %mul3A_1331 : i32
        %add3A_1334 = vector.broadcast %add3A_1333 : i32 to vector<16xi32>
        %add3A_1335 = arith.addi %iota3A_1259, %add3A_1334 : vector<16xi32>
        %mul3A_1336 = arith.constant -2.000000e+00 : f32
        %mul3A_1337 = vector.broadcast %mul3A_1336 : f32 to vector<16xf32>
        %mul3A_1338 = arith.mulf %gather3A_1329, %mul3A_1337 : vector<16xf32>
        tpu.vector_store_idx %arg12[%add3A_1335], %mul3A_1338 {add = true} : memref<16384xf32, #tpu.memory_space<vmem>>[vector<16xi32>], vector<16xf32>,
        %scan3A_1339 = arith.constant 3 : i32
        %scan3A_1340 = arith.addi %scan3A_1282, %scan3A_1339 : i32
        %mul3A_1341 = arith.constant 1 : i32
        %mul3A_1342 = arith.muli %scan3A_1340, %mul3A_1341 : i32
        %add3A_1343 = arith.constant 0 : i32
        %add3A_1344 = arith.addi %add3A_1343, %mul3A_1342 : i32
        %mul3A_1345 = arith.constant 16 : i32
        %mul3A_1346 = arith.muli %add3A_1344, %mul3A_1345 : i32
        %get3A_1347 = arith.index_cast %mul3A_1346 : i32 to index
        %get3A_1348 = tpu.vector_load %arg7[%get3A_1347] {strides = array<i32>} : memref<8192xi32, #tpu.memory_space<vmem>>, vector<16xi32>,
        %gather3A_1349 = tpu.vector_load_idx %arg10[%broadcast_in_dim3A_1258, %get3A_1348] : memref<313x128xf32, #tpu.memory_space<vmem>>[vector<16xi32>, vector<16xi32>], vector<16xf32>,
        %mul3A_1350 = arith.constant 16 : i32
        %mul3A_1351 = arith.muli %add3A_1344, %mul3A_1350 : i32
        %add3A_1352 = arith.constant 0 : i32
        %add3A_1353 = arith.addi %add3A_1352, %mul3A_1351 : i32
        %add3A_1354 = vector.broadcast %add3A_1353 : i32 to vector<16xi32>
        %add3A_1355 = arith.addi %iota3A_1259, %add3A_1354 : vector<16xi32>
        %mul3A_1356 = arith.constant -2.000000e+00 : f32
        %mul3A_1357 = vector.broadcast %mul3A_1356 : f32 to vector<16xf32>
        %mul3A_1358 = arith.mulf %gather3A_1349, %mul3A_1357 : vector<16xf32>
        tpu.vector_store_idx %arg12[%add3A_1355], %mul3A_1358 {add = true} : memref<16384xf32, #tpu.memory_space<vmem>>[vector<16xi32>], vector<16xf32>,
      }
      %scan3A_1264 = arith.constant 512 : i32
      %mul3A_1265 = arith.constant 13 : i32
      %mul3A_1266 = arith.muli %arg0, %mul3A_1265 : i32
      %add3A_1267 = arith.addi %mul3A_1266, %arg1 : i32
      %dma_wait3A_1268 = arith.constant 8192 : i32
      %dma_wait3A_1269 = tpu.memref_slice %arg2[%add3A_1267, %dma_wait3A_1268] : memref<26x16384xi32, #tpu.memory_space<hbm>> -> memref<1x8192xi32, #tpu.memory_space<hbm>>
      %dma_wait3A_1270 = tpu.memref_squeeze %dma_wait3A_1269 : memref<1x8192xi32, #tpu.memory_space<hbm>> -> memref<8192xi32, #tpu.memory_space<hbm>>
      %dma_wait3A_1271 = arith.constant 8192 : i32
      %dma_wait3A_1272 = tpu.memref_slice %arg2[%add3A_1267, %dma_wait3A_1271] : memref<26x16384xi32, #tpu.memory_space<hbm>> -> memref<1x8192xi32, #tpu.memory_space<hbm>>
      %dma_wait3A_1273 = tpu.memref_squeeze %dma_wait3A_1272 : memref<1x8192xi32, #tpu.memory_space<hbm>> -> memref<8192xi32, #tpu.memory_space<hbm>>
      tpu.wait_dma2 semaphore(%arg14 : memref<!tpu.dma_semaphore, #tpu.memory_space<semaphore_mem>>) src(%dma_wait3A_1273 : memref<8192xi32, #tpu.memory_space<hbm>>) dst(%arg8 : memref<8192xi32, #tpu.memory_space<vmem>>)
      %broadcast_in_dim3A_1274 = arith.constant 0 : i32
      %broadcast_in_dim3A_1275 = vector.broadcast %broadcast_in_dim3A_1274 : i32 to vector<16xi32>
      %iota3A_1276 = tpu.iota {dimensions = array<i32: 0>} : vector<16xi32>
      %scan3A_1277 = arith.constant 0 : i32
      %scan3A_1278 = arith.constant 512 : i32
      %scan3A_1279 = arith.addi %scan3A_1277, %scan3A_1278 : i32
      %scan3A_1280 = arith.constant 4 : i32
      scf.for %scan3A_1282 = %scan3A_1277 to %scan3A_1279 step %scan3A_1280  : i32 {
        %mul3A_1283 = arith.constant 1 : i32
        %mul3A_1284 = arith.muli %scan3A_1282, %mul3A_1283 : i32
        %add3A_1285 = arith.constant 0 : i32
        %add3A_1286 = arith.addi %add3A_1285, %mul3A_1284 : i32
        %mul3A_1287 = arith.constant 16 : i32
        %mul3A_1288 = arith.muli %add3A_1286, %mul3A_1287 : i32
        %get3A = arith.index_cast %mul3A_1288 : i32 to index
        %get3A_1289 = tpu.vector_load %arg8[%get3A] {strides = array<i32>} : memref<8192xi32, #tpu.memory_space<vmem>>, vector<16xi32>,
        %gather3A = tpu.vector_load_idx %arg10[%broadcast_in_dim3A_1275, %get3A_1289] : memref<313x128xf32, #tpu.memory_space<vmem>>[vector<16xi32>, vector<16xi32>], vector<16xf32>,
        %mul3A_1290 = arith.constant 16 : i32
        %mul3A_1291 = arith.muli %add3A_1286, %mul3A_1290 : i32
        %add3A_1292 = arith.constant 8192 : i32
        %add3A_1293 = arith.addi %add3A_1292, %mul3A_1291 : i32
        %add3A_1294 = vector.broadcast %add3A_1293 : i32 to vector<16xi32>
        %add3A_1295 = arith.addi %iota3A_1276, %add3A_1294 : vector<16xi32>
        %mul3A_1296 = arith.constant -2.000000e+00 : f32
        %mul3A_1297 = vector.broadcast %mul3A_1296 : f32 to vector<16xf32>
        %mul3A_1298 = arith.mulf %gather3A, %mul3A_1297 : vector<16xf32>
        tpu.vector_store_idx %arg12[%add3A_1295], %mul3A_1298 {add = true} : memref<16384xf32, #tpu.memory_space<vmem>>[vector<16xi32>], vector<16xf32>,
        %scan3A_1299 = arith.constant 1 : i32
        %scan3A_1300 = arith.addi %scan3A_1282, %scan3A_1299 : i32
        %mul3A_1301 = arith.constant 1 : i32
        %mul3A_1302 = arith.muli %scan3A_1300, %mul3A_1301 : i32
        %add3A_1303 = arith.constant 0 : i32
        %add3A_1304 = arith.addi %add3A_1303, %mul3A_1302 : i32
        %mul3A_1305 = arith.constant 16 : i32
        %mul3A_1306 = arith.muli %add3A_1304, %mul3A_1305 : i32
        %get3A_1307 = arith.index_cast %mul3A_1306 : i32 to index
        %get3A_1308 = tpu.vector_load %arg8[%get3A_1307] {strides = array<i32>} : memref<8192xi32, #tpu.memory_space<vmem>>, vector<16xi32>,
        %gather3A_1309 = tpu.vector_load_idx %arg10[%broadcast_in_dim3A_1275, %get3A_1308] : memref<313x128xf32, #tpu.memory_space<vmem>>[vector<16xi32>, vector<16xi32>], vector<16xf32>,
        %mul3A_1310 = arith.constant 16 : i32
        %mul3A_1311 = arith.muli %add3A_1304, %mul3A_1310 : i32
        %add3A_1312 = arith.constant 8192 : i32
        %add3A_1313 = arith.addi %add3A_1312, %mul3A_1311 : i32
        %add3A_1314 = vector.broadcast %add3A_1313 : i32 to vector<16xi32>
        %add3A_1315 = arith.addi %iota3A_1276, %add3A_1314 : vector<16xi32>
        %mul3A_1316 = arith.constant -2.000000e+00 : f32
        %mul3A_1317 = vector.broadcast %mul3A_1316 : f32 to vector<16xf32>
        %mul3A_1318 = arith.mulf %gather3A_1309, %mul3A_1317 : vector<16xf32>
        tpu.vector_store_idx %arg12[%add3A_1315], %mul3A_1318 {add = true} : memref<16384xf32, #tpu.memory_space<vmem>>[vector<16xi32>], vector<16xf32>,
        %scan3A_1319 = arith.constant 2 : i32
        %scan3A_1320 = arith.addi %scan3A_1282, %scan3A_1319 : i32
        %mul3A_1321 = arith.constant 1 : i32
        %mul3A_1322 = arith.muli %scan3A_1320, %mul3A_1321 : i32
        %add3A_1323 = arith.constant 0 : i32
        %add3A_1324 = arith.addi %add3A_1323, %mul3A_1322 : i32
        %mul3A_1325 = arith.constant 16 : i32
        %mul3A_1326 = arith.muli %add3A_1324, %mul3A_1325 : i32
        %get3A_1327 = arith.index_cast %mul3A_1326 : i32 to index
        %get3A_1328 = tpu.vector_load %arg8[%get3A_1327] {strides = array<i32>} : memref<8192xi32, #tpu.memory_space<vmem>>, vector<16xi32>,
        %gather3A_1329 = tpu.vector_load_idx %arg10[%broadcast_in_dim3A_1275, %get3A_1328] : memref<313x128xf32, #tpu.memory_space<vmem>>[vector<16xi32>, vector<16xi32>], vector<16xf32>,
        %mul3A_1330 = arith.constant 16 : i32
        %mul3A_1331 = arith.muli %add3A_1324, %mul3A_1330 : i32
        %add3A_1332 = arith.constant 8192 : i32
        %add3A_1333 = arith.addi %add3A_1332, %mul3A_1331 : i32
        %add3A_1334 = vector.broadcast %add3A_1333 : i32 to vector<16xi32>
        %add3A_1335 = arith.addi %iota3A_1276, %add3A_1334 : vector<16xi32>
        %mul3A_1336 = arith.constant -2.000000e+00 : f32
        %mul3A_1337 = vector.broadcast %mul3A_1336 : f32 to vector<16xf32>
        %mul3A_1338 = arith.mulf %gather3A_1329, %mul3A_1337 : vector<16xf32>
        tpu.vector_store_idx %arg12[%add3A_1335], %mul3A_1338 {add = true} : memref<16384xf32, #tpu.memory_space<vmem>>[vector<16xi32>], vector<16xf32>,
        %scan3A_1339 = arith.constant 3 : i32
        %scan3A_1340 = arith.addi %scan3A_1282, %scan3A_1339 : i32
        %mul3A_1341 = arith.constant 1 : i32
        %mul3A_1342 = arith.muli %scan3A_1340, %mul3A_1341 : i32
        %add3A_1343 = arith.constant 0 : i32
        %add3A_1344 = arith.addi %add3A_1343, %mul3A_1342 : i32
        %mul3A_1345 = arith.constant 16 : i32
        %mul3A_1346 = arith.muli %add3A_1344, %mul3A_1345 : i32
        %get3A_1347 = arith.index_cast %mul3A_1346 : i32 to index
        %get3A_1348 = tpu.vector_load %arg8[%get3A_1347] {strides = array<i32>} : memref<8192xi32, #tpu.memory_space<vmem>>, vector<16xi32>,
        %gather3A_1349 = tpu.vector_load_idx %arg10[%broadcast_in_dim3A_1275, %get3A_1348] : memref<313x128xf32, #tpu.memory_space<vmem>>[vector<16xi32>, vector<16xi32>], vector<16xf32>,
        %mul3A_1350 = arith.constant 16 : i32
        %mul3A_1351 = arith.muli %add3A_1344, %mul3A_1350 : i32
        %add3A_1352 = arith.constant 8192 : i32
        %add3A_1353 = arith.addi %add3A_1352, %mul3A_1351 : i32
        %add3A_1354 = vector.broadcast %add3A_1353 : i32 to vector<16xi32>
        %add3A_1355 = arith.addi %iota3A_1276, %add3A_1354 : vector<16xi32>
        %mul3A_1356 = arith.constant -2.000000e+00 : f32
        %mul3A_1357 = vector.broadcast %mul3A_1356 : f32 to vector<16xf32>
        %mul3A_1358 = arith.mulf %gather3A_1349, %mul3A_1357 : vector<16xf32>
        tpu.vector_store_idx %arg12[%add3A_1355], %mul3A_1358 {add = true} : memref<16384xf32, #tpu.memory_space<vmem>>[vector<16xi32>], vector<16xf32>,
      }
      %scan3A_1281 = arith.constant 512 : i32
    } else {
    }
    "tpu.region"() ({
      %run_scoped3A = tpu.sem_alloc : memref<!tpu.dma_semaphore, #tpu.memory_space<semaphore_mem>>
      %dma_start3A_1228 = arith.constant 0 : i32
      %dma_start3A_1229 = tpu.memref_slice %arg5[%add3A, %dma_start3A_1228] : memref<32x16384xf32, #tpu.memory_space<hbm>> -> memref<1x16384xf32, #tpu.memory_space<hbm>>
      %dma_start3A_1230 = tpu.memref_squeeze %dma_start3A_1229 : memref<1x16384xf32, #tpu.memory_space<hbm>> -> memref<16384xf32, #tpu.memory_space<hbm>>
      %dma_start3A_1231 = arith.constant 0 : i32
      %dma_start3A_1232 = tpu.memref_slice %arg5[%add3A, %dma_start3A_1231] : memref<32x16384xf32, #tpu.memory_space<hbm>> -> memref<1x16384xf32, #tpu.memory_space<hbm>>
      %dma_start3A_1233 = tpu.memref_squeeze %dma_start3A_1232 : memref<1x16384xf32, #tpu.memory_space<hbm>> -> memref<16384xf32, #tpu.memory_space<hbm>>
      tpu.enqueue_dma source(%arg11 : memref<16384xf32, #tpu.memory_space<vmem>>) target(%dma_start3A_1233 : memref<16384xf32, #tpu.memory_space<hbm>>) target_semaphore(%run_scoped3A : memref<!tpu.dma_semaphore, #tpu.memory_space<semaphore_mem>>)
      %dma_wait3A_1234 = arith.constant 0 : i32
      %dma_wait3A_1235 = tpu.memref_slice %arg5[%add3A, %dma_wait3A_1234] : memref<32x16384xf32, #tpu.memory_space<hbm>> -> memref<1x16384xf32, #tpu.memory_space<hbm>>
      %dma_wait3A_1236 = tpu.memref_squeeze %dma_wait3A_1235 : memref<1x16384xf32, #tpu.memory_space<hbm>> -> memref<16384xf32, #tpu.memory_space<hbm>>
      %dma_wait3A_1237 = arith.constant 0 : i32
      %dma_wait3A_1238 = tpu.memref_slice %arg5[%add3A, %dma_wait3A_1237] : memref<32x16384xf32, #tpu.memory_space<hbm>> -> memref<1x16384xf32, #tpu.memory_space<hbm>>
      %dma_wait3A_1239 = tpu.memref_squeeze %dma_wait3A_1238 : memref<1x16384xf32, #tpu.memory_space<hbm>> -> memref<16384xf32, #tpu.memory_space<hbm>>
      tpu.wait_dma2 semaphore(%run_scoped3A : memref<!tpu.dma_semaphore, #tpu.memory_space<semaphore_mem>>) src(%arg11 : memref<16384xf32, #tpu.memory_space<vmem>>) dst(%dma_wait3A_1239 : memref<16384xf32, #tpu.memory_space<hbm>>)
      tpu.yield
    }) : () -> ()
    "tpu.region"() ({
      %run_scoped3A = tpu.sem_alloc : memref<!tpu.dma_semaphore, #tpu.memory_space<semaphore_mem>>
      %dma_start3A_1228 = arith.constant 0 : i32
      %dma_start3A_1229 = tpu.memref_slice %arg6[%add3A, %dma_start3A_1228] : memref<32x16384xf32, #tpu.memory_space<hbm>> -> memref<1x16384xf32, #tpu.memory_space<hbm>>
      %dma_start3A_1230 = tpu.memref_squeeze %dma_start3A_1229 : memref<1x16384xf32, #tpu.memory_space<hbm>> -> memref<16384xf32, #tpu.memory_space<hbm>>
      %dma_start3A_1231 = arith.constant 0 : i32
      %dma_start3A_1232 = tpu.memref_slice %arg6[%add3A, %dma_start3A_1231] : memref<32x16384xf32, #tpu.memory_space<hbm>> -> memref<1x16384xf32, #tpu.memory_space<hbm>>
      %dma_start3A_1233 = tpu.memref_squeeze %dma_start3A_1232 : memref<1x16384xf32, #tpu.memory_space<hbm>> -> memref<16384xf32, #tpu.memory_space<hbm>>
      tpu.enqueue_dma source(%arg12 : memref<16384xf32, #tpu.memory_space<vmem>>) target(%dma_start3A_1233 : memref<16384xf32, #tpu.memory_space<hbm>>) target_semaphore(%run_scoped3A : memref<!tpu.dma_semaphore, #tpu.memory_space<semaphore_mem>>)
      %dma_wait3A_1234 = arith.constant 0 : i32
      %dma_wait3A_1235 = tpu.memref_slice %arg6[%add3A, %dma_wait3A_1234] : memref<32x16384xf32, #tpu.memory_space<hbm>> -> memref<1x16384xf32, #tpu.memory_space<hbm>>
      %dma_wait3A_1236 = tpu.memref_squeeze %dma_wait3A_1235 : memref<1x16384xf32, #tpu.memory_space<hbm>> -> memref<16384xf32, #tpu.memory_space<hbm>>
      %dma_wait3A_1237 = arith.constant 0 : i32
      %dma_wait3A_1238 = tpu.memref_slice %arg6[%add3A, %dma_wait3A_1237] : memref<32x16384xf32, #tpu.memory_space<hbm>> -> memref<1x16384xf32, #tpu.memory_space<hbm>>
      %dma_wait3A_1239 = tpu.memref_squeeze %dma_wait3A_1238 : memref<1x16384xf32, #tpu.memory_space<hbm>> -> memref<16384xf32, #tpu.memory_space<hbm>>
      tpu.wait_dma2 semaphore(%run_scoped3A : memref<!tpu.dma_semaphore, #tpu.memory_space<semaphore_mem>>) src(%arg12 : memref<16384xf32, #tpu.memory_space<vmem>>) dst(%dma_wait3A_1239 : memref<16384xf32, #tpu.memory_space<hbm>>)
      tpu.yield
    }) : () -> ()
    return
  }
}

module attributes {stable_mosaic.version = 14 : i64} {
  func.func @_combine_body(%arg0: i32, %arg1: memref<1xf32, #tpu.memory_space<smem>>, %arg2: memref<32x512xf32, #tpu.memory_space<vmem>>, %arg3: memref<32x512xf32, #tpu.memory_space<vmem>>, %arg4: memref<512xf32, #tpu.memory_space<vmem>>) attributes {dimension_semantics = [#tpu.dimension_semantics<arbitrary>], iteration_bounds = array<i64: 32>, scalar_prefetch = 0 : i64, scratch_operands = 0 : i64, tpu.core_type = #tpu.core_type<tc>, window_params = [{transform_indices = @transform_0, window_bounds = array<i64: 1>}, {transform_indices = @transform_1, window_bounds = array<i64: 32, 512>}, {transform_indices = @transform_2, window_bounds = array<i64: 32, 512>}, {transform_indices = @transform_3, window_bounds = array<i64: 512>}]} {
    %get3A = arith.constant 0 : index
    %get3A_0 = arith.constant 0 : index
    %get3A_1 = vector.load %arg2[%get3A, %get3A_0] : memref<32x512xf32, #tpu.memory_space<vmem>>, vector<16x512xf32>
    %get3A_2 = arith.constant 16 : index
    %get3A_3 = arith.constant 0 : index
    %get3A_4 = vector.load %arg2[%get3A_2, %get3A_3] : memref<32x512xf32, #tpu.memory_space<vmem>>, vector<16x512xf32>
    %add3A = arith.addf %get3A_1, %get3A_4 : vector<16x512xf32>
    %mul3A = arith.mulf %add3A, %add3A : vector<16x512xf32>
    %reduce_sum3A = arith.constant dense<0.000000e+00> : vector<512xf32>
    %reduce_sum3A_5 = vector.multi_reduction <add>, %mul3A, %reduce_sum3A [0] : vector<16x512xf32> to vector<512xf32>
    %get3A_6 = arith.constant 0 : index
    %get3A_7 = arith.constant 0 : index
    %get3A_8 = vector.load %arg3[%get3A_6, %get3A_7] : memref<32x512xf32, #tpu.memory_space<vmem>>, vector<32x512xf32>
    %reduce_sum3A_9 = arith.constant dense<0.000000e+00> : vector<512xf32>
    %reduce_sum3A_10 = vector.multi_reduction <add>, %get3A_8, %reduce_sum3A_9 [0] : vector<32x512xf32> to vector<512xf32>
    %get3A_11 = arith.constant 0 : index
    %get3A_12 = memref.load %arg1[%get3A_11] : memref<1xf32, #tpu.memory_space<smem>>
    %sub3A = arith.subf %reduce_sum3A_5, %reduce_sum3A_10 : vector<512xf32>
    %mul3A_13 = arith.constant 5.000000e-01 : f32
    %mul3A_14 = vector.broadcast %mul3A_13 : f32 to vector<512xf32>
    %mul3A_15 = arith.mulf %mul3A_14, %sub3A : vector<512xf32>
    %add3A_16 = vector.broadcast %get3A_12 : f32 to vector<512xf32>
    %add3A_17 = arith.addf %add3A_16, %mul3A_15 : vector<512xf32>
    %neg3A = arith.constant 0.000000e+00 : f32
    %neg3A_18 = vector.broadcast %neg3A : f32 to vector<512xf32>
    %neg3A_19 = arith.subf %neg3A_18, %add3A_17 : vector<512xf32>
    %exp3A = math.exp %neg3A_19 : vector<512xf32>
    %add3A_20 = arith.constant 1.000000e+00 : f32
    %add3A_21 = vector.broadcast %add3A_20 : f32 to vector<512xf32>
    %add3A_22 = arith.addf %add3A_21, %exp3A : vector<512xf32>
    %div3A = arith.constant 1.000000e+00 : f32
    %div3A_23 = vector.broadcast %div3A : f32 to vector<512xf32>
    %div3A_24 = arith.divf %div3A_23, %add3A_22 : vector<512xf32>
    %swap3A = arith.constant 0 : index
    %swap3A_25 = vector.load %arg4[%swap3A] : memref<512xf32, #tpu.memory_space<vmem>>, vector<512xf32>
    tpu.vector_store %arg4[%swap3A], %div3A_24 {strides = array<i32>} : memref<512xf32, #tpu.memory_space<vmem>>, vector<512xf32>,
    return
  }
  func.func @transform_0(%arg0: i32) -> i32 {
    %c0_i32 = arith.constant 0 : i32
    %c0_i32_0 = arith.constant 0 : i32
    return %c0_i32 : i32
  }
  func.func @transform_1(%arg0: i32) -> (i32, i32) {
    %c0_i32 = arith.constant 0 : i32
    %c0_i32_0 = arith.constant 0 : i32
    return %c0_i32, %arg0 : i32, i32
  }
  func.func @transform_2(%arg0: i32) -> (i32, i32) {
    %c0_i32 = arith.constant 0 : i32
    %c0_i32_0 = arith.constant 0 : i32
    return %c0_i32, %arg0 : i32, i32
  }
  func.func @transform_3(%arg0: i32) -> i32 {
    %c0_i32 = arith.constant 0 : i32
    return %arg0 : i32
  }
}

</mosaic_0001>

<sc_bundles>
// kernel: kernel.4.cloned.1.call-start
scs
__scs_entry_jumppad:
0x0: {  	(pc) =	sbr.rel $0x88, $3  }
0x1: {  	(tag) =	ssettag $0x0;
	lr =	simm.s32 $0x1  }
0x2: {  	[smem:$0x3F9D] =	sst lr;
	_ =	strace $0xD0000000  }
0x3: {  	_ = 	snop  }
0x4: {  	_ = 	snop  }
0x5: {  	_ = 	snop  }
0x6: {  	_ = 	snop  }
0x7: {  	_ = 	snop  }
__scs_overlays_trampoline_lowered:
0x8: {  	[smem:$0x3FAC] =	sst s0  }
0x9: {  	[smem:$0x3FAD] =	sst s1  }
0xa: {  	[smem:$0x3FAE] =	sst s2  }
0xb: {  	[smem:$0x3FAF] =	sst s3  }
0xc: {  	[smem:$0x3FB0] =	sst s4  }
0xd: {  	[smem:$0x3FB1] =	sst s5  }
0xe: {  	[smem:$0x3FB2] =	sst s6  }
0xf: {  	[smem:$0x3FB3] =	sst s7  }
0x10: {  	[smem:$0x3FB4] =	sst s8  }
0x11: {  	[smem:$0x3FB5] =	sst s9;
	s0 =	simm.s32 @!p0 $0x0  }
0x12: {  	s1 =	sld [smem:$0x3F9B];
	s0 =	simm.s32 @p0 $0x1  }
0x13: {  	[smem:$0x3FB6] =	sst s0;
	s0 =	simm.s32 @!p1 $0x0  }
0x14: {  	s2 =	sld [smem:$0x3F9A];
	s0 =	simm.s32 @p1 $0x1  }
0x15: {  	[smem:$0x3FB7] =	sst s0;
	s0 =	simm.s32 @!p2 $0x0  }
0x16: {  	s3 =	sld [smem:$0x3FDB];
	s0 =	simm.s32 @p2 $0x1  }
0x17: {  	s4 =	simm.s32 $0x1BF5;
	[smem:$0x3FB9] =	sst s0  }
0x18: {  	s0 =	sld [smem:$0x3F9C];
	_ =	swait.ge [sflag:s4], $0x0  }
0x19: {  	s7 =	sld [smem:$0x3F9D]  }
0x1a: {  	s8 =	sadd.s32 $0xFFFFE003, lr  }
0x1b: {  	s9 =	sadd.s32 $0xFFFFFEF7, lr;
	s5 =	simm.s32 $0xFFFFFFFF;
	p2 =	slt.u32 s8, $0xFFFFF086  }
0x1c: {  	p1 =	slt.u32 s9, $0xF7A;
	s5 =	simm.s32 @!p2 $0x0  }
0x1d: {  	s5 =	simm.s32 @p1 $0x1;
	p0 =	seq.s32 s7, s2  }
0x1e: {  	s7 =	smul.u32 @!p0 $0xF7A, s2;
	p2 =	seq.s32 @!p0 s5, $0x0  }
0x1f: {  	s9 =	smul.u32 $0xF7A, s1;
	s8 =	simm.s32 @!p0 $0x1BF5;
	p2 =	por !p2, p0  }
0x20: {  	[sflag:s8] =	ssyncset.s32 @!p0 $0xFFFFF086;
	s6 =	sadd.s32 @!p0 s3, s7;
	s7 =	simm.s32 @!p0 $0x108  }
0x21: {  	s3 =	sadd.s32 s3, s9;
	s6 =	sadd.s32 @!p0 $0x88, s6;
	s7 =	simm.s32 @p2 $0x1082  }
0x22: {  	[simem:s7], [sflag:s8] =	dma.local @!p0 [hbm:s6], $0xF7A  }
0x23: {  	s9 =	sor.u32 $0xD0000000, s2;
	s6 =	simm.s32 $0x108;
	_ =	swait.ge @!p0 [sflag:s8], $0x0  }
0x24: {  	s3 =	sadd.s32 $0x88, s3;
	s6 =	simm.s32 @!p1 $0x1082;
	[sflag:s4] =	ssyncset.s32 $0xFFFFF086  }
0x25: {  	[simem:s6], [sflag:s4] =	dma.local [hbm:s3], $0xF7A  }
0x26: {  	[smem:$0x3F9D] =	sst s1;
	(tag) =	ssettag s2;
	_ =	strace s9  }
0x27: {  	s1 =	sld [smem:$0x3FAD]  }
0x28: {  	s2 =	sld [smem:$0x3FAE]  }
0x29: {  	s4 =	sld [smem:$0x3FB0]  }
0x2a: {  	p0 =	seq.s32 s5, $0x0;
	s5 =	sld [smem:$0x3FB1]  }
0x2b: {  	s6 =	sld [smem:$0x3FB2]  }
0x2c: {  	s7 =	sld [smem:$0x3FB3]  }
0x2d: {  	s3 =	simm.s32 $0x108;
	s8 =	sld [smem:$0x3FB4]  }
0x2e: {  	s3 =	simm.s32 @!p0 $0x1082;
	s9 =	sld [smem:$0x3FB5]  }
0x2f: {  	lr =	sadd.s32 s0, s3;
	s0 =	sld [smem:$0x3FAC]  }
0x30: {  	s3 =	sld [smem:$0x3FAF]  }
0x31: {  	[smem:$0x3FB8] =	sst s10  }
0x32: {  	s10 =	sld [smem:$0x3FB6];
	_ =	sdelay $0x3  }
0x33: {  	p0 =	seq.s32 s10, $0x1;
	s10 =	sld [smem:$0x3FB8];
	_ =	sdelay $0x3  }
0x34: {  	[smem:$0x3FB8] =	sst s10  }
0x35: {  	s10 =	sld [smem:$0x3FB7];
	_ =	sdelay $0x3  }
0x36: {  	p1 =	seq.s32 s10, $0x1;
	s10 =	sld [smem:$0x3FB8];
	_ =	sdelay $0x3  }
0x37: {  	[smem:$0x3FB8] =	sst s10  }
0x38: {  	s10 =	sld [smem:$0x3FB9]  }
0x39: {  	_ = 	snop;
	(pc) =	sbr.ind lr, $3  }
0x3a: {  	_ = 	snop  }
0x3b: {  	_ = 	snop  }
0x3c: {  	p2 =	seq.s32 s10, $0x1;
	s10 =	sld [smem:$0x3FB8]  }
0x3d: {  	_ =	shalt  }
0x3e: {  	_ =	shalt  }
0x3f: {  	_ =	shalt  }
0x40: {  	_ =	shalt  }
0x41: {  	_ =	shalt  }
0x42: {  	_ =	shalt  }
0x43: {  	_ =	shalt  }
0x44: {  	_ =	shalt  }
0x45: {  	_ =	shalt  }
0x46: {  	_ =	shalt  }
0x47: {  	_ =	shalt  }
0x48: {  	_ =	shalt  }
0x49: {  	_ =	shalt  }
0x4a: {  	_ =	shalt  }
0x4b: {  	_ =	shalt  }
0x4c: {  	_ =	shalt  }
0x4d: {  	_ =	shalt  }
0x4e: {  	_ =	shalt  }
0x4f: {  	_ =	shalt  }
0x50: {  	_ =	shalt  }
0x51: {  	_ =	shalt  }
0x52: {  	_ =	shalt  }
0x53: {  	_ =	shalt  }
0x54: {  	_ =	shalt  }
0x55: {  	_ =	shalt  }
0x56: {  	_ =	shalt  }
0x57: {  	_ =	shalt  }
0x58: {  	_ =	shalt  }
0x59: {  	_ =	shalt  }
0x5a: {  	_ =	shalt  }
0x5b: {  	_ =	shalt  }
0x5c: {  	_ =	shalt  }
0x5d: {  	_ =	shalt  }
0x5e: {  	_ =	shalt  }
0x5f: {  	_ =	shalt  }
0x60: {  	_ =	shalt  }
0x61: {  	_ =	shalt  }
0x62: {  	_ =	shalt  }
0x63: {  	_ =	shalt  }
0x64: {  	_ =	shalt  }
0x65: {  	_ =	shalt  }
0x66: {  	_ =	shalt  }
0x67: {  	_ =	shalt  }
0x68: {  	_ =	shalt  }
0x69: {  	_ =	shalt  }
0x6a: {  	_ =	shalt  }
0x6b: {  	_ =	shalt  }
0x6c: {  	_ =	shalt  }
0x6d: {  	_ =	shalt  }
0x6e: {  	_ =	shalt  }
0x6f: {  	_ =	shalt  }
0x70: {  	_ =	shalt  }
0x71: {  	_ =	shalt  }
0x72: {  	_ =	shalt  }
0x73: {  	_ =	shalt  }
0x74: {  	_ =	shalt  }
0x75: {  	_ =	shalt  }
0x76: {  	_ =	shalt  }
0x77: {  	_ =	shalt  }
0x78: {  	_ =	shalt  }
0x79: {  	_ =	shalt  }
0x7a: {  	_ =	shalt  }
0x7b: {  	_ =	shalt  }
0x7c: {  	_ =	shalt  }
0x7d: {  	_ =	shalt  }
0x7e: {  	_ =	shalt  }
0x7f: {  	_ =	shalt  }
0x80: {  	_ =	shalt  }
0x81: {  	_ =	shalt  }
0x82: {  	_ =	shalt  }
0x83: {  	_ =	shalt  }
0x84: {  	_ =	shalt  }
0x85: {  	_ =	shalt  }
0x86: {  	_ =	shalt  }
0x87: {  	_ =	shalt  }
.Lfunc_end0:
.L_simem_size_0:
called_computation_lowered:
.L_overlay_start_0:
0x88: {  	s2 =	sld [smem:$0x3FD9]  }
0x89: {  	s3 =	sld [smem:$0x3FFE];
	_ =	sdelay $0x1  }
0x8a: {  	s1 =	srdreg.scid  }
0x8b: {  	s0 =	sand.u32 $0x1, s1  }
0x8c: {  	s17 =	sshll.u32 s0, $0xA;
	s2 =	sadd.s32 s3, s2  }
0x8d: {  	s2 =	sadd.s32 s2, s17  }
0x8e: {  	[smem:$0x3FC4] =	sst s2  }
0x8f: {  	_ = 	snop  }
0x90: {  	s2 =	sld [smem:$0x3FC8];
	(tm) =	ssettm $0x1  }
0x91: {  	s18 =	sld [smem:$0x3FFB];
	_ =	sdelay $0x3  }
0x92: {  	_ =	strace s18  }
0x93: {  	s3 =	sld [smem:$0x3FFC];
	_ =	sdelay $0x3  }
0x94: {  	_ =	strace s3  }
0x95: {  	s3 =	sld [smem:$0x3FFD];
	_ =	sdelay $0x3  }
0x96: {  	_ =	strace s3  }
0x97: {  	_ =	strace $0x8FFFFFFF  }
0x98: {  	s19 =	sld [smem:$0x3FDB];
	_ =	sdelay $0x1  }
0x99: {  	s4 =	simm.s32 $_scs_section_size  }
0x9a: {  	s5 =	simm.s32 $_size__tile_overlayer_lowered;
	s6 =	simm.s32 $_tile_overlayer_lowered  }
0x9b: {  	s22 =	simm.s32 $0x1BFF;
	s21 =	sshll.u32 s6, $0x1;
	s3 =	sadd.s32 s4, s19  }
0x9c: {  	s7 =	simm.s32 $0x0;
	s20 =	sshll.u32 s5, $0x1;
	s5 =	sadd.s32 s21, s3  }
0x9d: {  	[timem:s7], [sflag:s22] =	dma.local [hbm:s5], s20  }
0x9e: {  	_ =	swait.ge [sflag:s22], s20  }
0x9f: {  	s4 =	ssub.s32 $0x0, s20;
	[sflag:s22] =	ssyncset.done $0x0  }
0xa0: {  	[sflag:s22] =	ssyncadd.s32 s4;
	_ =	sdelay $0x1  }
0xa1: {  	s23 =	simm.s32 $0x1B8B  }
0xa2: {  	_ =	swait.ge [sflag:s23], $0x1  }
0xa3: {  	[sflag:s23] =	ssyncset.done $0x0  }
0xa4: {  	s25 =	simm.s32 $0x1B8E;
	s24 =	sld [smem:$0x3FFE];
	[sflag:s23] =	ssyncadd.s32 $0xFFFFFFFF  }
0xa5: {  	s26 =	simm.s32 $execute0_lowered;
	[smem:$0x3FD2] =	sst s25  }
0xa6: {  	s5 =	sshll.u32 s26, $0x1;
	_ =	strace $0x80000046;
	[dreg:$0x1] =	wrdreg $0xFFFFFFFF  }
0xa7: {  	s28 =	simm.s32 $_size_execute0_lowered;
	s3 =	sadd.s32 s3, s5;
	[dreg:$0x0] =	wrdreg $0x0  }
0xa8: {  	s5 =	sshll.u32 s28, $0x1;
	[dreg:$0x2] =	wrdreg s3  }
0xa9: {  	[dreg:$0x3] =	wrdreg s5  }
0xaa: {  	[dreg:$0x4] =	wrdreg $0xC0  }
0xab: {  	_ =	task [dreg:s7], $0x5FFFF  }
0xac: {  	[dreg:$0x1] =	wrdreg $0xFFFFFFFF  }
0xad: {  	[dreg:$0x0] =	wrdreg $0x60  }
0xae: {  	[dreg:$0x2] =	wrdreg s24  }
0xaf: {  	[dreg:$0x3] =	wrdreg s2  }
0xb0: {  	[dreg:$0x4] =	wrdreg $0x9  }
0xb1: {  	_ =	task.clear_ibuf [dreg:s7], $0x5FFFF;
	_ =	strace $0x90000046  }
0xb2: {  	s29 =	simm.s32 $0x9;
	_ =	strace $0x80000048  }
0xb3: {  	_ =	swait.ge [sflag:s29], $0x1  }
0xb4: {  	[sflag:s29] =	ssyncadd.s32 $0xFFFFFFFF  }
0xb5: {  	_ =	strace $0x90000048  }
0xb6: {  	_ =	sfence  }
0xb7: {  	s30 =	sld [smem:$0x0];
	_ =	sdelay $0x2  }
0xb8: {  	s31 =	sshll.u32 s1, $0xD;
	s1 =	sshrl.u32 s1, $0x2  }
0xb9: {  	s3 =	sand.u32 $0x4000, s31;
	s1 =	sadd.s32 s1, s30  }
0xba: {  	s0 =	sor.u32 s3, s0;
	s1 =	sshll.u32 s1, $0x11  }
0xbb: {  	s0 =	sor.u32 s1, s0  }
0xbc: {  	s0 =	sadd.s32 $0x8F2B, s0  }
0xbd: {  	[sflag:s0] =	ssyncadd.remote.s32 $0x1  }
0xbe: {  	_ =	sfence.sel $0xFFFF  }
0xbf: {  	[dreg:$0x0] =	wrdreg $0xFFFFFFFF;
	(pc) =	sbr.abs _section_cstart, $3  }
0xc0: {  	[dreg:$0x1] =	wrdreg $0xFFFFFFFF  }
0xc1: {  	_ =	task.clear_ibuf [dreg:s7], $0x2FFFF;
	_ =	strace $0x9FFFFFFF  }
0xc2: {  	(tm) =	ssettm $0x7FFFFFFF  }
0xc3: {  	_ =	shalt  }
tec
execute0_lowered:
.L_overlay_start_1:
0x0: {  	(tag) =	ssettag $0x1  }
0x1: {  	s0 =	srdreg.scid;
	s3 =	rddreg [dreg:$0x0]  }
0x2: {  	s1 =	simm.s32 $0x0;
	s6 =	sand.u32 $0x1, s0;
	s0 =	rddreg [dreg:$0x1]  }
0x3: {  	s28 =	stileid.u32;
	[smem:$0x7FF] =	sst s1  }
0x4: {  	s5 =	sshll.u32 s28, $0xB;
	s11 =	sshrl.u32 s28, $0x3;
	s2 =	smul.u32 $0xD, s6  }
0x5: {  	s21 =	sshll.u32 s28, $0x7;
	p0 =	sgt.u32 s28, $0xC;
	s12 =	smul.u32 $0x7EF40, s6  }
0x6: {  	s4 =	sshll.u32 s6, $0xF;
	s8 =	ssub.s32 $0x2, s6;
	s6 =	smul.u32 $0x6800, s6  }
0x7: {  	s10 =	sshrl.u32 s8, $0x1;
	s13 =	sor.u32 s5, s4;
	s5 =	sand.u32 $0x380, s21  }
0x8: {  	s9 =	sadd.s32 s28, s2;
	s15 =	ssub.s32 s8, s10;
	s8 =	smul.u32 $0x1FBD, s11  }
0x9: {  	s22 =	sshrl.u32 s12, $0x7;
	s4 =	sadd.s32 $0x1, s2;
	s14 =	sadd.s32 $0x13880, s12  }
0xa: {  	s16 =	sadd.s32 $0x1D4C0, s12;
	s24 =	sadd.s32 $0x27100, s12;
	s25 =	sadd.s32 $0x30D40, s12  }
0xb: {  	s19 =	sadd.s32 $0x3A980, s12;
	s26 =	sadd.s32 $0x445C0, s12;
	s29 =	sadd.s32 $0x4E200, s12  }
0xc: {  	s30 =	sadd.s32 $0x61A80, s12;
	s31 =	sadd.s32 $0x6B6C0, s12;
	s7 =	smul.u32 $0x1388, s9  }
0xd: {  	s23 =	smul.u32 $0x9C40, s4;
	s14 =	sshrl.u32 s14, $0x7;
	s16 =	sshrl.u32 s16, $0x7  }
0xe: {  	s19 =	sshrl.u32 s19, $0x7;
	s15 =	smax.u32 s15, $0x1;
	s10 =	sadd.s32 s22, s8  }
0xf: {  	s18 =	sadd.s32 s8, s14;
	s16 =	sadd.s32 s8, s16;
	s14 =	sshrl.u32 s25, $0x7  }
0x10: {  	s19 =	sadd.s32 s8, s19;
	s22 =	sadd.s32 $0x57E40, s12;
	s12 =	sadd.s32 $0x75300, s12  }
0x11: {  	s10 =	sshll.u32 s10, $0xA;
	s11 =	sshrl.u32 s23, $0x7;
	s21 =	sadd.s32 s8, s14  }
0x12: {  	s14 =	sshrl.u32 s29, $0x7;
	s22 =	sshrl.u32 s22, $0x7;
	s12 =	sshrl.u32 s12, $0x7  }
0x13: {  	s7 =	sand.u32 $0x3FFF0, s7;
	s17 =	sadd.s32 s8, s11;
	s11 =	sshrl.u32 s24, $0x7  }
0x14: {  	s24 =	sadd.s32 s8, s14;
	s22 =	sadd.s32 s8, s22;
	s14 =	sshrl.u32 s31, $0x7  }
0x15: {  	s10 =	sor.u32 s5, s10;
	s31 =	sshll.u32 s19, $0xA;
	s20 =	sadd.s32 s8, s11  }
0x16: {  	s11 =	sshrl.u32 s26, $0x7;
	s26 =	sadd.s32 s8, s14;
	s14 =	sadd.s32 s13, s3  }
0x17: {  	s10 =	sshrl.u32 s10, $0x3;
	s13 =	sshll.u32 s17, $0xA;
	s17 =	sshll.u32 s18, $0xA  }
0x18: {  	s18 =	sshll.u32 s16, $0xA;
	s23 =	sadd.s32 s8, s11;
	s11 =	sshrl.u32 s30, $0x7  }
0x19: {  	s16 =	sor.u32 s5, s18;
	s29 =	sshll.u32 s20, $0xA;
	s30 =	sshll.u32 s21, $0xA  }
0x1a: {  	s18 =	sor.u32 s5, s31;
	s21 =	sshll.u32 s24, $0xA;
	s26 =	sshll.u32 s26, $0xA  }
0x1b: {  	s25 =	sadd.s32 s8, s11;
	s8 =	sadd.s32 s8, s12;
	s11 =	sadd.s32 $0x800, s3  }
0x1c: {  	s12 =	sadd.s32 s7, s3;
	s7 =	sadd.s32 s0, s10;
	s10 =	sor.u32 s5, s17  }
0x1d: {  	s19 =	sor.u32 s5, s29;
	s17 =	sor.u32 s5, s30;
	s20 =	sshll.u32 s23, $0xA  }
0x1e: {  	s23 =	sshll.u32 s22, $0xA;
	[dreg:$0x3] =	wrdreg s7;
	s7 =	sor.u32 s5, s13  }
0x1f: {  	s24 =	sor.u32 s5, s20;
	s20 =	sor.u32 s5, s21;
	s21 =	sor.u32 s5, s23  }
0x20: {  	s25 =	sshll.u32 s25, $0xA;
	s8 =	sshll.u32 s8, $0xA;
	s23 =	sor.u32 s5, s26  }
0x21: {  	s30 =	sadd.s32 s11, s6;
	s13 =	sadd.s32 $0xC00, s3;
	s31 =	sshrl.u32 s10, $0x3  }
0x22: {  	s10 =	sshrl.u32 s17, $0x3;
	s17 =	sshrl.u32 s18, $0x3;
	s12 =	sadd.s32 $0xD800, s12  }
0x23: {  	s7 =	sshrl.u32 s7, $0x3;
	s29 =	sor.u32 s5, s25;
	s5 =	sor.u32 s5, s8  }
0x24: {  	[dreg:$0x4] =	wrdreg s30;
	s3 =	sadd.s32 s6, s13;
	s6 =	sshrl.u32 s16, $0x3  }
0x25: {  	s8 =	sshrl.u32 s19, $0x3;
	s16 =	sadd.s32 s0, s10;
	s18 =	sshrl.u32 s24, $0x3  }
0x26: {  	s19 =	sshrl.u32 s20, $0x3;
	s22 =	sshrl.u32 s21, $0x3;
	[dreg:$0x6] =	wrdreg s3  }
0x27: {  	s25 =	sshrl.u32 s23, $0x3;
	s7 =	sadd.s32 s0, s7;
	[dreg:$0xa] =	wrdreg s16  }
0x28: {  	s3 =	sshll.u32 s4, $0xB;
	s4 =	sadd.s32 s0, s31;
	[dreg:$0x5] =	wrdreg s7  }
0x29: {  	s20 =	sadd.s32 s0, s19;
	s24 =	sshrl.u32 s29, $0x3;
	[dreg:$0x7] =	wrdreg s4  }
0x2a: {  	s26 =	sadd.s32 s0, s25;
	s29 =	sshrl.u32 s5, $0x3;
	[dreg:$0xd] =	wrdreg s20  }
0x2b: {  	s7 =	sshll.u32 s2, $0xB;
	s2 =	sadd.s32 s0, s6;
	[dreg:$0x10] =	wrdreg s26  }
0x2c: {  	s30 =	sadd.s32 s11, s3;
	s4 =	sadd.s32 s3, s13;
	[dreg:$0x8] =	wrdreg s2  }
0x2d: {  	s2 =	sadd.s32 s0, s8;
	[dreg:$0x12] =	wrdreg s30;
	s31 =	sadd.s32 $0x1000, s7  }
0x2e: {  	[dreg:$0x13] =	wrdreg s4;
	s6 =	sadd.s32 $0x1800, s7;
	s10 =	sadd.s32 $0x2000, s7  }
0x2f: {  	s19 =	sadd.s32 $0x3000, s7;
	s21 =	sadd.s32 $0x3800, s7;
	s23 =	sadd.s32 $0x4000, s7  }
0x30: {  	s25 =	sadd.s32 $0x4800, s7;
	s26 =	sadd.s32 $0x5000, s7;
	s30 =	sadd.s32 $0x6000, s7  }
0x31: {  	[dreg:$0x9] =	wrdreg s2;
	s2 =	sadd.s32 s0, s17;
	s5 =	sadd.s32 s11, s31  }
0x32: {  	s8 =	sadd.s32 s11, s6;
	s16 =	sadd.s32 s11, s10;
	[dreg:$0xb] =	wrdreg s2  }
0x33: {  	s17 =	sadd.s32 $0x2800, s7;
	s20 =	sadd.s32 s11, s19;
	[dreg:$0x14] =	wrdreg s5  }
0x34: {  	s3 =	sadd.s32 s11, s25;
	s4 =	sadd.s32 s25, s13;
	[dreg:$0x16] =	wrdreg s8  }
0x35: {  	s25 =	simm.s32 $0x3;
	s2 =	sadd.s32 s0, s18;
	[dreg:$0x18] =	wrdreg s16  }
0x36: {  	s18 =	sadd.s32 s11, s17;
	[dreg:$0x1c] =	wrdreg s20;
	s5 =	sadd.s32 s11, s26  }
0x37: {  	s16 =	simm.s32 $0x80;
	s20 =	simm.s32 $0xDC80;
	[dreg:$0xc] =	wrdreg s2  }
0x38: {  	s2 =	sadd.s32 s0, s22;
	[dreg:$0x1a] =	wrdreg s18;
	s22 =	sadd.s32 s11, s21  }
0x39: {  	s18 =	simm.s32 $0x4000;
	[dreg:$0xe] =	wrdreg s2;
	s2 =	sadd.s32 s0, s24  }
0x3a: {  	s0 =	sadd.s32 s0, s29;
	[dreg:$0x1e] =	wrdreg s22;
	s24 =	sadd.s32 s21, s13  }
0x3b: {  	s29 =	sadd.s32 $0x5800, s7;
	s21 =	simm.s32 $0x2;
	[dreg:$0xf] =	wrdreg s2  }
0x3c: {  	s22 =	simm.s32 $0x2000;
	[dreg:$0x11] =	wrdreg s0;
	s0 =	sadd.s32 s31, s13  }
0x3d: {  	s2 =	sadd.s32 s6, s13;
	[dreg:$0x1f] =	wrdreg s24;
	s6 =	sadd.s32 s26, s13  }
0x3e: {  	s7 =	sadd.s32 s11, s29;
	s8 =	sadd.s32 s29, s13;
	s31 =	sshll.u32 s9, $0xB  }
0x3f: {  	s9 =	sadd.s32 s11, s30;
	s24 =	simm.s32 $0x1B900;
	[dreg:$0x15] =	wrdreg s0  }
0x40: {  	s26 =	simm.s32 $0x0;
	[dreg:$0x17] =	wrdreg s2;
	s0 =	sadd.s32 s10, s13  }
0x41: {  	s2 =	sadd.s32 s17, s13;
	s10 =	sadd.s32 s30, s13;
	[dreg:$0x19] =	wrdreg s0  }
.Ltmp0:
0x42: {  	s17 =	simm.s32 $0x400;
	[dreg:$0x1b] =	wrdreg s2;
	(pc) =	sbr.rel .LBB2_1-.Ltmp0, $4  }
0x43: {  	s0 =	sadd.s32 s19, s13;
	s2 =	sadd.s32 s23, s13;
	s13 =	sadd.s32 s31, s13  }
0x44: {  	s19 =	simm.s32 $0x1;
	[dreg:$0x1d] =	wrdreg s0;
	s0 =	sadd.s32 s11, s23  }
0x45: {  	s11 =	sadd.s32 s11, s31;
	[smem:$0x7FD] =	sst s13;
	s13 =	sadd.s32 $0x3D400, s14  }
0x46: {  	v0 =	vlaneseq.u32;
	s14 =	sadd.s32 $0x2D400, s14;
	s23 =	simm.s32 $0x17900;
	_ =	strace $0x80000047  }
.LBB2_58:
0x47: {  	[hbm4b:s13+s1] =	stream.linear.scatter [tilespmem:s23], [sflag:$0x3], $0x4000, $0x38;
	[tilespmem:$0x1F900] =	vst v63  }
0x48: {  	s26 =	sadd.s32 $0x1, s26;
	_ =	swait.ge [sflag:s25], $0x4000  }
0x49: {  	p1 =	sne.s32 s26, s15;
	[sflag:s25] =	ssyncset.done $0x0  }
.Ltmp1:
0x4a: {  	[sflag:s25] =	ssyncadd.s32 $0xFFFFC000;
	(pc) =	sbr.rel @!p1 .LBB2_59-.Ltmp1, $4  }
0x4b: {  	[hbm4b:s14+s1] =	stream.linear.scatter [tilespmem:s24], [sflag:$0x3], $0x4000, $0x38;
	[tilespmem:$0x1F900] =	vst v63  }
0x4c: {  	_ =	swait.ge [sflag:s25], $0x4000  }
0x4d: {  	[sflag:s25] =	ssyncset.done $0x0  }
0x4e: {  	[sflag:s25] =	ssyncadd.s32 $0xFFFFC000  }
.LBB2_1:
0x4f: {  	s28 =	rddreg [dreg:$0x3]  }
0x50: {  	[tilespmem:s18], [sflag:$0x1] =	stream.strided.gather [hbm4b:s28+s16], $0x9C80, s17, s16, $0x38;
	[tilespmem:$0x1F900] =	vst v63  }
0x51: {  	s28 =	rddreg [dreg:$0x4]  }
0x52: {  	[tilespmem:s1], [sflag:$0x2] =	stream.linear.gather [hbm4b:s28+s1], $0x2000, $0x38;
	[tilespmem:$0x1F900] =	vst v63  }
0x53: {  	_ =	swait.ge [sflag:s19], $0x9C80  }
0x54: {  	[sflag:s19] =	ssyncset.done $0x0  }
0x55: {  	s28 =	rddreg [dreg:$0x5];
	[sflag:s19] =	ssyncadd.s32 $0xFFFF6380  }
0x56: {  	[tilespmem:s20], [sflag:$0x1] =	stream.strided.gather [hbm4b:s28+s16], $0x9C80, s17, s16, $0x38;
	[tilespmem:$0x1F900] =	vst v63  }
0x57: {  	_ =	swait.ge [sflag:s21], $0x2000  }
0x58: {  	[sflag:s21] =	ssyncset.done $0x0  }
0x59: {  	s29 =	simm.s32 $0x20;
	s28 =	rddreg [dreg:$0x6];
	[sflag:s21] =	ssyncadd.s32 $0xFFFFE000  }
0x5a: {  	[tilespmem:s22], [sflag:$0x2] =	stream.linear.gather [hbm4b:s28+s1], $0x2000, $0x38;
	[tilespmem:$0x1F900] =	vst v63  }
0x5b: {  	s30 =	simm.s32 $0x17920;
	s31 =	simm.s32 $0x1B920;
	s28 =	simm.s32 $0xFFFFFFFC  }
.LBB2_2:
0x5c: {  	v1 =	vld [tilespmem:s29+$0xFFFFFFE0];
	_ =	sdelay $0x7  }
0x5d: {  	v1 =	vld.idx.msk [tilespmem:v1+s18+$0x0], $0xffff;
	_ =	sdelay $0x4  }
0x5e: {  	v2 =	vmul.f32 v1, v1  }
0x5f: {  	[tilespmem:s30+$0xFFFFFFE0] =	vst v1  }
0x60: {  	[tilespmem:s31+$0xFFFFFFE0] =	vst v2  }
0x61: {  	v1 =	vld [tilespmem:s29+$0xFFFFFFF0];
	_ =	sdelay $0x7  }
0x62: {  	v1 =	vld.idx.msk [tilespmem:v1+s18+$0x0], $0xffff;
	_ =	sdelay $0x4  }
0x63: {  	v2 =	vmul.f32 v1, v1  }
0x64: {  	[tilespmem:s30+$0xFFFFFFF0] =	vst v1  }
0x65: {  	[tilespmem:s31+$0xFFFFFFF0] =	vst v2  }
0x66: {  	v1 =	vld [tilespmem:s29+$0x0];
	_ =	sdelay $0x7  }
0x67: {  	v1 =	vld.idx.msk [tilespmem:v1+s18+$0x0], $0xffff;
	_ =	sdelay $0x4  }
0x68: {  	v2 =	vmul.f32 v1, v1  }
0x69: {  	[tilespmem:s30+$0x0] =	vst v1  }
0x6a: {  	[tilespmem:s31+$0x0] =	vst v2  }
0x6b: {  	v1 =	vld [tilespmem:s29+$0x10];
	_ =	sdelay $0x7  }
0x6c: {  	v1 =	vld.idx.msk [tilespmem:v1+s18+$0x0], $0xffff  }
0x6d: {  	s28 =	sadd.s32 $0x4, s28  }
0x6e: {  	p1 =	slt.u32 s28, $0x1FC  }
.Ltmp2:
0x6f: {  	_ = 	snop;
	(pc) =	sbr.rel @p1 .LBB2_2-.Ltmp2, $4  }
0x70: {  	_ = 	snop  }
0x71: {  	v2 =	vmul.f32 v1, v1  }
0x72: {  	[tilespmem:s30+$0x10] =	vst v1  }
0x73: {  	s29 =	sadd.s32 $0x40, s29;
	s30 =	sadd.s32 $0x40, s30;
	[tilespmem:s31+$0x10] =	vst v2;
	s31 =	sadd.s32 $0x40, s31  }
0x74: {  	_ =	swait.ge [sflag:s21], $0x2000  }
0x75: {  	[sflag:s21] =	ssyncset.done $0x0  }
0x76: {  	s29 =	simm.s32 $0x2020;
	s28 =	rddreg [dreg:$0x12];
	[sflag:s21] =	ssyncadd.s32 $0xFFFFE000  }
0x77: {  	[tilespmem:s1], [sflag:$0x2] =	stream.linear.gather [hbm4b:s28+s1], $0x2000, $0x38;
	[tilespmem:$0x1F900] =	vst v63  }
0x78: {  	s30 =	simm.s32 $0x19930;
	s31 =	simm.s32 $0x1D930;
	s28 =	simm.s32 $0xFFFFFFFC  }
.LBB2_4:
0x79: {  	v1 =	vld [tilespmem:s29+$0xFFFFFFE0];
	_ =	sdelay $0x7  }
0x7a: {  	v1 =	vld.idx.msk [tilespmem:v1+s18+$0x0], $0xffff;
	_ =	sdelay $0x4  }
0x7b: {  	v2 =	vmul.f32 v1, v1  }
0x7c: {  	[tilespmem:s30+$0xFFFFFFD0] =	vst v1  }
0x7d: {  	[tilespmem:s31+$0xFFFFFFD0] =	vst v2  }
0x7e: {  	v1 =	vld [tilespmem:s29+$0xFFFFFFF0];
	_ =	sdelay $0x7  }
0x7f: {  	v1 =	vld.idx.msk [tilespmem:v1+s18+$0x0], $0xffff;
	_ =	sdelay $0x4  }
0x80: {  	v2 =	vmul.f32 v1, v1  }
0x81: {  	[tilespmem:s30+$0xFFFFFFE0] =	vst v1  }
0x82: {  	[tilespmem:s31+$0xFFFFFFE0] =	vst v2  }
0x83: {  	v1 =	vld [tilespmem:s29+$0x0];
	_ =	sdelay $0x7  }
0x84: {  	v1 =	vld.idx.msk [tilespmem:v1+s18+$0x0], $0xffff;
	_ =	sdelay $0x4  }
0x85: {  	v2 =	vmul.f32 v1, v1  }
0x86: {  	[tilespmem:s30+$0xFFFFFFF0] =	vst v1  }
0x87: {  	[tilespmem:s31+$0xFFFFFFF0] =	vst v2  }
0x88: {  	v1 =	vld [tilespmem:s29+$0x10];
	_ =	sdelay $0x7  }
0x89: {  	v1 =	vld.idx.msk [tilespmem:v1+s18+$0x0], $0xffff  }
0x8a: {  	s28 =	sadd.s32 $0x4, s28  }
0x8b: {  	p1 =	slt.u32 s28, $0x1FC  }
.Ltmp3:
0x8c: {  	_ = 	snop;
	(pc) =	sbr.rel @p1 .LBB2_4-.Ltmp3, $4  }
0x8d: {  	_ = 	snop  }
0x8e: {  	v2 =	vmul.f32 v1, v1  }
0x8f: {  	[tilespmem:s30+$0x0] =	vst v1  }
0x90: {  	s29 =	sadd.s32 $0x40, s29;
	s30 =	sadd.s32 $0x40, s30;
	[tilespmem:s31+$0x0] =	vst v2;
	s31 =	sadd.s32 $0x40, s31  }
0x91: {  	_ =	swait.ge [sflag:s19], $0x9C80  }
0x92: {  	[sflag:s19] =	ssyncset.done $0x0  }
0x93: {  	s28 =	rddreg [dreg:$0x7];
	[sflag:s19] =	ssyncadd.s32 $0xFFFF6380  }
0x94: {  	[tilespmem:s18], [sflag:$0x1] =	stream.strided.gather [hbm4b:s28+s16], $0x9C80, s17, s16, $0x38;
	[tilespmem:$0x1F900] =	vst v63  }
0x95: {  	_ =	swait.ge [sflag:s21], $0x2000  }
0x96: {  	[sflag:s21] =	ssyncset.done $0x0  }
0x97: {  	s28 =	simm.s32 $0x0;
	s29 =	rddreg [dreg:$0x13];
	[sflag:s21] =	ssyncadd.s32 $0xFFFFE000  }
0x98: {  	[tilespmem:s22], [sflag:$0x2] =	stream.linear.gather [hbm4b:s29+s28], $0x2000, $0x38;
	[tilespmem:$0x1F900] =	vst v63  }
0x99: {  	s30 =	simm.s32 $0x20;
	s29 =	simm.s32 $0xFFFFFFFC  }
.LBB2_6:
0x9a: {  	v1 =	vld [tilespmem:s30+$0xFFFFFFE0];
	_ =	sdelay $0x7  }
0x9b: {  	v1 =	vld.idx.msk [tilespmem:v1+s20+$0x0], $0xffff  }
0x9c: {  	v2 =	vor.u32 s28, v0;
	_ =	sdelay $0x3  }
0x9d: {  	v3 =	vmul.f32 v1, v1  }
0x9e: {  	[tilespmem:v2+s23+$0x0] =	vst.idx.add.f32.msk $0xffff, v1  }
0x9f: {  	[tilespmem:v2+s24+$0x0] =	vst.idx.add.f32.msk $0xffff, v3  }
0xa0: {  	v1 =	vld [tilespmem:s30+$0xFFFFFFF0];
	_ =	sdelay $0x7  }
0xa1: {  	s31 =	sadd.s32 $0x10, s28;
	v1 =	vld.idx.msk [tilespmem:v1+s20+$0x0], $0xffff  }
0xa2: {  	v2 =	vor.u32 s31, v0;
	_ =	sdelay $0x3  }
0xa3: {  	v3 =	vmul.f32 v1, v1  }
0xa4: {  	[tilespmem:v2+s23+$0x0] =	vst.idx.add.f32.msk $0xffff, v1  }
0xa5: {  	[tilespmem:v2+s24+$0x0] =	vst.idx.add.f32.msk $0xffff, v3  }
0xa6: {  	v1 =	vld [tilespmem:s30+$0x0];
	_ =	sdelay $0x7  }
0xa7: {  	s31 =	sadd.s32 $0x20, s28;
	v1 =	vld.idx.msk [tilespmem:v1+s20+$0x0], $0xffff  }
0xa8: {  	v2 =	vor.u32 s31, v0;
	_ =	sdelay $0x3  }
0xa9: {  	v3 =	vmul.f32 v1, v1  }
0xaa: {  	[tilespmem:v2+s23+$0x0] =	vst.idx.add.f32.msk $0xffff, v1  }
0xab: {  	[tilespmem:v2+s24+$0x0] =	vst.idx.add.f32.msk $0xffff, v3  }
0xac: {  	v1 =	vld [tilespmem:s30+$0x10];
	_ =	sdelay $0x7  }
0xad: {  	s31 =	sadd.s32 $0x30, s28;
	v1 =	vld.idx.msk [tilespmem:v1+s20+$0x0], $0xffff  }
0xae: {  	s29 =	sadd.s32 $0x4, s29;
	v2 =	vor.u32 s31, v0  }
0xaf: {  	p1 =	slt.u32 s29, $0x1FC  }
.Ltmp4:
0xb0: {  	_ = 	snop;
	(pc) =	sbr.rel @p1 .LBB2_6-.Ltmp4, $4  }
0xb1: {  	_ = 	snop  }
0xb2: {  	v3 =	vmul.f32 v1, v1  }
0xb3: {  	[tilespmem:v2+s23+$0x0] =	vst.idx.add.f32.msk $0xffff, v1  }
0xb4: {  	s28 =	sadd.s32 $0x40, s28;
	s30 =	sadd.s32 $0x40, s30;
	[tilespmem:v2+s24+$0x0] =	vst.idx.add.f32.msk $0xffff, v3  }
0xb5: {  	_ =	swait.ge [sflag:s21], $0x2000  }
0xb6: {  	[sflag:s21] =	ssyncset.done $0x0  }
0xb7: {  	s28 =	rddreg [dreg:$0x14];
	[sflag:s21] =	ssyncadd.s32 $0xFFFFE000  }
0xb8: {  	[tilespmem:s1], [sflag:$0x2] =	stream.linear.gather [hbm4b:s28+s1], $0x2000, $0x38;
	[tilespmem:$0x1F900] =	vst v63  }
0xb9: {  	s29 =	simm.s32 $0x2030;
	s30 =	simm.s32 $0x2020;
	s28 =	simm.s32 $0xFFFFFFFC  }
.LBB2_8:
0xba: {  	v1 =	vld [tilespmem:s30+$0xFFFFFFE0];
	_ =	sdelay $0x7  }
0xbb: {  	s31 =	sadd.s32 $0xFFFFFFD0, s29;
	v1 =	vld.idx.msk [tilespmem:v1+s20+$0x0], $0xffff  }
0xbc: {  	v2 =	vor.u32 s31, v0;
	_ =	sdelay $0x3  }
0xbd: {  	v3 =	vmul.f32 v1, v1  }
0xbe: {  	[tilespmem:v2+s23+$0x0] =	vst.idx.add.f32.msk $0xffff, v1  }
0xbf: {  	[tilespmem:v2+s24+$0x0] =	vst.idx.add.f32.msk $0xffff, v3  }
0xc0: {  	v1 =	vld [tilespmem:s30+$0xFFFFFFF0];
	_ =	sdelay $0x7  }
0xc1: {  	s31 =	sadd.s32 $0xFFFFFFE0, s29;
	v1 =	vld.idx.msk [tilespmem:v1+s20+$0x0], $0xffff  }
0xc2: {  	v2 =	vor.u32 s31, v0;
	_ =	sdelay $0x3  }
0xc3: {  	v3 =	vmul.f32 v1, v1  }
0xc4: {  	[tilespmem:v2+s23+$0x0] =	vst.idx.add.f32.msk $0xffff, v1  }
0xc5: {  	[tilespmem:v2+s24+$0x0] =	vst.idx.add.f32.msk $0xffff, v3  }
0xc6: {  	v1 =	vld [tilespmem:s30+$0x0];
	_ =	sdelay $0x7  }
0xc7: {  	s31 =	sadd.s32 $0xFFFFFFF0, s29;
	v1 =	vld.idx.msk [tilespmem:v1+s20+$0x0], $0xffff  }
0xc8: {  	v2 =	vor.u32 s31, v0;
	_ =	sdelay $0x3  }
0xc9: {  	v3 =	vmul.f32 v1, v1  }
0xca: {  	[tilespmem:v2+s23+$0x0] =	vst.idx.add.f32.msk $0xffff, v1  }
0xcb: {  	[tilespmem:v2+s24+$0x0] =	vst.idx.add.f32.msk $0xffff, v3  }
0xcc: {  	v1 =	vld [tilespmem:s30+$0x10];
	_ =	sdelay $0x7  }
0xcd: {  	v1 =	vld.idx.msk [tilespmem:v1+s20+$0x0], $0xffff  }
0xce: {  	s28 =	sadd.s32 $0x4, s28;
	v2 =	vor.u32 s29, v0  }
0xcf: {  	p1 =	slt.u32 s28, $0x1FC  }
.Ltmp5:
0xd0: {  	_ = 	snop;
	(pc) =	sbr.rel @p1 .LBB2_8-.Ltmp5, $4  }
0xd1: {  	_ = 	snop  }
0xd2: {  	v3 =	vmul.f32 v1, v1  }
0xd3: {  	[tilespmem:v2+s23+$0x0] =	vst.idx.add.f32.msk $0xffff, v1  }
0xd4: {  	s29 =	sadd.s32 $0x40, s29;
	s30 =	sadd.s32 $0x40, s30;
	[tilespmem:v2+s24+$0x0] =	vst.idx.add.f32.msk $0xffff, v3  }
0xd5: {  	_ =	swait.ge [sflag:s19], $0x9C80  }
0xd6: {  	[sflag:s19] =	ssyncset.done $0x0  }
0xd7: {  	s28 =	rddreg [dreg:$0x8];
	[sflag:s19] =	ssyncadd.s32 $0xFFFF6380  }
0xd8: {  	[tilespmem:s20], [sflag:$0x1] =	stream.strided.gather [hbm4b:s28+s16], $0x9C80, s17, s16, $0x38;
	[tilespmem:$0x1F900] =	vst v63  }
0xd9: {  	_ =	swait.ge [sflag:s21], $0x2000  }
0xda: {  	[sflag:s21] =	ssyncset.done $0x0  }
0xdb: {  	s28 =	simm.s32 $0x0;
	s29 =	rddreg [dreg:$0x15];
	[sflag:s21] =	ssyncadd.s32 $0xFFFFE000  }
0xdc: {  	[tilespmem:s22], [sflag:$0x2] =	stream.linear.gather [hbm4b:s29+s28], $0x2000, $0x38;
	[tilespmem:$0x1F900] =	vst v63  }
0xdd: {  	s30 =	simm.s32 $0x20;
	s29 =	simm.s32 $0xFFFFFFFC  }
.LBB2_10:
0xde: {  	v1 =	vld [tilespmem:s30+$0xFFFFFFE0];
	_ =	sdelay $0x7  }
0xdf: {  	v1 =	vld.idx.msk [tilespmem:v1+s18+$0x0], $0xffff  }
0xe0: {  	v2 =	vor.u32 s28, v0;
	_ =	sdelay $0x3  }
0xe1: {  	v3 =	vmul.f32 v1, v1  }
0xe2: {  	[tilespmem:v2+s23+$0x0] =	vst.idx.add.f32.msk $0xffff, v1  }
0xe3: {  	[tilespmem:v2+s24+$0x0] =	vst.idx.add.f32.msk $0xffff, v3  }
0xe4: {  	v1 =	vld [tilespmem:s30+$0xFFFFFFF0];
	_ =	sdelay $0x7  }
0xe5: {  	s31 =	sadd.s32 $0x10, s28;
	v1 =	vld.idx.msk [tilespmem:v1+s18+$0x0], $0xffff  }
0xe6: {  	v2 =	vor.u32 s31, v0;
	_ =	sdelay $0x3  }
0xe7: {  	v3 =	vmul.f32 v1, v1  }
0xe8: {  	[tilespmem:v2+s23+$0x0] =	vst.idx.add.f32.msk $0xffff, v1  }
0xe9: {  	[tilespmem:v2+s24+$0x0] =	vst.idx.add.f32.msk $0xffff, v3  }
0xea: {  	v1 =	vld [tilespmem:s30+$0x0];
	_ =	sdelay $0x7  }
0xeb: {  	s31 =	sadd.s32 $0x20, s28;
	v1 =	vld.idx.msk [tilespmem:v1+s18+$0x0], $0xffff  }
0xec: {  	v2 =	vor.u32 s31, v0;
	_ =	sdelay $0x3  }
0xed: {  	v3 =	vmul.f32 v1, v1  }
0xee: {  	[tilespmem:v2+s23+$0x0] =	vst.idx.add.f32.msk $0xffff, v1  }
0xef: {  	[tilespmem:v2+s24+$0x0] =	vst.idx.add.f32.msk $0xffff, v3  }
0xf0: {  	v1 =	vld [tilespmem:s30+$0x10];
	_ =	sdelay $0x7  }
0xf1: {  	s31 =	sadd.s32 $0x30, s28;
	v1 =	vld.idx.msk [tilespmem:v1+s18+$0x0], $0xffff  }
0xf2: {  	s29 =	sadd.s32 $0x4, s29;
	v2 =	vor.u32 s31, v0  }
0xf3: {  	p1 =	slt.u32 s29, $0x1FC  }
.Ltmp6:
0xf4: {  	_ = 	snop;
	(pc) =	sbr.rel @p1 .LBB2_10-.Ltmp6, $4  }
0xf5: {  	_ = 	snop  }
0xf6: {  	v3 =	vmul.f32 v1, v1  }
0xf7: {  	[tilespmem:v2+s23+$0x0] =	vst.idx.add.f32.msk $0xffff, v1  }
0xf8: {  	s28 =	sadd.s32 $0x40, s28;
	s30 =	sadd.s32 $0x40, s30;
	[tilespmem:v2+s24+$0x0] =	vst.idx.add.f32.msk $0xffff, v3  }
0xf9: {  	_ =	swait.ge [sflag:s21], $0x2000  }
0xfa: {  	[sflag:s21] =	ssyncset.done $0x0  }
0xfb: {  	s28 =	rddreg [dreg:$0x16];
	[sflag:s21] =	ssyncadd.s32 $0xFFFFE000  }
0xfc: {  	[tilespmem:s1], [sflag:$0x2] =	stream.linear.gather [hbm4b:s28+s1], $0x2000, $0x38;
	[tilespmem:$0x1F900] =	vst v63  }
0xfd: {  	s29 =	simm.s32 $0x2030;
	s30 =	simm.s32 $0x2020;
	s28 =	simm.s32 $0xFFFFFFFC  }
.LBB2_12:
0xfe: {  	v1 =	vld [tilespmem:s30+$0xFFFFFFE0];
	_ =	sdelay $0x7  }
0xff: {  	s31 =	sadd.s32 $0xFFFFFFD0, s29;
	v1 =	vld.idx.msk [tilespmem:v1+s18+$0x0], $0xffff  }
0x100: {  	v2 =	vor.u32 s31, v0;
	_ =	sdelay $0x3  }
0x101: {  	v3 =	vmul.f32 v1, v1  }
0x102: {  	[tilespmem:v2+s23+$0x0] =	vst.idx.add.f32.msk $0xffff, v1  }
0x103: {  	[tilespmem:v2+s24+$0x0] =	vst.idx.add.f32.msk $0xffff, v3  }
0x104: {  	v1 =	vld [tilespmem:s30+$0xFFFFFFF0];
	_ =	sdelay $0x7  }
0x105: {  	s31 =	sadd.s32 $0xFFFFFFE0, s29;
	v1 =	vld.idx.msk [tilespmem:v1+s18+$0x0], $0xffff  }
0x106: {  	v2 =	vor.u32 s31, v0;
	_ =	sdelay $0x3  }
0x107: {  	v3 =	vmul.f32 v1, v1  }
0x108: {  	[tilespmem:v2+s23+$0x0] =	vst.idx.add.f32.msk $0xffff, v1  }
0x109: {  	[tilespmem:v2+s24+$0x0] =	vst.idx.add.f32.msk $0xffff, v3  }
0x10a: {  	v1 =	vld [tilespmem:s30+$0x0];
	_ =	sdelay $0x7  }
0x10b: {  	s31 =	sadd.s32 $0xFFFFFFF0, s29;
	v1 =	vld.idx.msk [tilespmem:v1+s18+$0x0], $0xffff  }
0x10c: {  	v2 =	vor.u32 s31, v0;
	_ =	sdelay $0x3  }
0x10d: {  	v3 =	vmul.f32 v1, v1  }
0x10e: {  	[tilespmem:v2+s23+$0x0] =	vst.idx.add.f32.msk $0xffff, v1  }
0x10f: {  	[tilespmem:v2+s24+$0x0] =	vst.idx.add.f32.msk $0xffff, v3  }
0x110: {  	v1 =	vld [tilespmem:s30+$0x10];
	_ =	sdelay $0x7  }
0x111: {  	v1 =	vld.idx.msk [tilespmem:v1+s18+$0x0], $0xffff  }
0x112: {  	s28 =	sadd.s32 $0x4, s28;
	v2 =	vor.u32 s29, v0  }
0x113: {  	p1 =	slt.u32 s28, $0x1FC  }
.Ltmp7:
0x114: {  	_ = 	snop;
	(pc) =	sbr.rel @p1 .LBB2_12-.Ltmp7, $4  }
0x115: {  	_ = 	snop  }
0x116: {  	v3 =	vmul.f32 v1, v1  }
0x117: {  	[tilespmem:v2+s23+$0x0] =	vst.idx.add.f32.msk $0xffff, v1  }
0x118: {  	s29 =	sadd.s32 $0x40, s29;
	s30 =	sadd.s32 $0x40, s30;
	[tilespmem:v2+s24+$0x0] =	vst.idx.add.f32.msk $0xffff, v3  }
0x119: {  	_ =	swait.ge [sflag:s19], $0x9C80  }
0x11a: {  	[sflag:s19] =	ssyncset.done $0x0  }
0x11b: {  	s28 =	rddreg [dreg:$0x9];
	[sflag:s19] =	ssyncadd.s32 $0xFFFF6380  }
0x11c: {  	[tilespmem:s18], [sflag:$0x1] =	stream.strided.gather [hbm4b:s28+s16], $0x9C80, s17, s16, $0x38;
	[tilespmem:$0x1F900] =	vst v63  }
0x11d: {  	_ =	swait.ge [sflag:s21], $0x2000  }
0x11e: {  	[sflag:s21] =	ssyncset.done $0x0  }
0x11f: {  	s28 =	simm.s32 $0x0;
	s29 =	rddreg [dreg:$0x17];
	[sflag:s21] =	ssyncadd.s32 $0xFFFFE000  }
0x120: {  	[tilespmem:s22], [sflag:$0x2] =	stream.linear.gather [hbm4b:s29+s28], $0x2000, $0x38;
	[tilespmem:$0x1F900] =	vst v63  }
0x121: {  	s30 =	simm.s32 $0x20;
	s29 =	simm.s32 $0xFFFFFFFC  }
.LBB2_14:
0x122: {  	v1 =	vld [tilespmem:s30+$0xFFFFFFE0];
	_ =	sdelay $0x7  }
0x123: {  	v1 =	vld.idx.msk [tilespmem:v1+s20+$0x0], $0xffff  }
0x124: {  	v2 =	vor.u32 s28, v0;
	_ =	sdelay $0x3  }
0x125: {  	v3 =	vmul.f32 v1, v1  }
0x126: {  	[tilespmem:v2+s23+$0x0] =	vst.idx.add.f32.msk $0xffff, v1  }
0x127: {  	[tilespmem:v2+s24+$0x0] =	vst.idx.add.f32.msk $0xffff, v3  }
0x128: {  	v1 =	vld [tilespmem:s30+$0xFFFFFFF0];
	_ =	sdelay $0x7  }
0x129: {  	s31 =	sadd.s32 $0x10, s28;
	v1 =	vld.idx.msk [tilespmem:v1+s20+$0x0], $0xffff  }
0x12a: {  	v2 =	vor.u32 s31, v0;
	_ =	sdelay $0x3  }
0x12b: {  	v3 =	vmul.f32 v1, v1  }
0x12c: {  	[tilespmem:v2+s23+$0x0] =	vst.idx.add.f32.msk $0xffff, v1  }
0x12d: {  	[tilespmem:v2+s24+$0x0] =	vst.idx.add.f32.msk $0xffff, v3  }
0x12e: {  	v1 =	vld [tilespmem:s30+$0x0];
	_ =	sdelay $0x7  }
0x12f: {  	s31 =	sadd.s32 $0x20, s28;
	v1 =	vld.idx.msk [tilespmem:v1+s20+$0x0], $0xffff  }
0x130: {  	v2 =	vor.u32 s31, v0;
	_ =	sdelay $0x3  }
0x131: {  	v3 =	vmul.f32 v1, v1  }
0x132: {  	[tilespmem:v2+s23+$0x0] =	vst.idx.add.f32.msk $0xffff, v1  }
0x133: {  	[tilespmem:v2+s24+$0x0] =	vst.idx.add.f32.msk $0xffff, v3  }
0x134: {  	v1 =	vld [tilespmem:s30+$0x10];
	_ =	sdelay $0x7  }
0x135: {  	s31 =	sadd.s32 $0x30, s28;
	v1 =	vld.idx.msk [tilespmem:v1+s20+$0x0], $0xffff  }
0x136: {  	s29 =	sadd.s32 $0x4, s29;
	v2 =	vor.u32 s31, v0  }
0x137: {  	p1 =	slt.u32 s29, $0x1FC  }
.Ltmp8:
0x138: {  	_ = 	snop;
	(pc) =	sbr.rel @p1 .LBB2_14-.Ltmp8, $4  }
0x139: {  	_ = 	snop  }
0x13a: {  	v3 =	vmul.f32 v1, v1  }
0x13b: {  	[tilespmem:v2+s23+$0x0] =	vst.idx.add.f32.msk $0xffff, v1  }
0x13c: {  	s28 =	sadd.s32 $0x40, s28;
	s30 =	sadd.s32 $0x40, s30;
	[tilespmem:v2+s24+$0x0] =	vst.idx.add.f32.msk $0xffff, v3  }
0x13d: {  	_ =	swait.ge [sflag:s21], $0x2000  }
0x13e: {  	[sflag:s21] =	ssyncset.done $0x0  }
0x13f: {  	s28 =	rddreg [dreg:$0x18];
	[sflag:s21] =	ssyncadd.s32 $0xFFFFE000  }
0x140: {  	[tilespmem:s1], [sflag:$0x2] =	stream.linear.gather [hbm4b:s28+s1], $0x2000, $0x38;
	[tilespmem:$0x1F900] =	vst v63  }
0x141: {  	s29 =	simm.s32 $0x2030;
	s30 =	simm.s32 $0x2020;
	s28 =	simm.s32 $0xFFFFFFFC  }
.LBB2_16:
0x142: {  	v1 =	vld [tilespmem:s30+$0xFFFFFFE0];
	_ =	sdelay $0x7  }
0x143: {  	s31 =	sadd.s32 $0xFFFFFFD0, s29;
	v1 =	vld.idx.msk [tilespmem:v1+s20+$0x0], $0xffff  }
0x144: {  	v2 =	vor.u32 s31, v0;
	_ =	sdelay $0x3  }
0x145: {  	v3 =	vmul.f32 v1, v1  }
0x146: {  	[tilespmem:v2+s23+$0x0] =	vst.idx.add.f32.msk $0xffff, v1  }
0x147: {  	[tilespmem:v2+s24+$0x0] =	vst.idx.add.f32.msk $0xffff, v3  }
0x148: {  	v1 =	vld [tilespmem:s30+$0xFFFFFFF0];
	_ =	sdelay $0x7  }
0x149: {  	s31 =	sadd.s32 $0xFFFFFFE0, s29;
	v1 =	vld.idx.msk [tilespmem:v1+s20+$0x0], $0xffff  }
0x14a: {  	v2 =	vor.u32 s31, v0;
	_ =	sdelay $0x3  }
0x14b: {  	v3 =	vmul.f32 v1, v1  }
0x14c: {  	[tilespmem:v2+s23+$0x0] =	vst.idx.add.f32.msk $0xffff, v1  }
0x14d: {  	[tilespmem:v2+s24+$0x0] =	vst.idx.add.f32.msk $0xffff, v3  }
0x14e: {  	v1 =	vld [tilespmem:s30+$0x0];
	_ =	sdelay $0x7  }
0x14f: {  	s31 =	sadd.s32 $0xFFFFFFF0, s29;
	v1 =	vld.idx.msk [tilespmem:v1+s20+$0x0], $0xffff  }
0x150: {  	v2 =	vor.u32 s31, v0;
	_ =	sdelay $0x3  }
0x151: {  	v3 =	vmul.f32 v1, v1  }
0x152: {  	[tilespmem:v2+s23+$0x0] =	vst.idx.add.f32.msk $0xffff, v1  }
0x153: {  	[tilespmem:v2+s24+$0x0] =	vst.idx.add.f32.msk $0xffff, v3  }
0x154: {  	v1 =	vld [tilespmem:s30+$0x10];
	_ =	sdelay $0x7  }
0x155: {  	v1 =	vld.idx.msk [tilespmem:v1+s20+$0x0], $0xffff  }
0x156: {  	s28 =	sadd.s32 $0x4, s28;
	v2 =	vor.u32 s29, v0  }
0x157: {  	p1 =	slt.u32 s28, $0x1FC  }
.Ltmp9:
0x158: {  	_ = 	snop;
	(pc) =	sbr.rel @p1 .LBB2_16-.Ltmp9, $4  }
0x159: {  	_ = 	snop  }
0x15a: {  	v3 =	vmul.f32 v1, v1  }
0x15b: {  	[tilespmem:v2+s23+$0x0] =	vst.idx.add.f32.msk $0xffff, v1  }
0x15c: {  	s29 =	sadd.s32 $0x40, s29;
	s30 =	sadd.s32 $0x40, s30;
	[tilespmem:v2+s24+$0x0] =	vst.idx.add.f32.msk $0xffff, v3  }
0x15d: {  	_ =	swait.ge [sflag:s19], $0x9C80  }
0x15e: {  	[sflag:s19] =	ssyncset.done $0x0  }
0x15f: {  	s28 =	rddreg [dreg:$0xa];
	[sflag:s19] =	ssyncadd.s32 $0xFFFF6380  }
0x160: {  	[tilespmem:s20], [sflag:$0x1] =	stream.strided.gather [hbm4b:s28+s16], $0x9C80, s17, s16, $0x38;
	[tilespmem:$0x1F900] =	vst v63  }
0x161: {  	_ =	swait.ge [sflag:s21], $0x2000  }
0x162: {  	[sflag:s21] =	ssyncset.done $0x0  }
0x163: {  	s28 =	simm.s32 $0x0;
	s29 =	rddreg [dreg:$0x19];
	[sflag:s21] =	ssyncadd.s32 $0xFFFFE000  }
0x164: {  	[tilespmem:s22], [sflag:$0x2] =	stream.linear.gather [hbm4b:s29+s28], $0x2000, $0x38;
	[tilespmem:$0x1F900] =	vst v63  }
0x165: {  	s30 =	simm.s32 $0x20;
	s29 =	simm.s32 $0xFFFFFFFC  }
.LBB2_18:
0x166: {  	v1 =	vld [tilespmem:s30+$0xFFFFFFE0];
	_ =	sdelay $0x7  }
0x167: {  	v1 =	vld.idx.msk [tilespmem:v1+s18+$0x0], $0xffff  }
0x168: {  	v2 =	vor.u32 s28, v0;
	_ =	sdelay $0x3  }
0x169: {  	v3 =	vmul.f32 v1, v1  }
0x16a: {  	[tilespmem:v2+s23+$0x0] =	vst.idx.add.f32.msk $0xffff, v1  }
0x16b: {  	[tilespmem:v2+s24+$0x0] =	vst.idx.add.f32.msk $0xffff, v3  }
0x16c: {  	v1 =	vld [tilespmem:s30+$0xFFFFFFF0];
	_ =	sdelay $0x7  }
0x16d: {  	s31 =	sadd.s32 $0x10, s28;
	v1 =	vld.idx.msk [tilespmem:v1+s18+$0x0], $0xffff  }
0x16e: {  	v2 =	vor.u32 s31, v0;
	_ =	sdelay $0x3  }
0x16f: {  	v3 =	vmul.f32 v1, v1  }
0x170: {  	[tilespmem:v2+s23+$0x0] =	vst.idx.add.f32.msk $0xffff, v1  }
0x171: {  	[tilespmem:v2+s24+$0x0] =	vst.idx.add.f32.msk $0xffff, v3  }
0x172: {  	v1 =	vld [tilespmem:s30+$0x0];
	_ =	sdelay $0x7  }
0x173: {  	s31 =	sadd.s32 $0x20, s28;
	v1 =	vld.idx.msk [tilespmem:v1+s18+$0x0], $0xffff  }
0x174: {  	v2 =	vor.u32 s31, v0;
	_ =	sdelay $0x3  }
0x175: {  	v3 =	vmul.f32 v1, v1  }
0x176: {  	[tilespmem:v2+s23+$0x0] =	vst.idx.add.f32.msk $0xffff, v1  }
0x177: {  	[tilespmem:v2+s24+$0x0] =	vst.idx.add.f32.msk $0xffff, v3  }
0x178: {  	v1 =	vld [tilespmem:s30+$0x10];
	_ =	sdelay $0x7  }
0x179: {  	s31 =	sadd.s32 $0x30, s28;
	v1 =	vld.idx.msk [tilespmem:v1+s18+$0x0], $0xffff  }
0x17a: {  	s29 =	sadd.s32 $0x4, s29;
	v2 =	vor.u32 s31, v0  }
0x17b: {  	p1 =	slt.u32 s29, $0x1FC  }
.Ltmp10:
0x17c: {  	_ = 	snop;
	(pc) =	sbr.rel @p1 .LBB2_18-.Ltmp10, $4  }
0x17d: {  	_ = 	snop  }
0x17e: {  	v3 =	vmul.f32 v1, v1  }
0x17f: {  	[tilespmem:v2+s23+$0x0] =	vst.idx.add.f32.msk $0xffff, v1  }
0x180: {  	s28 =	sadd.s32 $0x40, s28;
	s30 =	sadd.s32 $0x40, s30;
	[tilespmem:v2+s24+$0x0] =	vst.idx.add.f32.msk $0xffff, v3  }
0x181: {  	_ =	swait.ge [sflag:s21], $0x2000  }
0x182: {  	[sflag:s21] =	ssyncset.done $0x0  }
0x183: {  	s28 =	rddreg [dreg:$0x1a];
	[sflag:s21] =	ssyncadd.s32 $0xFFFFE000  }
0x184: {  	[tilespmem:s1], [sflag:$0x2] =	stream.linear.gather [hbm4b:s28+s1], $0x2000, $0x38;
	[tilespmem:$0x1F900] =	vst v63  }
0x185: {  	s29 =	simm.s32 $0x2030;
	s30 =	simm.s32 $0x2020;
	s28 =	simm.s32 $0xFFFFFFFC  }
.LBB2_20:
0x186: {  	v1 =	vld [tilespmem:s30+$0xFFFFFFE0];
	_ =	sdelay $0x7  }
0x187: {  	s31 =	sadd.s32 $0xFFFFFFD0, s29;
	v1 =	vld.idx.msk [tilespmem:v1+s18+$0x0], $0xffff  }
0x188: {  	v2 =	vor.u32 s31, v0;
	_ =	sdelay $0x3  }
0x189: {  	v3 =	vmul.f32 v1, v1  }
0x18a: {  	[tilespmem:v2+s23+$0x0] =	vst.idx.add.f32.msk $0xffff, v1  }
0x18b: {  	[tilespmem:v2+s24+$0x0] =	vst.idx.add.f32.msk $0xffff, v3  }
0x18c: {  	v1 =	vld [tilespmem:s30+$0xFFFFFFF0];
	_ =	sdelay $0x7  }
0x18d: {  	s31 =	sadd.s32 $0xFFFFFFE0, s29;
	v1 =	vld.idx.msk [tilespmem:v1+s18+$0x0], $0xffff  }
0x18e: {  	v2 =	vor.u32 s31, v0;
	_ =	sdelay $0x3  }
0x18f: {  	v3 =	vmul.f32 v1, v1  }
0x190: {  	[tilespmem:v2+s23+$0x0] =	vst.idx.add.f32.msk $0xffff, v1  }
0x191: {  	[tilespmem:v2+s24+$0x0] =	vst.idx.add.f32.msk $0xffff, v3  }
0x192: {  	v1 =	vld [tilespmem:s30+$0x0];
	_ =	sdelay $0x7  }
0x193: {  	s31 =	sadd.s32 $0xFFFFFFF0, s29;
	v1 =	vld.idx.msk [tilespmem:v1+s18+$0x0], $0xffff  }
0x194: {  	v2 =	vor.u32 s31, v0;
	_ =	sdelay $0x3  }
0x195: {  	v3 =	vmul.f32 v1, v1  }
0x196: {  	[tilespmem:v2+s23+$0x0] =	vst.idx.add.f32.msk $0xffff, v1  }
0x197: {  	[tilespmem:v2+s24+$0x0] =	vst.idx.add.f32.msk $0xffff, v3  }
0x198: {  	v1 =	vld [tilespmem:s30+$0x10];
	_ =	sdelay $0x7  }
0x199: {  	v1 =	vld.idx.msk [tilespmem:v1+s18+$0x0], $0xffff  }
0x19a: {  	s28 =	sadd.s32 $0x4, s28;
	v2 =	vor.u32 s29, v0  }
0x19b: {  	p1 =	slt.u32 s28, $0x1FC  }
.Ltmp11:
0x19c: {  	_ = 	snop;
	(pc) =	sbr.rel @p1 .LBB2_20-.Ltmp11, $4  }
0x19d: {  	_ = 	snop  }
0x19e: {  	v3 =	vmul.f32 v1, v1  }
0x19f: {  	[tilespmem:v2+s23+$0x0] =	vst.idx.add.f32.msk $0xffff, v1  }
0x1a0: {  	s29 =	sadd.s32 $0x40, s29;
	s30 =	sadd.s32 $0x40, s30;
	[tilespmem:v2+s24+$0x0] =	vst.idx.add.f32.msk $0xffff, v3  }
0x1a1: {  	_ =	swait.ge [sflag:s19], $0x9C80  }
0x1a2: {  	[sflag:s19] =	ssyncset.done $0x0  }
0x1a3: {  	s28 =	rddreg [dreg:$0xb];
	[sflag:s19] =	ssyncadd.s32 $0xFFFF6380  }
0x1a4: {  	[tilespmem:s18], [sflag:$0x1] =	stream.strided.gather [hbm4b:s28+s16], $0x9C80, s17, s16, $0x38;
	[tilespmem:$0x1F900] =	vst v63  }
0x1a5: {  	_ =	swait.ge [sflag:s21], $0x2000  }
0x1a6: {  	[sflag:s21] =	ssyncset.done $0x0  }
0x1a7: {  	s28 =	simm.s32 $0x0;
	s29 =	rddreg [dreg:$0x1b];
	[sflag:s21] =	ssyncadd.s32 $0xFFFFE000  }
0x1a8: {  	[tilespmem:s22], [sflag:$0x2] =	stream.linear.gather [hbm4b:s29+s28], $0x2000, $0x38;
	[tilespmem:$0x1F900] =	vst v63  }
0x1a9: {  	s30 =	simm.s32 $0x20;
	s29 =	simm.s32 $0xFFFFFFFC  }
.LBB2_22:
0x1aa: {  	v1 =	vld [tilespmem:s30+$0xFFFFFFE0];
	_ =	sdelay $0x7  }
0x1ab: {  	v1 =	vld.idx.msk [tilespmem:v1+s20+$0x0], $0xffff  }
0x1ac: {  	v2 =	vor.u32 s28, v0;
	_ =	sdelay $0x3  }
0x1ad: {  	v3 =	vmul.f32 v1, v1  }
0x1ae: {  	[tilespmem:v2+s23+$0x0] =	vst.idx.add.f32.msk $0xffff, v1  }
0x1af: {  	[tilespmem:v2+s24+$0x0] =	vst.idx.add.f32.msk $0xffff, v3  }
0x1b0: {  	v1 =	vld [tilespmem:s30+$0xFFFFFFF0];
	_ =	sdelay $0x7  }
0x1b1: {  	s31 =	sadd.s32 $0x10, s28;
	v1 =	vld.idx.msk [tilespmem:v1+s20+$0x0], $0xffff  }
0x1b2: {  	v2 =	vor.u32 s31, v0;
	_ =	sdelay $0x3  }
0x1b3: {  	v3 =	vmul.f32 v1, v1  }
0x1b4: {  	[tilespmem:v2+s23+$0x0] =	vst.idx.add.f32.msk $0xffff, v1  }
0x1b5: {  	[tilespmem:v2+s24+$0x0] =	vst.idx.add.f32.msk $0xffff, v3  }
0x1b6: {  	v1 =	vld [tilespmem:s30+$0x0];
	_ =	sdelay $0x7  }
0x1b7: {  	s31 =	sadd.s32 $0x20, s28;
	v1 =	vld.idx.msk [tilespmem:v1+s20+$0x0], $0xffff  }
0x1b8: {  	v2 =	vor.u32 s31, v0;
	_ =	sdelay $0x3  }
0x1b9: {  	v3 =	vmul.f32 v1, v1  }
0x1ba: {  	[tilespmem:v2+s23+$0x0] =	vst.idx.add.f32.msk $0xffff, v1  }
0x1bb: {  	[tilespmem:v2+s24+$0x0] =	vst.idx.add.f32.msk $0xffff, v3  }
0x1bc: {  	v1 =	vld [tilespmem:s30+$0x10];
	_ =	sdelay $0x7  }
0x1bd: {  	s31 =	sadd.s32 $0x30, s28;
	v1 =	vld.idx.msk [tilespmem:v1+s20+$0x0], $0xffff  }
0x1be: {  	s29 =	sadd.s32 $0x4, s29;
	v2 =	vor.u32 s31, v0  }
0x1bf: {  	p1 =	slt.u32 s29, $0x1FC  }
.Ltmp12:
0x1c0: {  	_ = 	snop;
	(pc) =	sbr.rel @p1 .LBB2_22-.Ltmp12, $4  }
0x1c1: {  	_ = 	snop  }
0x1c2: {  	v3 =	vmul.f32 v1, v1  }
0x1c3: {  	[tilespmem:v2+s23+$0x0] =	vst.idx.add.f32.msk $0xffff, v1  }
0x1c4: {  	s28 =	sadd.s32 $0x40, s28;
	s30 =	sadd.s32 $0x40, s30;
	[tilespmem:v2+s24+$0x0] =	vst.idx.add.f32.msk $0xffff, v3  }
0x1c5: {  	_ =	swait.ge [sflag:s21], $0x2000  }
0x1c6: {  	[sflag:s21] =	ssyncset.done $0x0  }
0x1c7: {  	s28 =	rddreg [dreg:$0x1c];
	[sflag:s21] =	ssyncadd.s32 $0xFFFFE000  }
0x1c8: {  	[tilespmem:s1], [sflag:$0x2] =	stream.linear.gather [hbm4b:s28+s1], $0x2000, $0x38;
	[tilespmem:$0x1F900] =	vst v63  }
0x1c9: {  	s29 =	simm.s32 $0x2030;
	s30 =	simm.s32 $0x2020;
	s28 =	simm.s32 $0xFFFFFFFC  }
.LBB2_24:
0x1ca: {  	v1 =	vld [tilespmem:s30+$0xFFFFFFE0];
	_ =	sdelay $0x7  }
0x1cb: {  	s31 =	sadd.s32 $0xFFFFFFD0, s29;
	v1 =	vld.idx.msk [tilespmem:v1+s20+$0x0], $0xffff  }
0x1cc: {  	v2 =	vor.u32 s31, v0;
	_ =	sdelay $0x3  }
0x1cd: {  	v3 =	vmul.f32 v1, v1  }
0x1ce: {  	[tilespmem:v2+s23+$0x0] =	vst.idx.add.f32.msk $0xffff, v1  }
0x1cf: {  	[tilespmem:v2+s24+$0x0] =	vst.idx.add.f32.msk $0xffff, v3  }
0x1d0: {  	v1 =	vld [tilespmem:s30+$0xFFFFFFF0];
	_ =	sdelay $0x7  }
0x1d1: {  	s31 =	sadd.s32 $0xFFFFFFE0, s29;
	v1 =	vld.idx.msk [tilespmem:v1+s20+$0x0], $0xffff  }
0x1d2: {  	v2 =	vor.u32 s31, v0;
	_ =	sdelay $0x3  }
0x1d3: {  	v3 =	vmul.f32 v1, v1  }
0x1d4: {  	[tilespmem:v2+s23+$0x0] =	vst.idx.add.f32.msk $0xffff, v1  }
0x1d5: {  	[tilespmem:v2+s24+$0x0] =	vst.idx.add.f32.msk $0xffff, v3  }
0x1d6: {  	v1 =	vld [tilespmem:s30+$0x0];
	_ =	sdelay $0x7  }
0x1d7: {  	s31 =	sadd.s32 $0xFFFFFFF0, s29;
	v1 =	vld.idx.msk [tilespmem:v1+s20+$0x0], $0xffff  }
0x1d8: {  	v2 =	vor.u32 s31, v0;
	_ =	sdelay $0x3  }
0x1d9: {  	v3 =	vmul.f32 v1, v1  }
0x1da: {  	[tilespmem:v2+s23+$0x0] =	vst.idx.add.f32.msk $0xffff, v1  }
0x1db: {  	[tilespmem:v2+s24+$0x0] =	vst.idx.add.f32.msk $0xffff, v3  }
0x1dc: {  	v1 =	vld [tilespmem:s30+$0x10];
	_ =	sdelay $0x7  }
0x1dd: {  	v1 =	vld.idx.msk [tilespmem:v1+s20+$0x0], $0xffff  }
0x1de: {  	s28 =	sadd.s32 $0x4, s28;
	v2 =	vor.u32 s29, v0  }
0x1df: {  	p1 =	slt.u32 s28, $0x1FC  }
.Ltmp13:
0x1e0: {  	_ = 	snop;
	(pc) =	sbr.rel @p1 .LBB2_24-.Ltmp13, $4  }
0x1e1: {  	_ = 	snop  }
0x1e2: {  	v3 =	vmul.f32 v1, v1  }
0x1e3: {  	[tilespmem:v2+s23+$0x0] =	vst.idx.add.f32.msk $0xffff, v1  }
0x1e4: {  	s29 =	sadd.s32 $0x40, s29;
	s30 =	sadd.s32 $0x40, s30;
	[tilespmem:v2+s24+$0x0] =	vst.idx.add.f32.msk $0xffff, v3  }
0x1e5: {  	_ =	swait.ge [sflag:s19], $0x9C80  }
0x1e6: {  	[sflag:s19] =	ssyncset.done $0x0  }
0x1e7: {  	s28 =	rddreg [dreg:$0xc];
	[sflag:s19] =	ssyncadd.s32 $0xFFFF6380  }
0x1e8: {  	[tilespmem:s20], [sflag:$0x1] =	stream.strided.gather [hbm4b:s28+s16], $0x9C80, s17, s16, $0x38;
	[tilespmem:$0x1F900] =	vst v63  }
0x1e9: {  	_ =	swait.ge [sflag:s21], $0x2000  }
0x1ea: {  	[sflag:s21] =	ssyncset.done $0x0  }
0x1eb: {  	s28 =	simm.s32 $0x0;
	s29 =	rddreg [dreg:$0x1d];
	[sflag:s21] =	ssyncadd.s32 $0xFFFFE000  }
0x1ec: {  	[tilespmem:s22], [sflag:$0x2] =	stream.linear.gather [hbm4b:s29+s28], $0x2000, $0x38;
	[tilespmem:$0x1F900] =	vst v63  }
0x1ed: {  	s30 =	simm.s32 $0x20;
	s29 =	simm.s32 $0xFFFFFFFC  }
.LBB2_26:
0x1ee: {  	v1 =	vld [tilespmem:s30+$0xFFFFFFE0];
	_ =	sdelay $0x7  }
0x1ef: {  	v1 =	vld.idx.msk [tilespmem:v1+s18+$0x0], $0xffff  }
0x1f0: {  	v2 =	vor.u32 s28, v0;
	_ =	sdelay $0x3  }
0x1f1: {  	v3 =	vmul.f32 v1, v1  }
0x1f2: {  	[tilespmem:v2+s23+$0x0] =	vst.idx.add.f32.msk $0xffff, v1  }
0x1f3: {  	[tilespmem:v2+s24+$0x0] =	vst.idx.add.f32.msk $0xffff, v3  }
0x1f4: {  	v1 =	vld [tilespmem:s30+$0xFFFFFFF0];
	_ =	sdelay $0x7  }
0x1f5: {  	s31 =	sadd.s32 $0x10, s28;
	v1 =	vld.idx.msk [tilespmem:v1+s18+$0x0], $0xffff  }
0x1f6: {  	v2 =	vor.u32 s31, v0;
	_ =	sdelay $0x3  }
0x1f7: {  	v3 =	vmul.f32 v1, v1  }
0x1f8: {  	[tilespmem:v2+s23+$0x0] =	vst.idx.add.f32.msk $0xffff, v1  }
0x1f9: {  	[tilespmem:v2+s24+$0x0] =	vst.idx.add.f32.msk $0xffff, v3  }
0x1fa: {  	v1 =	vld [tilespmem:s30+$0x0];
	_ =	sdelay $0x7  }
0x1fb: {  	s31 =	sadd.s32 $0x20, s28;
	v1 =	vld.idx.msk [tilespmem:v1+s18+$0x0], $0xffff  }
0x1fc: {  	v2 =	vor.u32 s31, v0;
	_ =	sdelay $0x3  }
0x1fd: {  	v3 =	vmul.f32 v1, v1  }
0x1fe: {  	[tilespmem:v2+s23+$0x0] =	vst.idx.add.f32.msk $0xffff, v1  }
0x1ff: {  	[tilespmem:v2+s24+$0x0] =	vst.idx.add.f32.msk $0xffff, v3  }
0x200: {  	v1 =	vld [tilespmem:s30+$0x10];
	_ =	sdelay $0x7  }
0x201: {  	s31 =	sadd.s32 $0x30, s28;
	v1 =	vld.idx.msk [tilespmem:v1+s18+$0x0], $0xffff  }
0x202: {  	s29 =	sadd.s32 $0x4, s29;
	v2 =	vor.u32 s31, v0  }
0x203: {  	p1 =	slt.u32 s29, $0x1FC  }
.Ltmp14:
0x204: {  	_ = 	snop;
	(pc) =	sbr.rel @p1 .LBB2_26-.Ltmp14, $4  }
0x205: {  	_ = 	snop  }
0x206: {  	v3 =	vmul.f32 v1, v1  }
0x207: {  	[tilespmem:v2+s23+$0x0] =	vst.idx.add.f32.msk $0xffff, v1  }
0x208: {  	s28 =	sadd.s32 $0x40, s28;
	s30 =	sadd.s32 $0x40, s30;
	[tilespmem:v2+s24+$0x0] =	vst.idx.add.f32.msk $0xffff, v3  }
0x209: {  	_ =	swait.ge [sflag:s21], $0x2000  }
0x20a: {  	[sflag:s21] =	ssyncset.done $0x0  }
0x20b: {  	s28 =	rddreg [dreg:$0x1e];
	[sflag:s21] =	ssyncadd.s32 $0xFFFFE000  }
0x20c: {  	[tilespmem:s1], [sflag:$0x2] =	stream.linear.gather [hbm4b:s28+s1], $0x2000, $0x38;
	[tilespmem:$0x1F900] =	vst v63  }
0x20d: {  	s29 =	simm.s32 $0x2030;
	s30 =	simm.s32 $0x2020;
	s28 =	simm.s32 $0xFFFFFFFC  }
.LBB2_28:
0x20e: {  	v1 =	vld [tilespmem:s30+$0xFFFFFFE0];
	_ =	sdelay $0x7  }
0x20f: {  	s31 =	sadd.s32 $0xFFFFFFD0, s29;
	v1 =	vld.idx.msk [tilespmem:v1+s18+$0x0], $0xffff  }
0x210: {  	v2 =	vor.u32 s31, v0;
	_ =	sdelay $0x3  }
0x211: {  	v3 =	vmul.f32 v1, v1  }
0x212: {  	[tilespmem:v2+s23+$0x0] =	vst.idx.add.f32.msk $0xffff, v1  }
0x213: {  	[tilespmem:v2+s24+$0x0] =	vst.idx.add.f32.msk $0xffff, v3  }
0x214: {  	v1 =	vld [tilespmem:s30+$0xFFFFFFF0];
	_ =	sdelay $0x7  }
0x215: {  	s31 =	sadd.s32 $0xFFFFFFE0, s29;
	v1 =	vld.idx.msk [tilespmem:v1+s18+$0x0], $0xffff  }
0x216: {  	v2 =	vor.u32 s31, v0;
	_ =	sdelay $0x3  }
0x217: {  	v3 =	vmul.f32 v1, v1  }
0x218: {  	[tilespmem:v2+s23+$0x0] =	vst.idx.add.f32.msk $0xffff, v1  }
0x219: {  	[tilespmem:v2+s24+$0x0] =	vst.idx.add.f32.msk $0xffff, v3  }
0x21a: {  	v1 =	vld [tilespmem:s30+$0x0];
	_ =	sdelay $0x7  }
0x21b: {  	s31 =	sadd.s32 $0xFFFFFFF0, s29;
	v1 =	vld.idx.msk [tilespmem:v1+s18+$0x0], $0xffff  }
0x21c: {  	v2 =	vor.u32 s31, v0;
	_ =	sdelay $0x3  }
0x21d: {  	v3 =	vmul.f32 v1, v1  }
0x21e: {  	[tilespmem:v2+s23+$0x0] =	vst.idx.add.f32.msk $0xffff, v1  }
0x21f: {  	[tilespmem:v2+s24+$0x0] =	vst.idx.add.f32.msk $0xffff, v3  }
0x220: {  	v1 =	vld [tilespmem:s30+$0x10];
	_ =	sdelay $0x7  }
0x221: {  	v1 =	vld.idx.msk [tilespmem:v1+s18+$0x0], $0xffff  }
0x222: {  	s28 =	sadd.s32 $0x4, s28;
	v2 =	vor.u32 s29, v0  }
0x223: {  	p1 =	slt.u32 s28, $0x1FC  }
.Ltmp15:
0x224: {  	_ = 	snop;
	(pc) =	sbr.rel @p1 .LBB2_28-.Ltmp15, $4  }
0x225: {  	_ = 	snop  }
0x226: {  	v3 =	vmul.f32 v1, v1  }
0x227: {  	[tilespmem:v2+s23+$0x0] =	vst.idx.add.f32.msk $0xffff, v1  }
0x228: {  	s29 =	sadd.s32 $0x40, s29;
	s30 =	sadd.s32 $0x40, s30;
	[tilespmem:v2+s24+$0x0] =	vst.idx.add.f32.msk $0xffff, v3  }
0x229: {  	_ =	swait.ge [sflag:s19], $0x9C80  }
0x22a: {  	[sflag:s19] =	ssyncset.done $0x0  }
0x22b: {  	s28 =	rddreg [dreg:$0xd];
	[sflag:s19] =	ssyncadd.s32 $0xFFFF6380  }
0x22c: {  	[tilespmem:s18], [sflag:$0x1] =	stream.strided.gather [hbm4b:s28+s16], $0x9C80, s17, s16, $0x38;
	[tilespmem:$0x1F900] =	vst v63  }
0x22d: {  	_ =	swait.ge [sflag:s21], $0x2000  }
0x22e: {  	[sflag:s21] =	ssyncset.done $0x0  }
0x22f: {  	s28 =	simm.s32 $0x0;
	s29 =	rddreg [dreg:$0x1f];
	[sflag:s21] =	ssyncadd.s32 $0xFFFFE000  }
0x230: {  	[tilespmem:s22], [sflag:$0x2] =	stream.linear.gather [hbm4b:s29+s28], $0x2000, $0x38;
	[tilespmem:$0x1F900] =	vst v63  }
0x231: {  	s30 =	simm.s32 $0x20;
	s29 =	simm.s32 $0xFFFFFFFC  }
.LBB2_30:
0x232: {  	v1 =	vld [tilespmem:s30+$0xFFFFFFE0];
	_ =	sdelay $0x7  }
0x233: {  	v1 =	vld.idx.msk [tilespmem:v1+s20+$0x0], $0xffff  }
0x234: {  	v2 =	vor.u32 s28, v0;
	_ =	sdelay $0x3  }
0x235: {  	v3 =	vmul.f32 v1, v1  }
0x236: {  	[tilespmem:v2+s23+$0x0] =	vst.idx.add.f32.msk $0xffff, v1  }
0x237: {  	[tilespmem:v2+s24+$0x0] =	vst.idx.add.f32.msk $0xffff, v3  }
0x238: {  	v1 =	vld [tilespmem:s30+$0xFFFFFFF0];
	_ =	sdelay $0x7  }
0x239: {  	s31 =	sadd.s32 $0x10, s28;
	v1 =	vld.idx.msk [tilespmem:v1+s20+$0x0], $0xffff  }
0x23a: {  	v2 =	vor.u32 s31, v0;
	_ =	sdelay $0x3  }
0x23b: {  	v3 =	vmul.f32 v1, v1  }
0x23c: {  	[tilespmem:v2+s23+$0x0] =	vst.idx.add.f32.msk $0xffff, v1  }
0x23d: {  	[tilespmem:v2+s24+$0x0] =	vst.idx.add.f32.msk $0xffff, v3  }
0x23e: {  	v1 =	vld [tilespmem:s30+$0x0];
	_ =	sdelay $0x7  }
0x23f: {  	s31 =	sadd.s32 $0x20, s28;
	v1 =	vld.idx.msk [tilespmem:v1+s20+$0x0], $0xffff  }
0x240: {  	v2 =	vor.u32 s31, v0;
	_ =	sdelay $0x3  }
0x241: {  	v3 =	vmul.f32 v1, v1  }
0x242: {  	[tilespmem:v2+s23+$0x0] =	vst.idx.add.f32.msk $0xffff, v1  }
0x243: {  	[tilespmem:v2+s24+$0x0] =	vst.idx.add.f32.msk $0xffff, v3  }
0x244: {  	v1 =	vld [tilespmem:s30+$0x10];
	_ =	sdelay $0x7  }
0x245: {  	s31 =	sadd.s32 $0x30, s28;
	v1 =	vld.idx.msk [tilespmem:v1+s20+$0x0], $0xffff  }
0x246: {  	s29 =	sadd.s32 $0x4, s29;
	v2 =	vor.u32 s31, v0  }
0x247: {  	p1 =	slt.u32 s29, $0x1FC  }
.Ltmp16:
0x248: {  	_ = 	snop;
	(pc) =	sbr.rel @p1 .LBB2_30-.Ltmp16, $4  }
0x249: {  	_ = 	snop  }
0x24a: {  	v3 =	vmul.f32 v1, v1  }
0x24b: {  	[tilespmem:v2+s23+$0x0] =	vst.idx.add.f32.msk $0xffff, v1  }
0x24c: {  	s28 =	sadd.s32 $0x40, s28;
	s30 =	sadd.s32 $0x40, s30;
	[tilespmem:v2+s24+$0x0] =	vst.idx.add.f32.msk $0xffff, v3  }
0x24d: {  	_ =	swait.ge [sflag:s21], $0x2000  }
0x24e: {  	s28 =	simm.s32 $0xFFFFFFFC;
	[sflag:s21] =	ssyncset.done $0x0  }
0x24f: {  	s29 =	simm.s32 $0x2030;
	s30 =	simm.s32 $0x2020;
	[sflag:s21] =	ssyncadd.s32 $0xFFFFE000  }
0x250: {  	[tilespmem:s1], [sflag:$0x2] =	stream.linear.gather [hbm4b:s0+s1], $0x2000, $0x38;
	[tilespmem:$0x1F900] =	vst v63  }
.LBB2_32:
0x251: {  	v1 =	vld [tilespmem:s30+$0xFFFFFFE0];
	_ =	sdelay $0x7  }
0x252: {  	s31 =	sadd.s32 $0xFFFFFFD0, s29;
	v1 =	vld.idx.msk [tilespmem:v1+s20+$0x0], $0xffff  }
0x253: {  	v2 =	vor.u32 s31, v0;
	_ =	sdelay $0x3  }
0x254: {  	v3 =	vmul.f32 v1, v1  }
0x255: {  	[tilespmem:v2+s23+$0x0] =	vst.idx.add.f32.msk $0xffff, v1  }
0x256: {  	[tilespmem:v2+s24+$0x0] =	vst.idx.add.f32.msk $0xffff, v3  }
0x257: {  	v1 =	vld [tilespmem:s30+$0xFFFFFFF0];
	_ =	sdelay $0x7  }
0x258: {  	s31 =	sadd.s32 $0xFFFFFFE0, s29;
	v1 =	vld.idx.msk [tilespmem:v1+s20+$0x0], $0xffff  }
0x259: {  	v2 =	vor.u32 s31, v0;
	_ =	sdelay $0x3  }
0x25a: {  	v3 =	vmul.f32 v1, v1  }
0x25b: {  	[tilespmem:v2+s23+$0x0] =	vst.idx.add.f32.msk $0xffff, v1  }
0x25c: {  	[tilespmem:v2+s24+$0x0] =	vst.idx.add.f32.msk $0xffff, v3  }
0x25d: {  	v1 =	vld [tilespmem:s30+$0x0];
	_ =	sdelay $0x7  }
0x25e: {  	s31 =	sadd.s32 $0xFFFFFFF0, s29;
	v1 =	vld.idx.msk [tilespmem:v1+s20+$0x0], $0xffff  }
0x25f: {  	v2 =	vor.u32 s31, v0;
	_ =	sdelay $0x3  }
0x260: {  	v3 =	vmul.f32 v1, v1  }
0x261: {  	[tilespmem:v2+s23+$0x0] =	vst.idx.add.f32.msk $0xffff, v1  }
0x262: {  	[tilespmem:v2+s24+$0x0] =	vst.idx.add.f32.msk $0xffff, v3  }
0x263: {  	v1 =	vld [tilespmem:s30+$0x10];
	_ =	sdelay $0x7  }
0x264: {  	v1 =	vld.idx.msk [tilespmem:v1+s20+$0x0], $0xffff  }
0x265: {  	s28 =	sadd.s32 $0x4, s28;
	v2 =	vor.u32 s29, v0  }
0x266: {  	p1 =	slt.u32 s28, $0x1FC  }
.Ltmp17:
0x267: {  	_ = 	snop;
	(pc) =	sbr.rel @p1 .LBB2_32-.Ltmp17, $4  }
0x268: {  	_ = 	snop  }
0x269: {  	v3 =	vmul.f32 v1, v1  }
0x26a: {  	[tilespmem:v2+s23+$0x0] =	vst.idx.add.f32.msk $0xffff, v1  }
0x26b: {  	s29 =	sadd.s32 $0x40, s29;
	s30 =	sadd.s32 $0x40, s30;
	[tilespmem:v2+s24+$0x0] =	vst.idx.add.f32.msk $0xffff, v3  }
0x26c: {  	_ =	swait.ge [sflag:s19], $0x9C80  }
0x26d: {  	[sflag:s19] =	ssyncset.done $0x0  }
0x26e: {  	s28 =	rddreg [dreg:$0xe];
	[sflag:s19] =	ssyncadd.s32 $0xFFFF6380  }
0x26f: {  	[tilespmem:s20], [sflag:$0x1] =	stream.strided.gather [hbm4b:s28+s16], $0x9C80, s17, s16, $0x38;
	[tilespmem:$0x1F900] =	vst v63  }
0x270: {  	_ =	swait.ge [sflag:s21], $0x2000  }
0x271: {  	s29 =	simm.s32 $0xFFFFFFFC;
	[sflag:s21] =	ssyncset.done $0x0  }
0x272: {  	s30 =	simm.s32 $0x20;
	s28 =	simm.s32 $0x0;
	[sflag:s21] =	ssyncadd.s32 $0xFFFFE000  }
0x273: {  	[tilespmem:s22], [sflag:$0x2] =	stream.linear.gather [hbm4b:s2+s28], $0x2000, $0x38;
	[tilespmem:$0x1F900] =	vst v63  }
.LBB2_34:
0x274: {  	v1 =	vld [tilespmem:s30+$0xFFFFFFE0];
	_ =	sdelay $0x7  }
0x275: {  	v1 =	vld.idx.msk [tilespmem:v1+s18+$0x0], $0xffff  }
0x276: {  	v2 =	vor.u32 s28, v0;
	_ =	sdelay $0x3  }
0x277: {  	v3 =	vmul.f32 v1, v1  }
0x278: {  	[tilespmem:v2+s23+$0x0] =	vst.idx.add.f32.msk $0xffff, v1  }
0x279: {  	[tilespmem:v2+s24+$0x0] =	vst.idx.add.f32.msk $0xffff, v3  }
0x27a: {  	v1 =	vld [tilespmem:s30+$0xFFFFFFF0];
	_ =	sdelay $0x7  }
0x27b: {  	s31 =	sadd.s32 $0x10, s28;
	v1 =	vld.idx.msk [tilespmem:v1+s18+$0x0], $0xffff  }
0x27c: {  	v2 =	vor.u32 s31, v0;
	_ =	sdelay $0x3  }
0x27d: {  	v3 =	vmul.f32 v1, v1  }
0x27e: {  	[tilespmem:v2+s23+$0x0] =	vst.idx.add.f32.msk $0xffff, v1  }
0x27f: {  	[tilespmem:v2+s24+$0x0] =	vst.idx.add.f32.msk $0xffff, v3  }
0x280: {  	v1 =	vld [tilespmem:s30+$0x0];
	_ =	sdelay $0x7  }
0x281: {  	s31 =	sadd.s32 $0x20, s28;
	v1 =	vld.idx.msk [tilespmem:v1+s18+$0x0], $0xffff  }
0x282: {  	v2 =	vor.u32 s31, v0;
	_ =	sdelay $0x3  }
0x283: {  	v3 =	vmul.f32 v1, v1  }
0x284: {  	[tilespmem:v2+s23+$0x0] =	vst.idx.add.f32.msk $0xffff, v1  }
0x285: {  	[tilespmem:v2+s24+$0x0] =	vst.idx.add.f32.msk $0xffff, v3  }
0x286: {  	v1 =	vld [tilespmem:s30+$0x10];
	_ =	sdelay $0x7  }
0x287: {  	s31 =	sadd.s32 $0x30, s28;
	v1 =	vld.idx.msk [tilespmem:v1+s18+$0x0], $0xffff  }
0x288: {  	s29 =	sadd.s32 $0x4, s29;
	v2 =	vor.u32 s31, v0  }
0x289: {  	p1 =	slt.u32 s29, $0x1FC  }
.Ltmp18:
0x28a: {  	_ = 	snop;
	(pc) =	sbr.rel @p1 .LBB2_34-.Ltmp18, $4  }
0x28b: {  	_ = 	snop  }
0x28c: {  	v3 =	vmul.f32 v1, v1  }
0x28d: {  	[tilespmem:v2+s23+$0x0] =	vst.idx.add.f32.msk $0xffff, v1  }
0x28e: {  	s28 =	sadd.s32 $0x40, s28;
	s30 =	sadd.s32 $0x40, s30;
	[tilespmem:v2+s24+$0x0] =	vst.idx.add.f32.msk $0xffff, v3  }
0x28f: {  	_ =	swait.ge [sflag:s21], $0x2000  }
0x290: {  	s28 =	simm.s32 $0xFFFFFFFC;
	[sflag:s21] =	ssyncset.done $0x0  }
0x291: {  	s29 =	simm.s32 $0x2030;
	s30 =	simm.s32 $0x2020;
	[sflag:s21] =	ssyncadd.s32 $0xFFFFE000  }
0x292: {  	[tilespmem:s1], [sflag:$0x2] =	stream.linear.gather [hbm4b:s3+s1], $0x2000, $0x38;
	[tilespmem:$0x1F900] =	vst v63  }
.LBB2_36:
0x293: {  	v1 =	vld [tilespmem:s30+$0xFFFFFFE0];
	_ =	sdelay $0x7  }
0x294: {  	s31 =	sadd.s32 $0xFFFFFFD0, s29;
	v1 =	vld.idx.msk [tilespmem:v1+s18+$0x0], $0xffff  }
0x295: {  	v2 =	vor.u32 s31, v0;
	_ =	sdelay $0x3  }
0x296: {  	v3 =	vmul.f32 v1, v1  }
0x297: {  	[tilespmem:v2+s23+$0x0] =	vst.idx.add.f32.msk $0xffff, v1  }
0x298: {  	[tilespmem:v2+s24+$0x0] =	vst.idx.add.f32.msk $0xffff, v3  }
0x299: {  	v1 =	vld [tilespmem:s30+$0xFFFFFFF0];
	_ =	sdelay $0x7  }
0x29a: {  	s31 =	sadd.s32 $0xFFFFFFE0, s29;
	v1 =	vld.idx.msk [tilespmem:v1+s18+$0x0], $0xffff  }
0x29b: {  	v2 =	vor.u32 s31, v0;
	_ =	sdelay $0x3  }
0x29c: {  	v3 =	vmul.f32 v1, v1  }
0x29d: {  	[tilespmem:v2+s23+$0x0] =	vst.idx.add.f32.msk $0xffff, v1  }
0x29e: {  	[tilespmem:v2+s24+$0x0] =	vst.idx.add.f32.msk $0xffff, v3  }
0x29f: {  	v1 =	vld [tilespmem:s30+$0x0];
	_ =	sdelay $0x7  }
0x2a0: {  	s31 =	sadd.s32 $0xFFFFFFF0, s29;
	v1 =	vld.idx.msk [tilespmem:v1+s18+$0x0], $0xffff  }
0x2a1: {  	v2 =	vor.u32 s31, v0;
	_ =	sdelay $0x3  }
0x2a2: {  	v3 =	vmul.f32 v1, v1  }
0x2a3: {  	[tilespmem:v2+s23+$0x0] =	vst.idx.add.f32.msk $0xffff, v1  }
0x2a4: {  	[tilespmem:v2+s24+$0x0] =	vst.idx.add.f32.msk $0xffff, v3  }
0x2a5: {  	v1 =	vld [tilespmem:s30+$0x10];
	_ =	sdelay $0x7  }
0x2a6: {  	v1 =	vld.idx.msk [tilespmem:v1+s18+$0x0], $0xffff  }
0x2a7: {  	s28 =	sadd.s32 $0x4, s28;
	v2 =	vor.u32 s29, v0  }
0x2a8: {  	p1 =	slt.u32 s28, $0x1FC  }
.Ltmp19:
0x2a9: {  	_ = 	snop;
	(pc) =	sbr.rel @p1 .LBB2_36-.Ltmp19, $4  }
0x2aa: {  	_ = 	snop  }
0x2ab: {  	v3 =	vmul.f32 v1, v1  }
0x2ac: {  	[tilespmem:v2+s23+$0x0] =	vst.idx.add.f32.msk $0xffff, v1  }
0x2ad: {  	s29 =	sadd.s32 $0x40, s29;
	s30 =	sadd.s32 $0x40, s30;
	[tilespmem:v2+s24+$0x0] =	vst.idx.add.f32.msk $0xffff, v3  }
0x2ae: {  	_ =	swait.ge [sflag:s19], $0x9C80  }
0x2af: {  	[sflag:s19] =	ssyncset.done $0x0  }
0x2b0: {  	s28 =	rddreg [dreg:$0xf];
	[sflag:s19] =	ssyncadd.s32 $0xFFFF6380  }
0x2b1: {  	[tilespmem:s18], [sflag:$0x1] =	stream.strided.gather [hbm4b:s28+s16], $0x9C80, s17, s16, $0x38;
	[tilespmem:$0x1F900] =	vst v63  }
0x2b2: {  	_ =	swait.ge [sflag:s21], $0x2000  }
0x2b3: {  	s29 =	simm.s32 $0xFFFFFFFC;
	[sflag:s21] =	ssyncset.done $0x0  }
0x2b4: {  	s30 =	simm.s32 $0x20;
	s28 =	simm.s32 $0x0;
	[sflag:s21] =	ssyncadd.s32 $0xFFFFE000  }
0x2b5: {  	[tilespmem:s22], [sflag:$0x2] =	stream.linear.gather [hbm4b:s4+s28], $0x2000, $0x38;
	[tilespmem:$0x1F900] =	vst v63  }
.LBB2_38:
0x2b6: {  	v1 =	vld [tilespmem:s30+$0xFFFFFFE0];
	_ =	sdelay $0x7  }
0x2b7: {  	v1 =	vld.idx.msk [tilespmem:v1+s20+$0x0], $0xffff  }
0x2b8: {  	v2 =	vor.u32 s28, v0;
	_ =	sdelay $0x3  }
0x2b9: {  	v3 =	vmul.f32 v1, v1  }
0x2ba: {  	[tilespmem:v2+s23+$0x0] =	vst.idx.add.f32.msk $0xffff, v1  }
0x2bb: {  	[tilespmem:v2+s24+$0x0] =	vst.idx.add.f32.msk $0xffff, v3  }
0x2bc: {  	v1 =	vld [tilespmem:s30+$0xFFFFFFF0];
	_ =	sdelay $0x7  }
0x2bd: {  	s31 =	sadd.s32 $0x10, s28;
	v1 =	vld.idx.msk [tilespmem:v1+s20+$0x0], $0xffff  }
0x2be: {  	v2 =	vor.u32 s31, v0;
	_ =	sdelay $0x3  }
0x2bf: {  	v3 =	vmul.f32 v1, v1  }
0x2c0: {  	[tilespmem:v2+s23+$0x0] =	vst.idx.add.f32.msk $0xffff, v1  }
0x2c1: {  	[tilespmem:v2+s24+$0x0] =	vst.idx.add.f32.msk $0xffff, v3  }
0x2c2: {  	v1 =	vld [tilespmem:s30+$0x0];
	_ =	sdelay $0x7  }
0x2c3: {  	s31 =	sadd.s32 $0x20, s28;
	v1 =	vld.idx.msk [tilespmem:v1+s20+$0x0], $0xffff  }
0x2c4: {  	v2 =	vor.u32 s31, v0;
	_ =	sdelay $0x3  }
0x2c5: {  	v3 =	vmul.f32 v1, v1  }
0x2c6: {  	[tilespmem:v2+s23+$0x0] =	vst.idx.add.f32.msk $0xffff, v1  }
0x2c7: {  	[tilespmem:v2+s24+$0x0] =	vst.idx.add.f32.msk $0xffff, v3  }
0x2c8: {  	v1 =	vld [tilespmem:s30+$0x10];
	_ =	sdelay $0x7  }
0x2c9: {  	s31 =	sadd.s32 $0x30, s28;
	v1 =	vld.idx.msk [tilespmem:v1+s20+$0x0], $0xffff  }
0x2ca: {  	s29 =	sadd.s32 $0x4, s29;
	v2 =	vor.u32 s31, v0  }
0x2cb: {  	p1 =	slt.u32 s29, $0x1FC  }
.Ltmp20:
0x2cc: {  	_ = 	snop;
	(pc) =	sbr.rel @p1 .LBB2_38-.Ltmp20, $4  }
0x2cd: {  	_ = 	snop  }
0x2ce: {  	v3 =	vmul.f32 v1, v1  }
0x2cf: {  	[tilespmem:v2+s23+$0x0] =	vst.idx.add.f32.msk $0xffff, v1  }
0x2d0: {  	s28 =	sadd.s32 $0x40, s28;
	s30 =	sadd.s32 $0x40, s30;
	[tilespmem:v2+s24+$0x0] =	vst.idx.add.f32.msk $0xffff, v3  }
0x2d1: {  	_ =	swait.ge [sflag:s21], $0x2000  }
0x2d2: {  	s28 =	simm.s32 $0xFFFFFFFC;
	[sflag:s21] =	ssyncset.done $0x0  }
0x2d3: {  	s29 =	simm.s32 $0x2030;
	s30 =	simm.s32 $0x2020;
	[sflag:s21] =	ssyncadd.s32 $0xFFFFE000  }
0x2d4: {  	[tilespmem:s1], [sflag:$0x2] =	stream.linear.gather [hbm4b:s5+s1], $0x2000, $0x38;
	[tilespmem:$0x1F900] =	vst v63  }
.LBB2_40:
0x2d5: {  	v1 =	vld [tilespmem:s30+$0xFFFFFFE0];
	_ =	sdelay $0x7  }
0x2d6: {  	s31 =	sadd.s32 $0xFFFFFFD0, s29;
	v1 =	vld.idx.msk [tilespmem:v1+s20+$0x0], $0xffff  }
0x2d7: {  	v2 =	vor.u32 s31, v0;
	_ =	sdelay $0x3  }
0x2d8: {  	v3 =	vmul.f32 v1, v1  }
0x2d9: {  	[tilespmem:v2+s23+$0x0] =	vst.idx.add.f32.msk $0xffff, v1  }
0x2da: {  	[tilespmem:v2+s24+$0x0] =	vst.idx.add.f32.msk $0xffff, v3  }
0x2db: {  	v1 =	vld [tilespmem:s30+$0xFFFFFFF0];
	_ =	sdelay $0x7  }
0x2dc: {  	s31 =	sadd.s32 $0xFFFFFFE0, s29;
	v1 =	vld.idx.msk [tilespmem:v1+s20+$0x0], $0xffff  }
0x2dd: {  	v2 =	vor.u32 s31, v0;
	_ =	sdelay $0x3  }
0x2de: {  	v3 =	vmul.f32 v1, v1  }
0x2df: {  	[tilespmem:v2+s23+$0x0] =	vst.idx.add.f32.msk $0xffff, v1  }
0x2e0: {  	[tilespmem:v2+s24+$0x0] =	vst.idx.add.f32.msk $0xffff, v3  }
0x2e1: {  	v1 =	vld [tilespmem:s30+$0x0];
	_ =	sdelay $0x7  }
0x2e2: {  	s31 =	sadd.s32 $0xFFFFFFF0, s29;
	v1 =	vld.idx.msk [tilespmem:v1+s20+$0x0], $0xffff  }
0x2e3: {  	v2 =	vor.u32 s31, v0;
	_ =	sdelay $0x3  }
0x2e4: {  	v3 =	vmul.f32 v1, v1  }
0x2e5: {  	[tilespmem:v2+s23+$0x0] =	vst.idx.add.f32.msk $0xffff, v1  }
0x2e6: {  	[tilespmem:v2+s24+$0x0] =	vst.idx.add.f32.msk $0xffff, v3  }
0x2e7: {  	v1 =	vld [tilespmem:s30+$0x10];
	_ =	sdelay $0x7  }
0x2e8: {  	v1 =	vld.idx.msk [tilespmem:v1+s20+$0x0], $0xffff  }
0x2e9: {  	s28 =	sadd.s32 $0x4, s28;
	v2 =	vor.u32 s29, v0  }
0x2ea: {  	p1 =	slt.u32 s28, $0x1FC  }
.Ltmp21:
0x2eb: {  	_ = 	snop;
	(pc) =	sbr.rel @p1 .LBB2_40-.Ltmp21, $4  }
0x2ec: {  	_ = 	snop  }
0x2ed: {  	v3 =	vmul.f32 v1, v1  }
0x2ee: {  	[tilespmem:v2+s23+$0x0] =	vst.idx.add.f32.msk $0xffff, v1  }
0x2ef: {  	s29 =	sadd.s32 $0x40, s29;
	s30 =	sadd.s32 $0x40, s30;
	[tilespmem:v2+s24+$0x0] =	vst.idx.add.f32.msk $0xffff, v3  }
0x2f0: {  	_ =	swait.ge [sflag:s19], $0x9C80  }
0x2f1: {  	[sflag:s19] =	ssyncset.done $0x0  }
0x2f2: {  	s28 =	rddreg [dreg:$0x10];
	[sflag:s19] =	ssyncadd.s32 $0xFFFF6380  }
0x2f3: {  	[tilespmem:s20], [sflag:$0x1] =	stream.strided.gather [hbm4b:s28+s16], $0x9C80, s17, s16, $0x38;
	[tilespmem:$0x1F900] =	vst v63  }
0x2f4: {  	_ =	swait.ge [sflag:s21], $0x2000  }
0x2f5: {  	s29 =	simm.s32 $0xFFFFFFFC;
	[sflag:s21] =	ssyncset.done $0x0  }
0x2f6: {  	s30 =	simm.s32 $0x20;
	s28 =	simm.s32 $0x0;
	[sflag:s21] =	ssyncadd.s32 $0xFFFFE000  }
0x2f7: {  	[tilespmem:s22], [sflag:$0x2] =	stream.linear.gather [hbm4b:s6+s28], $0x2000, $0x38;
	[tilespmem:$0x1F900] =	vst v63  }
.LBB2_42:
0x2f8: {  	v1 =	vld [tilespmem:s30+$0xFFFFFFE0];
	_ =	sdelay $0x7  }
0x2f9: {  	v1 =	vld.idx.msk [tilespmem:v1+s18+$0x0], $0xffff  }
0x2fa: {  	v2 =	vor.u32 s28, v0;
	_ =	sdelay $0x3  }
0x2fb: {  	v3 =	vmul.f32 v1, v1  }
0x2fc: {  	[tilespmem:v2+s23+$0x0] =	vst.idx.add.f32.msk $0xffff, v1  }
0x2fd: {  	[tilespmem:v2+s24+$0x0] =	vst.idx.add.f32.msk $0xffff, v3  }
0x2fe: {  	v1 =	vld [tilespmem:s30+$0xFFFFFFF0];
	_ =	sdelay $0x7  }
0x2ff: {  	s31 =	sadd.s32 $0x10, s28;
	v1 =	vld.idx.msk [tilespmem:v1+s18+$0x0], $0xffff  }
0x300: {  	v2 =	vor.u32 s31, v0;
	_ =	sdelay $0x3  }
0x301: {  	v3 =	vmul.f32 v1, v1  }
0x302: {  	[tilespmem:v2+s23+$0x0] =	vst.idx.add.f32.msk $0xffff, v1  }
0x303: {  	[tilespmem:v2+s24+$0x0] =	vst.idx.add.f32.msk $0xffff, v3  }
0x304: {  	v1 =	vld [tilespmem:s30+$0x0];
	_ =	sdelay $0x7  }
0x305: {  	s31 =	sadd.s32 $0x20, s28;
	v1 =	vld.idx.msk [tilespmem:v1+s18+$0x0], $0xffff  }
0x306: {  	v2 =	vor.u32 s31, v0;
	_ =	sdelay $0x3  }
0x307: {  	v3 =	vmul.f32 v1, v1  }
0x308: {  	[tilespmem:v2+s23+$0x0] =	vst.idx.add.f32.msk $0xffff, v1  }
0x309: {  	[tilespmem:v2+s24+$0x0] =	vst.idx.add.f32.msk $0xffff, v3  }
0x30a: {  	v1 =	vld [tilespmem:s30+$0x10];
	_ =	sdelay $0x7  }
0x30b: {  	s31 =	sadd.s32 $0x30, s28;
	v1 =	vld.idx.msk [tilespmem:v1+s18+$0x0], $0xffff  }
0x30c: {  	s29 =	sadd.s32 $0x4, s29;
	v2 =	vor.u32 s31, v0  }
0x30d: {  	p1 =	slt.u32 s29, $0x1FC  }
.Ltmp22:
0x30e: {  	_ = 	snop;
	(pc) =	sbr.rel @p1 .LBB2_42-.Ltmp22, $4  }
0x30f: {  	_ = 	snop  }
0x310: {  	v3 =	vmul.f32 v1, v1  }
0x311: {  	[tilespmem:v2+s23+$0x0] =	vst.idx.add.f32.msk $0xffff, v1  }
0x312: {  	s28 =	sadd.s32 $0x40, s28;
	s30 =	sadd.s32 $0x40, s30;
	[tilespmem:v2+s24+$0x0] =	vst.idx.add.f32.msk $0xffff, v3  }
0x313: {  	_ =	swait.ge [sflag:s21], $0x2000  }
0x314: {  	s28 =	simm.s32 $0xFFFFFFFC;
	[sflag:s21] =	ssyncset.done $0x0  }
0x315: {  	s29 =	simm.s32 $0x2030;
	s30 =	simm.s32 $0x2020;
	[sflag:s21] =	ssyncadd.s32 $0xFFFFE000  }
0x316: {  	[tilespmem:s1], [sflag:$0x2] =	stream.linear.gather [hbm4b:s7+s1], $0x2000, $0x38;
	[tilespmem:$0x1F900] =	vst v63  }
.LBB2_44:
0x317: {  	v1 =	vld [tilespmem:s30+$0xFFFFFFE0];
	_ =	sdelay $0x7  }
0x318: {  	s31 =	sadd.s32 $0xFFFFFFD0, s29;
	v1 =	vld.idx.msk [tilespmem:v1+s18+$0x0], $0xffff  }
0x319: {  	v2 =	vor.u32 s31, v0;
	_ =	sdelay $0x3  }
0x31a: {  	v3 =	vmul.f32 v1, v1  }
0x31b: {  	[tilespmem:v2+s23+$0x0] =	vst.idx.add.f32.msk $0xffff, v1  }
0x31c: {  	[tilespmem:v2+s24+$0x0] =	vst.idx.add.f32.msk $0xffff, v3  }
0x31d: {  	v1 =	vld [tilespmem:s30+$0xFFFFFFF0];
	_ =	sdelay $0x7  }
0x31e: {  	s31 =	sadd.s32 $0xFFFFFFE0, s29;
	v1 =	vld.idx.msk [tilespmem:v1+s18+$0x0], $0xffff  }
0x31f: {  	v2 =	vor.u32 s31, v0;
	_ =	sdelay $0x3  }
0x320: {  	v3 =	vmul.f32 v1, v1  }
0x321: {  	[tilespmem:v2+s23+$0x0] =	vst.idx.add.f32.msk $0xffff, v1  }
0x322: {  	[tilespmem:v2+s24+$0x0] =	vst.idx.add.f32.msk $0xffff, v3  }
0x323: {  	v1 =	vld [tilespmem:s30+$0x0];
	_ =	sdelay $0x7  }
0x324: {  	s31 =	sadd.s32 $0xFFFFFFF0, s29;
	v1 =	vld.idx.msk [tilespmem:v1+s18+$0x0], $0xffff  }
0x325: {  	v2 =	vor.u32 s31, v0;
	_ =	sdelay $0x3  }
0x326: {  	v3 =	vmul.f32 v1, v1  }
0x327: {  	[tilespmem:v2+s23+$0x0] =	vst.idx.add.f32.msk $0xffff, v1  }
0x328: {  	[tilespmem:v2+s24+$0x0] =	vst.idx.add.f32.msk $0xffff, v3  }
0x329: {  	v1 =	vld [tilespmem:s30+$0x10];
	_ =	sdelay $0x7  }
0x32a: {  	v1 =	vld.idx.msk [tilespmem:v1+s18+$0x0], $0xffff  }
0x32b: {  	s28 =	sadd.s32 $0x4, s28;
	v2 =	vor.u32 s29, v0  }
0x32c: {  	p1 =	slt.u32 s28, $0x1FC  }
.Ltmp23:
0x32d: {  	_ = 	snop;
	(pc) =	sbr.rel @p1 .LBB2_44-.Ltmp23, $4  }
0x32e: {  	_ = 	snop  }
0x32f: {  	v3 =	vmul.f32 v1, v1  }
0x330: {  	[tilespmem:v2+s23+$0x0] =	vst.idx.add.f32.msk $0xffff, v1  }
0x331: {  	s29 =	sadd.s32 $0x40, s29;
	s30 =	sadd.s32 $0x40, s30;
	[tilespmem:v2+s24+$0x0] =	vst.idx.add.f32.msk $0xffff, v3  }
0x332: {  	_ =	swait.ge [sflag:s19], $0x9C80  }
0x333: {  	[sflag:s19] =	ssyncset.done $0x0  }
0x334: {  	s28 =	rddreg [dreg:$0x11];
	[sflag:s19] =	ssyncadd.s32 $0xFFFF6380  }
0x335: {  	[tilespmem:s18], [sflag:$0x1] =	stream.strided.gather [hbm4b:s28+s16], $0x9C80, s17, s16, $0x38;
	[tilespmem:$0x1F900] =	vst v63  }
0x336: {  	_ =	swait.ge [sflag:s21], $0x2000  }
0x337: {  	s29 =	simm.s32 $0xFFFFFFFC;
	[sflag:s21] =	ssyncset.done $0x0  }
0x338: {  	s30 =	simm.s32 $0x20;
	s28 =	simm.s32 $0x0;
	[sflag:s21] =	ssyncadd.s32 $0xFFFFE000  }
0x339: {  	[tilespmem:s22], [sflag:$0x2] =	stream.linear.gather [hbm4b:s8+s28], $0x2000, $0x38;
	[tilespmem:$0x1F900] =	vst v63  }
.LBB2_46:
0x33a: {  	v1 =	vld [tilespmem:s30+$0xFFFFFFE0];
	_ =	sdelay $0x7  }
0x33b: {  	v1 =	vld.idx.msk [tilespmem:v1+s20+$0x0], $0xffff  }
0x33c: {  	v2 =	vor.u32 s28, v0;
	_ =	sdelay $0x3  }
0x33d: {  	v3 =	vmul.f32 v1, v1  }
0x33e: {  	[tilespmem:v2+s23+$0x0] =	vst.idx.add.f32.msk $0xffff, v1  }
0x33f: {  	[tilespmem:v2+s24+$0x0] =	vst.idx.add.f32.msk $0xffff, v3  }
0x340: {  	v1 =	vld [tilespmem:s30+$0xFFFFFFF0];
	_ =	sdelay $0x7  }
0x341: {  	s31 =	sadd.s32 $0x10, s28;
	v1 =	vld.idx.msk [tilespmem:v1+s20+$0x0], $0xffff  }
0x342: {  	v2 =	vor.u32 s31, v0;
	_ =	sdelay $0x3  }
0x343: {  	v3 =	vmul.f32 v1, v1  }
0x344: {  	[tilespmem:v2+s23+$0x0] =	vst.idx.add.f32.msk $0xffff, v1  }
0x345: {  	[tilespmem:v2+s24+$0x0] =	vst.idx.add.f32.msk $0xffff, v3  }
0x346: {  	v1 =	vld [tilespmem:s30+$0x0];
	_ =	sdelay $0x7  }
0x347: {  	s31 =	sadd.s32 $0x20, s28;
	v1 =	vld.idx.msk [tilespmem:v1+s20+$0x0], $0xffff  }
0x348: {  	v2 =	vor.u32 s31, v0;
	_ =	sdelay $0x3  }
0x349: {  	v3 =	vmul.f32 v1, v1  }
0x34a: {  	[tilespmem:v2+s23+$0x0] =	vst.idx.add.f32.msk $0xffff, v1  }
0x34b: {  	[tilespmem:v2+s24+$0x0] =	vst.idx.add.f32.msk $0xffff, v3  }
0x34c: {  	v1 =	vld [tilespmem:s30+$0x10];
	_ =	sdelay $0x7  }
0x34d: {  	s31 =	sadd.s32 $0x30, s28;
	v1 =	vld.idx.msk [tilespmem:v1+s20+$0x0], $0xffff  }
0x34e: {  	s29 =	sadd.s32 $0x4, s29;
	v2 =	vor.u32 s31, v0  }
0x34f: {  	p1 =	slt.u32 s29, $0x1FC  }
.Ltmp24:
0x350: {  	_ = 	snop;
	(pc) =	sbr.rel @p1 .LBB2_46-.Ltmp24, $4  }
0x351: {  	_ = 	snop  }
0x352: {  	v3 =	vmul.f32 v1, v1  }
0x353: {  	[tilespmem:v2+s23+$0x0] =	vst.idx.add.f32.msk $0xffff, v1  }
0x354: {  	s28 =	sadd.s32 $0x40, s28;
	s30 =	sadd.s32 $0x40, s30;
	[tilespmem:v2+s24+$0x0] =	vst.idx.add.f32.msk $0xffff, v3  }
0x355: {  	_ =	swait.ge [sflag:s21], $0x2000  }
0x356: {  	s28 =	simm.s32 $0xFFFFFFFC;
	[sflag:s21] =	ssyncset.done $0x0  }
0x357: {  	s29 =	simm.s32 $0x2030;
	s30 =	simm.s32 $0x2020;
	[sflag:s21] =	ssyncadd.s32 $0xFFFFE000  }
0x358: {  	[tilespmem:s1], [sflag:$0x2] =	stream.linear.gather [hbm4b:s9+s1], $0x2000, $0x38;
	[tilespmem:$0x1F900] =	vst v63  }
.LBB2_48:
0x359: {  	v1 =	vld [tilespmem:s30+$0xFFFFFFE0];
	_ =	sdelay $0x7  }
0x35a: {  	s31 =	sadd.s32 $0xFFFFFFD0, s29;
	v1 =	vld.idx.msk [tilespmem:v1+s20+$0x0], $0xffff  }
0x35b: {  	v2 =	vor.u32 s31, v0;
	_ =	sdelay $0x3  }
0x35c: {  	v3 =	vmul.f32 v1, v1  }
0x35d: {  	[tilespmem:v2+s23+$0x0] =	vst.idx.add.f32.msk $0xffff, v1  }
0x35e: {  	[tilespmem:v2+s24+$0x0] =	vst.idx.add.f32.msk $0xffff, v3  }
0x35f: {  	v1 =	vld [tilespmem:s30+$0xFFFFFFF0];
	_ =	sdelay $0x7  }
0x360: {  	s31 =	sadd.s32 $0xFFFFFFE0, s29;
	v1 =	vld.idx.msk [tilespmem:v1+s20+$0x0], $0xffff  }
0x361: {  	v2 =	vor.u32 s31, v0;
	_ =	sdelay $0x3  }
0x362: {  	v3 =	vmul.f32 v1, v1  }
0x363: {  	[tilespmem:v2+s23+$0x0] =	vst.idx.add.f32.msk $0xffff, v1  }
0x364: {  	[tilespmem:v2+s24+$0x0] =	vst.idx.add.f32.msk $0xffff, v3  }
0x365: {  	v1 =	vld [tilespmem:s30+$0x0];
	_ =	sdelay $0x7  }
0x366: {  	s31 =	sadd.s32 $0xFFFFFFF0, s29;
	v1 =	vld.idx.msk [tilespmem:v1+s20+$0x0], $0xffff  }
0x367: {  	v2 =	vor.u32 s31, v0;
	_ =	sdelay $0x3  }
0x368: {  	v3 =	vmul.f32 v1, v1  }
0x369: {  	[tilespmem:v2+s23+$0x0] =	vst.idx.add.f32.msk $0xffff, v1  }
0x36a: {  	[tilespmem:v2+s24+$0x0] =	vst.idx.add.f32.msk $0xffff, v3  }
0x36b: {  	v1 =	vld [tilespmem:s30+$0x10];
	_ =	sdelay $0x7  }
0x36c: {  	v1 =	vld.idx.msk [tilespmem:v1+s20+$0x0], $0xffff  }
0x36d: {  	s28 =	sadd.s32 $0x4, s28;
	v2 =	vor.u32 s29, v0  }
0x36e: {  	p1 =	slt.u32 s28, $0x1FC  }
.Ltmp25:
0x36f: {  	_ = 	snop;
	(pc) =	sbr.rel @p1 .LBB2_48-.Ltmp25, $4  }
0x370: {  	_ = 	snop  }
0x371: {  	v3 =	vmul.f32 v1, v1  }
0x372: {  	[tilespmem:v2+s23+$0x0] =	vst.idx.add.f32.msk $0xffff, v1  }
0x373: {  	s29 =	sadd.s32 $0x40, s29;
	s30 =	sadd.s32 $0x40, s30;
	[tilespmem:v2+s24+$0x0] =	vst.idx.add.f32.msk $0xffff, v3  }
0x374: {  	_ =	swait.ge [sflag:s19], $0x9C80  }
0x375: {  	[sflag:s19] =	ssyncset.done $0x0  }
0x376: {  	s28 =	simm.s32 @!p0 $0x0;
	s29 =	simm.s32 @!p0 $0xDC80;
	[sflag:s19] =	ssyncadd.s32 $0xFFFF6380  }
0x377: {  	[tilespmem:s29], [sflag:$0x1] =	stream.linear.gather @!p0 [hbm4b:s12+s28], $0x9C80, $0x38;
	[tilespmem:$0x1F900] =	vst v63  }
0x378: {  	_ =	swait.ge [sflag:s21], $0x2000  }
0x379: {  	s30 =	simm.s32 $0x20;
	[sflag:s21] =	ssyncset.done $0x0  }
0x37a: {  	s28 =	simm.s32 $0x0;
	s29 =	simm.s32 $0xFFFFFFFC;
	[sflag:s21] =	ssyncadd.s32 $0xFFFFE000  }
0x37b: {  	[tilespmem:s22], [sflag:$0x2] =	stream.linear.gather [hbm4b:s10+s28], $0x2000, $0x38;
	[tilespmem:$0x1F900] =	vst v63  }
.LBB2_50:
0x37c: {  	v1 =	vld [tilespmem:s30+$0xFFFFFFE0];
	_ =	sdelay $0x7  }
0x37d: {  	v1 =	vld.idx.msk [tilespmem:v1+s18+$0x0], $0xffff  }
0x37e: {  	v2 =	vor.u32 s28, v0;
	_ =	sdelay $0x3  }
0x37f: {  	v3 =	vmul.f32 v1, v1  }
0x380: {  	[tilespmem:v2+s23+$0x0] =	vst.idx.add.f32.msk $0xffff, v1  }
0x381: {  	[tilespmem:v2+s24+$0x0] =	vst.idx.add.f32.msk $0xffff, v3  }
0x382: {  	v1 =	vld [tilespmem:s30+$0xFFFFFFF0];
	_ =	sdelay $0x7  }
0x383: {  	s31 =	sadd.s32 $0x10, s28;
	v1 =	vld.idx.msk [tilespmem:v1+s18+$0x0], $0xffff  }
0x384: {  	v2 =	vor.u32 s31, v0;
	_ =	sdelay $0x3  }
0x385: {  	v3 =	vmul.f32 v1, v1  }
0x386: {  	[tilespmem:v2+s23+$0x0] =	vst.idx.add.f32.msk $0xffff, v1  }
0x387: {  	[tilespmem:v2+s24+$0x0] =	vst.idx.add.f32.msk $0xffff, v3  }
0x388: {  	v1 =	vld [tilespmem:s30+$0x0];
	_ =	sdelay $0x7  }
0x389: {  	s31 =	sadd.s32 $0x20, s28;
	v1 =	vld.idx.msk [tilespmem:v1+s18+$0x0], $0xffff  }
0x38a: {  	v2 =	vor.u32 s31, v0;
	_ =	sdelay $0x3  }
0x38b: {  	v3 =	vmul.f32 v1, v1  }
0x38c: {  	[tilespmem:v2+s23+$0x0] =	vst.idx.add.f32.msk $0xffff, v1  }
0x38d: {  	[tilespmem:v2+s24+$0x0] =	vst.idx.add.f32.msk $0xffff, v3  }
0x38e: {  	v1 =	vld [tilespmem:s30+$0x10];
	_ =	sdelay $0x7  }
0x38f: {  	s31 =	sadd.s32 $0x30, s28;
	v1 =	vld.idx.msk [tilespmem:v1+s18+$0x0], $0xffff  }
0x390: {  	s29 =	sadd.s32 $0x4, s29;
	v2 =	vor.u32 s31, v0  }
0x391: {  	p1 =	slt.u32 s29, $0x1FC  }
.Ltmp26:
0x392: {  	_ = 	snop;
	(pc) =	sbr.rel @p1 .LBB2_50-.Ltmp26, $4  }
0x393: {  	_ = 	snop  }
0x394: {  	v3 =	vmul.f32 v1, v1  }
0x395: {  	[tilespmem:v2+s23+$0x0] =	vst.idx.add.f32.msk $0xffff, v1  }
0x396: {  	s28 =	sadd.s32 $0x40, s28;
	s30 =	sadd.s32 $0x40, s30;
	[tilespmem:v2+s24+$0x0] =	vst.idx.add.f32.msk $0xffff, v3  }
0x397: {  	_ =	swait.ge [sflag:s21], $0x2000  }
0x398: {  	[sflag:s21] =	ssyncset.done $0x0  }
0x399: {  	s28 =	simm.s32 @!p0 $0x0;
	[sflag:s21] =	ssyncadd.s32 $0xFFFFE000  }
0x39a: {  	[tilespmem:s28], [sflag:$0x2] =	stream.linear.gather @!p0 [hbm4b:s11+s28], $0x2000, $0x38;
	[tilespmem:$0x1F900] =	vst v63  }
0x39b: {  	s29 =	simm.s32 $0x2030;
	s30 =	simm.s32 $0x2020;
	s28 =	simm.s32 $0xFFFFFFFC  }
.LBB2_52:
0x39c: {  	v1 =	vld [tilespmem:s30+$0xFFFFFFE0];
	_ =	sdelay $0x7  }
0x39d: {  	s31 =	sadd.s32 $0xFFFFFFD0, s29;
	v1 =	vld.idx.msk [tilespmem:v1+s18+$0x0], $0xffff  }
0x39e: {  	v2 =	vor.u32 s31, v0;
	_ =	sdelay $0x3  }
0x39f: {  	v3 =	vmul.f32 v1, v1  }
0x3a0: {  	[tilespmem:v2+s23+$0x0] =	vst.idx.add.f32.msk $0xffff, v1  }
0x3a1: {  	[tilespmem:v2+s24+$0x0] =	vst.idx.add.f32.msk $0xffff, v3  }
0x3a2: {  	v1 =	vld [tilespmem:s30+$0xFFFFFFF0];
	_ =	sdelay $0x7  }
0x3a3: {  	s31 =	sadd.s32 $0xFFFFFFE0, s29;
	v1 =	vld.idx.msk [tilespmem:v1+s18+$0x0], $0xffff  }
0x3a4: {  	v2 =	vor.u32 s31, v0;
	_ =	sdelay $0x3  }
0x3a5: {  	v3 =	vmul.f32 v1, v1  }
0x3a6: {  	[tilespmem:v2+s23+$0x0] =	vst.idx.add.f32.msk $0xffff, v1  }
0x3a7: {  	[tilespmem:v2+s24+$0x0] =	vst.idx.add.f32.msk $0xffff, v3  }
0x3a8: {  	v1 =	vld [tilespmem:s30+$0x0];
	_ =	sdelay $0x7  }
0x3a9: {  	s31 =	sadd.s32 $0xFFFFFFF0, s29;
	v1 =	vld.idx.msk [tilespmem:v1+s18+$0x0], $0xffff  }
0x3aa: {  	v2 =	vor.u32 s31, v0;
	_ =	sdelay $0x3  }
0x3ab: {  	v3 =	vmul.f32 v1, v1  }
0x3ac: {  	[tilespmem:v2+s23+$0x0] =	vst.idx.add.f32.msk $0xffff, v1  }
0x3ad: {  	[tilespmem:v2+s24+$0x0] =	vst.idx.add.f32.msk $0xffff, v3  }
0x3ae: {  	v1 =	vld [tilespmem:s30+$0x10];
	_ =	sdelay $0x7  }
0x3af: {  	v1 =	vld.idx.msk [tilespmem:v1+s18+$0x0], $0xffff  }
0x3b0: {  	s28 =	sadd.s32 $0x4, s28;
	v2 =	vor.u32 s29, v0  }
0x3b1: {  	p1 =	slt.u32 s28, $0x1FC  }
.Ltmp27:
0x3b2: {  	_ = 	snop;
	(pc) =	sbr.rel @p1 .LBB2_52-.Ltmp27, $4  }
0x3b3: {  	_ = 	snop  }
0x3b4: {  	v3 =	vmul.f32 v1, v1  }
0x3b5: {  	[tilespmem:v2+s23+$0x0] =	vst.idx.add.f32.msk $0xffff, v1  }
0x3b6: {  	s29 =	sadd.s32 $0x40, s29;
	s30 =	sadd.s32 $0x40, s30;
	[tilespmem:v2+s24+$0x0] =	vst.idx.add.f32.msk $0xffff, v3  }
.Ltmp28:
0x3b7: {  	(pc) =	sbr.rel @p0 .LBB2_58-.Ltmp28, $1  }
0x3b8: {  	_ =	sdelay $0x3  }
0x3b9: {  	_ =	swait.ge [sflag:s19], $0x9C80  }
0x3ba: {  	[sflag:s19] =	ssyncset.done $0x0  }
0x3bb: {  	[sflag:s19] =	ssyncadd.s32 $0xFFFF6380  }
0x3bc: {  	_ =	swait.ge [sflag:s21], $0x2000  }
0x3bd: {  	s29 =	sld [smem:$0x7FD]  }
0x3be: {  	[sflag:s21] =	ssyncset.done $0x0  }
0x3bf: {  	s28 =	simm.s32 $0x0;
	[sflag:s21] =	ssyncadd.s32 $0xFFFFE000  }
0x3c0: {  	[tilespmem:s22], [sflag:$0x2] =	stream.linear.gather [hbm4b:s29+s28], $0x2000, $0x38;
	[tilespmem:$0x1F900] =	vst v63  }
0x3c1: {  	s30 =	simm.s32 $0x20;
	s29 =	simm.s32 $0xFFFFFFFC  }
.LBB2_55:
0x3c2: {  	v1 =	vld [tilespmem:s30+$0xFFFFFFE0];
	_ =	sdelay $0x7  }
0x3c3: {  	v1 =	vld.idx.msk [tilespmem:v1+s20+$0x0], $0xffff;
	_ =	sdelay $0x1  }
0x3c4: {  	v2 =	vor.u32 s28, v0;
	_ =	sdelay $0x2  }
0x3c5: {  	v1 =	vmul.f32 $-2.000000000e+00, v1;
	_ =	sdelay $0x1  }
0x3c6: {  	[tilespmem:v2+s24+$0x0] =	vst.idx.add.f32.msk $0xffff, v1  }
0x3c7: {  	v1 =	vld [tilespmem:s30+$0xFFFFFFF0];
	_ =	sdelay $0x7  }
0x3c8: {  	v1 =	vld.idx.msk [tilespmem:v1+s20+$0x0], $0xffff  }
0x3c9: {  	s31 =	sadd.s32 $0x10, s28  }
0x3ca: {  	v2 =	vor.u32 s31, v0;
	_ =	sdelay $0x2  }
0x3cb: {  	v1 =	vmul.f32 $-2.000000000e+00, v1;
	_ =	sdelay $0x1  }
0x3cc: {  	[tilespmem:v2+s24+$0x0] =	vst.idx.add.f32.msk $0xffff, v1  }
0x3cd: {  	v1 =	vld [tilespmem:s30+$0x0];
	_ =	sdelay $0x7  }
0x3ce: {  	v1 =	vld.idx.msk [tilespmem:v1+s20+$0x0], $0xffff  }
0x3cf: {  	s31 =	sadd.s32 $0x20, s28  }
0x3d0: {  	v2 =	vor.u32 s31, v0;
	_ =	sdelay $0x2  }
0x3d1: {  	v1 =	vmul.f32 $-2.000000000e+00, v1;
	_ =	sdelay $0x1  }
0x3d2: {  	[tilespmem:v2+s24+$0x0] =	vst.idx.add.f32.msk $0xffff, v1  }
0x3d3: {  	v1 =	vld [tilespmem:s30+$0x10];
	_ =	sdelay $0x7  }
0x3d4: {  	v1 =	vld.idx.msk [tilespmem:v1+s20+$0x0], $0xffff  }
0x3d5: {  	s29 =	sadd.s32 $0x4, s29;
	s31 =	sadd.s32 $0x30, s28  }
0x3d6: {  	p1 =	slt.u32 s29, $0x1FC;
	v2 =	vor.u32 s31, v0  }
.Ltmp29:
0x3d7: {  	_ = 	snop;
	(pc) =	sbr.rel @p1 .LBB2_55-.Ltmp29, $3  }
0x3d8: {  	_ = 	snop  }
0x3d9: {  	v1 =	vmul.f32 $-2.000000000e+00, v1;
	_ =	sdelay $0x1  }
0x3da: {  	s28 =	sadd.s32 $0x40, s28;
	s30 =	sadd.s32 $0x40, s30;
	[tilespmem:v2+s24+$0x0] =	vst.idx.add.f32.msk $0xffff, v1  }
0x3db: {  	_ =	swait.ge [sflag:s21], $0x2000  }
0x3dc: {  	s28 =	simm.s32 $0xFFFFFFFC;
	[sflag:s21] =	ssyncset.done $0x0  }
0x3dd: {  	s29 =	simm.s32 $0x2030;
	s30 =	simm.s32 $0x2020;
	[sflag:s21] =	ssyncadd.s32 $0xFFFFE000  }
.LBB2_57:
0x3de: {  	v1 =	vld [tilespmem:s30+$0xFFFFFFE0];
	_ =	sdelay $0x7  }
0x3df: {  	v1 =	vld.idx.msk [tilespmem:v1+s20+$0x0], $0xffff  }
0x3e0: {  	s31 =	sadd.s32 $0xFFFFFFD0, s29  }
0x3e1: {  	v2 =	vor.u32 s31, v0;
	_ =	sdelay $0x2  }
0x3e2: {  	v1 =	vmul.f32 $-2.000000000e+00, v1;
	_ =	sdelay $0x1  }
0x3e3: {  	[tilespmem:v2+s24+$0x0] =	vst.idx.add.f32.msk $0xffff, v1  }
0x3e4: {  	v1 =	vld [tilespmem:s30+$0xFFFFFFF0];
	_ =	sdelay $0x7  }
0x3e5: {  	v1 =	vld.idx.msk [tilespmem:v1+s20+$0x0], $0xffff  }
0x3e6: {  	s31 =	sadd.s32 $0xFFFFFFE0, s29  }
0x3e7: {  	v2 =	vor.u32 s31, v0;
	_ =	sdelay $0x2  }
0x3e8: {  	v1 =	vmul.f32 $-2.000000000e+00, v1;
	_ =	sdelay $0x1  }
0x3e9: {  	[tilespmem:v2+s24+$0x0] =	vst.idx.add.f32.msk $0xffff, v1  }
0x3ea: {  	v1 =	vld [tilespmem:s30+$0x0];
	_ =	sdelay $0x7  }
0x3eb: {  	v1 =	vld.idx.msk [tilespmem:v1+s20+$0x0], $0xffff  }
0x3ec: {  	s31 =	sadd.s32 $0xFFFFFFF0, s29  }
0x3ed: {  	v2 =	vor.u32 s31, v0;
	_ =	sdelay $0x2  }
0x3ee: {  	v1 =	vmul.f32 $-2.000000000e+00, v1;
	_ =	sdelay $0x1  }
0x3ef: {  	[tilespmem:v2+s24+$0x0] =	vst.idx.add.f32.msk $0xffff, v1  }
0x3f0: {  	v1 =	vld [tilespmem:s30+$0x10];
	_ =	sdelay $0x7  }
0x3f1: {  	v1 =	vld.idx.msk [tilespmem:v1+s20+$0x0], $0xffff  }
0x3f2: {  	s28 =	sadd.s32 $0x4, s28  }
0x3f3: {  	p1 =	slt.u32 s28, $0x1FC;
	v2 =	vor.u32 s29, v0  }
.Ltmp30:
0x3f4: {  	_ = 	snop;
	(pc) =	sbr.rel @p1 .LBB2_57-.Ltmp30, $3  }
0x3f5: {  	_ = 	snop  }
0x3f6: {  	v1 =	vmul.f32 $-2.000000000e+00, v1;
	_ =	sdelay $0x1  }
0x3f7: {  	s29 =	sadd.s32 $0x40, s29;
	s30 =	sadd.s32 $0x40, s30;
	[tilespmem:v2+s24+$0x0] =	vst.idx.add.f32.msk $0xffff, v1  }
.Ltmp31:
0x3f8: {  	_ = 	snop;
	(pc) =	sbr.rel .LBB2_58-.Ltmp31, $1  }
0x3f9: {  	_ =	sdelay $0x3  }
.LBB2_59:
0x3fa: {  	_ =	sfence.sel $0x180000  }
0x3fb: {  	[bflag:$0x0] =	sbarrier.arrive $0xFFFF  }
0x3fc: {  	_ =	strace $0x90000047  }
0x3fd: {  	s0 =	stileid.u32;
	[bflag:$0x2] =	sbarrier.arrive $0xFFFF  }
0x3fe: {  	p0 =	sne.s32 s0, $0x0;
	s0 =	rddreg [dreg:$0x2]  }
0x3ff: {  	s0 =	sadd.s32 @!p0 $0x100000, s0  }
0x400: {  	[sflag:s0] =	ssyncadd.tile.s32 @!p0 $0x1;
	_ =	shalt  }
.Lfunc_end2:
_tile_overlayer_lowered:
.L_overlay_start_2:
0x401: {  	(tag) =	ssettag $0x2  }
0x402: {  	s0 =	rddreg [dreg:$0x0];
	s2 =	stileid.u32  }
0x403: {  	s1 =	rddreg [dreg:$0x1];
	p0 =	sne.s32 s2, $0x0  }
0x404: {  	s3 =	rddreg [dreg:$0x2];
	[bflag:$0x3] =	sbarrier.arrive $0xFFFF;
	s2 =	simm.s32 @!p0 $0x1C03  }
0x405: {  	[timem:s3], [sflag:s2] =	dma.local @!p0 [hbm:s0], s1  }
0x406: {  	s0 =	simm.s32 @!p0 $0x3  }
0x407: {  	_ =	swait.ge @!p0 [sflag:s0], s1  }
0x408: {  	s1 =	ssub.s32 @!p0 $0x0, s1;
	[sflag:s0] =	ssyncset.done @!p0 $0x0  }
0x409: {  	[sflag:s0] =	ssyncadd.s32 @!p0 s1  }
0x40a: {  	[bflag:$0x3] =	sbarrier.arrive $0xFFFF  }
0x40b: {  	_ =	shalt  }

</sc_bundles>
